<compile_context>
chip_gen: v7x
topology: tpu7x:2x2x1
jax: 0.10.2.dev20260603
libtpu: 0.0.44.dev20260713+nightly
codegen_flags: <defaults>
</compile_context>

<pallas_src>
import functools

import jax
import jax.numpy as jnp
from jax import lax
from jax.experimental import pallas as pl
from jax.experimental.pallas import tpu as pltpu
from jax.experimental.pallas import tpu_sc as plsc

NC = 2
NS = 16
NW = NC * NS
L = 16

F32 = jnp.float32
I32 = jnp.int32


def _sc_mesh():
    return plsc.VectorSubcoreMesh(
        core_axis_name="c", subcore_axis_name="s", num_cores=NC, num_subcores=NS
    )


def _wid():
    return lax.axis_index("s") * NC + lax.axis_index("c")



def _k1_edge_features(uxb, k_idx, i_idx, E, H, C):
    N = uxb.shape[0]
    PW = E // NW
    NCH = PW // C
    H2 = uxb.shape[1]
    BF = jnp.bfloat16

    assert NCH % 2 == 0

    @functools.partial(
        pl.kernel,
        out_type=jax.ShapeDtypeStruct((E, H), F32),
        mesh=_sc_mesh(),
        scratch_types=[
            pltpu.VMEM_SHARED((N, H2), F32),
            pltpu.VMEM((C,), I32),
            pltpu.VMEM((C,), I32),
            pltpu.VMEM((C,), I32),
            pltpu.VMEM((C,), I32),
            pltpu.VMEM((C, H2), F32),
            pltpu.VMEM((C, H2), F32),
            pltpu.VMEM((C, H2), F32),
            pltpu.VMEM((C, H2), F32),
            pltpu.VMEM((C, H), F32),
            pltpu.VMEM((C, H), F32),
            pltpu.SemaphoreType.DMA,
            pltpu.SemaphoreType.DMA,
            pltpu.SemaphoreType.DMA,
            pltpu.SemaphoreType.DMA,
            pltpu.SemaphoreType.DMA,
            pltpu.SemaphoreType.DMA,
        ],
        compiler_params=pltpu.CompilerParams(needs_layout_passes=False),
    )
    def k1(ux_hbm, k_hbm, i_hbm, out_hbm,
           ux_sp, kb0, ib0, kb1, ib1, abuf0, bbuf0, abuf1, bbuf1,
           hbuf0, hbuf1, isem0, isem1, gsem0, gsem1, wsem0, wsem1):
        base = pl.multiple_of(_wid() * PW, 8)

        @pl.when(lax.axis_index("s") == 0)
        def _stage():
            pltpu.sync_copy(ux_hbm, ux_sp)

        plsc.subcore_barrier()

        def issue_idx(c, kb, ib, isem):
            g = pl.multiple_of(base + c * C, 8)
            pltpu.async_copy(k_hbm.at[pl.ds(g, C)], kb, isem)
            pltpu.async_copy(i_hbm.at[pl.ds(g, C)], ib, isem)

        def wait_idx(kb, ib, isem):
            pltpu.make_async_copy(k_hbm.at[pl.ds(0, C)], kb, isem).wait()
            pltpu.make_async_copy(i_hbm.at[pl.ds(0, C)], ib, isem).wait()

        def issue_gather(kb, ib, ab, bb, gsem):
            pltpu.async_copy(ux_sp.at[kb], ab, gsem)
            pltpu.async_copy(ux_sp.at[ib], bb, gsem)

        def wait_gather(ab, bb, gsem):
            pltpu.make_async_copy(ux_sp.at[pl.ds(0, C)], ab, gsem).wait()
            pltpu.make_async_copy(ux_sp.at[pl.ds(0, C)], bb, gsem).wait()

        def compute(ab, bb, hb):
            fmt = plsc.PackFormat.INTERLEAVED

            def up(ref, e, sl):
                return plsc.unpack(plsc.bitcast(ref[e, sl], BF), format=fmt)

            def edge(e, ecarry):
                for j in range(H // 32):
                    slu = pl.ds(L * j, L)
                    slx = pl.ds(H // 2 + L * j, L)
                    uk0, uk1 = up(ab, e, slu)
                    ui0, ui1 = up(bb, e, slu)
                    xk0, xk1 = up(ab, e, slx)
                    xi0, xi1 = up(bb, e, slx)
                    hb[e, pl.ds(32 * j, L)] = (uk0 - ui0) * (xk0 - xi0)
                    hb[e, pl.ds(32 * j + L, L)] = (uk1 - ui1) * (xk1 - xi1)
                return ecarry

            lax.fori_loop(0, C, edge, 0)

        def issue_write(c, hb, wsem):
            g = pl.multiple_of(base + c * C, 8)
            pltpu.async_copy(hb, out_hbm.at[pl.ds(g, C)], wsem)

        def wait_write(hb, wsem):
            pltpu.make_async_copy(hb, out_hbm.at[pl.ds(0, C)], wsem).wait()

        issue_idx(0, kb0, ib0, isem0)
        wait_idx(kb0, ib0, isem0)
        issue_gather(kb0, ib0, abuf0, bbuf0, gsem0)
        issue_idx(1, kb1, ib1, isem1)

        def pair(i, carry):
            wait_idx(kb1, ib1, isem1)
            wait_gather(abuf0, bbuf0, gsem0)
            issue_gather(kb1, ib1, abuf1, bbuf1, gsem1)

            @pl.when(2 * i + 2 < NCH)
            def _i0():
                issue_idx(2 * i + 2, kb0, ib0, isem0)

            @pl.when(i > 0)
            def _w0():
                wait_write(hbuf0, wsem0)

            compute(abuf0, bbuf0, hbuf0)
            issue_write(2 * i, hbuf0, wsem0)

            wait_gather(abuf1, bbuf1, gsem1)

            @pl.when(2 * i + 2 < NCH)
            def _g0():
                wait_idx(kb0, ib0, isem0)
                issue_gather(kb0, ib0, abuf0, bbuf0, gsem0)

            @pl.when(2 * i + 3 < NCH)
            def _i1():
                issue_idx(2 * i + 3, kb1, ib1, isem1)

            @pl.when(i > 0)
            def _w1():
                wait_write(hbuf1, wsem1)

            compute(abuf1, bbuf1, hbuf1)
            issue_write(2 * i + 1, hbuf1, wsem1)
            return carry

        lax.fori_loop(0, NCH // 2, pair, 0)
        wait_write(hbuf0, wsem0)
        wait_write(hbuf1, wsem1)

    return k1(uxb, k_idx, i_idx)



def _k2_logits(h_in, w1t, b1r, w2r, b2r, E, H, EB):
    grid = E // EB
    rows = EB // 128

    def body(h_ref, w1_ref, b1_ref, w2_ref, b2_ref, out_ref):
        z = jnp.maximum(
            jnp.dot(
                h_ref[...].astype(jnp.bfloat16),
                w1_ref[...].astype(jnp.bfloat16),
                preferred_element_type=F32,
            )
            + b1_ref[...],
            0.0,
        )
        lg = jnp.sum(z * w2_ref[...], axis=1) + b2_ref[0, 0]
        out_ref[...] = lg.reshape(1, rows, 128)

    return pl.pallas_call(
        body,
        grid=(grid,),
        in_specs=[
            pl.BlockSpec((EB, H), lambda g: (g, 0)),
            pl.BlockSpec((H, H), lambda g: (0, 0)),
            pl.BlockSpec((1, H), lambda g: (0, 0)),
            pl.BlockSpec((1, H), lambda g: (0, 0)),
            pl.BlockSpec((1, 1), lambda g: (0, 0)),
        ],
        out_specs=pl.BlockSpec((1, rows, 128), lambda g: (g, 0, 0)),
        out_shape=jax.ShapeDtypeStruct((grid, rows, 128), F32),
    )(h_in, w1t, b1r, w2r, b2r)



def _k3_softmax_stats(logits2d):
    def body(l_ref, t_ref, sinv_ref):
        l = l_ref[...]
        m = jnp.max(l)
        t = jnp.exp(l - m)
        t_ref[...] = t
        sinv_ref[...] = jnp.reshape(1.0 / jnp.sum(t), (1, 1))

    return pl.pallas_call(
        body,
        out_shape=(
            jax.ShapeDtypeStruct(logits2d.shape, F32),
            jax.ShapeDtypeStruct((1, 1), F32),
        ),
    )(logits2d)



def _k5_aggregate(x, k_ext, t1d, nb_flat, NH, D, H, half):
    NPW = NH // NW
    RPC = 64
    NPC = RPC // D
    NCH = NPW // NPC
    assert NCH % 2 == 0

    @functools.partial(
        pl.kernel,
        out_type=jax.ShapeDtypeStruct((NH, H), F32),
        mesh=_sc_mesh(),
        scratch_types=[
            pltpu.VMEM_SHARED((x.shape[0], H), F32),
            pltpu.VMEM((NPW * D,), I32),
            pltpu.VMEM((RPC,), I32),
            pltpu.VMEM((RPC,), I32),
            pltpu.VMEM((RPC, H), F32),
            pltpu.VMEM((RPC, H), F32),
            pltpu.VMEM((RPC,), F32),
            pltpu.VMEM((RPC,), F32),
            pltpu.VMEM((NPW, H), F32),
            pltpu.SemaphoreType.DMA,
            pltpu.SemaphoreType.DMA,
        ],
        compiler_params=pltpu.CompilerParams(needs_layout_passes=False),
    )
    def k5(x_hbm, k_hbm, t_hbm, nb_hbm, out_hbm,
           x_sp, nball, kv0, kv1, rows0, rows1, tvals0, tvals1,
           aggbuf, gsem0, gsem1):
        wid = _wid()
        nbase = pl.multiple_of(wid * NPW, 8)

        @pl.when(lax.axis_index("s") == 0)
        def _stage():
            pltpu.sync_copy(x_hbm, x_sp)

        plsc.subcore_barrier()
        pltpu.sync_copy(
            nb_hbm.at[pl.ds((half * NH + wid * NPW) * D, NPW * D)], nball
        )

        def issue_stage1(c, kv, tvals, gsem):
            co = pl.multiple_of(c * RPC, 8)
            pltpu.async_copy(k_hbm.at[nball.at[pl.ds(co, RPC)]], kv, gsem)
            pltpu.async_copy(t_hbm.at[nball.at[pl.ds(co, RPC)]], tvals, gsem)

        def wait_stage1(kv, tvals, gsem):
            pltpu.make_async_copy(k_hbm.at[pl.ds(0, RPC)], kv, gsem).wait()
            pltpu.make_async_copy(t_hbm.at[pl.ds(0, RPC)], tvals, gsem).wait()

        def issue_rows(kv, rows, gsem):
            pltpu.async_copy(x_sp.at[kv], rows, gsem)

        def wait_rows(rows, gsem):
            pltpu.make_async_copy(x_sp.at[pl.ds(0, RPC)], rows, gsem).wait()

        def compute(c, rows, tvals):
            for n in range(NPC):
                node = c * NPC + n

                def splat(r):
                    return plsc.load_gather(tvals, [jnp.full((L,), r, I32)])

                def red(e, acc):
                    tv = splat(n * D + e)
                    return tuple(
                        acc[j] + rows[n * D + e, pl.ds(L * j, L)] * tv
                        for j in range(H // L)
                    )

                tv0 = splat(n * D)
                acc0 = tuple(
                    rows[n * D, pl.ds(L * j, L)] * tv0 for j in range(H // L)
                )
                acc = lax.fori_loop(1, D, red, acc0)
                for j in range(H // L):
                    aggbuf[node, pl.ds(L * j, L)] = acc[j]

        issue_stage1(0, kv0, tvals0, gsem0)
        wait_stage1(kv0, tvals0, gsem0)
        issue_rows(kv0, rows0, gsem0)
        issue_stage1(1, kv1, tvals1, gsem1)

        def pair(i, carry):
            wait_stage1(kv1, tvals1, gsem1)
            issue_rows(kv1, rows1, gsem1)
            wait_rows(rows0, gsem0)
            compute(2 * i, rows0, tvals0)

            @pl.when(2 * i + 2 < NCH)
            def _s0():
                issue_stage1(2 * i + 2, kv0, tvals0, gsem0)

            wait_rows(rows1, gsem1)
            compute(2 * i + 1, rows1, tvals1)

            @pl.when(2 * i + 2 < NCH)
            def _r0():
                wait_stage1(kv0, tvals0, gsem0)
                issue_rows(kv0, rows0, gsem0)

            @pl.when(2 * i + 3 < NCH)
            def _s1():
                issue_stage1(2 * i + 3, kv1, tvals1, gsem1)

            return carry

        lax.fori_loop(0, NCH // 2, pair, 0)
        pltpu.sync_copy(aggbuf, out_hbm.at[pl.ds(nbase, NPW)])

    return k5(x, k_ext, t1d, nb_flat)



def _k6_tail(x, agg, w0, w1, fc1t, fc1br, fc2t, fc2br, sinv, N, H, OUT, NB):
    grid = N // NB

    def body(x_ref, a_ref, w0_ref, w1_ref, f1_ref, b1_ref, f2_ref, b2_ref,
             s_ref, out_ref):
        x2 = (
            jnp.dot(x_ref[...], w0_ref[...], preferred_element_type=F32)
            + jnp.dot(a_ref[...], w1_ref[...], preferred_element_type=F32)
            * s_ref[0, 0]
        )
        z = jnp.maximum(
            jnp.dot(x2, f1_ref[...], preferred_element_type=F32) + b1_ref[...],
            0.0,
        )
        out_ref[...] = (
            jnp.dot(z, f2_ref[...], preferred_element_type=F32) + b2_ref[...]
        )

    return pl.pallas_call(
        body,
        grid=(grid,),
        in_specs=[
            pl.BlockSpec((NB, H), lambda g: (g, 0)),
            pl.BlockSpec((NB, H), lambda g: (g, 0)),
            pl.BlockSpec((H, H), lambda g: (0, 0)),
            pl.BlockSpec((H, H), lambda g: (0, 0)),
            pl.BlockSpec((H, H), lambda g: (0, 0)),
            pl.BlockSpec((1, H), lambda g: (0, 0)),
            pl.BlockSpec((H, OUT), lambda g: (0, 0)),
            pl.BlockSpec((1, OUT), lambda g: (0, 0)),
            pl.BlockSpec((1, 1), lambda g: (0, 0)),
        ],
        out_specs=pl.BlockSpec((NB, OUT), lambda g: (g, 0)),
        out_shape=jax.ShapeDtypeStruct((N, OUT), F32),
    )(x, agg, w0, w1, fc1t, fc1br, fc2t, fc2br, sinv)



def kernel(u, edge_index, neighbor_all, emb_id,
           att_fc1_w, att_fc1_b, att_fc2_w, att_fc2_b,
           w, fc1_w, fc1_b, fc2_w, fc2_b):
    N, H = u.shape
    E = edge_index.shape[1]
    D = neighbor_all.shape[1]
    OUT = fc2_w.shape[0]

    C = 40
    EB = 2560
    PAD = 8
    NP = -(-N // (NW * 8)) * (NW * 8)

    x = emb_id
    k_idx = edge_index[0]
    i_idx = edge_index[1]
    ux = jnp.concatenate([u, x], axis=1)
    q = jnp.arange(L, dtype=I32)
    qblk = jnp.stack([q, q + L], axis=1).reshape(2 * L)
    qfull = jnp.concatenate([32 * j + qblk for j in range(2 * H // 32)])
    uxb16 = ux[:, qfull].astype(jnp.bfloat16)
    uxb = jax.lax.bitcast_convert_type(
        uxb16.reshape(N, H, 2), jnp.float32
    )

    nb_pad = jnp.concatenate(
        [neighbor_all, jnp.full((NP - N, D), E, dtype=I32)], axis=0
    )
    nb_flat = nb_pad.reshape(NP * D)

    h_in = _k1_edge_features(uxb, k_idx, i_idx, E, H, C)

    logits3d = _k2_logits(
        h_in,
        att_fc1_w.T,
        att_fc1_b.reshape(1, H),
        att_fc2_w.reshape(1, H),
        att_fc2_b.reshape(1, 1),
        E, H, EB=EB,
    )
    logits2d = logits3d.reshape(E // 128, 128)

    t2d, sinv = _k3_softmax_stats(logits2d)
    t1d = jnp.concatenate([t2d.reshape(E), jnp.zeros((PAD,), F32)])
    k_ext = jnp.concatenate([k_idx, jnp.zeros((PAD,), I32)])

    NH = NP // 2
    agg = jnp.concatenate(
        [
            _k5_aggregate(x, k_ext, t1d, nb_flat, NH, D, H, half=0),
            _k5_aggregate(x, k_ext, t1d, nb_flat, NH, D, H, half=1),
        ],
        axis=0,
    )[:N]

    return _k6_tail(
        x, agg, w[0], w[1], fc1_w.T, fc1_b.reshape(1, H),
        fc2_w.T, fc2_b.reshape(1, OUT), sinv, N, H, OUT, NB=400,
    )

# --- scband reference (transcript-rebuilt; emitter-appended) ---
"""Pipeline reference for scband-prob-gat-6786048328633 (READ-ONLY COPY).

The authoritative reference and input builder live on the scoring server;
editing this copy changes nothing except your own understanding.
"""

import jax, jax.numpy as jnp
import numpy as np

N = 10000      # id_size / n_nodes
H = 128        # hidden_dim
E = 320000     # n_edges
D = 32         # max neighbors per node (neighbor_all width)
OUT = 128      # hid_dim


def setup_inputs(seed: int = 0) -> dict:
    key = jax.random.key(seed)
    ks = jax.random.split(key, 16)
    u = jax.random.normal(ks[0], (N, H), dtype=jnp.float32)
    edge_index = jax.random.randint(ks[1], (2, E), 0, N, dtype=jnp.int32)
    # neighbor_all holds indices into neighbor_emb ([E+1] rows, row E is the zero pad)
    neighbor_all = jax.random.randint(ks[2], (N, D), 0, E + 1, dtype=jnp.int32)
    # learned parameters
    emb_id = jax.random.uniform(ks[3], (N, H), dtype=jnp.float32)  # torch.rand init
    s = 1.0 / np.sqrt(H)
    att_fc1_w = jax.random.uniform(ks[4], (H, H), minval=-s, maxval=s, dtype=jnp.float32)
    att_fc1_b = jax.random.uniform(ks[5], (H,), minval=-s, maxval=s, dtype=jnp.float32)
    att_fc2_w = jax.random.uniform(ks[6], (1, H), minval=-s, maxval=s, dtype=jnp.float32)
    att_fc2_b = jax.random.uniform(ks[7], (1,), minval=-s, maxval=s, dtype=jnp.float32)
    w = jax.random.normal(ks[8], (2, H, H), dtype=jnp.float32)
    fc1_w = jax.random.uniform(ks[9], (H, H), minval=-s, maxval=s, dtype=jnp.float32)
    fc1_b = jax.random.uniform(ks[10], (H,), minval=-s, maxval=s, dtype=jnp.float32)
    fc2_w = jax.random.uniform(ks[11], (OUT, H), minval=-s, maxval=s, dtype=jnp.float32)
    fc2_b = jax.random.uniform(ks[12], (OUT,), minval=-s, maxval=s, dtype=jnp.float32)
    return {
        "u": u, "edge_index": edge_index, "neighbor_all": neighbor_all,
        "emb_id": emb_id,
        "att_fc1_w": att_fc1_w, "att_fc1_b": att_fc1_b,
        "att_fc2_w": att_fc2_w, "att_fc2_b": att_fc2_b,
        "w": w,
        "fc1_w": fc1_w, "fc1_b": fc1_b,
        "fc2_w": fc2_w, "fc2_b": fc2_b,
    }


def reference(u, edge_index, neighbor_all, emb_id,
              att_fc1_w, att_fc1_b, att_fc2_w, att_fc2_b,
              w, fc1_w, fc1_b, fc2_w, fc2_b):
    x = emb_id
    k = edge_index[0]
    i = edge_index[1]
    # per-edge interaction features (two gathers on u, two on x)
    h = (jnp.take(u, k, axis=0) - jnp.take(u, i, axis=0)) * \
        (jnp.take(x, k, axis=0) - jnp.take(x, i, axis=0))
    h = jax.nn.relu(h @ att_fc1_w.T + att_fc1_b)
    logits = h @ att_fc2_w.T + att_fc2_b            # [E, 1]
    alpha = jax.nn.softmax(logits, axis=0)           # softmax over all edges
    zeros = jnp.zeros((1, x.shape[1]), dtype=x.dtype)
    neighbor_emb = jnp.concatenate([jnp.take(x, k, axis=0) * alpha, zeros], axis=0)  # [E+1, H]
    # gather each node's neighbor edge rows and sum them per node
    agg = jnp.sum(jnp.take(neighbor_emb, neighbor_all, axis=0), axis=1)              # [N, H]
    x2 = x @ w[0] + agg @ w[1]
    x2 = jax.nn.relu(x2 @ fc1_w.T + fc1_b)
    out = x2 @ fc2_w.T + fc2_b
    return out

if __name__ == "__main__":
    import jax
    _d = setup_inputs()
    print(jax.jit(kernel)(*tuple(_d.values())))

</pallas_src>

<mosaic_0001>
#map = affine_map<(d0, d1) -> (0, 0)>
#map1 = affine_map<(d0, d1) -> (0)>
module attributes {stable_mosaic.version = 14 : i64} {
  func.func @k5(%arg0: i32, %arg1: i32, %arg2: memref<10000x128xf32, #tpu.memory_space<hbm>>, %arg3: memref<320008xi32, #tpu.memory_space<hbm>>, %arg4: memref<320008xf32, #tpu.memory_space<hbm>>, %arg5: memref<327680xi32, #tpu.memory_space<hbm>>, %arg6: memref<5120x128xf32, #tpu.memory_space<hbm>>, %arg7: memref<10000x128xf32, #tpu.memory_space<vmem_shared>>, %arg8: memref<5120xi32, #tpu.memory_space<vmem>>, %arg9: memref<64xi32, #tpu.memory_space<vmem>>, %arg10: memref<64xi32, #tpu.memory_space<vmem>>, %arg11: memref<64x128xf32, #tpu.memory_space<vmem>>, %arg12: memref<64x128xf32, #tpu.memory_space<vmem>>, %arg13: memref<64xf32, #tpu.memory_space<vmem>>, %arg14: memref<64xf32, #tpu.memory_space<vmem>>, %arg15: memref<160x128xf32, #tpu.memory_space<vmem>>, %arg16: memref<!tpu.dma_semaphore, #tpu.memory_space<semaphore_mem>>, %arg17: memref<!tpu.dma_semaphore, #tpu.memory_space<semaphore_mem>>) attributes {dimension_semantics = [#tpu.dimension_semantics<core_parallel>, #tpu.dimension_semantics<subcore_parallel>], iteration_bounds = array<i64: 2, 16>, scalar_prefetch = 0 : i64, scratch_operands = 11 : i64, tpu.core_type = #tpu.core_type<sc_vector_subcore>, window_params = [{transform_indices = #map}, {transform_indices = #map1}, {transform_indices = #map1}, {transform_indices = #map1}, {transform_indices = #map}]} {
    %mul3A = arith.constant 2 : i32
    %mul3A_0 = arith.muli %arg1, %mul3A : i32
    %add3A = arith.addi %mul3A_0, %arg0 : i32
    %mul3A_1 = arith.constant 160 : i32
    %mul3A_2 = arith.muli %add3A, %mul3A_1 : i32
    %multiple_of3A = tpu.assume_multiple %mul3A_2, 8 : i32
    %eq3A = arith.constant 0 : i32
    %eq3A_3 = arith.cmpi eq, %arg1, %eq3A : i32
    %convert_element_type3A = arith.extui %eq3A_3 : i1 to i32
    %cond3A = arith.constant 0 : i32
    %cond3A_4 = arith.cmpi ne, %convert_element_type3A, %cond3A : i32
    scf.if %cond3A_4 {
      "tpu.region"() ({
        %run_scoped3A = tpu.sem_alloc : memref<!tpu.dma_semaphore, #tpu.memory_space<semaphore_mem>>
        tpu.enqueue_dma source(%arg2 : memref<10000x128xf32, #tpu.memory_space<hbm>>) target(%arg7 : memref<10000x128xf32, #tpu.memory_space<vmem_shared>>) target_semaphore(%run_scoped3A : memref<!tpu.dma_semaphore, #tpu.memory_space<semaphore_mem>>)
        tpu.wait_dma2 semaphore(%run_scoped3A : memref<!tpu.dma_semaphore, #tpu.memory_space<semaphore_mem>>) src(%arg2 : memref<10000x128xf32, #tpu.memory_space<hbm>>) dst(%arg7 : memref<10000x128xf32, #tpu.memory_space<vmem_shared>>)
        tpu.yield
      }) : () -> ()
    } else {
    }
    %barrier3A = arith.constant 0 : index
    tpu.barrier barrier_id(%barrier3A)
    %mul3A_5 = arith.constant 160 : i32
    %mul3A_6 = arith.muli %add3A, %mul3A_5 : i32
    %add3A_7 = arith.constant 5120 : i32
    %add3A_8 = arith.addi %add3A_7, %mul3A_6 : i32
    %mul3A_9 = arith.constant 32 : i32
    %mul3A_10 = arith.muli %add3A_8, %mul3A_9 : i32
    "tpu.region"() ({
      %run_scoped3A = tpu.sem_alloc : memref<!tpu.dma_semaphore, #tpu.memory_space<semaphore_mem>>
      %dma_start3A_41 = tpu.memref_slice %arg5[%mul3A_10] : memref<327680xi32, #tpu.memory_space<hbm>> -> memref<5120xi32, #tpu.memory_space<hbm>>
      %dma_start3A_42 = tpu.memref_slice %arg5[%mul3A_10] : memref<327680xi32, #tpu.memory_space<hbm>> -> memref<5120xi32, #tpu.memory_space<hbm>>
      tpu.enqueue_dma source(%dma_start3A_42 : memref<5120xi32, #tpu.memory_space<hbm>>) target(%arg8 : memref<5120xi32, #tpu.memory_space<vmem>>) target_semaphore(%run_scoped3A : memref<!tpu.dma_semaphore, #tpu.memory_space<semaphore_mem>>)
      %dma_wait3A_43 = tpu.memref_slice %arg5[%mul3A_10] : memref<327680xi32, #tpu.memory_space<hbm>> -> memref<5120xi32, #tpu.memory_space<hbm>>
      %dma_wait3A_44 = tpu.memref_slice %arg5[%mul3A_10] : memref<327680xi32, #tpu.memory_space<hbm>> -> memref<5120xi32, #tpu.memory_space<hbm>>
      tpu.wait_dma2 semaphore(%run_scoped3A : memref<!tpu.dma_semaphore, #tpu.memory_space<semaphore_mem>>) src(%dma_wait3A_44 : memref<5120xi32, #tpu.memory_space<hbm>>) dst(%arg8 : memref<5120xi32, #tpu.memory_space<vmem>>)
      tpu.yield
    }) : () -> ()
    %multiple_of3A_11 = arith.constant 0 : i32
    %multiple_of3A_12 = tpu.assume_multiple %multiple_of3A_11, 8 : i32
    %dma_start3A = tpu.memref_slice %arg8[%multiple_of3A_12] : memref<5120xi32, #tpu.memory_space<vmem>> -> memref<64xi32, #tpu.memory_space<vmem>>
    %dma_start3A_13 = arith.constant 0 : i32
    %dma_start3A_14 = tpu.memref_slice %arg3[%dma_start3A_13] : memref<320008xi32, #tpu.memory_space<hbm>> -> memref<320008xi32, #tpu.memory_space<hbm>>
    tpu.enqueue_indirect_dma source(%dma_start3A_14 : memref<320008xi32, #tpu.memory_space<hbm>>) target(%arg9 : memref<64xi32, #tpu.memory_space<vmem>>) offsets(%dma_start3A : memref<64xi32, #tpu.memory_space<vmem>>) semaphore(%arg16 : memref<!tpu.dma_semaphore, #tpu.memory_space<semaphore_mem>>)
    %dma_start3A_15 = tpu.memref_slice %arg8[%multiple_of3A_12] : memref<5120xi32, #tpu.memory_space<vmem>> -> memref<64xi32, #tpu.memory_space<vmem>>
    %dma_start3A_16 = arith.constant 0 : i32
    %dma_start3A_17 = tpu.memref_slice %arg4[%dma_start3A_16] : memref<320008xf32, #tpu.memory_space<hbm>> -> memref<320008xf32, #tpu.memory_space<hbm>>
    tpu.enqueue_indirect_dma source(%dma_start3A_17 : memref<320008xf32, #tpu.memory_space<hbm>>) target(%arg13 : memref<64xf32, #tpu.memory_space<vmem>>) offsets(%dma_start3A_15 : memref<64xi32, #tpu.memory_space<vmem>>) semaphore(%arg16 : memref<!tpu.dma_semaphore, #tpu.memory_space<semaphore_mem>>)
    %dma_wait3A = arith.constant 0 : i32
    %dma_wait3A_18 = tpu.memref_slice %arg3[%dma_wait3A] : memref<320008xi32, #tpu.memory_space<hbm>> -> memref<64xi32, #tpu.memory_space<hbm>>
    %dma_wait3A_19 = arith.constant 0 : i32
    %dma_wait3A_20 = tpu.memref_slice %arg3[%dma_wait3A_19] : memref<320008xi32, #tpu.memory_space<hbm>> -> memref<64xi32, #tpu.memory_space<hbm>>
    tpu.wait_dma2 semaphore(%arg16 : memref<!tpu.dma_semaphore, #tpu.memory_space<semaphore_mem>>) src(%dma_wait3A_20 : memref<64xi32, #tpu.memory_space<hbm>>) dst(%arg9 : memref<64xi32, #tpu.memory_space<vmem>>)
    %dma_wait3A_21 = arith.constant 0 : i32
    %dma_wait3A_22 = tpu.memref_slice %arg4[%dma_wait3A_21] : memref<320008xf32, #tpu.memory_space<hbm>> -> memref<64xf32, #tpu.memory_space<hbm>>
    %dma_wait3A_23 = arith.constant 0 : i32
    %dma_wait3A_24 = tpu.memref_slice %arg4[%dma_wait3A_23] : memref<320008xf32, #tpu.memory_space<hbm>> -> memref<64xf32, #tpu.memory_space<hbm>>
    tpu.wait_dma2 semaphore(%arg16 : memref<!tpu.dma_semaphore, #tpu.memory_space<semaphore_mem>>) src(%dma_wait3A_24 : memref<64xf32, #tpu.memory_space<hbm>>) dst(%arg13 : memref<64xf32, #tpu.memory_space<vmem>>)
    %dma_start3A_25 = arith.constant 0 : i32
    %dma_start3A_26 = arith.constant 0 : i32
    %dma_start3A_27 = tpu.memref_slice %arg7[%dma_start3A_25, %dma_start3A_26] : memref<10000x128xf32, #tpu.memory_space<vmem_shared>> -> memref<10000x128xf32, #tpu.memory_space<vmem_shared>>
    tpu.enqueue_indirect_dma source(%dma_start3A_27 : memref<10000x128xf32, #tpu.memory_space<vmem_shared>>) target(%arg11 : memref<64x128xf32, #tpu.memory_space<vmem>>) offsets(%arg9 : memref<64xi32, #tpu.memory_space<vmem>>) semaphore(%arg16 : memref<!tpu.dma_semaphore, #tpu.memory_space<semaphore_mem>>)
    %multiple_of3A_28 = arith.constant 64 : i32
    %multiple_of3A_29 = tpu.assume_multiple %multiple_of3A_28, 8 : i32
    %dma_start3A_30 = tpu.memref_slice %arg8[%multiple_of3A_29] : memref<5120xi32, #tpu.memory_space<vmem>> -> memref<64xi32, #tpu.memory_space<vmem>>
    %dma_start3A_31 = arith.constant 0 : i32
    %dma_start3A_32 = tpu.memref_slice %arg3[%dma_start3A_31] : memref<320008xi32, #tpu.memory_space<hbm>> -> memref<320008xi32, #tpu.memory_space<hbm>>
    tpu.enqueue_indirect_dma source(%dma_start3A_32 : memref<320008xi32, #tpu.memory_space<hbm>>) target(%arg10 : memref<64xi32, #tpu.memory_space<vmem>>) offsets(%dma_start3A_30 : memref<64xi32, #tpu.memory_space<vmem>>) semaphore(%arg17 : memref<!tpu.dma_semaphore, #tpu.memory_space<semaphore_mem>>)
    %dma_start3A_33 = tpu.memref_slice %arg8[%multiple_of3A_29] : memref<5120xi32, #tpu.memory_space<vmem>> -> memref<64xi32, #tpu.memory_space<vmem>>
    %dma_start3A_34 = arith.constant 0 : i32
    %dma_start3A_35 = tpu.memref_slice %arg4[%dma_start3A_34] : memref<320008xf32, #tpu.memory_space<hbm>> -> memref<320008xf32, #tpu.memory_space<hbm>>
    tpu.enqueue_indirect_dma source(%dma_start3A_35 : memref<320008xf32, #tpu.memory_space<hbm>>) target(%arg14 : memref<64xf32, #tpu.memory_space<vmem>>) offsets(%dma_start3A_33 : memref<64xi32, #tpu.memory_space<vmem>>) semaphore(%arg17 : memref<!tpu.dma_semaphore, #tpu.memory_space<semaphore_mem>>)
    %scan3A = arith.constant 0 : i32
    %scan3A_36 = arith.constant 0 : i32
    %scan3A_37 = arith.constant 40 : i32
    %scan3A_38 = arith.addi %scan3A_36, %scan3A_37 : i32
    %scan3A_39 = arith.constant 1 : i32
    scf.for %scan3A_41 = %scan3A_36 to %scan3A_38 step %scan3A_39  : i32 {
      %dma_wait3A_42 = arith.constant 0 : i32
      %dma_wait3A_43 = tpu.memref_slice %arg3[%dma_wait3A_42] : memref<320008xi32, #tpu.memory_space<hbm>> -> memref<64xi32, #tpu.memory_space<hbm>>
      %dma_wait3A_44 = arith.constant 0 : i32
      %dma_wait3A_45 = tpu.memref_slice %arg3[%dma_wait3A_44] : memref<320008xi32, #tpu.memory_space<hbm>> -> memref<64xi32, #tpu.memory_space<hbm>>
      tpu.wait_dma2 semaphore(%arg17 : memref<!tpu.dma_semaphore, #tpu.memory_space<semaphore_mem>>) src(%dma_wait3A_45 : memref<64xi32, #tpu.memory_space<hbm>>) dst(%arg10 : memref<64xi32, #tpu.memory_space<vmem>>)
      %dma_wait3A_46 = arith.constant 0 : i32
      %dma_wait3A_47 = tpu.memref_slice %arg4[%dma_wait3A_46] : memref<320008xf32, #tpu.memory_space<hbm>> -> memref<64xf32, #tpu.memory_space<hbm>>
      %dma_wait3A_48 = arith.constant 0 : i32
      %dma_wait3A_49 = tpu.memref_slice %arg4[%dma_wait3A_48] : memref<320008xf32, #tpu.memory_space<hbm>> -> memref<64xf32, #tpu.memory_space<hbm>>
      tpu.wait_dma2 semaphore(%arg17 : memref<!tpu.dma_semaphore, #tpu.memory_space<semaphore_mem>>) src(%dma_wait3A_49 : memref<64xf32, #tpu.memory_space<hbm>>) dst(%arg14 : memref<64xf32, #tpu.memory_space<vmem>>)
      %dma_start3A_50 = arith.constant 0 : i32
      %dma_start3A_51 = arith.constant 0 : i32
      %dma_start3A_52 = tpu.memref_slice %arg7[%dma_start3A_50, %dma_start3A_51] : memref<10000x128xf32, #tpu.memory_space<vmem_shared>> -> memref<10000x128xf32, #tpu.memory_space<vmem_shared>>
      tpu.enqueue_indirect_dma source(%dma_start3A_52 : memref<10000x128xf32, #tpu.memory_space<vmem_shared>>) target(%arg12 : memref<64x128xf32, #tpu.memory_space<vmem>>) offsets(%arg10 : memref<64xi32, #tpu.memory_space<vmem>>) semaphore(%arg17 : memref<!tpu.dma_semaphore, #tpu.memory_space<semaphore_mem>>)
      %dma_wait3A_53 = arith.constant 0 : i32
      %dma_wait3A_54 = arith.constant 0 : i32
      %dma_wait3A_55 = tpu.memref_slice %arg7[%dma_wait3A_53, %dma_wait3A_54] : memref<10000x128xf32, #tpu.memory_space<vmem_shared>> -> memref<64x128xf32, #tpu.memory_space<vmem_shared>>
      %dma_wait3A_56 = arith.constant 0 : i32
      %dma_wait3A_57 = arith.constant 0 : i32
      %dma_wait3A_58 = tpu.memref_slice %arg7[%dma_wait3A_56, %dma_wait3A_57] : memref<10000x128xf32, #tpu.memory_space<vmem_shared>> -> memref<64x128xf32, #tpu.memory_space<vmem_shared>>
      tpu.wait_dma2 semaphore(%arg16 : memref<!tpu.dma_semaphore, #tpu.memory_space<semaphore_mem>>) src(%dma_wait3A_58 : memref<64x128xf32, #tpu.memory_space<vmem_shared>>) dst(%arg11 : memref<64x128xf32, #tpu.memory_space<vmem>>)
      %mul3A_59 = arith.constant 2 : i32
      %mul3A_60 = arith.muli %mul3A_59, %scan3A_41 : i32
      %mul3A_61 = arith.constant 2 : i32
      %mul3A_62 = arith.muli %mul3A_60, %mul3A_61 : i32
      %add3A_63 = arith.constant 0 : i32
      %add3A_64 = arith.addi %mul3A_62, %add3A_63 : i32
      %broadcast_in_dim3A = arith.constant 0 : i32
      %broadcast_in_dim3A_65 = vector.broadcast %broadcast_in_dim3A : i32 to vector<16xi32>
      %gather3A = tpu.vector_load_idx %arg13[%broadcast_in_dim3A_65] : memref<64xf32, #tpu.memory_space<vmem>>[vector<16xi32>], vector<16xf32>,
      %get3A = arith.constant 0 : i32
      %get3A_66 = arith.index_cast %get3A : i32 to index
      %get3A_67 = arith.constant 0 : index
      %get3A_68 = tpu.vector_load %arg11[%get3A_66, %get3A_67] {strides = array<i32>} : memref<64x128xf32, #tpu.memory_space<vmem>>, vector<16xf32>,
      %mul3A_69 = arith.mulf %get3A_68, %gather3A : vector<16xf32>
      %get3A_70 = arith.constant 0 : i32
      %get3A_71 = arith.index_cast %get3A_70 : i32 to index
      %get3A_72 = arith.constant 16 : index
      %get3A_73 = tpu.vector_load %arg11[%get3A_71, %get3A_72] {strides = array<i32>} : memref<64x128xf32, #tpu.memory_space<vmem>>, vector<16xf32>,
      %mul3A_74 = arith.mulf %get3A_73, %gather3A : vector<16xf32>
      %get3A_75 = arith.constant 0 : i32
      %get3A_76 = arith.index_cast %get3A_75 : i32 to index
      %get3A_77 = arith.constant 32 : index
      %get3A_78 = tpu.vector_load %arg11[%get3A_76, %get3A_77] {strides = array<i32>} : memref<64x128xf32, #tpu.memory_space<vmem>>, vector<16xf32>,
      %mul3A_79 = arith.mulf %get3A_78, %gather3A : vector<16xf32>
      %get3A_80 = arith.constant 0 : i32
      %get3A_81 = arith.index_cast %get3A_80 : i32 to index
      %get3A_82 = arith.constant 48 : index
      %get3A_83 = tpu.vector_load %arg11[%get3A_81, %get3A_82] {strides = array<i32>} : memref<64x128xf32, #tpu.memory_space<vmem>>, vector<16xf32>,
      %mul3A_84 = arith.mulf %get3A_83, %gather3A : vector<16xf32>
      %get3A_85 = arith.constant 0 : i32
      %get3A_86 = arith.index_cast %get3A_85 : i32 to index
      %get3A_87 = arith.constant 64 : index
      %get3A_88 = tpu.vector_load %arg11[%get3A_86, %get3A_87] {strides = array<i32>} : memref<64x128xf32, #tpu.memory_space<vmem>>, vector<16xf32>,
      %mul3A_89 = arith.mulf %get3A_88, %gather3A : vector<16xf32>
      %get3A_90 = arith.constant 0 : i32
      %get3A_91 = arith.index_cast %get3A_90 : i32 to index
      %get3A_92 = arith.constant 80 : index
      %get3A_93 = tpu.vector_load %arg11[%get3A_91, %get3A_92] {strides = array<i32>} : memref<64x128xf32, #tpu.memory_space<vmem>>, vector<16xf32>,
      %mul3A_94 = arith.mulf %get3A_93, %gather3A : vector<16xf32>
      %get3A_95 = arith.constant 0 : i32
      %get3A_96 = arith.index_cast %get3A_95 : i32 to index
      %get3A_97 = arith.constant 96 : index
      %get3A_98 = tpu.vector_load %arg11[%get3A_96, %get3A_97] {strides = array<i32>} : memref<64x128xf32, #tpu.memory_space<vmem>>, vector<16xf32>,
      %mul3A_99 = arith.mulf %get3A_98, %gather3A : vector<16xf32>
      %get3A_100 = arith.constant 0 : i32
      %get3A_101 = arith.index_cast %get3A_100 : i32 to index
      %get3A_102 = arith.constant 112 : index
      %get3A_103 = tpu.vector_load %arg11[%get3A_101, %get3A_102] {strides = array<i32>} : memref<64x128xf32, #tpu.memory_space<vmem>>, vector<16xf32>,
      %mul3A_104 = arith.mulf %get3A_103, %gather3A : vector<16xf32>
      %scan3A_105 = arith.constant 1 : i32
      %scan3A_106 = arith.constant 31 : i32
      %scan3A_107 = arith.addi %scan3A_105, %scan3A_106 : i32
      %scan3A_108 = arith.constant 1 : i32
      %scan3A_109:8 = scf.for %scan3A_401 = %scan3A_105 to %scan3A_107 step %scan3A_108 iter_args(%scan3A_402 = %mul3A_69, %scan3A_403 = %mul3A_74, %scan3A_404 = %mul3A_79, %scan3A_405 = %mul3A_84, %scan3A_406 = %mul3A_89, %scan3A_407 = %mul3A_94, %scan3A_408 = %mul3A_99, %scan3A_409 = %mul3A_104) -> (vector<16xf32>, vector<16xf32>, vector<16xf32>, vector<16xf32>, vector<16xf32>, vector<16xf32>, vector<16xf32>, vector<16xf32>)  : i32 {
        %add3A_410 = arith.constant 0 : i32
        %add3A_411 = arith.addi %add3A_410, %scan3A_401 : i32
        %broadcast_in_dim3A_412 = vector.broadcast %add3A_411 : i32 to vector<16xi32>
        %gather3A_413 = tpu.vector_load_idx %arg13[%broadcast_in_dim3A_412] : memref<64xf32, #tpu.memory_space<vmem>>[vector<16xi32>], vector<16xf32>,
        %add3A_414 = arith.constant 0 : i32
        %add3A_415 = arith.addi %add3A_414, %scan3A_401 : i32
        %get3A_416 = arith.index_cast %add3A_415 : i32 to index
        %get3A_417 = arith.constant 0 : index
        %get3A_418 = tpu.vector_load %arg11[%get3A_416, %get3A_417] {strides = array<i32>} : memref<64x128xf32, #tpu.memory_space<vmem>>, vector<16xf32>,
        %mul3A_419 = arith.mulf %get3A_418, %gather3A_413 : vector<16xf32>
        %add3A_420 = arith.addf %scan3A_402, %mul3A_419 : vector<16xf32>
        %add3A_421 = arith.constant 0 : i32
        %add3A_422 = arith.addi %add3A_421, %scan3A_401 : i32
        %get3A_423 = arith.index_cast %add3A_422 : i32 to index
        %get3A_424 = arith.constant 16 : index
        %get3A_425 = tpu.vector_load %arg11[%get3A_423, %get3A_424] {strides = array<i32>} : memref<64x128xf32, #tpu.memory_space<vmem>>, vector<16xf32>,
        %mul3A_426 = arith.mulf %get3A_425, %gather3A_413 : vector<16xf32>
        %add3A_427 = arith.addf %scan3A_403, %mul3A_426 : vector<16xf32>
        %add3A_428 = arith.constant 0 : i32
        %add3A_429 = arith.addi %add3A_428, %scan3A_401 : i32
        %get3A_430 = arith.index_cast %add3A_429 : i32 to index
        %get3A_431 = arith.constant 32 : index
        %get3A_432 = tpu.vector_load %arg11[%get3A_430, %get3A_431] {strides = array<i32>} : memref<64x128xf32, #tpu.memory_space<vmem>>, vector<16xf32>,
        %mul3A_433 = arith.mulf %get3A_432, %gather3A_413 : vector<16xf32>
        %add3A_434 = arith.addf %scan3A_404, %mul3A_433 : vector<16xf32>
        %add3A_435 = arith.constant 0 : i32
        %add3A_436 = arith.addi %add3A_435, %scan3A_401 : i32
        %get3A_437 = arith.index_cast %add3A_436 : i32 to index
        %get3A_438 = arith.constant 48 : index
        %get3A_439 = tpu.vector_load %arg11[%get3A_437, %get3A_438] {strides = array<i32>} : memref<64x128xf32, #tpu.memory_space<vmem>>, vector<16xf32>,
        %mul3A_440 = arith.mulf %get3A_439, %gather3A_413 : vector<16xf32>
        %add3A_441 = arith.addf %scan3A_405, %mul3A_440 : vector<16xf32>
        %add3A_442 = arith.constant 0 : i32
        %add3A_443 = arith.addi %add3A_442, %scan3A_401 : i32
        %get3A_444 = arith.index_cast %add3A_443 : i32 to index
        %get3A_445 = arith.constant 64 : index
        %get3A_446 = tpu.vector_load %arg11[%get3A_444, %get3A_445] {strides = array<i32>} : memref<64x128xf32, #tpu.memory_space<vmem>>, vector<16xf32>,
        %mul3A_447 = arith.mulf %get3A_446, %gather3A_413 : vector<16xf32>
        %add3A_448 = arith.addf %scan3A_406, %mul3A_447 : vector<16xf32>
        %add3A_449 = arith.constant 0 : i32
        %add3A_450 = arith.addi %add3A_449, %scan3A_401 : i32
        %get3A_451 = arith.index_cast %add3A_450 : i32 to index
        %get3A_452 = arith.constant 80 : index
        %get3A_453 = tpu.vector_load %arg11[%get3A_451, %get3A_452] {strides = array<i32>} : memref<64x128xf32, #tpu.memory_space<vmem>>, vector<16xf32>,
        %mul3A_454 = arith.mulf %get3A_453, %gather3A_413 : vector<16xf32>
        %add3A_455 = arith.addf %scan3A_407, %mul3A_454 : vector<16xf32>
        %add3A_456 = arith.constant 0 : i32
        %add3A_457 = arith.addi %add3A_456, %scan3A_401 : i32
        %get3A_458 = arith.index_cast %add3A_457 : i32 to index
        %get3A_459 = arith.constant 96 : index
        %get3A_460 = tpu.vector_load %arg11[%get3A_458, %get3A_459] {strides = array<i32>} : memref<64x128xf32, #tpu.memory_space<vmem>>, vector<16xf32>,
        %mul3A_461 = arith.mulf %get3A_460, %gather3A_413 : vector<16xf32>
        %add3A_462 = arith.addf %scan3A_408, %mul3A_461 : vector<16xf32>
        %add3A_463 = arith.constant 0 : i32
        %add3A_464 = arith.addi %add3A_463, %scan3A_401 : i32
        %get3A_465 = arith.index_cast %add3A_464 : i32 to index
        %get3A_466 = arith.constant 112 : index
        %get3A_467 = tpu.vector_load %arg11[%get3A_465, %get3A_466] {strides = array<i32>} : memref<64x128xf32, #tpu.memory_space<vmem>>, vector<16xf32>,
        %mul3A_468 = arith.mulf %get3A_467, %gather3A_413 : vector<16xf32>
        %add3A_469 = arith.addf %scan3A_409, %mul3A_468 : vector<16xf32>
        scf.yield %add3A_420, %add3A_427, %add3A_434, %add3A_441, %add3A_448, %add3A_455, %add3A_462, %add3A_469 : vector<16xf32>, vector<16xf32>, vector<16xf32>, vector<16xf32>, vector<16xf32>, vector<16xf32>, vector<16xf32>, vector<16xf32>
      }
      %scan3A_110 = arith.constant 31 : i32
      %swap3A = arith.index_cast %add3A_64 : i32 to index
      %swap3A_111 = arith.constant 0 : index
      %swap3A_112 = tpu.vector_load %arg15[%swap3A, %swap3A_111] {strides = array<i32>} : memref<160x128xf32, #tpu.memory_space<vmem>>, vector<16xf32>,
      tpu.vector_store %arg15[%swap3A, %swap3A_111], %scan3A_109#0 {strides = array<i32>} : memref<160x128xf32, #tpu.memory_space<vmem>>, vector<16xf32>,
      %swap3A_113 = arith.index_cast %add3A_64 : i32 to index
      %swap3A_114 = arith.constant 16 : index
      %swap3A_115 = tpu.vector_load %arg15[%swap3A_113, %swap3A_114] {strides = array<i32>} : memref<160x128xf32, #tpu.memory_space<vmem>>, vector<16xf32>,
      tpu.vector_store %arg15[%swap3A_113, %swap3A_114], %scan3A_109#1 {strides = array<i32>} : memref<160x128xf32, #tpu.memory_space<vmem>>, vector<16xf32>,
      %swap3A_116 = arith.index_cast %add3A_64 : i32 to index
      %swap3A_117 = arith.constant 32 : index
      %swap3A_118 = tpu.vector_load %arg15[%swap3A_116, %swap3A_117] {strides = array<i32>} : memref<160x128xf32, #tpu.memory_space<vmem>>, vector<16xf32>,
      tpu.vector_store %arg15[%swap3A_116, %swap3A_117], %scan3A_109#2 {strides = array<i32>} : memref<160x128xf32, #tpu.memory_space<vmem>>, vector<16xf32>,
      %swap3A_119 = arith.index_cast %add3A_64 : i32 to index
      %swap3A_120 = arith.constant 48 : index
      %swap3A_121 = tpu.vector_load %arg15[%swap3A_119, %swap3A_120] {strides = array<i32>} : memref<160x128xf32, #tpu.memory_space<vmem>>, vector<16xf32>,
      tpu.vector_store %arg15[%swap3A_119, %swap3A_120], %scan3A_109#3 {strides = array<i32>} : memref<160x128xf32, #tpu.memory_space<vmem>>, vector<16xf32>,
      %swap3A_122 = arith.index_cast %add3A_64 : i32 to index
      %swap3A_123 = arith.constant 64 : index
      %swap3A_124 = tpu.vector_load %arg15[%swap3A_122, %swap3A_123] {strides = array<i32>} : memref<160x128xf32, #tpu.memory_space<vmem>>, vector<16xf32>,
      tpu.vector_store %arg15[%swap3A_122, %swap3A_123], %scan3A_109#4 {strides = array<i32>} : memref<160x128xf32, #tpu.memory_space<vmem>>, vector<16xf32>,
      %swap3A_125 = arith.index_cast %add3A_64 : i32 to index
      %swap3A_126 = arith.constant 80 : index
      %swap3A_127 = tpu.vector_load %arg15[%swap3A_125, %swap3A_126] {strides = array<i32>} : memref<160x128xf32, #tpu.memory_space<vmem>>, vector<16xf32>,
      tpu.vector_store %arg15[%swap3A_125, %swap3A_126], %scan3A_109#5 {strides = array<i32>} : memref<160x128xf32, #tpu.memory_space<vmem>>, vector<16xf32>,
      %swap3A_128 = arith.index_cast %add3A_64 : i32 to index
      %swap3A_129 = arith.constant 96 : index
      %swap3A_130 = tpu.vector_load %arg15[%swap3A_128, %swap3A_129] {strides = array<i32>} : memref<160x128xf32, #tpu.memory_space<vmem>>, vector<16xf32>,
      tpu.vector_store %arg15[%swap3A_128, %swap3A_129], %scan3A_109#6 {strides = array<i32>} : memref<160x128xf32, #tpu.memory_space<vmem>>, vector<16xf32>,
      %swap3A_131 = arith.index_cast %add3A_64 : i32 to index
      %swap3A_132 = arith.constant 112 : index
      %swap3A_133 = tpu.vector_load %arg15[%swap3A_131, %swap3A_132] {strides = array<i32>} : memref<160x128xf32, #tpu.memory_space<vmem>>, vector<16xf32>,
      tpu.vector_store %arg15[%swap3A_131, %swap3A_132], %scan3A_109#7 {strides = array<i32>} : memref<160x128xf32, #tpu.memory_space<vmem>>, vector<16xf32>,
      %mul3A_134 = arith.constant 2 : i32
      %mul3A_135 = arith.muli %mul3A_60, %mul3A_134 : i32
      %add3A_136 = arith.constant 1 : i32
      %add3A_137 = arith.addi %mul3A_135, %add3A_136 : i32
      %broadcast_in_dim3A_138 = arith.constant 32 : i32
      %broadcast_in_dim3A_139 = vector.broadcast %broadcast_in_dim3A_138 : i32 to vector<16xi32>
      %gather3A_140 = tpu.vector_load_idx %arg13[%broadcast_in_dim3A_139] : memref<64xf32, #tpu.memory_space<vmem>>[vector<16xi32>], vector<16xf32>,
      %get3A_141 = arith.constant 32 : i32
      %get3A_142 = arith.index_cast %get3A_141 : i32 to index
      %get3A_143 = arith.constant 0 : index
      %get3A_144 = tpu.vector_load %arg11[%get3A_142, %get3A_143] {strides = array<i32>} : memref<64x128xf32, #tpu.memory_space<vmem>>, vector<16xf32>,
      %mul3A_145 = arith.mulf %get3A_144, %gather3A_140 : vector<16xf32>
      %get3A_146 = arith.constant 32 : i32
      %get3A_147 = arith.index_cast %get3A_146 : i32 to index
      %get3A_148 = arith.constant 16 : index
      %get3A_149 = tpu.vector_load %arg11[%get3A_147, %get3A_148] {strides = array<i32>} : memref<64x128xf32, #tpu.memory_space<vmem>>, vector<16xf32>,
      %mul3A_150 = arith.mulf %get3A_149, %gather3A_140 : vector<16xf32>
      %get3A_151 = arith.constant 32 : i32
      %get3A_152 = arith.index_cast %get3A_151 : i32 to index
      %get3A_153 = arith.constant 32 : index
      %get3A_154 = tpu.vector_load %arg11[%get3A_152, %get3A_153] {strides = array<i32>} : memref<64x128xf32, #tpu.memory_space<vmem>>, vector<16xf32>,
      %mul3A_155 = arith.mulf %get3A_154, %gather3A_140 : vector<16xf32>
      %get3A_156 = arith.constant 32 : i32
      %get3A_157 = arith.index_cast %get3A_156 : i32 to index
      %get3A_158 = arith.constant 48 : index
      %get3A_159 = tpu.vector_load %arg11[%get3A_157, %get3A_158] {strides = array<i32>} : memref<64x128xf32, #tpu.memory_space<vmem>>, vector<16xf32>,
      %mul3A_160 = arith.mulf %get3A_159, %gather3A_140 : vector<16xf32>
      %get3A_161 = arith.constant 32 : i32
      %get3A_162 = arith.index_cast %get3A_161 : i32 to index
      %get3A_163 = arith.constant 64 : index
      %get3A_164 = tpu.vector_load %arg11[%get3A_162, %get3A_163] {strides = array<i32>} : memref<64x128xf32, #tpu.memory_space<vmem>>, vector<16xf32>,
      %mul3A_165 = arith.mulf %get3A_164, %gather3A_140 : vector<16xf32>
      %get3A_166 = arith.constant 32 : i32
      %get3A_167 = arith.index_cast %get3A_166 : i32 to index
      %get3A_168 = arith.constant 80 : index
      %get3A_169 = tpu.vector_load %arg11[%get3A_167, %get3A_168] {strides = array<i32>} : memref<64x128xf32, #tpu.memory_space<vmem>>, vector<16xf32>,
      %mul3A_170 = arith.mulf %get3A_169, %gather3A_140 : vector<16xf32>
      %get3A_171 = arith.constant 32 : i32
      %get3A_172 = arith.index_cast %get3A_171 : i32 to index
      %get3A_173 = arith.constant 96 : index
      %get3A_174 = tpu.vector_load %arg11[%get3A_172, %get3A_173] {strides = array<i32>} : memref<64x128xf32, #tpu.memory_space<vmem>>, vector<16xf32>,
      %mul3A_175 = arith.mulf %get3A_174, %gather3A_140 : vector<16xf32>
      %get3A_176 = arith.constant 32 : i32
      %get3A_177 = arith.index_cast %get3A_176 : i32 to index
      %get3A_178 = arith.constant 112 : index
      %get3A_179 = tpu.vector_load %arg11[%get3A_177, %get3A_178] {strides = array<i32>} : memref<64x128xf32, #tpu.memory_space<vmem>>, vector<16xf32>,
      %mul3A_180 = arith.mulf %get3A_179, %gather3A_140 : vector<16xf32>
      %scan3A_181 = arith.constant 1 : i32
      %scan3A_182 = arith.constant 31 : i32
      %scan3A_183 = arith.addi %scan3A_181, %scan3A_182 : i32
      %scan3A_184 = arith.constant 1 : i32
      %scan3A_185:8 = scf.for %scan3A_401 = %scan3A_181 to %scan3A_183 step %scan3A_184 iter_args(%scan3A_402 = %mul3A_145, %scan3A_403 = %mul3A_150, %scan3A_404 = %mul3A_155, %scan3A_405 = %mul3A_160, %scan3A_406 = %mul3A_165, %scan3A_407 = %mul3A_170, %scan3A_408 = %mul3A_175, %scan3A_409 = %mul3A_180) -> (vector<16xf32>, vector<16xf32>, vector<16xf32>, vector<16xf32>, vector<16xf32>, vector<16xf32>, vector<16xf32>, vector<16xf32>)  : i32 {
        %add3A_410 = arith.constant 32 : i32
        %add3A_411 = arith.addi %add3A_410, %scan3A_401 : i32
        %broadcast_in_dim3A_412 = vector.broadcast %add3A_411 : i32 to vector<16xi32>
        %gather3A_413 = tpu.vector_load_idx %arg13[%broadcast_in_dim3A_412] : memref<64xf32, #tpu.memory_space<vmem>>[vector<16xi32>], vector<16xf32>,
        %add3A_414 = arith.constant 32 : i32
        %add3A_415 = arith.addi %add3A_414, %scan3A_401 : i32
        %get3A_416 = arith.index_cast %add3A_415 : i32 to index
        %get3A_417 = arith.constant 0 : index
        %get3A_418 = tpu.vector_load %arg11[%get3A_416, %get3A_417] {strides = array<i32>} : memref<64x128xf32, #tpu.memory_space<vmem>>, vector<16xf32>,
        %mul3A_419 = arith.mulf %get3A_418, %gather3A_413 : vector<16xf32>
        %add3A_420 = arith.addf %scan3A_402, %mul3A_419 : vector<16xf32>
        %add3A_421 = arith.constant 32 : i32
        %add3A_422 = arith.addi %add3A_421, %scan3A_401 : i32
        %get3A_423 = arith.index_cast %add3A_422 : i32 to index
        %get3A_424 = arith.constant 16 : index
        %get3A_425 = tpu.vector_load %arg11[%get3A_423, %get3A_424] {strides = array<i32>} : memref<64x128xf32, #tpu.memory_space<vmem>>, vector<16xf32>,
        %mul3A_426 = arith.mulf %get3A_425, %gather3A_413 : vector<16xf32>
        %add3A_427 = arith.addf %scan3A_403, %mul3A_426 : vector<16xf32>
        %add3A_428 = arith.constant 32 : i32
        %add3A_429 = arith.addi %add3A_428, %scan3A_401 : i32
        %get3A_430 = arith.index_cast %add3A_429 : i32 to index
        %get3A_431 = arith.constant 32 : index
        %get3A_432 = tpu.vector_load %arg11[%get3A_430, %get3A_431] {strides = array<i32>} : memref<64x128xf32, #tpu.memory_space<vmem>>, vector<16xf32>,
        %mul3A_433 = arith.mulf %get3A_432, %gather3A_413 : vector<16xf32>
        %add3A_434 = arith.addf %scan3A_404, %mul3A_433 : vector<16xf32>
        %add3A_435 = arith.constant 32 : i32
        %add3A_436 = arith.addi %add3A_435, %scan3A_401 : i32
        %get3A_437 = arith.index_cast %add3A_436 : i32 to index
        %get3A_438 = arith.constant 48 : index
        %get3A_439 = tpu.vector_load %arg11[%get3A_437, %get3A_438] {strides = array<i32>} : memref<64x128xf32, #tpu.memory_space<vmem>>, vector<16xf32>,
        %mul3A_440 = arith.mulf %get3A_439, %gather3A_413 : vector<16xf32>
        %add3A_441 = arith.addf %scan3A_405, %mul3A_440 : vector<16xf32>
        %add3A_442 = arith.constant 32 : i32
        %add3A_443 = arith.addi %add3A_442, %scan3A_401 : i32
        %get3A_444 = arith.index_cast %add3A_443 : i32 to index
        %get3A_445 = arith.constant 64 : index
        %get3A_446 = tpu.vector_load %arg11[%get3A_444, %get3A_445] {strides = array<i32>} : memref<64x128xf32, #tpu.memory_space<vmem>>, vector<16xf32>,
        %mul3A_447 = arith.mulf %get3A_446, %gather3A_413 : vector<16xf32>
        %add3A_448 = arith.addf %scan3A_406, %mul3A_447 : vector<16xf32>
        %add3A_449 = arith.constant 32 : i32
        %add3A_450 = arith.addi %add3A_449, %scan3A_401 : i32
        %get3A_451 = arith.index_cast %add3A_450 : i32 to index
        %get3A_452 = arith.constant 80 : index
        %get3A_453 = tpu.vector_load %arg11[%get3A_451, %get3A_452] {strides = array<i32>} : memref<64x128xf32, #tpu.memory_space<vmem>>, vector<16xf32>,
        %mul3A_454 = arith.mulf %get3A_453, %gather3A_413 : vector<16xf32>
        %add3A_455 = arith.addf %scan3A_407, %mul3A_454 : vector<16xf32>
        %add3A_456 = arith.constant 32 : i32
        %add3A_457 = arith.addi %add3A_456, %scan3A_401 : i32
        %get3A_458 = arith.index_cast %add3A_457 : i32 to index
        %get3A_459 = arith.constant 96 : index
        %get3A_460 = tpu.vector_load %arg11[%get3A_458, %get3A_459] {strides = array<i32>} : memref<64x128xf32, #tpu.memory_space<vmem>>, vector<16xf32>,
        %mul3A_461 = arith.mulf %get3A_460, %gather3A_413 : vector<16xf32>
        %add3A_462 = arith.addf %scan3A_408, %mul3A_461 : vector<16xf32>
        %add3A_463 = arith.constant 32 : i32
        %add3A_464 = arith.addi %add3A_463, %scan3A_401 : i32
        %get3A_465 = arith.index_cast %add3A_464 : i32 to index
        %get3A_466 = arith.constant 112 : index
        %get3A_467 = tpu.vector_load %arg11[%get3A_465, %get3A_466] {strides = array<i32>} : memref<64x128xf32, #tpu.memory_space<vmem>>, vector<16xf32>,
        %mul3A_468 = arith.mulf %get3A_467, %gather3A_413 : vector<16xf32>
        %add3A_469 = arith.addf %scan3A_409, %mul3A_468 : vector<16xf32>
        scf.yield %add3A_420, %add3A_427, %add3A_434, %add3A_441, %add3A_448, %add3A_455, %add3A_462, %add3A_469 : vector<16xf32>, vector<16xf32>, vector<16xf32>, vector<16xf32>, vector<16xf32>, vector<16xf32>, vector<16xf32>, vector<16xf32>
      }
      %scan3A_186 = arith.constant 31 : i32
      %swap3A_187 = arith.index_cast %add3A_137 : i32 to index
      %swap3A_188 = arith.constant 0 : index
      %swap3A_189 = tpu.vector_load %arg15[%swap3A_187, %swap3A_188] {strides = array<i32>} : memref<160x128xf32, #tpu.memory_space<vmem>>, vector<16xf32>,
      tpu.vector_store %arg15[%swap3A_187, %swap3A_188], %scan3A_185#0 {strides = array<i32>} : memref<160x128xf32, #tpu.memory_space<vmem>>, vector<16xf32>,
      %swap3A_190 = arith.index_cast %add3A_137 : i32 to index
      %swap3A_191 = arith.constant 16 : index
      %swap3A_192 = tpu.vector_load %arg15[%swap3A_190, %swap3A_191] {strides = array<i32>} : memref<160x128xf32, #tpu.memory_space<vmem>>, vector<16xf32>,
      tpu.vector_store %arg15[%swap3A_190, %swap3A_191], %scan3A_185#1 {strides = array<i32>} : memref<160x128xf32, #tpu.memory_space<vmem>>, vector<16xf32>,
      %swap3A_193 = arith.index_cast %add3A_137 : i32 to index
      %swap3A_194 = arith.constant 32 : index
      %swap3A_195 = tpu.vector_load %arg15[%swap3A_193, %swap3A_194] {strides = array<i32>} : memref<160x128xf32, #tpu.memory_space<vmem>>, vector<16xf32>,
      tpu.vector_store %arg15[%swap3A_193, %swap3A_194], %scan3A_185#2 {strides = array<i32>} : memref<160x128xf32, #tpu.memory_space<vmem>>, vector<16xf32>,
      %swap3A_196 = arith.index_cast %add3A_137 : i32 to index
      %swap3A_197 = arith.constant 48 : index
      %swap3A_198 = tpu.vector_load %arg15[%swap3A_196, %swap3A_197] {strides = array<i32>} : memref<160x128xf32, #tpu.memory_space<vmem>>, vector<16xf32>,
      tpu.vector_store %arg15[%swap3A_196, %swap3A_197], %scan3A_185#3 {strides = array<i32>} : memref<160x128xf32, #tpu.memory_space<vmem>>, vector<16xf32>,
      %swap3A_199 = arith.index_cast %add3A_137 : i32 to index
      %swap3A_200 = arith.constant 64 : index
      %swap3A_201 = tpu.vector_load %arg15[%swap3A_199, %swap3A_200] {strides = array<i32>} : memref<160x128xf32, #tpu.memory_space<vmem>>, vector<16xf32>,
      tpu.vector_store %arg15[%swap3A_199, %swap3A_200], %scan3A_185#4 {strides = array<i32>} : memref<160x128xf32, #tpu.memory_space<vmem>>, vector<16xf32>,
      %swap3A_202 = arith.index_cast %add3A_137 : i32 to index
      %swap3A_203 = arith.constant 80 : index
      %swap3A_204 = tpu.vector_load %arg15[%swap3A_202, %swap3A_203] {strides = array<i32>} : memref<160x128xf32, #tpu.memory_space<vmem>>, vector<16xf32>,
      tpu.vector_store %arg15[%swap3A_202, %swap3A_203], %scan3A_185#5 {strides = array<i32>} : memref<160x128xf32, #tpu.memory_space<vmem>>, vector<16xf32>,
      %swap3A_205 = arith.index_cast %add3A_137 : i32 to index
      %swap3A_206 = arith.constant 96 : index
      %swap3A_207 = tpu.vector_load %arg15[%swap3A_205, %swap3A_206] {strides = array<i32>} : memref<160x128xf32, #tpu.memory_space<vmem>>, vector<16xf32>,
      tpu.vector_store %arg15[%swap3A_205, %swap3A_206], %scan3A_185#6 {strides = array<i32>} : memref<160x128xf32, #tpu.memory_space<vmem>>, vector<16xf32>,
      %swap3A_208 = arith.index_cast %add3A_137 : i32 to index
      %swap3A_209 = arith.constant 112 : index
      %swap3A_210 = tpu.vector_load %arg15[%swap3A_208, %swap3A_209] {strides = array<i32>} : memref<160x128xf32, #tpu.memory_space<vmem>>, vector<16xf32>,
      tpu.vector_store %arg15[%swap3A_208, %swap3A_209], %scan3A_185#7 {strides = array<i32>} : memref<160x128xf32, #tpu.memory_space<vmem>>, vector<16xf32>,
      %mul3A_211 = arith.constant 2 : i32
      %mul3A_212 = arith.muli %mul3A_211, %scan3A_41 : i32
      %add3A_213 = arith.constant 2 : i32
      %add3A_214 = arith.addi %mul3A_212, %add3A_213 : i32
      %lt3A = arith.constant 80 : i32
      %lt3A_215 = arith.cmpi slt, %add3A_214, %lt3A : i32
      %convert_element_type3A_216 = arith.extui %lt3A_215 : i1 to i32
      %cond3A_217 = arith.constant 0 : i32
      %cond3A_218 = arith.cmpi ne, %convert_element_type3A_216, %cond3A_217 : i32
      scf.if %cond3A_218 {
        %mul3A_401 = arith.constant 2 : i32
        %mul3A_402 = arith.muli %mul3A_401, %scan3A_41 : i32
        %add3A_403 = arith.constant 2 : i32
        %add3A_404 = arith.addi %mul3A_402, %add3A_403 : i32
        %mul3A_405 = arith.constant 64 : i32
        %mul3A_406 = arith.muli %add3A_404, %mul3A_405 : i32
        %multiple_of3A_407 = tpu.assume_multiple %mul3A_406, 8 : i32
        %dma_start3A_408 = tpu.memref_slice %arg8[%multiple_of3A_407] : memref<5120xi32, #tpu.memory_space<vmem>> -> memref<64xi32, #tpu.memory_space<vmem>>
        %dma_start3A_409 = arith.constant 0 : i32
        %dma_start3A_410 = tpu.memref_slice %arg3[%dma_start3A_409] : memref<320008xi32, #tpu.memory_space<hbm>> -> memref<320008xi32, #tpu.memory_space<hbm>>
        tpu.enqueue_indirect_dma source(%dma_start3A_410 : memref<320008xi32, #tpu.memory_space<hbm>>) target(%arg9 : memref<64xi32, #tpu.memory_space<vmem>>) offsets(%dma_start3A_408 : memref<64xi32, #tpu.memory_space<vmem>>) semaphore(%arg16 : memref<!tpu.dma_semaphore, #tpu.memory_space<semaphore_mem>>)
        %dma_start3A_411 = tpu.memref_slice %arg8[%multiple_of3A_407] : memref<5120xi32, #tpu.memory_space<vmem>> -> memref<64xi32, #tpu.memory_space<vmem>>
        %dma_start3A_412 = arith.constant 0 : i32
        %dma_start3A_413 = tpu.memref_slice %arg4[%dma_start3A_412] : memref<320008xf32, #tpu.memory_space<hbm>> -> memref<320008xf32, #tpu.memory_space<hbm>>
        tpu.enqueue_indirect_dma source(%dma_start3A_413 : memref<320008xf32, #tpu.memory_space<hbm>>) target(%arg13 : memref<64xf32, #tpu.memory_space<vmem>>) offsets(%dma_start3A_411 : memref<64xi32, #tpu.memory_space<vmem>>) semaphore(%arg16 : memref<!tpu.dma_semaphore, #tpu.memory_space<semaphore_mem>>)
      } else {
      }
      %dma_wait3A_219 = arith.constant 0 : i32
      %dma_wait3A_220 = arith.constant 0 : i32
      %dma_wait3A_221 = tpu.memref_slice %arg7[%dma_wait3A_219, %dma_wait3A_220] : memref<10000x128xf32, #tpu.memory_space<vmem_shared>> -> memref<64x128xf32, #tpu.memory_space<vmem_shared>>
      %dma_wait3A_222 = arith.constant 0 : i32
      %dma_wait3A_223 = arith.constant 0 : i32
      %dma_wait3A_224 = tpu.memref_slice %arg7[%dma_wait3A_222, %dma_wait3A_223] : memref<10000x128xf32, #tpu.memory_space<vmem_shared>> -> memref<64x128xf32, #tpu.memory_space<vmem_shared>>
      tpu.wait_dma2 semaphore(%arg17 : memref<!tpu.dma_semaphore, #tpu.memory_space<semaphore_mem>>) src(%dma_wait3A_224 : memref<64x128xf32, #tpu.memory_space<vmem_shared>>) dst(%arg12 : memref<64x128xf32, #tpu.memory_space<vmem>>)
      %mul3A_225 = arith.constant 2 : i32
      %mul3A_226 = arith.muli %mul3A_225, %scan3A_41 : i32
      %add3A_227 = arith.constant 1 : i32
      %add3A_228 = arith.addi %mul3A_226, %add3A_227 : i32
      %mul3A_229 = arith.constant 2 : i32
      %mul3A_230 = arith.muli %add3A_228, %mul3A_229 : i32
      %add3A_231 = arith.constant 0 : i32
      %add3A_232 = arith.addi %mul3A_230, %add3A_231 : i32
      %broadcast_in_dim3A_233 = arith.constant 0 : i32
      %broadcast_in_dim3A_234 = vector.broadcast %broadcast_in_dim3A_233 : i32 to vector<16xi32>
      %gather3A_235 = tpu.vector_load_idx %arg14[%broadcast_in_dim3A_234] : memref<64xf32, #tpu.memory_space<vmem>>[vector<16xi32>], vector<16xf32>,
      %get3A_236 = arith.constant 0 : i32
      %get3A_237 = arith.index_cast %get3A_236 : i32 to index
      %get3A_238 = arith.constant 0 : index
      %get3A_239 = tpu.vector_load %arg12[%get3A_237, %get3A_238] {strides = array<i32>} : memref<64x128xf32, #tpu.memory_space<vmem>>, vector<16xf32>,
      %mul3A_240 = arith.mulf %get3A_239, %gather3A_235 : vector<16xf32>
      %get3A_241 = arith.constant 0 : i32
      %get3A_242 = arith.index_cast %get3A_241 : i32 to index
      %get3A_243 = arith.constant 16 : index
      %get3A_244 = tpu.vector_load %arg12[%get3A_242, %get3A_243] {strides = array<i32>} : memref<64x128xf32, #tpu.memory_space<vmem>>, vector<16xf32>,
      %mul3A_245 = arith.mulf %get3A_244, %gather3A_235 : vector<16xf32>
      %get3A_246 = arith.constant 0 : i32
      %get3A_247 = arith.index_cast %get3A_246 : i32 to index
      %get3A_248 = arith.constant 32 : index
      %get3A_249 = tpu.vector_load %arg12[%get3A_247, %get3A_248] {strides = array<i32>} : memref<64x128xf32, #tpu.memory_space<vmem>>, vector<16xf32>,
      %mul3A_250 = arith.mulf %get3A_249, %gather3A_235 : vector<16xf32>
      %get3A_251 = arith.constant 0 : i32
      %get3A_252 = arith.index_cast %get3A_251 : i32 to index
      %get3A_253 = arith.constant 48 : index
      %get3A_254 = tpu.vector_load %arg12[%get3A_252, %get3A_253] {strides = array<i32>} : memref<64x128xf32, #tpu.memory_space<vmem>>, vector<16xf32>,
      %mul3A_255 = arith.mulf %get3A_254, %gather3A_235 : vector<16xf32>
      %get3A_256 = arith.constant 0 : i32
      %get3A_257 = arith.index_cast %get3A_256 : i32 to index
      %get3A_258 = arith.constant 64 : index
      %get3A_259 = tpu.vector_load %arg12[%get3A_257, %get3A_258] {strides = array<i32>} : memref<64x128xf32, #tpu.memory_space<vmem>>, vector<16xf32>,
      %mul3A_260 = arith.mulf %get3A_259, %gather3A_235 : vector<16xf32>
      %get3A_261 = arith.constant 0 : i32
      %get3A_262 = arith.index_cast %get3A_261 : i32 to index
      %get3A_263 = arith.constant 80 : index
      %get3A_264 = tpu.vector_load %arg12[%get3A_262, %get3A_263] {strides = array<i32>} : memref<64x128xf32, #tpu.memory_space<vmem>>, vector<16xf32>,
      %mul3A_265 = arith.mulf %get3A_264, %gather3A_235 : vector<16xf32>
      %get3A_266 = arith.constant 0 : i32
      %get3A_267 = arith.index_cast %get3A_266 : i32 to index
      %get3A_268 = arith.constant 96 : index
      %get3A_269 = tpu.vector_load %arg12[%get3A_267, %get3A_268] {strides = array<i32>} : memref<64x128xf32, #tpu.memory_space<vmem>>, vector<16xf32>,
      %mul3A_270 = arith.mulf %get3A_269, %gather3A_235 : vector<16xf32>
      %get3A_271 = arith.constant 0 : i32
      %get3A_272 = arith.index_cast %get3A_271 : i32 to index
      %get3A_273 = arith.constant 112 : index
      %get3A_274 = tpu.vector_load %arg12[%get3A_272, %get3A_273] {strides = array<i32>} : memref<64x128xf32, #tpu.memory_space<vmem>>, vector<16xf32>,
      %mul3A_275 = arith.mulf %get3A_274, %gather3A_235 : vector<16xf32>
      %scan3A_276 = arith.constant 1 : i32
      %scan3A_277 = arith.constant 31 : i32
      %scan3A_278 = arith.addi %scan3A_276, %scan3A_277 : i32
      %scan3A_279 = arith.constant 1 : i32
      %scan3A_280:8 = scf.for %scan3A_401 = %scan3A_276 to %scan3A_278 step %scan3A_279 iter_args(%scan3A_402 = %mul3A_240, %scan3A_403 = %mul3A_245, %scan3A_404 = %mul3A_250, %scan3A_405 = %mul3A_255, %scan3A_406 = %mul3A_260, %scan3A_407 = %mul3A_265, %scan3A_408 = %mul3A_270, %scan3A_409 = %mul3A_275) -> (vector<16xf32>, vector<16xf32>, vector<16xf32>, vector<16xf32>, vector<16xf32>, vector<16xf32>, vector<16xf32>, vector<16xf32>)  : i32 {
        %add3A_410 = arith.constant 0 : i32
        %add3A_411 = arith.addi %add3A_410, %scan3A_401 : i32
        %broadcast_in_dim3A_412 = vector.broadcast %add3A_411 : i32 to vector<16xi32>
        %gather3A_413 = tpu.vector_load_idx %arg14[%broadcast_in_dim3A_412] : memref<64xf32, #tpu.memory_space<vmem>>[vector<16xi32>], vector<16xf32>,
        %add3A_414 = arith.constant 0 : i32
        %add3A_415 = arith.addi %add3A_414, %scan3A_401 : i32
        %get3A_416 = arith.index_cast %add3A_415 : i32 to index
        %get3A_417 = arith.constant 0 : index
        %get3A_418 = tpu.vector_load %arg12[%get3A_416, %get3A_417] {strides = array<i32>} : memref<64x128xf32, #tpu.memory_space<vmem>>, vector<16xf32>,
        %mul3A_419 = arith.mulf %get3A_418, %gather3A_413 : vector<16xf32>
        %add3A_420 = arith.addf %scan3A_402, %mul3A_419 : vector<16xf32>
        %add3A_421 = arith.constant 0 : i32
        %add3A_422 = arith.addi %add3A_421, %scan3A_401 : i32
        %get3A_423 = arith.index_cast %add3A_422 : i32 to index
        %get3A_424 = arith.constant 16 : index
        %get3A_425 = tpu.vector_load %arg12[%get3A_423, %get3A_424] {strides = array<i32>} : memref<64x128xf32, #tpu.memory_space<vmem>>, vector<16xf32>,
        %mul3A_426 = arith.mulf %get3A_425, %gather3A_413 : vector<16xf32>
        %add3A_427 = arith.addf %scan3A_403, %mul3A_426 : vector<16xf32>
        %add3A_428 = arith.constant 0 : i32
        %add3A_429 = arith.addi %add3A_428, %scan3A_401 : i32
        %get3A_430 = arith.index_cast %add3A_429 : i32 to index
        %get3A_431 = arith.constant 32 : index
        %get3A_432 = tpu.vector_load %arg12[%get3A_430, %get3A_431] {strides = array<i32>} : memref<64x128xf32, #tpu.memory_space<vmem>>, vector<16xf32>,
        %mul3A_433 = arith.mulf %get3A_432, %gather3A_413 : vector<16xf32>
        %add3A_434 = arith.addf %scan3A_404, %mul3A_433 : vector<16xf32>
        %add3A_435 = arith.constant 0 : i32
        %add3A_436 = arith.addi %add3A_435, %scan3A_401 : i32
        %get3A_437 = arith.index_cast %add3A_436 : i32 to index
        %get3A_438 = arith.constant 48 : index
        %get3A_439 = tpu.vector_load %arg12[%get3A_437, %get3A_438] {strides = array<i32>} : memref<64x128xf32, #tpu.memory_space<vmem>>, vector<16xf32>,
        %mul3A_440 = arith.mulf %get3A_439, %gather3A_413 : vector<16xf32>
        %add3A_441 = arith.addf %scan3A_405, %mul3A_440 : vector<16xf32>
        %add3A_442 = arith.constant 0 : i32
        %add3A_443 = arith.addi %add3A_442, %scan3A_401 : i32
        %get3A_444 = arith.index_cast %add3A_443 : i32 to index
        %get3A_445 = arith.constant 64 : index
        %get3A_446 = tpu.vector_load %arg12[%get3A_444, %get3A_445] {strides = array<i32>} : memref<64x128xf32, #tpu.memory_space<vmem>>, vector<16xf32>,
        %mul3A_447 = arith.mulf %get3A_446, %gather3A_413 : vector<16xf32>
        %add3A_448 = arith.addf %scan3A_406, %mul3A_447 : vector<16xf32>
        %add3A_449 = arith.constant 0 : i32
        %add3A_450 = arith.addi %add3A_449, %scan3A_401 : i32
        %get3A_451 = arith.index_cast %add3A_450 : i32 to index
        %get3A_452 = arith.constant 80 : index
        %get3A_453 = tpu.vector_load %arg12[%get3A_451, %get3A_452] {strides = array<i32>} : memref<64x128xf32, #tpu.memory_space<vmem>>, vector<16xf32>,
        %mul3A_454 = arith.mulf %get3A_453, %gather3A_413 : vector<16xf32>
        %add3A_455 = arith.addf %scan3A_407, %mul3A_454 : vector<16xf32>
        %add3A_456 = arith.constant 0 : i32
        %add3A_457 = arith.addi %add3A_456, %scan3A_401 : i32
        %get3A_458 = arith.index_cast %add3A_457 : i32 to index
        %get3A_459 = arith.constant 96 : index
        %get3A_460 = tpu.vector_load %arg12[%get3A_458, %get3A_459] {strides = array<i32>} : memref<64x128xf32, #tpu.memory_space<vmem>>, vector<16xf32>,
        %mul3A_461 = arith.mulf %get3A_460, %gather3A_413 : vector<16xf32>
        %add3A_462 = arith.addf %scan3A_408, %mul3A_461 : vector<16xf32>
        %add3A_463 = arith.constant 0 : i32
        %add3A_464 = arith.addi %add3A_463, %scan3A_401 : i32
        %get3A_465 = arith.index_cast %add3A_464 : i32 to index
        %get3A_466 = arith.constant 112 : index
        %get3A_467 = tpu.vector_load %arg12[%get3A_465, %get3A_466] {strides = array<i32>} : memref<64x128xf32, #tpu.memory_space<vmem>>, vector<16xf32>,
        %mul3A_468 = arith.mulf %get3A_467, %gather3A_413 : vector<16xf32>
        %add3A_469 = arith.addf %scan3A_409, %mul3A_468 : vector<16xf32>
        scf.yield %add3A_420, %add3A_427, %add3A_434, %add3A_441, %add3A_448, %add3A_455, %add3A_462, %add3A_469 : vector<16xf32>, vector<16xf32>, vector<16xf32>, vector<16xf32>, vector<16xf32>, vector<16xf32>, vector<16xf32>, vector<16xf32>
      }
      %scan3A_281 = arith.constant 31 : i32
      %swap3A_282 = arith.index_cast %add3A_232 : i32 to index
      %swap3A_283 = arith.constant 0 : index
      %swap3A_284 = tpu.vector_load %arg15[%swap3A_282, %swap3A_283] {strides = array<i32>} : memref<160x128xf32, #tpu.memory_space<vmem>>, vector<16xf32>,
      tpu.vector_store %arg15[%swap3A_282, %swap3A_283], %scan3A_280#0 {strides = array<i32>} : memref<160x128xf32, #tpu.memory_space<vmem>>, vector<16xf32>,
      %swap3A_285 = arith.index_cast %add3A_232 : i32 to index
      %swap3A_286 = arith.constant 16 : index
      %swap3A_287 = tpu.vector_load %arg15[%swap3A_285, %swap3A_286] {strides = array<i32>} : memref<160x128xf32, #tpu.memory_space<vmem>>, vector<16xf32>,
      tpu.vector_store %arg15[%swap3A_285, %swap3A_286], %scan3A_280#1 {strides = array<i32>} : memref<160x128xf32, #tpu.memory_space<vmem>>, vector<16xf32>,
      %swap3A_288 = arith.index_cast %add3A_232 : i32 to index
      %swap3A_289 = arith.constant 32 : index
      %swap3A_290 = tpu.vector_load %arg15[%swap3A_288, %swap3A_289] {strides = array<i32>} : memref<160x128xf32, #tpu.memory_space<vmem>>, vector<16xf32>,
      tpu.vector_store %arg15[%swap3A_288, %swap3A_289], %scan3A_280#2 {strides = array<i32>} : memref<160x128xf32, #tpu.memory_space<vmem>>, vector<16xf32>,
      %swap3A_291 = arith.index_cast %add3A_232 : i32 to index
      %swap3A_292 = arith.constant 48 : index
      %swap3A_293 = tpu.vector_load %arg15[%swap3A_291, %swap3A_292] {strides = array<i32>} : memref<160x128xf32, #tpu.memory_space<vmem>>, vector<16xf32>,
      tpu.vector_store %arg15[%swap3A_291, %swap3A_292], %scan3A_280#3 {strides = array<i32>} : memref<160x128xf32, #tpu.memory_space<vmem>>, vector<16xf32>,
      %swap3A_294 = arith.index_cast %add3A_232 : i32 to index
      %swap3A_295 = arith.constant 64 : index
      %swap3A_296 = tpu.vector_load %arg15[%swap3A_294, %swap3A_295] {strides = array<i32>} : memref<160x128xf32, #tpu.memory_space<vmem>>, vector<16xf32>,
      tpu.vector_store %arg15[%swap3A_294, %swap3A_295], %scan3A_280#4 {strides = array<i32>} : memref<160x128xf32, #tpu.memory_space<vmem>>, vector<16xf32>,
      %swap3A_297 = arith.index_cast %add3A_232 : i32 to index
      %swap3A_298 = arith.constant 80 : index
      %swap3A_299 = tpu.vector_load %arg15[%swap3A_297, %swap3A_298] {strides = array<i32>} : memref<160x128xf32, #tpu.memory_space<vmem>>, vector<16xf32>,
      tpu.vector_store %arg15[%swap3A_297, %swap3A_298], %scan3A_280#5 {strides = array<i32>} : memref<160x128xf32, #tpu.memory_space<vmem>>, vector<16xf32>,
      %swap3A_300 = arith.index_cast %add3A_232 : i32 to index
      %swap3A_301 = arith.constant 96 : index
      %swap3A_302 = tpu.vector_load %arg15[%swap3A_300, %swap3A_301] {strides = array<i32>} : memref<160x128xf32, #tpu.memory_space<vmem>>, vector<16xf32>,
      tpu.vector_store %arg15[%swap3A_300, %swap3A_301], %scan3A_280#6 {strides = array<i32>} : memref<160x128xf32, #tpu.memory_space<vmem>>, vector<16xf32>,
      %swap3A_303 = arith.index_cast %add3A_232 : i32 to index
      %swap3A_304 = arith.constant 112 : index
      %swap3A_305 = tpu.vector_load %arg15[%swap3A_303, %swap3A_304] {strides = array<i32>} : memref<160x128xf32, #tpu.memory_space<vmem>>, vector<16xf32>,
      tpu.vector_store %arg15[%swap3A_303, %swap3A_304], %scan3A_280#7 {strides = array<i32>} : memref<160x128xf32, #tpu.memory_space<vmem>>, vector<16xf32>,
      %mul3A_306 = arith.constant 2 : i32
      %mul3A_307 = arith.muli %add3A_228, %mul3A_306 : i32
      %add3A_308 = arith.constant 1 : i32
      %add3A_309 = arith.addi %mul3A_307, %add3A_308 : i32
      %broadcast_in_dim3A_310 = arith.constant 32 : i32
      %broadcast_in_dim3A_311 = vector.broadcast %broadcast_in_dim3A_310 : i32 to vector<16xi32>
      %gather3A_312 = tpu.vector_load_idx %arg14[%broadcast_in_dim3A_311] : memref<64xf32, #tpu.memory_space<vmem>>[vector<16xi32>], vector<16xf32>,
      %get3A_313 = arith.constant 32 : i32
      %get3A_314 = arith.index_cast %get3A_313 : i32 to index
      %get3A_315 = arith.constant 0 : index
      %get3A_316 = tpu.vector_load %arg12[%get3A_314, %get3A_315] {strides = array<i32>} : memref<64x128xf32, #tpu.memory_space<vmem>>, vector<16xf32>,
      %mul3A_317 = arith.mulf %get3A_316, %gather3A_312 : vector<16xf32>
      %get3A_318 = arith.constant 32 : i32
      %get3A_319 = arith.index_cast %get3A_318 : i32 to index
      %get3A_320 = arith.constant 16 : index
      %get3A_321 = tpu.vector_load %arg12[%get3A_319, %get3A_320] {strides = array<i32>} : memref<64x128xf32, #tpu.memory_space<vmem>>, vector<16xf32>,
      %mul3A_322 = arith.mulf %get3A_321, %gather3A_312 : vector<16xf32>
      %get3A_323 = arith.constant 32 : i32
      %get3A_324 = arith.index_cast %get3A_323 : i32 to index
      %get3A_325 = arith.constant 32 : index
      %get3A_326 = tpu.vector_load %arg12[%get3A_324, %get3A_325] {strides = array<i32>} : memref<64x128xf32, #tpu.memory_space<vmem>>, vector<16xf32>,
      %mul3A_327 = arith.mulf %get3A_326, %gather3A_312 : vector<16xf32>
      %get3A_328 = arith.constant 32 : i32
      %get3A_329 = arith.index_cast %get3A_328 : i32 to index
      %get3A_330 = arith.constant 48 : index
      %get3A_331 = tpu.vector_load %arg12[%get3A_329, %get3A_330] {strides = array<i32>} : memref<64x128xf32, #tpu.memory_space<vmem>>, vector<16xf32>,
      %mul3A_332 = arith.mulf %get3A_331, %gather3A_312 : vector<16xf32>
      %get3A_333 = arith.constant 32 : i32
      %get3A_334 = arith.index_cast %get3A_333 : i32 to index
      %get3A_335 = arith.constant 64 : index
      %get3A_336 = tpu.vector_load %arg12[%get3A_334, %get3A_335] {strides = array<i32>} : memref<64x128xf32, #tpu.memory_space<vmem>>, vector<16xf32>,
      %mul3A_337 = arith.mulf %get3A_336, %gather3A_312 : vector<16xf32>
      %get3A_338 = arith.constant 32 : i32
      %get3A_339 = arith.index_cast %get3A_338 : i32 to index
      %get3A_340 = arith.constant 80 : index
      %get3A_341 = tpu.vector_load %arg12[%get3A_339, %get3A_340] {strides = array<i32>} : memref<64x128xf32, #tpu.memory_space<vmem>>, vector<16xf32>,
      %mul3A_342 = arith.mulf %get3A_341, %gather3A_312 : vector<16xf32>
      %get3A_343 = arith.constant 32 : i32
      %get3A_344 = arith.index_cast %get3A_343 : i32 to index
      %get3A_345 = arith.constant 96 : index
      %get3A_346 = tpu.vector_load %arg12[%get3A_344, %get3A_345] {strides = array<i32>} : memref<64x128xf32, #tpu.memory_space<vmem>>, vector<16xf32>,
      %mul3A_347 = arith.mulf %get3A_346, %gather3A_312 : vector<16xf32>
      %get3A_348 = arith.constant 32 : i32
      %get3A_349 = arith.index_cast %get3A_348 : i32 to index
      %get3A_350 = arith.constant 112 : index
      %get3A_351 = tpu.vector_load %arg12[%get3A_349, %get3A_350] {strides = array<i32>} : memref<64x128xf32, #tpu.memory_space<vmem>>, vector<16xf32>,
      %mul3A_352 = arith.mulf %get3A_351, %gather3A_312 : vector<16xf32>
      %scan3A_353 = arith.constant 1 : i32
      %scan3A_354 = arith.constant 31 : i32
      %scan3A_355 = arith.addi %scan3A_353, %scan3A_354 : i32
      %scan3A_356 = arith.constant 1 : i32
      %scan3A_357:8 = scf.for %scan3A_401 = %scan3A_353 to %scan3A_355 step %scan3A_356 iter_args(%scan3A_402 = %mul3A_317, %scan3A_403 = %mul3A_322, %scan3A_404 = %mul3A_327, %scan3A_405 = %mul3A_332, %scan3A_406 = %mul3A_337, %scan3A_407 = %mul3A_342, %scan3A_408 = %mul3A_347, %scan3A_409 = %mul3A_352) -> (vector<16xf32>, vector<16xf32>, vector<16xf32>, vector<16xf32>, vector<16xf32>, vector<16xf32>, vector<16xf32>, vector<16xf32>)  : i32 {
        %add3A_410 = arith.constant 32 : i32
        %add3A_411 = arith.addi %add3A_410, %scan3A_401 : i32
        %broadcast_in_dim3A_412 = vector.broadcast %add3A_411 : i32 to vector<16xi32>
        %gather3A_413 = tpu.vector_load_idx %arg14[%broadcast_in_dim3A_412] : memref<64xf32, #tpu.memory_space<vmem>>[vector<16xi32>], vector<16xf32>,
        %add3A_414 = arith.constant 32 : i32
        %add3A_415 = arith.addi %add3A_414, %scan3A_401 : i32
        %get3A_416 = arith.index_cast %add3A_415 : i32 to index
        %get3A_417 = arith.constant 0 : index
        %get3A_418 = tpu.vector_load %arg12[%get3A_416, %get3A_417] {strides = array<i32>} : memref<64x128xf32, #tpu.memory_space<vmem>>, vector<16xf32>,
        %mul3A_419 = arith.mulf %get3A_418, %gather3A_413 : vector<16xf32>
        %add3A_420 = arith.addf %scan3A_402, %mul3A_419 : vector<16xf32>
        %add3A_421 = arith.constant 32 : i32
        %add3A_422 = arith.addi %add3A_421, %scan3A_401 : i32
        %get3A_423 = arith.index_cast %add3A_422 : i32 to index
        %get3A_424 = arith.constant 16 : index
        %get3A_425 = tpu.vector_load %arg12[%get3A_423, %get3A_424] {strides = array<i32>} : memref<64x128xf32, #tpu.memory_space<vmem>>, vector<16xf32>,
        %mul3A_426 = arith.mulf %get3A_425, %gather3A_413 : vector<16xf32>
        %add3A_427 = arith.addf %scan3A_403, %mul3A_426 : vector<16xf32>
        %add3A_428 = arith.constant 32 : i32
        %add3A_429 = arith.addi %add3A_428, %scan3A_401 : i32
        %get3A_430 = arith.index_cast %add3A_429 : i32 to index
        %get3A_431 = arith.constant 32 : index
        %get3A_432 = tpu.vector_load %arg12[%get3A_430, %get3A_431] {strides = array<i32>} : memref<64x128xf32, #tpu.memory_space<vmem>>, vector<16xf32>,
        %mul3A_433 = arith.mulf %get3A_432, %gather3A_413 : vector<16xf32>
        %add3A_434 = arith.addf %scan3A_404, %mul3A_433 : vector<16xf32>
        %add3A_435 = arith.constant 32 : i32
        %add3A_436 = arith.addi %add3A_435, %scan3A_401 : i32
        %get3A_437 = arith.index_cast %add3A_436 : i32 to index
        %get3A_438 = arith.constant 48 : index
        %get3A_439 = tpu.vector_load %arg12[%get3A_437, %get3A_438] {strides = array<i32>} : memref<64x128xf32, #tpu.memory_space<vmem>>, vector<16xf32>,
        %mul3A_440 = arith.mulf %get3A_439, %gather3A_413 : vector<16xf32>
        %add3A_441 = arith.addf %scan3A_405, %mul3A_440 : vector<16xf32>
        %add3A_442 = arith.constant 32 : i32
        %add3A_443 = arith.addi %add3A_442, %scan3A_401 : i32
        %get3A_444 = arith.index_cast %add3A_443 : i32 to index
        %get3A_445 = arith.constant 64 : index
        %get3A_446 = tpu.vector_load %arg12[%get3A_444, %get3A_445] {strides = array<i32>} : memref<64x128xf32, #tpu.memory_space<vmem>>, vector<16xf32>,
        %mul3A_447 = arith.mulf %get3A_446, %gather3A_413 : vector<16xf32>
        %add3A_448 = arith.addf %scan3A_406, %mul3A_447 : vector<16xf32>
        %add3A_449 = arith.constant 32 : i32
        %add3A_450 = arith.addi %add3A_449, %scan3A_401 : i32
        %get3A_451 = arith.index_cast %add3A_450 : i32 to index
        %get3A_452 = arith.constant 80 : index
        %get3A_453 = tpu.vector_load %arg12[%get3A_451, %get3A_452] {strides = array<i32>} : memref<64x128xf32, #tpu.memory_space<vmem>>, vector<16xf32>,
        %mul3A_454 = arith.mulf %get3A_453, %gather3A_413 : vector<16xf32>
        %add3A_455 = arith.addf %scan3A_407, %mul3A_454 : vector<16xf32>
        %add3A_456 = arith.constant 32 : i32
        %add3A_457 = arith.addi %add3A_456, %scan3A_401 : i32
        %get3A_458 = arith.index_cast %add3A_457 : i32 to index
        %get3A_459 = arith.constant 96 : index
        %get3A_460 = tpu.vector_load %arg12[%get3A_458, %get3A_459] {strides = array<i32>} : memref<64x128xf32, #tpu.memory_space<vmem>>, vector<16xf32>,
        %mul3A_461 = arith.mulf %get3A_460, %gather3A_413 : vector<16xf32>
        %add3A_462 = arith.addf %scan3A_408, %mul3A_461 : vector<16xf32>
        %add3A_463 = arith.constant 32 : i32
        %add3A_464 = arith.addi %add3A_463, %scan3A_401 : i32
        %get3A_465 = arith.index_cast %add3A_464 : i32 to index
        %get3A_466 = arith.constant 112 : index
        %get3A_467 = tpu.vector_load %arg12[%get3A_465, %get3A_466] {strides = array<i32>} : memref<64x128xf32, #tpu.memory_space<vmem>>, vector<16xf32>,
        %mul3A_468 = arith.mulf %get3A_467, %gather3A_413 : vector<16xf32>
        %add3A_469 = arith.addf %scan3A_409, %mul3A_468 : vector<16xf32>
        scf.yield %add3A_420, %add3A_427, %add3A_434, %add3A_441, %add3A_448, %add3A_455, %add3A_462, %add3A_469 : vector<16xf32>, vector<16xf32>, vector<16xf32>, vector<16xf32>, vector<16xf32>, vector<16xf32>, vector<16xf32>, vector<16xf32>
      }
      %scan3A_358 = arith.constant 31 : i32
      %swap3A_359 = arith.index_cast %add3A_309 : i32 to index
      %swap3A_360 = arith.constant 0 : index
      %swap3A_361 = tpu.vector_load %arg15[%swap3A_359, %swap3A_360] {strides = array<i32>} : memref<160x128xf32, #tpu.memory_space<vmem>>, vector<16xf32>,
      tpu.vector_store %arg15[%swap3A_359, %swap3A_360], %scan3A_357#0 {strides = array<i32>} : memref<160x128xf32, #tpu.memory_space<vmem>>, vector<16xf32>,
      %swap3A_362 = arith.index_cast %add3A_309 : i32 to index
      %swap3A_363 = arith.constant 16 : index
      %swap3A_364 = tpu.vector_load %arg15[%swap3A_362, %swap3A_363] {strides = array<i32>} : memref<160x128xf32, #tpu.memory_space<vmem>>, vector<16xf32>,
      tpu.vector_store %arg15[%swap3A_362, %swap3A_363], %scan3A_357#1 {strides = array<i32>} : memref<160x128xf32, #tpu.memory_space<vmem>>, vector<16xf32>,
      %swap3A_365 = arith.index_cast %add3A_309 : i32 to index
      %swap3A_366 = arith.constant 32 : index
      %swap3A_367 = tpu.vector_load %arg15[%swap3A_365, %swap3A_366] {strides = array<i32>} : memref<160x128xf32, #tpu.memory_space<vmem>>, vector<16xf32>,
      tpu.vector_store %arg15[%swap3A_365, %swap3A_366], %scan3A_357#2 {strides = array<i32>} : memref<160x128xf32, #tpu.memory_space<vmem>>, vector<16xf32>,
      %swap3A_368 = arith.index_cast %add3A_309 : i32 to index
      %swap3A_369 = arith.constant 48 : index
      %swap3A_370 = tpu.vector_load %arg15[%swap3A_368, %swap3A_369] {strides = array<i32>} : memref<160x128xf32, #tpu.memory_space<vmem>>, vector<16xf32>,
      tpu.vector_store %arg15[%swap3A_368, %swap3A_369], %scan3A_357#3 {strides = array<i32>} : memref<160x128xf32, #tpu.memory_space<vmem>>, vector<16xf32>,
      %swap3A_371 = arith.index_cast %add3A_309 : i32 to index
      %swap3A_372 = arith.constant 64 : index
      %swap3A_373 = tpu.vector_load %arg15[%swap3A_371, %swap3A_372] {strides = array<i32>} : memref<160x128xf32, #tpu.memory_space<vmem>>, vector<16xf32>,
      tpu.vector_store %arg15[%swap3A_371, %swap3A_372], %scan3A_357#4 {strides = array<i32>} : memref<160x128xf32, #tpu.memory_space<vmem>>, vector<16xf32>,
      %swap3A_374 = arith.index_cast %add3A_309 : i32 to index
      %swap3A_375 = arith.constant 80 : index
      %swap3A_376 = tpu.vector_load %arg15[%swap3A_374, %swap3A_375] {strides = array<i32>} : memref<160x128xf32, #tpu.memory_space<vmem>>, vector<16xf32>,
      tpu.vector_store %arg15[%swap3A_374, %swap3A_375], %scan3A_357#5 {strides = array<i32>} : memref<160x128xf32, #tpu.memory_space<vmem>>, vector<16xf32>,
      %swap3A_377 = arith.index_cast %add3A_309 : i32 to index
      %swap3A_378 = arith.constant 96 : index
      %swap3A_379 = tpu.vector_load %arg15[%swap3A_377, %swap3A_378] {strides = array<i32>} : memref<160x128xf32, #tpu.memory_space<vmem>>, vector<16xf32>,
      tpu.vector_store %arg15[%swap3A_377, %swap3A_378], %scan3A_357#6 {strides = array<i32>} : memref<160x128xf32, #tpu.memory_space<vmem>>, vector<16xf32>,
      %swap3A_380 = arith.index_cast %add3A_309 : i32 to index
      %swap3A_381 = arith.constant 112 : index
      %swap3A_382 = tpu.vector_load %arg15[%swap3A_380, %swap3A_381] {strides = array<i32>} : memref<160x128xf32, #tpu.memory_space<vmem>>, vector<16xf32>,
      tpu.vector_store %arg15[%swap3A_380, %swap3A_381], %scan3A_357#7 {strides = array<i32>} : memref<160x128xf32, #tpu.memory_space<vmem>>, vector<16xf32>,
      %mul3A_383 = arith.constant 2 : i32
      %mul3A_384 = arith.muli %mul3A_383, %scan3A_41 : i32
      %add3A_385 = arith.constant 2 : i32
      %add3A_386 = arith.addi %mul3A_384, %add3A_385 : i32
      %lt3A_387 = arith.constant 80 : i32
      %lt3A_388 = arith.cmpi slt, %add3A_386, %lt3A_387 : i32
      %convert_element_type3A_389 = arith.extui %lt3A_388 : i1 to i32
      %cond3A_390 = arith.constant 0 : i32
      %cond3A_391 = arith.cmpi ne, %convert_element_type3A_389, %cond3A_390 : i32
      scf.if %cond3A_391 {
        %dma_wait3A_401 = arith.constant 0 : i32
        %dma_wait3A_402 = tpu.memref_slice %arg3[%dma_wait3A_401] : memref<320008xi32, #tpu.memory_space<hbm>> -> memref<64xi32, #tpu.memory_space<hbm>>
        %dma_wait3A_403 = arith.constant 0 : i32
        %dma_wait3A_404 = tpu.memref_slice %arg3[%dma_wait3A_403] : memref<320008xi32, #tpu.memory_space<hbm>> -> memref<64xi32, #tpu.memory_space<hbm>>
        tpu.wait_dma2 semaphore(%arg16 : memref<!tpu.dma_semaphore, #tpu.memory_space<semaphore_mem>>) src(%dma_wait3A_404 : memref<64xi32, #tpu.memory_space<hbm>>) dst(%arg9 : memref<64xi32, #tpu.memory_space<vmem>>)
        %dma_wait3A_405 = arith.constant 0 : i32
        %dma_wait3A_406 = tpu.memref_slice %arg4[%dma_wait3A_405] : memref<320008xf32, #tpu.memory_space<hbm>> -> memref<64xf32, #tpu.memory_space<hbm>>
        %dma_wait3A_407 = arith.constant 0 : i32
        %dma_wait3A_408 = tpu.memref_slice %arg4[%dma_wait3A_407] : memref<320008xf32, #tpu.memory_space<hbm>> -> memref<64xf32, #tpu.memory_space<hbm>>
        tpu.wait_dma2 semaphore(%arg16 : memref<!tpu.dma_semaphore, #tpu.memory_space<semaphore_mem>>) src(%dma_wait3A_408 : memref<64xf32, #tpu.memory_space<hbm>>) dst(%arg13 : memref<64xf32, #tpu.memory_space<vmem>>)
        %dma_start3A_409 = arith.constant 0 : i32
        %dma_start3A_410 = arith.constant 0 : i32
        %dma_start3A_411 = tpu.memref_slice %arg7[%dma_start3A_409, %dma_start3A_410] : memref<10000x128xf32, #tpu.memory_space<vmem_shared>> -> memref<10000x128xf32, #tpu.memory_space<vmem_shared>>
        tpu.enqueue_indirect_dma source(%dma_start3A_411 : memref<10000x128xf32, #tpu.memory_space<vmem_shared>>) target(%arg11 : memref<64x128xf32, #tpu.memory_space<vmem>>) offsets(%arg9 : memref<64xi32, #tpu.memory_space<vmem>>) semaphore(%arg16 : memref<!tpu.dma_semaphore, #tpu.memory_space<semaphore_mem>>)
      } else {
      }
      %mul3A_392 = arith.constant 2 : i32
      %mul3A_393 = arith.muli %mul3A_392, %scan3A_41 : i32
      %add3A_394 = arith.constant 3 : i32
      %add3A_395 = arith.addi %mul3A_393, %add3A_394 : i32
      %lt3A_396 = arith.constant 80 : i32
      %lt3A_397 = arith.cmpi slt, %add3A_395, %lt3A_396 : i32
      %convert_element_type3A_398 = arith.extui %lt3A_397 : i1 to i32
      %cond3A_399 = arith.constant 0 : i32
      %cond3A_400 = arith.cmpi ne, %convert_element_type3A_398, %cond3A_399 : i32
      scf.if %cond3A_400 {
        %mul3A_401 = arith.constant 2 : i32
        %mul3A_402 = arith.muli %mul3A_401, %scan3A_41 : i32
        %add3A_403 = arith.constant 3 : i32
        %add3A_404 = arith.addi %mul3A_402, %add3A_403 : i32
        %mul3A_405 = arith.constant 64 : i32
        %mul3A_406 = arith.muli %add3A_404, %mul3A_405 : i32
        %multiple_of3A_407 = tpu.assume_multiple %mul3A_406, 8 : i32
        %dma_start3A_408 = tpu.memref_slice %arg8[%multiple_of3A_407] : memref<5120xi32, #tpu.memory_space<vmem>> -> memref<64xi32, #tpu.memory_space<vmem>>
        %dma_start3A_409 = arith.constant 0 : i32
        %dma_start3A_410 = tpu.memref_slice %arg3[%dma_start3A_409] : memref<320008xi32, #tpu.memory_space<hbm>> -> memref<320008xi32, #tpu.memory_space<hbm>>
        tpu.enqueue_indirect_dma source(%dma_start3A_410 : memref<320008xi32, #tpu.memory_space<hbm>>) target(%arg10 : memref<64xi32, #tpu.memory_space<vmem>>) offsets(%dma_start3A_408 : memref<64xi32, #tpu.memory_space<vmem>>) semaphore(%arg17 : memref<!tpu.dma_semaphore, #tpu.memory_space<semaphore_mem>>)
        %dma_start3A_411 = tpu.memref_slice %arg8[%multiple_of3A_407] : memref<5120xi32, #tpu.memory_space<vmem>> -> memref<64xi32, #tpu.memory_space<vmem>>
        %dma_start3A_412 = arith.constant 0 : i32
        %dma_start3A_413 = tpu.memref_slice %arg4[%dma_start3A_412] : memref<320008xf32, #tpu.memory_space<hbm>> -> memref<320008xf32, #tpu.memory_space<hbm>>
        tpu.enqueue_indirect_dma source(%dma_start3A_413 : memref<320008xf32, #tpu.memory_space<hbm>>) target(%arg14 : memref<64xf32, #tpu.memory_space<vmem>>) offsets(%dma_start3A_411 : memref<64xi32, #tpu.memory_space<vmem>>) semaphore(%arg17 : memref<!tpu.dma_semaphore, #tpu.memory_space<semaphore_mem>>)
      } else {
      }
    }
    %scan3A_40 = arith.constant 40 : i32
    "tpu.region"() ({
      %run_scoped3A = tpu.sem_alloc : memref<!tpu.dma_semaphore, #tpu.memory_space<semaphore_mem>>
      %dma_start3A_41 = arith.constant 0 : i32
      %dma_start3A_42 = tpu.memref_slice %arg6[%multiple_of3A, %dma_start3A_41] : memref<5120x128xf32, #tpu.memory_space<hbm>> -> memref<160x128xf32, #tpu.memory_space<hbm>>
      %dma_start3A_43 = arith.constant 0 : i32
      %dma_start3A_44 = tpu.memref_slice %arg6[%multiple_of3A, %dma_start3A_43] : memref<5120x128xf32, #tpu.memory_space<hbm>> -> memref<160x128xf32, #tpu.memory_space<hbm>>
      tpu.enqueue_dma source(%arg15 : memref<160x128xf32, #tpu.memory_space<vmem>>) target(%dma_start3A_44 : memref<160x128xf32, #tpu.memory_space<hbm>>) target_semaphore(%run_scoped3A : memref<!tpu.dma_semaphore, #tpu.memory_space<semaphore_mem>>)
      %dma_wait3A_45 = arith.constant 0 : i32
      %dma_wait3A_46 = tpu.memref_slice %arg6[%multiple_of3A, %dma_wait3A_45] : memref<5120x128xf32, #tpu.memory_space<hbm>> -> memref<160x128xf32, #tpu.memory_space<hbm>>
      %dma_wait3A_47 = arith.constant 0 : i32
      %dma_wait3A_48 = tpu.memref_slice %arg6[%multiple_of3A, %dma_wait3A_47] : memref<5120x128xf32, #tpu.memory_space<hbm>> -> memref<160x128xf32, #tpu.memory_space<hbm>>
      tpu.wait_dma2 semaphore(%run_scoped3A : memref<!tpu.dma_semaphore, #tpu.memory_space<semaphore_mem>>) src(%arg15 : memref<160x128xf32, #tpu.memory_space<vmem>>) dst(%dma_wait3A_48 : memref<160x128xf32, #tpu.memory_space<hbm>>)
      tpu.yield
    }) : () -> ()
    return
  }
}

#map = affine_map<(d0, d1) -> (0, 0)>
#map1 = affine_map<(d0, d1) -> (0)>
module attributes {stable_mosaic.version = 14 : i64} {
  func.func @k1(%arg0: i32, %arg1: i32, %arg2: memref<10000x128xf32, #tpu.memory_space<hbm>>, %arg3: memref<320000xi32, #tpu.memory_space<hbm>>, %arg4: memref<320000xi32, #tpu.memory_space<hbm>>, %arg5: memref<320000x128xf32, #tpu.memory_space<hbm>>, %arg6: memref<10000x128xf32, #tpu.memory_space<vmem_shared>>, %arg7: memref<40xi32, #tpu.memory_space<vmem>>, %arg8: memref<40xi32, #tpu.memory_space<vmem>>, %arg9: memref<40xi32, #tpu.memory_space<vmem>>, %arg10: memref<40xi32, #tpu.memory_space<vmem>>, %arg11: memref<40x128xf32, #tpu.memory_space<vmem>>, %arg12: memref<40x128xf32, #tpu.memory_space<vmem>>, %arg13: memref<40x128xf32, #tpu.memory_space<vmem>>, %arg14: memref<40x128xf32, #tpu.memory_space<vmem>>, %arg15: memref<40x128xf32, #tpu.memory_space<vmem>>, %arg16: memref<40x128xf32, #tpu.memory_space<vmem>>, %arg17: memref<!tpu.dma_semaphore, #tpu.memory_space<semaphore_mem>>, %arg18: memref<!tpu.dma_semaphore, #tpu.memory_space<semaphore_mem>>, %arg19: memref<!tpu.dma_semaphore, #tpu.memory_space<semaphore_mem>>, %arg20: memref<!tpu.dma_semaphore, #tpu.memory_space<semaphore_mem>>, %arg21: memref<!tpu.dma_semaphore, #tpu.memory_space<semaphore_mem>>, %arg22: memref<!tpu.dma_semaphore, #tpu.memory_space<semaphore_mem>>) attributes {dimension_semantics = [#tpu.dimension_semantics<core_parallel>, #tpu.dimension_semantics<subcore_parallel>], iteration_bounds = array<i64: 2, 16>, scalar_prefetch = 0 : i64, scratch_operands = 17 : i64, tpu.core_type = #tpu.core_type<sc_vector_subcore>, window_params = [{transform_indices = #map}, {transform_indices = #map1}, {transform_indices = #map1}, {transform_indices = #map}]} {
    %mul3A = arith.constant 2 : i32
    %mul3A_0 = arith.muli %arg1, %mul3A : i32
    %add3A = arith.addi %mul3A_0, %arg0 : i32
    %mul3A_1 = arith.constant 10000 : i32
    %mul3A_2 = arith.muli %add3A, %mul3A_1 : i32
    %multiple_of3A = tpu.assume_multiple %mul3A_2, 8 : i32
    %eq3A = arith.constant 0 : i32
    %eq3A_3 = arith.cmpi eq, %arg1, %eq3A : i32
    %convert_element_type3A = arith.extui %eq3A_3 : i1 to i32
    %cond3A = arith.constant 0 : i32
    %cond3A_4 = arith.cmpi ne, %convert_element_type3A, %cond3A : i32
    scf.if %cond3A_4 {
      "tpu.region"() ({
        %run_scoped3A = tpu.sem_alloc : memref<!tpu.dma_semaphore, #tpu.memory_space<semaphore_mem>>
        tpu.enqueue_dma source(%arg2 : memref<10000x128xf32, #tpu.memory_space<hbm>>) target(%arg6 : memref<10000x128xf32, #tpu.memory_space<vmem_shared>>) target_semaphore(%run_scoped3A : memref<!tpu.dma_semaphore, #tpu.memory_space<semaphore_mem>>)
        tpu.wait_dma2 semaphore(%run_scoped3A : memref<!tpu.dma_semaphore, #tpu.memory_space<semaphore_mem>>) src(%arg2 : memref<10000x128xf32, #tpu.memory_space<hbm>>) dst(%arg6 : memref<10000x128xf32, #tpu.memory_space<vmem_shared>>)
        tpu.yield
      }) : () -> ()
    } else {
    }
    %barrier3A = arith.constant 0 : index
    tpu.barrier barrier_id(%barrier3A)
    %add3A_5 = arith.constant 0 : i32
    %add3A_6 = arith.addi %multiple_of3A, %add3A_5 : i32
    %multiple_of3A_7 = tpu.assume_multiple %add3A_6, 8 : i32
    %dma_start3A = tpu.memref_slice %arg3[%multiple_of3A_7] : memref<320000xi32, #tpu.memory_space<hbm>> -> memref<40xi32, #tpu.memory_space<hbm>>
    %dma_start3A_8 = tpu.memref_slice %arg3[%multiple_of3A_7] : memref<320000xi32, #tpu.memory_space<hbm>> -> memref<40xi32, #tpu.memory_space<hbm>>
    tpu.enqueue_dma source(%dma_start3A_8 : memref<40xi32, #tpu.memory_space<hbm>>) target(%arg7 : memref<40xi32, #tpu.memory_space<vmem>>) target_semaphore(%arg17 : memref<!tpu.dma_semaphore, #tpu.memory_space<semaphore_mem>>)
    %dma_start3A_9 = tpu.memref_slice %arg4[%multiple_of3A_7] : memref<320000xi32, #tpu.memory_space<hbm>> -> memref<40xi32, #tpu.memory_space<hbm>>
    %dma_start3A_10 = tpu.memref_slice %arg4[%multiple_of3A_7] : memref<320000xi32, #tpu.memory_space<hbm>> -> memref<40xi32, #tpu.memory_space<hbm>>
    tpu.enqueue_dma source(%dma_start3A_10 : memref<40xi32, #tpu.memory_space<hbm>>) target(%arg8 : memref<40xi32, #tpu.memory_space<vmem>>) target_semaphore(%arg17 : memref<!tpu.dma_semaphore, #tpu.memory_space<semaphore_mem>>)
    %dma_wait3A = arith.constant 0 : i32
    %dma_wait3A_11 = tpu.memref_slice %arg3[%dma_wait3A] : memref<320000xi32, #tpu.memory_space<hbm>> -> memref<40xi32, #tpu.memory_space<hbm>>
    %dma_wait3A_12 = arith.constant 0 : i32
    %dma_wait3A_13 = tpu.memref_slice %arg3[%dma_wait3A_12] : memref<320000xi32, #tpu.memory_space<hbm>> -> memref<40xi32, #tpu.memory_space<hbm>>
    tpu.wait_dma2 semaphore(%arg17 : memref<!tpu.dma_semaphore, #tpu.memory_space<semaphore_mem>>) src(%dma_wait3A_13 : memref<40xi32, #tpu.memory_space<hbm>>) dst(%arg7 : memref<40xi32, #tpu.memory_space<vmem>>)
    %dma_wait3A_14 = arith.constant 0 : i32
    %dma_wait3A_15 = tpu.memref_slice %arg4[%dma_wait3A_14] : memref<320000xi32, #tpu.memory_space<hbm>> -> memref<40xi32, #tpu.memory_space<hbm>>
    %dma_wait3A_16 = arith.constant 0 : i32
    %dma_wait3A_17 = tpu.memref_slice %arg4[%dma_wait3A_16] : memref<320000xi32, #tpu.memory_space<hbm>> -> memref<40xi32, #tpu.memory_space<hbm>>
    tpu.wait_dma2 semaphore(%arg17 : memref<!tpu.dma_semaphore, #tpu.memory_space<semaphore_mem>>) src(%dma_wait3A_17 : memref<40xi32, #tpu.memory_space<hbm>>) dst(%arg8 : memref<40xi32, #tpu.memory_space<vmem>>)
    %dma_start3A_18 = arith.constant 0 : i32
    %dma_start3A_19 = arith.constant 0 : i32
    %dma_start3A_20 = tpu.memref_slice %arg6[%dma_start3A_18, %dma_start3A_19] : memref<10000x128xf32, #tpu.memory_space<vmem_shared>> -> memref<10000x128xf32, #tpu.memory_space<vmem_shared>>
    tpu.enqueue_indirect_dma source(%dma_start3A_20 : memref<10000x128xf32, #tpu.memory_space<vmem_shared>>) target(%arg11 : memref<40x128xf32, #tpu.memory_space<vmem>>) offsets(%arg7 : memref<40xi32, #tpu.memory_space<vmem>>) semaphore(%arg19 : memref<!tpu.dma_semaphore, #tpu.memory_space<semaphore_mem>>)
    %dma_start3A_21 = arith.constant 0 : i32
    %dma_start3A_22 = arith.constant 0 : i32
    %dma_start3A_23 = tpu.memref_slice %arg6[%dma_start3A_21, %dma_start3A_22] : memref<10000x128xf32, #tpu.memory_space<vmem_shared>> -> memref<10000x128xf32, #tpu.memory_space<vmem_shared>>
    tpu.enqueue_indirect_dma source(%dma_start3A_23 : memref<10000x128xf32, #tpu.memory_space<vmem_shared>>) target(%arg12 : memref<40x128xf32, #tpu.memory_space<vmem>>) offsets(%arg8 : memref<40xi32, #tpu.memory_space<vmem>>) semaphore(%arg19 : memref<!tpu.dma_semaphore, #tpu.memory_space<semaphore_mem>>)
    %add3A_24 = arith.constant 40 : i32
    %add3A_25 = arith.addi %multiple_of3A, %add3A_24 : i32
    %multiple_of3A_26 = tpu.assume_multiple %add3A_25, 8 : i32
    %dma_start3A_27 = tpu.memref_slice %arg3[%multiple_of3A_26] : memref<320000xi32, #tpu.memory_space<hbm>> -> memref<40xi32, #tpu.memory_space<hbm>>
    %dma_start3A_28 = tpu.memref_slice %arg3[%multiple_of3A_26] : memref<320000xi32, #tpu.memory_space<hbm>> -> memref<40xi32, #tpu.memory_space<hbm>>
    tpu.enqueue_dma source(%dma_start3A_28 : memref<40xi32, #tpu.memory_space<hbm>>) target(%arg9 : memref<40xi32, #tpu.memory_space<vmem>>) target_semaphore(%arg18 : memref<!tpu.dma_semaphore, #tpu.memory_space<semaphore_mem>>)
    %dma_start3A_29 = tpu.memref_slice %arg4[%multiple_of3A_26] : memref<320000xi32, #tpu.memory_space<hbm>> -> memref<40xi32, #tpu.memory_space<hbm>>
    %dma_start3A_30 = tpu.memref_slice %arg4[%multiple_of3A_26] : memref<320000xi32, #tpu.memory_space<hbm>> -> memref<40xi32, #tpu.memory_space<hbm>>
    tpu.enqueue_dma source(%dma_start3A_30 : memref<40xi32, #tpu.memory_space<hbm>>) target(%arg10 : memref<40xi32, #tpu.memory_space<vmem>>) target_semaphore(%arg18 : memref<!tpu.dma_semaphore, #tpu.memory_space<semaphore_mem>>)
    %scan3A = arith.constant 0 : i32
    %scan3A_31 = arith.constant 0 : i32
    %scan3A_32 = arith.constant 125 : i32
    %scan3A_33 = arith.addi %scan3A_31, %scan3A_32 : i32
    %scan3A_34 = arith.constant 1 : i32
    scf.for %scan3A_48 = %scan3A_31 to %scan3A_33 step %scan3A_34  : i32 {
      %dma_wait3A_49 = arith.constant 0 : i32
      %dma_wait3A_50 = tpu.memref_slice %arg3[%dma_wait3A_49] : memref<320000xi32, #tpu.memory_space<hbm>> -> memref<40xi32, #tpu.memory_space<hbm>>
      %dma_wait3A_51 = arith.constant 0 : i32
      %dma_wait3A_52 = tpu.memref_slice %arg3[%dma_wait3A_51] : memref<320000xi32, #tpu.memory_space<hbm>> -> memref<40xi32, #tpu.memory_space<hbm>>
      tpu.wait_dma2 semaphore(%arg18 : memref<!tpu.dma_semaphore, #tpu.memory_space<semaphore_mem>>) src(%dma_wait3A_52 : memref<40xi32, #tpu.memory_space<hbm>>) dst(%arg9 : memref<40xi32, #tpu.memory_space<vmem>>)
      %dma_wait3A_53 = arith.constant 0 : i32
      %dma_wait3A_54 = tpu.memref_slice %arg4[%dma_wait3A_53] : memref<320000xi32, #tpu.memory_space<hbm>> -> memref<40xi32, #tpu.memory_space<hbm>>
      %dma_wait3A_55 = arith.constant 0 : i32
      %dma_wait3A_56 = tpu.memref_slice %arg4[%dma_wait3A_55] : memref<320000xi32, #tpu.memory_space<hbm>> -> memref<40xi32, #tpu.memory_space<hbm>>
      tpu.wait_dma2 semaphore(%arg18 : memref<!tpu.dma_semaphore, #tpu.memory_space<semaphore_mem>>) src(%dma_wait3A_56 : memref<40xi32, #tpu.memory_space<hbm>>) dst(%arg10 : memref<40xi32, #tpu.memory_space<vmem>>)
      %dma_wait3A_57 = arith.constant 0 : i32
      %dma_wait3A_58 = arith.constant 0 : i32
      %dma_wait3A_59 = tpu.memref_slice %arg6[%dma_wait3A_57, %dma_wait3A_58] : memref<10000x128xf32, #tpu.memory_space<vmem_shared>> -> memref<40x128xf32, #tpu.memory_space<vmem_shared>>
      %dma_wait3A_60 = arith.constant 0 : i32
      %dma_wait3A_61 = arith.constant 0 : i32
      %dma_wait3A_62 = tpu.memref_slice %arg6[%dma_wait3A_60, %dma_wait3A_61] : memref<10000x128xf32, #tpu.memory_space<vmem_shared>> -> memref<40x128xf32, #tpu.memory_space<vmem_shared>>
      tpu.wait_dma2 semaphore(%arg19 : memref<!tpu.dma_semaphore, #tpu.memory_space<semaphore_mem>>) src(%dma_wait3A_62 : memref<40x128xf32, #tpu.memory_space<vmem_shared>>) dst(%arg11 : memref<40x128xf32, #tpu.memory_space<vmem>>)
      %dma_wait3A_63 = arith.constant 0 : i32
      %dma_wait3A_64 = arith.constant 0 : i32
      %dma_wait3A_65 = tpu.memref_slice %arg6[%dma_wait3A_63, %dma_wait3A_64] : memref<10000x128xf32, #tpu.memory_space<vmem_shared>> -> memref<40x128xf32, #tpu.memory_space<vmem_shared>>
      %dma_wait3A_66 = arith.constant 0 : i32
      %dma_wait3A_67 = arith.constant 0 : i32
      %dma_wait3A_68 = tpu.memref_slice %arg6[%dma_wait3A_66, %dma_wait3A_67] : memref<10000x128xf32, #tpu.memory_space<vmem_shared>> -> memref<40x128xf32, #tpu.memory_space<vmem_shared>>
      tpu.wait_dma2 semaphore(%arg19 : memref<!tpu.dma_semaphore, #tpu.memory_space<semaphore_mem>>) src(%dma_wait3A_68 : memref<40x128xf32, #tpu.memory_space<vmem_shared>>) dst(%arg12 : memref<40x128xf32, #tpu.memory_space<vmem>>)
      %dma_start3A_69 = arith.constant 0 : i32
      %dma_start3A_70 = arith.constant 0 : i32
      %dma_start3A_71 = tpu.memref_slice %arg6[%dma_start3A_69, %dma_start3A_70] : memref<10000x128xf32, #tpu.memory_space<vmem_shared>> -> memref<10000x128xf32, #tpu.memory_space<vmem_shared>>
      tpu.enqueue_indirect_dma source(%dma_start3A_71 : memref<10000x128xf32, #tpu.memory_space<vmem_shared>>) target(%arg13 : memref<40x128xf32, #tpu.memory_space<vmem>>) offsets(%arg9 : memref<40xi32, #tpu.memory_space<vmem>>) semaphore(%arg20 : memref<!tpu.dma_semaphore, #tpu.memory_space<semaphore_mem>>)
      %dma_start3A_72 = arith.constant 0 : i32
      %dma_start3A_73 = arith.constant 0 : i32
      %dma_start3A_74 = tpu.memref_slice %arg6[%dma_start3A_72, %dma_start3A_73] : memref<10000x128xf32, #tpu.memory_space<vmem_shared>> -> memref<10000x128xf32, #tpu.memory_space<vmem_shared>>
      tpu.enqueue_indirect_dma source(%dma_start3A_74 : memref<10000x128xf32, #tpu.memory_space<vmem_shared>>) target(%arg14 : memref<40x128xf32, #tpu.memory_space<vmem>>) offsets(%arg10 : memref<40xi32, #tpu.memory_space<vmem>>) semaphore(%arg20 : memref<!tpu.dma_semaphore, #tpu.memory_space<semaphore_mem>>)
      %mul3A_75 = arith.constant 2 : i32
      %mul3A_76 = arith.muli %mul3A_75, %scan3A_48 : i32
      %add3A_77 = arith.constant 2 : i32
      %add3A_78 = arith.addi %mul3A_76, %add3A_77 : i32
      %lt3A = arith.constant 250 : i32
      %lt3A_79 = arith.cmpi slt, %add3A_78, %lt3A : i32
      %convert_element_type3A_80 = arith.extui %lt3A_79 : i1 to i32
      %cond3A_81 = arith.constant 0 : i32
      %cond3A_82 = arith.cmpi ne, %convert_element_type3A_80, %cond3A_81 : i32
      scf.if %cond3A_82 {
        %mul3A_156 = arith.constant 2 : i32
        %mul3A_157 = arith.muli %mul3A_156, %scan3A_48 : i32
        %add3A_158 = arith.constant 2 : i32
        %add3A_159 = arith.addi %mul3A_157, %add3A_158 : i32
        %mul3A_160 = arith.constant 40 : i32
        %mul3A_161 = arith.muli %add3A_159, %mul3A_160 : i32
        %add3A_162 = arith.addi %multiple_of3A, %mul3A_161 : i32
        %multiple_of3A_163 = tpu.assume_multiple %add3A_162, 8 : i32
        %dma_start3A_164 = tpu.memref_slice %arg3[%multiple_of3A_163] : memref<320000xi32, #tpu.memory_space<hbm>> -> memref<40xi32, #tpu.memory_space<hbm>>
        %dma_start3A_165 = tpu.memref_slice %arg3[%multiple_of3A_163] : memref<320000xi32, #tpu.memory_space<hbm>> -> memref<40xi32, #tpu.memory_space<hbm>>
        tpu.enqueue_dma source(%dma_start3A_165 : memref<40xi32, #tpu.memory_space<hbm>>) target(%arg7 : memref<40xi32, #tpu.memory_space<vmem>>) target_semaphore(%arg17 : memref<!tpu.dma_semaphore, #tpu.memory_space<semaphore_mem>>)
        %dma_start3A_166 = tpu.memref_slice %arg4[%multiple_of3A_163] : memref<320000xi32, #tpu.memory_space<hbm>> -> memref<40xi32, #tpu.memory_space<hbm>>
        %dma_start3A_167 = tpu.memref_slice %arg4[%multiple_of3A_163] : memref<320000xi32, #tpu.memory_space<hbm>> -> memref<40xi32, #tpu.memory_space<hbm>>
        tpu.enqueue_dma source(%dma_start3A_167 : memref<40xi32, #tpu.memory_space<hbm>>) target(%arg8 : memref<40xi32, #tpu.memory_space<vmem>>) target_semaphore(%arg17 : memref<!tpu.dma_semaphore, #tpu.memory_space<semaphore_mem>>)
      } else {
      }
      %gt3A = arith.constant 0 : i32
      %gt3A_83 = arith.cmpi sgt, %scan3A_48, %gt3A : i32
      %convert_element_type3A_84 = arith.extui %gt3A_83 : i1 to i32
      %cond3A_85 = arith.constant 0 : i32
      %cond3A_86 = arith.cmpi ne, %convert_element_type3A_84, %cond3A_85 : i32
      scf.if %cond3A_86 {
        %dma_wait3A_156 = arith.constant 0 : i32
        %dma_wait3A_157 = arith.constant 0 : i32
        %dma_wait3A_158 = tpu.memref_slice %arg5[%dma_wait3A_156, %dma_wait3A_157] : memref<320000x128xf32, #tpu.memory_space<hbm>> -> memref<40x128xf32, #tpu.memory_space<hbm>>
        %dma_wait3A_159 = arith.constant 0 : i32
        %dma_wait3A_160 = arith.constant 0 : i32
        %dma_wait3A_161 = tpu.memref_slice %arg5[%dma_wait3A_159, %dma_wait3A_160] : memref<320000x128xf32, #tpu.memory_space<hbm>> -> memref<40x128xf32, #tpu.memory_space<hbm>>
        tpu.wait_dma2 semaphore(%arg21 : memref<!tpu.dma_semaphore, #tpu.memory_space<semaphore_mem>>) src(%arg15 : memref<40x128xf32, #tpu.memory_space<vmem>>) dst(%dma_wait3A_161 : memref<40x128xf32, #tpu.memory_space<hbm>>)
      } else {
      }
      %scan3A_87 = arith.constant 0 : i32
      %scan3A_88 = arith.constant 0 : i32
      %scan3A_89 = arith.constant 40 : i32
      %scan3A_90 = arith.addi %scan3A_88, %scan3A_89 : i32
      %scan3A_91 = arith.constant 1 : i32
      scf.for %scan3A_156 = %scan3A_88 to %scan3A_90 step %scan3A_91  : i32 {
        %get3A = arith.index_cast %scan3A_156 : i32 to index
        %get3A_157 = arith.constant 0 : index
        %get3A_158 = tpu.vector_load %arg11[%get3A, %get3A_157] {strides = array<i32>} : memref<40x128xf32, #tpu.memory_space<vmem>>, vector<16xf32>,
        %bitcast3A = vector.bitcast %get3A_158 : vector<16xf32> to vector<32xbf16>
        %unpack3A = tpu.unpack_subelements %bitcast3A, 0 {pack_format = #tpu.pack_format<interleaved>} : vector<32xbf16> -> vector<16xf32>
        %unpack3A_159 = tpu.unpack_subelements %bitcast3A, 1 {pack_format = #tpu.pack_format<interleaved>} : vector<32xbf16> -> vector<16xf32>
        %get3A_160 = arith.index_cast %scan3A_156 : i32 to index
        %get3A_161 = arith.constant 0 : index
        %get3A_162 = tpu.vector_load %arg12[%get3A_160, %get3A_161] {strides = array<i32>} : memref<40x128xf32, #tpu.memory_space<vmem>>, vector<16xf32>,
        %bitcast3A_163 = vector.bitcast %get3A_162 : vector<16xf32> to vector<32xbf16>
        %unpack3A_164 = tpu.unpack_subelements %bitcast3A_163, 0 {pack_format = #tpu.pack_format<interleaved>} : vector<32xbf16> -> vector<16xf32>
        %unpack3A_165 = tpu.unpack_subelements %bitcast3A_163, 1 {pack_format = #tpu.pack_format<interleaved>} : vector<32xbf16> -> vector<16xf32>
        %get3A_166 = arith.index_cast %scan3A_156 : i32 to index
        %get3A_167 = arith.constant 64 : index
        %get3A_168 = tpu.vector_load %arg11[%get3A_166, %get3A_167] {strides = array<i32>} : memref<40x128xf32, #tpu.memory_space<vmem>>, vector<16xf32>,
        %bitcast3A_169 = vector.bitcast %get3A_168 : vector<16xf32> to vector<32xbf16>
        %unpack3A_170 = tpu.unpack_subelements %bitcast3A_169, 0 {pack_format = #tpu.pack_format<interleaved>} : vector<32xbf16> -> vector<16xf32>
        %unpack3A_171 = tpu.unpack_subelements %bitcast3A_169, 1 {pack_format = #tpu.pack_format<interleaved>} : vector<32xbf16> -> vector<16xf32>
        %get3A_172 = arith.index_cast %scan3A_156 : i32 to index
        %get3A_173 = arith.constant 64 : index
        %get3A_174 = tpu.vector_load %arg12[%get3A_172, %get3A_173] {strides = array<i32>} : memref<40x128xf32, #tpu.memory_space<vmem>>, vector<16xf32>,
        %bitcast3A_175 = vector.bitcast %get3A_174 : vector<16xf32> to vector<32xbf16>
        %unpack3A_176 = tpu.unpack_subelements %bitcast3A_175, 0 {pack_format = #tpu.pack_format<interleaved>} : vector<32xbf16> -> vector<16xf32>
        %unpack3A_177 = tpu.unpack_subelements %bitcast3A_175, 1 {pack_format = #tpu.pack_format<interleaved>} : vector<32xbf16> -> vector<16xf32>
        %sub3A = arith.subf %unpack3A, %unpack3A_164 : vector<16xf32>
        %sub3A_178 = arith.subf %unpack3A_170, %unpack3A_176 : vector<16xf32>
        %mul3A_179 = arith.mulf %sub3A, %sub3A_178 : vector<16xf32>
        %swap3A = arith.index_cast %scan3A_156 : i32 to index
        %swap3A_180 = arith.constant 0 : index
        %swap3A_181 = tpu.vector_load %arg15[%swap3A, %swap3A_180] {strides = array<i32>} : memref<40x128xf32, #tpu.memory_space<vmem>>, vector<16xf32>,
        tpu.vector_store %arg15[%swap3A, %swap3A_180], %mul3A_179 {strides = array<i32>} : memref<40x128xf32, #tpu.memory_space<vmem>>, vector<16xf32>,
        %sub3A_182 = arith.subf %unpack3A_159, %unpack3A_165 : vector<16xf32>
        %sub3A_183 = arith.subf %unpack3A_171, %unpack3A_177 : vector<16xf32>
        %mul3A_184 = arith.mulf %sub3A_182, %sub3A_183 : vector<16xf32>
        %swap3A_185 = arith.index_cast %scan3A_156 : i32 to index
        %swap3A_186 = arith.constant 16 : index
        %swap3A_187 = tpu.vector_load %arg15[%swap3A_185, %swap3A_186] {strides = array<i32>} : memref<40x128xf32, #tpu.memory_space<vmem>>, vector<16xf32>,
        tpu.vector_store %arg15[%swap3A_185, %swap3A_186], %mul3A_184 {strides = array<i32>} : memref<40x128xf32, #tpu.memory_space<vmem>>, vector<16xf32>,
        %get3A_188 = arith.index_cast %scan3A_156 : i32 to index
        %get3A_189 = arith.constant 16 : index
        %get3A_190 = tpu.vector_load %arg11[%get3A_188, %get3A_189] {strides = array<i32>} : memref<40x128xf32, #tpu.memory_space<vmem>>, vector<16xf32>,
        %bitcast3A_191 = vector.bitcast %get3A_190 : vector<16xf32> to vector<32xbf16>
        %unpack3A_192 = tpu.unpack_subelements %bitcast3A_191, 0 {pack_format = #tpu.pack_format<interleaved>} : vector<32xbf16> -> vector<16xf32>
        %unpack3A_193 = tpu.unpack_subelements %bitcast3A_191, 1 {pack_format = #tpu.pack_format<interleaved>} : vector<32xbf16> -> vector<16xf32>
        %get3A_194 = arith.index_cast %scan3A_156 : i32 to index
        %get3A_195 = arith.constant 16 : index
        %get3A_196 = tpu.vector_load %arg12[%get3A_194, %get3A_195] {strides = array<i32>} : memref<40x128xf32, #tpu.memory_space<vmem>>, vector<16xf32>,
        %bitcast3A_197 = vector.bitcast %get3A_196 : vector<16xf32> to vector<32xbf16>
        %unpack3A_198 = tpu.unpack_subelements %bitcast3A_197, 0 {pack_format = #tpu.pack_format<interleaved>} : vector<32xbf16> -> vector<16xf32>
        %unpack3A_199 = tpu.unpack_subelements %bitcast3A_197, 1 {pack_format = #tpu.pack_format<interleaved>} : vector<32xbf16> -> vector<16xf32>
        %get3A_200 = arith.index_cast %scan3A_156 : i32 to index
        %get3A_201 = arith.constant 80 : index
        %get3A_202 = tpu.vector_load %arg11[%get3A_200, %get3A_201] {strides = array<i32>} : memref<40x128xf32, #tpu.memory_space<vmem>>, vector<16xf32>,
        %bitcast3A_203 = vector.bitcast %get3A_202 : vector<16xf32> to vector<32xbf16>
        %unpack3A_204 = tpu.unpack_subelements %bitcast3A_203, 0 {pack_format = #tpu.pack_format<interleaved>} : vector<32xbf16> -> vector<16xf32>
        %unpack3A_205 = tpu.unpack_subelements %bitcast3A_203, 1 {pack_format = #tpu.pack_format<interleaved>} : vector<32xbf16> -> vector<16xf32>
        %get3A_206 = arith.index_cast %scan3A_156 : i32 to index
        %get3A_207 = arith.constant 80 : index
        %get3A_208 = tpu.vector_load %arg12[%get3A_206, %get3A_207] {strides = array<i32>} : memref<40x128xf32, #tpu.memory_space<vmem>>, vector<16xf32>,
        %bitcast3A_209 = vector.bitcast %get3A_208 : vector<16xf32> to vector<32xbf16>
        %unpack3A_210 = tpu.unpack_subelements %bitcast3A_209, 0 {pack_format = #tpu.pack_format<interleaved>} : vector<32xbf16> -> vector<16xf32>
        %unpack3A_211 = tpu.unpack_subelements %bitcast3A_209, 1 {pack_format = #tpu.pack_format<interleaved>} : vector<32xbf16> -> vector<16xf32>
        %sub3A_212 = arith.subf %unpack3A_192, %unpack3A_198 : vector<16xf32>
        %sub3A_213 = arith.subf %unpack3A_204, %unpack3A_210 : vector<16xf32>
        %mul3A_214 = arith.mulf %sub3A_212, %sub3A_213 : vector<16xf32>
        %swap3A_215 = arith.index_cast %scan3A_156 : i32 to index
        %swap3A_216 = arith.constant 32 : index
        %swap3A_217 = tpu.vector_load %arg15[%swap3A_215, %swap3A_216] {strides = array<i32>} : memref<40x128xf32, #tpu.memory_space<vmem>>, vector<16xf32>,
        tpu.vector_store %arg15[%swap3A_215, %swap3A_216], %mul3A_214 {strides = array<i32>} : memref<40x128xf32, #tpu.memory_space<vmem>>, vector<16xf32>,
        %sub3A_218 = arith.subf %unpack3A_193, %unpack3A_199 : vector<16xf32>
        %sub3A_219 = arith.subf %unpack3A_205, %unpack3A_211 : vector<16xf32>
        %mul3A_220 = arith.mulf %sub3A_218, %sub3A_219 : vector<16xf32>
        %swap3A_221 = arith.index_cast %scan3A_156 : i32 to index
        %swap3A_222 = arith.constant 48 : index
        %swap3A_223 = tpu.vector_load %arg15[%swap3A_221, %swap3A_222] {strides = array<i32>} : memref<40x128xf32, #tpu.memory_space<vmem>>, vector<16xf32>,
        tpu.vector_store %arg15[%swap3A_221, %swap3A_222], %mul3A_220 {strides = array<i32>} : memref<40x128xf32, #tpu.memory_space<vmem>>, vector<16xf32>,
        %get3A_224 = arith.index_cast %scan3A_156 : i32 to index
        %get3A_225 = arith.constant 32 : index
        %get3A_226 = tpu.vector_load %arg11[%get3A_224, %get3A_225] {strides = array<i32>} : memref<40x128xf32, #tpu.memory_space<vmem>>, vector<16xf32>,
        %bitcast3A_227 = vector.bitcast %get3A_226 : vector<16xf32> to vector<32xbf16>
        %unpack3A_228 = tpu.unpack_subelements %bitcast3A_227, 0 {pack_format = #tpu.pack_format<interleaved>} : vector<32xbf16> -> vector<16xf32>
        %unpack3A_229 = tpu.unpack_subelements %bitcast3A_227, 1 {pack_format = #tpu.pack_format<interleaved>} : vector<32xbf16> -> vector<16xf32>
        %get3A_230 = arith.index_cast %scan3A_156 : i32 to index
        %get3A_231 = arith.constant 32 : index
        %get3A_232 = tpu.vector_load %arg12[%get3A_230, %get3A_231] {strides = array<i32>} : memref<40x128xf32, #tpu.memory_space<vmem>>, vector<16xf32>,
        %bitcast3A_233 = vector.bitcast %get3A_232 : vector<16xf32> to vector<32xbf16>
        %unpack3A_234 = tpu.unpack_subelements %bitcast3A_233, 0 {pack_format = #tpu.pack_format<interleaved>} : vector<32xbf16> -> vector<16xf32>
        %unpack3A_235 = tpu.unpack_subelements %bitcast3A_233, 1 {pack_format = #tpu.pack_format<interleaved>} : vector<32xbf16> -> vector<16xf32>
        %get3A_236 = arith.index_cast %scan3A_156 : i32 to index
        %get3A_237 = arith.constant 96 : index
        %get3A_238 = tpu.vector_load %arg11[%get3A_236, %get3A_237] {strides = array<i32>} : memref<40x128xf32, #tpu.memory_space<vmem>>, vector<16xf32>,
        %bitcast3A_239 = vector.bitcast %get3A_238 : vector<16xf32> to vector<32xbf16>
        %unpack3A_240 = tpu.unpack_subelements %bitcast3A_239, 0 {pack_format = #tpu.pack_format<interleaved>} : vector<32xbf16> -> vector<16xf32>
        %unpack3A_241 = tpu.unpack_subelements %bitcast3A_239, 1 {pack_format = #tpu.pack_format<interleaved>} : vector<32xbf16> -> vector<16xf32>
        %get3A_242 = arith.index_cast %scan3A_156 : i32 to index
        %get3A_243 = arith.constant 96 : index
        %get3A_244 = tpu.vector_load %arg12[%get3A_242, %get3A_243] {strides = array<i32>} : memref<40x128xf32, #tpu.memory_space<vmem>>, vector<16xf32>,
        %bitcast3A_245 = vector.bitcast %get3A_244 : vector<16xf32> to vector<32xbf16>
        %unpack3A_246 = tpu.unpack_subelements %bitcast3A_245, 0 {pack_format = #tpu.pack_format<interleaved>} : vector<32xbf16> -> vector<16xf32>
        %unpack3A_247 = tpu.unpack_subelements %bitcast3A_245, 1 {pack_format = #tpu.pack_format<interleaved>} : vector<32xbf16> -> vector<16xf32>
        %sub3A_248 = arith.subf %unpack3A_228, %unpack3A_234 : vector<16xf32>
        %sub3A_249 = arith.subf %unpack3A_240, %unpack3A_246 : vector<16xf32>
        %mul3A_250 = arith.mulf %sub3A_248, %sub3A_249 : vector<16xf32>
        %swap3A_251 = arith.index_cast %scan3A_156 : i32 to index
        %swap3A_252 = arith.constant 64 : index
        %swap3A_253 = tpu.vector_load %arg15[%swap3A_251, %swap3A_252] {strides = array<i32>} : memref<40x128xf32, #tpu.memory_space<vmem>>, vector<16xf32>,
        tpu.vector_store %arg15[%swap3A_251, %swap3A_252], %mul3A_250 {strides = array<i32>} : memref<40x128xf32, #tpu.memory_space<vmem>>, vector<16xf32>,
        %sub3A_254 = arith.subf %unpack3A_229, %unpack3A_235 : vector<16xf32>
        %sub3A_255 = arith.subf %unpack3A_241, %unpack3A_247 : vector<16xf32>
        %mul3A_256 = arith.mulf %sub3A_254, %sub3A_255 : vector<16xf32>
        %swap3A_257 = arith.index_cast %scan3A_156 : i32 to index
        %swap3A_258 = arith.constant 80 : index
        %swap3A_259 = tpu.vector_load %arg15[%swap3A_257, %swap3A_258] {strides = array<i32>} : memref<40x128xf32, #tpu.memory_space<vmem>>, vector<16xf32>,
        tpu.vector_store %arg15[%swap3A_257, %swap3A_258], %mul3A_256 {strides = array<i32>} : memref<40x128xf32, #tpu.memory_space<vmem>>, vector<16xf32>,
        %get3A_260 = arith.index_cast %scan3A_156 : i32 to index
        %get3A_261 = arith.constant 48 : index
        %get3A_262 = tpu.vector_load %arg11[%get3A_260, %get3A_261] {strides = array<i32>} : memref<40x128xf32, #tpu.memory_space<vmem>>, vector<16xf32>,
        %bitcast3A_263 = vector.bitcast %get3A_262 : vector<16xf32> to vector<32xbf16>
        %unpack3A_264 = tpu.unpack_subelements %bitcast3A_263, 0 {pack_format = #tpu.pack_format<interleaved>} : vector<32xbf16> -> vector<16xf32>
        %unpack3A_265 = tpu.unpack_subelements %bitcast3A_263, 1 {pack_format = #tpu.pack_format<interleaved>} : vector<32xbf16> -> vector<16xf32>
        %get3A_266 = arith.index_cast %scan3A_156 : i32 to index
        %get3A_267 = arith.constant 48 : index
        %get3A_268 = tpu.vector_load %arg12[%get3A_266, %get3A_267] {strides = array<i32>} : memref<40x128xf32, #tpu.memory_space<vmem>>, vector<16xf32>,
        %bitcast3A_269 = vector.bitcast %get3A_268 : vector<16xf32> to vector<32xbf16>
        %unpack3A_270 = tpu.unpack_subelements %bitcast3A_269, 0 {pack_format = #tpu.pack_format<interleaved>} : vector<32xbf16> -> vector<16xf32>
        %unpack3A_271 = tpu.unpack_subelements %bitcast3A_269, 1 {pack_format = #tpu.pack_format<interleaved>} : vector<32xbf16> -> vector<16xf32>
        %get3A_272 = arith.index_cast %scan3A_156 : i32 to index
        %get3A_273 = arith.constant 112 : index
        %get3A_274 = tpu.vector_load %arg11[%get3A_272, %get3A_273] {strides = array<i32>} : memref<40x128xf32, #tpu.memory_space<vmem>>, vector<16xf32>,
        %bitcast3A_275 = vector.bitcast %get3A_274 : vector<16xf32> to vector<32xbf16>
        %unpack3A_276 = tpu.unpack_subelements %bitcast3A_275, 0 {pack_format = #tpu.pack_format<interleaved>} : vector<32xbf16> -> vector<16xf32>
        %unpack3A_277 = tpu.unpack_subelements %bitcast3A_275, 1 {pack_format = #tpu.pack_format<interleaved>} : vector<32xbf16> -> vector<16xf32>
        %get3A_278 = arith.index_cast %scan3A_156 : i32 to index
        %get3A_279 = arith.constant 112 : index
        %get3A_280 = tpu.vector_load %arg12[%get3A_278, %get3A_279] {strides = array<i32>} : memref<40x128xf32, #tpu.memory_space<vmem>>, vector<16xf32>,
        %bitcast3A_281 = vector.bitcast %get3A_280 : vector<16xf32> to vector<32xbf16>
        %unpack3A_282 = tpu.unpack_subelements %bitcast3A_281, 0 {pack_format = #tpu.pack_format<interleaved>} : vector<32xbf16> -> vector<16xf32>
        %unpack3A_283 = tpu.unpack_subelements %bitcast3A_281, 1 {pack_format = #tpu.pack_format<interleaved>} : vector<32xbf16> -> vector<16xf32>
        %sub3A_284 = arith.subf %unpack3A_264, %unpack3A_270 : vector<16xf32>
        %sub3A_285 = arith.subf %unpack3A_276, %unpack3A_282 : vector<16xf32>
        %mul3A_286 = arith.mulf %sub3A_284, %sub3A_285 : vector<16xf32>
        %swap3A_287 = arith.index_cast %scan3A_156 : i32 to index
        %swap3A_288 = arith.constant 96 : index
        %swap3A_289 = tpu.vector_load %arg15[%swap3A_287, %swap3A_288] {strides = array<i32>} : memref<40x128xf32, #tpu.memory_space<vmem>>, vector<16xf32>,
        tpu.vector_store %arg15[%swap3A_287, %swap3A_288], %mul3A_286 {strides = array<i32>} : memref<40x128xf32, #tpu.memory_space<vmem>>, vector<16xf32>,
        %sub3A_290 = arith.subf %unpack3A_265, %unpack3A_271 : vector<16xf32>
        %sub3A_291 = arith.subf %unpack3A_277, %unpack3A_283 : vector<16xf32>
        %mul3A_292 = arith.mulf %sub3A_290, %sub3A_291 : vector<16xf32>
        %swap3A_293 = arith.index_cast %scan3A_156 : i32 to index
        %swap3A_294 = arith.constant 112 : index
        %swap3A_295 = tpu.vector_load %arg15[%swap3A_293, %swap3A_294] {strides = array<i32>} : memref<40x128xf32, #tpu.memory_space<vmem>>, vector<16xf32>,
        tpu.vector_store %arg15[%swap3A_293, %swap3A_294], %mul3A_292 {strides = array<i32>} : memref<40x128xf32, #tpu.memory_space<vmem>>, vector<16xf32>,
      }
      %scan3A_92 = arith.constant 40 : i32
      %mul3A_93 = arith.constant 2 : i32
      %mul3A_94 = arith.muli %mul3A_93, %scan3A_48 : i32
      %mul3A_95 = arith.constant 40 : i32
      %mul3A_96 = arith.muli %mul3A_94, %mul3A_95 : i32
      %add3A_97 = arith.addi %multiple_of3A, %mul3A_96 : i32
      %multiple_of3A_98 = tpu.assume_multiple %add3A_97, 8 : i32
      %dma_start3A_99 = arith.constant 0 : i32
      %dma_start3A_100 = tpu.memref_slice %arg5[%multiple_of3A_98, %dma_start3A_99] : memref<320000x128xf32, #tpu.memory_space<hbm>> -> memref<40x128xf32, #tpu.memory_space<hbm>>
      %dma_start3A_101 = arith.constant 0 : i32
      %dma_start3A_102 = tpu.memref_slice %arg5[%multiple_of3A_98, %dma_start3A_101] : memref<320000x128xf32, #tpu.memory_space<hbm>> -> memref<40x128xf32, #tpu.memory_space<hbm>>
      tpu.enqueue_dma source(%arg15 : memref<40x128xf32, #tpu.memory_space<vmem>>) target(%dma_start3A_102 : memref<40x128xf32, #tpu.memory_space<hbm>>) target_semaphore(%arg21 : memref<!tpu.dma_semaphore, #tpu.memory_space<semaphore_mem>>)
      %dma_wait3A_103 = arith.constant 0 : i32
      %dma_wait3A_104 = arith.constant 0 : i32
      %dma_wait3A_105 = tpu.memref_slice %arg6[%dma_wait3A_103, %dma_wait3A_104] : memref<10000x128xf32, #tpu.memory_space<vmem_shared>> -> memref<40x128xf32, #tpu.memory_space<vmem_shared>>
      %dma_wait3A_106 = arith.constant 0 : i32
      %dma_wait3A_107 = arith.constant 0 : i32
      %dma_wait3A_108 = tpu.memref_slice %arg6[%dma_wait3A_106, %dma_wait3A_107] : memref<10000x128xf32, #tpu.memory_space<vmem_shared>> -> memref<40x128xf32, #tpu.memory_space<vmem_shared>>
      tpu.wait_dma2 semaphore(%arg20 : memref<!tpu.dma_semaphore, #tpu.memory_space<semaphore_mem>>) src(%dma_wait3A_108 : memref<40x128xf32, #tpu.memory_space<vmem_shared>>) dst(%arg13 : memref<40x128xf32, #tpu.memory_space<vmem>>)
      %dma_wait3A_109 = arith.constant 0 : i32
      %dma_wait3A_110 = arith.constant 0 : i32
      %dma_wait3A_111 = tpu.memref_slice %arg6[%dma_wait3A_109, %dma_wait3A_110] : memref<10000x128xf32, #tpu.memory_space<vmem_shared>> -> memref<40x128xf32, #tpu.memory_space<vmem_shared>>
      %dma_wait3A_112 = arith.constant 0 : i32
      %dma_wait3A_113 = arith.constant 0 : i32
      %dma_wait3A_114 = tpu.memref_slice %arg6[%dma_wait3A_112, %dma_wait3A_113] : memref<10000x128xf32, #tpu.memory_space<vmem_shared>> -> memref<40x128xf32, #tpu.memory_space<vmem_shared>>
      tpu.wait_dma2 semaphore(%arg20 : memref<!tpu.dma_semaphore, #tpu.memory_space<semaphore_mem>>) src(%dma_wait3A_114 : memref<40x128xf32, #tpu.memory_space<vmem_shared>>) dst(%arg14 : memref<40x128xf32, #tpu.memory_space<vmem>>)
      %mul3A_115 = arith.constant 2 : i32
      %mul3A_116 = arith.muli %mul3A_115, %scan3A_48 : i32
      %add3A_117 = arith.constant 2 : i32
      %add3A_118 = arith.addi %mul3A_116, %add3A_117 : i32
      %lt3A_119 = arith.constant 250 : i32
      %lt3A_120 = arith.cmpi slt, %add3A_118, %lt3A_119 : i32
      %convert_element_type3A_121 = arith.extui %lt3A_120 : i1 to i32
      %cond3A_122 = arith.constant 0 : i32
      %cond3A_123 = arith.cmpi ne, %convert_element_type3A_121, %cond3A_122 : i32
      scf.if %cond3A_123 {
        %dma_wait3A_156 = arith.constant 0 : i32
        %dma_wait3A_157 = tpu.memref_slice %arg3[%dma_wait3A_156] : memref<320000xi32, #tpu.memory_space<hbm>> -> memref<40xi32, #tpu.memory_space<hbm>>
        %dma_wait3A_158 = arith.constant 0 : i32
        %dma_wait3A_159 = tpu.memref_slice %arg3[%dma_wait3A_158] : memref<320000xi32, #tpu.memory_space<hbm>> -> memref<40xi32, #tpu.memory_space<hbm>>
        tpu.wait_dma2 semaphore(%arg17 : memref<!tpu.dma_semaphore, #tpu.memory_space<semaphore_mem>>) src(%dma_wait3A_159 : memref<40xi32, #tpu.memory_space<hbm>>) dst(%arg7 : memref<40xi32, #tpu.memory_space<vmem>>)
        %dma_wait3A_160 = arith.constant 0 : i32
        %dma_wait3A_161 = tpu.memref_slice %arg4[%dma_wait3A_160] : memref<320000xi32, #tpu.memory_space<hbm>> -> memref<40xi32, #tpu.memory_space<hbm>>
        %dma_wait3A_162 = arith.constant 0 : i32
        %dma_wait3A_163 = tpu.memref_slice %arg4[%dma_wait3A_162] : memref<320000xi32, #tpu.memory_space<hbm>> -> memref<40xi32, #tpu.memory_space<hbm>>
        tpu.wait_dma2 semaphore(%arg17 : memref<!tpu.dma_semaphore, #tpu.memory_space<semaphore_mem>>) src(%dma_wait3A_163 : memref<40xi32, #tpu.memory_space<hbm>>) dst(%arg8 : memref<40xi32, #tpu.memory_space<vmem>>)
        %dma_start3A_164 = arith.constant 0 : i32
        %dma_start3A_165 = arith.constant 0 : i32
        %dma_start3A_166 = tpu.memref_slice %arg6[%dma_start3A_164, %dma_start3A_165] : memref<10000x128xf32, #tpu.memory_space<vmem_shared>> -> memref<10000x128xf32, #tpu.memory_space<vmem_shared>>
        tpu.enqueue_indirect_dma source(%dma_start3A_166 : memref<10000x128xf32, #tpu.memory_space<vmem_shared>>) target(%arg11 : memref<40x128xf32, #tpu.memory_space<vmem>>) offsets(%arg7 : memref<40xi32, #tpu.memory_space<vmem>>) semaphore(%arg19 : memref<!tpu.dma_semaphore, #tpu.memory_space<semaphore_mem>>)
        %dma_start3A_167 = arith.constant 0 : i32
        %dma_start3A_168 = arith.constant 0 : i32
        %dma_start3A_169 = tpu.memref_slice %arg6[%dma_start3A_167, %dma_start3A_168] : memref<10000x128xf32, #tpu.memory_space<vmem_shared>> -> memref<10000x128xf32, #tpu.memory_space<vmem_shared>>
        tpu.enqueue_indirect_dma source(%dma_start3A_169 : memref<10000x128xf32, #tpu.memory_space<vmem_shared>>) target(%arg12 : memref<40x128xf32, #tpu.memory_space<vmem>>) offsets(%arg8 : memref<40xi32, #tpu.memory_space<vmem>>) semaphore(%arg19 : memref<!tpu.dma_semaphore, #tpu.memory_space<semaphore_mem>>)
      } else {
      }
      %mul3A_124 = arith.constant 2 : i32
      %mul3A_125 = arith.muli %mul3A_124, %scan3A_48 : i32
      %add3A_126 = arith.constant 3 : i32
      %add3A_127 = arith.addi %mul3A_125, %add3A_126 : i32
      %lt3A_128 = arith.constant 250 : i32
      %lt3A_129 = arith.cmpi slt, %add3A_127, %lt3A_128 : i32
      %convert_element_type3A_130 = arith.extui %lt3A_129 : i1 to i32
      %cond3A_131 = arith.constant 0 : i32
      %cond3A_132 = arith.cmpi ne, %convert_element_type3A_130, %cond3A_131 : i32
      scf.if %cond3A_132 {
        %mul3A_156 = arith.constant 2 : i32
        %mul3A_157 = arith.muli %mul3A_156, %scan3A_48 : i32
        %add3A_158 = arith.constant 3 : i32
        %add3A_159 = arith.addi %mul3A_157, %add3A_158 : i32
        %mul3A_160 = arith.constant 40 : i32
        %mul3A_161 = arith.muli %add3A_159, %mul3A_160 : i32
        %add3A_162 = arith.addi %multiple_of3A, %mul3A_161 : i32
        %multiple_of3A_163 = tpu.assume_multiple %add3A_162, 8 : i32
        %dma_start3A_164 = tpu.memref_slice %arg3[%multiple_of3A_163] : memref<320000xi32, #tpu.memory_space<hbm>> -> memref<40xi32, #tpu.memory_space<hbm>>
        %dma_start3A_165 = tpu.memref_slice %arg3[%multiple_of3A_163] : memref<320000xi32, #tpu.memory_space<hbm>> -> memref<40xi32, #tpu.memory_space<hbm>>
        tpu.enqueue_dma source(%dma_start3A_165 : memref<40xi32, #tpu.memory_space<hbm>>) target(%arg9 : memref<40xi32, #tpu.memory_space<vmem>>) target_semaphore(%arg18 : memref<!tpu.dma_semaphore, #tpu.memory_space<semaphore_mem>>)
        %dma_start3A_166 = tpu.memref_slice %arg4[%multiple_of3A_163] : memref<320000xi32, #tpu.memory_space<hbm>> -> memref<40xi32, #tpu.memory_space<hbm>>
        %dma_start3A_167 = tpu.memref_slice %arg4[%multiple_of3A_163] : memref<320000xi32, #tpu.memory_space<hbm>> -> memref<40xi32, #tpu.memory_space<hbm>>
        tpu.enqueue_dma source(%dma_start3A_167 : memref<40xi32, #tpu.memory_space<hbm>>) target(%arg10 : memref<40xi32, #tpu.memory_space<vmem>>) target_semaphore(%arg18 : memref<!tpu.dma_semaphore, #tpu.memory_space<semaphore_mem>>)
      } else {
      }
      %gt3A_133 = arith.constant 0 : i32
      %gt3A_134 = arith.cmpi sgt, %scan3A_48, %gt3A_133 : i32
      %convert_element_type3A_135 = arith.extui %gt3A_134 : i1 to i32
      %cond3A_136 = arith.constant 0 : i32
      %cond3A_137 = arith.cmpi ne, %convert_element_type3A_135, %cond3A_136 : i32
      scf.if %cond3A_137 {
        %dma_wait3A_156 = arith.constant 0 : i32
        %dma_wait3A_157 = arith.constant 0 : i32
        %dma_wait3A_158 = tpu.memref_slice %arg5[%dma_wait3A_156, %dma_wait3A_157] : memref<320000x128xf32, #tpu.memory_space<hbm>> -> memref<40x128xf32, #tpu.memory_space<hbm>>
        %dma_wait3A_159 = arith.constant 0 : i32
        %dma_wait3A_160 = arith.constant 0 : i32
        %dma_wait3A_161 = tpu.memref_slice %arg5[%dma_wait3A_159, %dma_wait3A_160] : memref<320000x128xf32, #tpu.memory_space<hbm>> -> memref<40x128xf32, #tpu.memory_space<hbm>>
        tpu.wait_dma2 semaphore(%arg22 : memref<!tpu.dma_semaphore, #tpu.memory_space<semaphore_mem>>) src(%arg16 : memref<40x128xf32, #tpu.memory_space<vmem>>) dst(%dma_wait3A_161 : memref<40x128xf32, #tpu.memory_space<hbm>>)
      } else {
      }
      %scan3A_138 = arith.constant 0 : i32
      %scan3A_139 = arith.constant 0 : i32
      %scan3A_140 = arith.constant 40 : i32
      %scan3A_141 = arith.addi %scan3A_139, %scan3A_140 : i32
      %scan3A_142 = arith.constant 1 : i32
      scf.for %scan3A_156 = %scan3A_139 to %scan3A_141 step %scan3A_142  : i32 {
        %get3A = arith.index_cast %scan3A_156 : i32 to index
        %get3A_157 = arith.constant 0 : index
        %get3A_158 = tpu.vector_load %arg13[%get3A, %get3A_157] {strides = array<i32>} : memref<40x128xf32, #tpu.memory_space<vmem>>, vector<16xf32>,
        %bitcast3A = vector.bitcast %get3A_158 : vector<16xf32> to vector<32xbf16>
        %unpack3A = tpu.unpack_subelements %bitcast3A, 0 {pack_format = #tpu.pack_format<interleaved>} : vector<32xbf16> -> vector<16xf32>
        %unpack3A_159 = tpu.unpack_subelements %bitcast3A, 1 {pack_format = #tpu.pack_format<interleaved>} : vector<32xbf16> -> vector<16xf32>
        %get3A_160 = arith.index_cast %scan3A_156 : i32 to index
        %get3A_161 = arith.constant 0 : index
        %get3A_162 = tpu.vector_load %arg14[%get3A_160, %get3A_161] {strides = array<i32>} : memref<40x128xf32, #tpu.memory_space<vmem>>, vector<16xf32>,
        %bitcast3A_163 = vector.bitcast %get3A_162 : vector<16xf32> to vector<32xbf16>
        %unpack3A_164 = tpu.unpack_subelements %bitcast3A_163, 0 {pack_format = #tpu.pack_format<interleaved>} : vector<32xbf16> -> vector<16xf32>
        %unpack3A_165 = tpu.unpack_subelements %bitcast3A_163, 1 {pack_format = #tpu.pack_format<interleaved>} : vector<32xbf16> -> vector<16xf32>
        %get3A_166 = arith.index_cast %scan3A_156 : i32 to index
        %get3A_167 = arith.constant 64 : index
        %get3A_168 = tpu.vector_load %arg13[%get3A_166, %get3A_167] {strides = array<i32>} : memref<40x128xf32, #tpu.memory_space<vmem>>, vector<16xf32>,
        %bitcast3A_169 = vector.bitcast %get3A_168 : vector<16xf32> to vector<32xbf16>
        %unpack3A_170 = tpu.unpack_subelements %bitcast3A_169, 0 {pack_format = #tpu.pack_format<interleaved>} : vector<32xbf16> -> vector<16xf32>
        %unpack3A_171 = tpu.unpack_subelements %bitcast3A_169, 1 {pack_format = #tpu.pack_format<interleaved>} : vector<32xbf16> -> vector<16xf32>
        %get3A_172 = arith.index_cast %scan3A_156 : i32 to index
        %get3A_173 = arith.constant 64 : index
        %get3A_174 = tpu.vector_load %arg14[%get3A_172, %get3A_173] {strides = array<i32>} : memref<40x128xf32, #tpu.memory_space<vmem>>, vector<16xf32>,
        %bitcast3A_175 = vector.bitcast %get3A_174 : vector<16xf32> to vector<32xbf16>
        %unpack3A_176 = tpu.unpack_subelements %bitcast3A_175, 0 {pack_format = #tpu.pack_format<interleaved>} : vector<32xbf16> -> vector<16xf32>
        %unpack3A_177 = tpu.unpack_subelements %bitcast3A_175, 1 {pack_format = #tpu.pack_format<interleaved>} : vector<32xbf16> -> vector<16xf32>
        %sub3A = arith.subf %unpack3A, %unpack3A_164 : vector<16xf32>
        %sub3A_178 = arith.subf %unpack3A_170, %unpack3A_176 : vector<16xf32>
        %mul3A_179 = arith.mulf %sub3A, %sub3A_178 : vector<16xf32>
        %swap3A = arith.index_cast %scan3A_156 : i32 to index
        %swap3A_180 = arith.constant 0 : index
        %swap3A_181 = tpu.vector_load %arg16[%swap3A, %swap3A_180] {strides = array<i32>} : memref<40x128xf32, #tpu.memory_space<vmem>>, vector<16xf32>,
        tpu.vector_store %arg16[%swap3A, %swap3A_180], %mul3A_179 {strides = array<i32>} : memref<40x128xf32, #tpu.memory_space<vmem>>, vector<16xf32>,
        %sub3A_182 = arith.subf %unpack3A_159, %unpack3A_165 : vector<16xf32>
        %sub3A_183 = arith.subf %unpack3A_171, %unpack3A_177 : vector<16xf32>
        %mul3A_184 = arith.mulf %sub3A_182, %sub3A_183 : vector<16xf32>
        %swap3A_185 = arith.index_cast %scan3A_156 : i32 to index
        %swap3A_186 = arith.constant 16 : index
        %swap3A_187 = tpu.vector_load %arg16[%swap3A_185, %swap3A_186] {strides = array<i32>} : memref<40x128xf32, #tpu.memory_space<vmem>>, vector<16xf32>,
        tpu.vector_store %arg16[%swap3A_185, %swap3A_186], %mul3A_184 {strides = array<i32>} : memref<40x128xf32, #tpu.memory_space<vmem>>, vector<16xf32>,
        %get3A_188 = arith.index_cast %scan3A_156 : i32 to index
        %get3A_189 = arith.constant 16 : index
        %get3A_190 = tpu.vector_load %arg13[%get3A_188, %get3A_189] {strides = array<i32>} : memref<40x128xf32, #tpu.memory_space<vmem>>, vector<16xf32>,
        %bitcast3A_191 = vector.bitcast %get3A_190 : vector<16xf32> to vector<32xbf16>
        %unpack3A_192 = tpu.unpack_subelements %bitcast3A_191, 0 {pack_format = #tpu.pack_format<interleaved>} : vector<32xbf16> -> vector<16xf32>
        %unpack3A_193 = tpu.unpack_subelements %bitcast3A_191, 1 {pack_format = #tpu.pack_format<interleaved>} : vector<32xbf16> -> vector<16xf32>
        %get3A_194 = arith.index_cast %scan3A_156 : i32 to index
        %get3A_195 = arith.constant 16 : index
        %get3A_196 = tpu.vector_load %arg14[%get3A_194, %get3A_195] {strides = array<i32>} : memref<40x128xf32, #tpu.memory_space<vmem>>, vector<16xf32>,
        %bitcast3A_197 = vector.bitcast %get3A_196 : vector<16xf32> to vector<32xbf16>
        %unpack3A_198 = tpu.unpack_subelements %bitcast3A_197, 0 {pack_format = #tpu.pack_format<interleaved>} : vector<32xbf16> -> vector<16xf32>
        %unpack3A_199 = tpu.unpack_subelements %bitcast3A_197, 1 {pack_format = #tpu.pack_format<interleaved>} : vector<32xbf16> -> vector<16xf32>
        %get3A_200 = arith.index_cast %scan3A_156 : i32 to index
        %get3A_201 = arith.constant 80 : index
        %get3A_202 = tpu.vector_load %arg13[%get3A_200, %get3A_201] {strides = array<i32>} : memref<40x128xf32, #tpu.memory_space<vmem>>, vector<16xf32>,
        %bitcast3A_203 = vector.bitcast %get3A_202 : vector<16xf32> to vector<32xbf16>
        %unpack3A_204 = tpu.unpack_subelements %bitcast3A_203, 0 {pack_format = #tpu.pack_format<interleaved>} : vector<32xbf16> -> vector<16xf32>
        %unpack3A_205 = tpu.unpack_subelements %bitcast3A_203, 1 {pack_format = #tpu.pack_format<interleaved>} : vector<32xbf16> -> vector<16xf32>
        %get3A_206 = arith.index_cast %scan3A_156 : i32 to index
        %get3A_207 = arith.constant 80 : index
        %get3A_208 = tpu.vector_load %arg14[%get3A_206, %get3A_207] {strides = array<i32>} : memref<40x128xf32, #tpu.memory_space<vmem>>, vector<16xf32>,
        %bitcast3A_209 = vector.bitcast %get3A_208 : vector<16xf32> to vector<32xbf16>
        %unpack3A_210 = tpu.unpack_subelements %bitcast3A_209, 0 {pack_format = #tpu.pack_format<interleaved>} : vector<32xbf16> -> vector<16xf32>
        %unpack3A_211 = tpu.unpack_subelements %bitcast3A_209, 1 {pack_format = #tpu.pack_format<interleaved>} : vector<32xbf16> -> vector<16xf32>
        %sub3A_212 = arith.subf %unpack3A_192, %unpack3A_198 : vector<16xf32>
        %sub3A_213 = arith.subf %unpack3A_204, %unpack3A_210 : vector<16xf32>
        %mul3A_214 = arith.mulf %sub3A_212, %sub3A_213 : vector<16xf32>
        %swap3A_215 = arith.index_cast %scan3A_156 : i32 to index
        %swap3A_216 = arith.constant 32 : index
        %swap3A_217 = tpu.vector_load %arg16[%swap3A_215, %swap3A_216] {strides = array<i32>} : memref<40x128xf32, #tpu.memory_space<vmem>>, vector<16xf32>,
        tpu.vector_store %arg16[%swap3A_215, %swap3A_216], %mul3A_214 {strides = array<i32>} : memref<40x128xf32, #tpu.memory_space<vmem>>, vector<16xf32>,
        %sub3A_218 = arith.subf %unpack3A_193, %unpack3A_199 : vector<16xf32>
        %sub3A_219 = arith.subf %unpack3A_205, %unpack3A_211 : vector<16xf32>
        %mul3A_220 = arith.mulf %sub3A_218, %sub3A_219 : vector<16xf32>
        %swap3A_221 = arith.index_cast %scan3A_156 : i32 to index
        %swap3A_222 = arith.constant 48 : index
        %swap3A_223 = tpu.vector_load %arg16[%swap3A_221, %swap3A_222] {strides = array<i32>} : memref<40x128xf32, #tpu.memory_space<vmem>>, vector<16xf32>,
        tpu.vector_store %arg16[%swap3A_221, %swap3A_222], %mul3A_220 {strides = array<i32>} : memref<40x128xf32, #tpu.memory_space<vmem>>, vector<16xf32>,
        %get3A_224 = arith.index_cast %scan3A_156 : i32 to index
        %get3A_225 = arith.constant 32 : index
        %get3A_226 = tpu.vector_load %arg13[%get3A_224, %get3A_225] {strides = array<i32>} : memref<40x128xf32, #tpu.memory_space<vmem>>, vector<16xf32>,
        %bitcast3A_227 = vector.bitcast %get3A_226 : vector<16xf32> to vector<32xbf16>
        %unpack3A_228 = tpu.unpack_subelements %bitcast3A_227, 0 {pack_format = #tpu.pack_format<interleaved>} : vector<32xbf16> -> vector<16xf32>
        %unpack3A_229 = tpu.unpack_subelements %bitcast3A_227, 1 {pack_format = #tpu.pack_format<interleaved>} : vector<32xbf16> -> vector<16xf32>
        %get3A_230 = arith.index_cast %scan3A_156 : i32 to index
        %get3A_231 = arith.constant 32 : index
        %get3A_232 = tpu.vector_load %arg14[%get3A_230, %get3A_231] {strides = array<i32>} : memref<40x128xf32, #tpu.memory_space<vmem>>, vector<16xf32>,
        %bitcast3A_233 = vector.bitcast %get3A_232 : vector<16xf32> to vector<32xbf16>
        %unpack3A_234 = tpu.unpack_subelements %bitcast3A_233, 0 {pack_format = #tpu.pack_format<interleaved>} : vector<32xbf16> -> vector<16xf32>
        %unpack3A_235 = tpu.unpack_subelements %bitcast3A_233, 1 {pack_format = #tpu.pack_format<interleaved>} : vector<32xbf16> -> vector<16xf32>
        %get3A_236 = arith.index_cast %scan3A_156 : i32 to index
        %get3A_237 = arith.constant 96 : index
        %get3A_238 = tpu.vector_load %arg13[%get3A_236, %get3A_237] {strides = array<i32>} : memref<40x128xf32, #tpu.memory_space<vmem>>, vector<16xf32>,
        %bitcast3A_239 = vector.bitcast %get3A_238 : vector<16xf32> to vector<32xbf16>
        %unpack3A_240 = tpu.unpack_subelements %bitcast3A_239, 0 {pack_format = #tpu.pack_format<interleaved>} : vector<32xbf16> -> vector<16xf32>
        %unpack3A_241 = tpu.unpack_subelements %bitcast3A_239, 1 {pack_format = #tpu.pack_format<interleaved>} : vector<32xbf16> -> vector<16xf32>
        %get3A_242 = arith.index_cast %scan3A_156 : i32 to index
        %get3A_243 = arith.constant 96 : index
        %get3A_244 = tpu.vector_load %arg14[%get3A_242, %get3A_243] {strides = array<i32>} : memref<40x128xf32, #tpu.memory_space<vmem>>, vector<16xf32>,
        %bitcast3A_245 = vector.bitcast %get3A_244 : vector<16xf32> to vector<32xbf16>
        %unpack3A_246 = tpu.unpack_subelements %bitcast3A_245, 0 {pack_format = #tpu.pack_format<interleaved>} : vector<32xbf16> -> vector<16xf32>
        %unpack3A_247 = tpu.unpack_subelements %bitcast3A_245, 1 {pack_format = #tpu.pack_format<interleaved>} : vector<32xbf16> -> vector<16xf32>
        %sub3A_248 = arith.subf %unpack3A_228, %unpack3A_234 : vector<16xf32>
        %sub3A_249 = arith.subf %unpack3A_240, %unpack3A_246 : vector<16xf32>
        %mul3A_250 = arith.mulf %sub3A_248, %sub3A_249 : vector<16xf32>
        %swap3A_251 = arith.index_cast %scan3A_156 : i32 to index
        %swap3A_252 = arith.constant 64 : index
        %swap3A_253 = tpu.vector_load %arg16[%swap3A_251, %swap3A_252] {strides = array<i32>} : memref<40x128xf32, #tpu.memory_space<vmem>>, vector<16xf32>,
        tpu.vector_store %arg16[%swap3A_251, %swap3A_252], %mul3A_250 {strides = array<i32>} : memref<40x128xf32, #tpu.memory_space<vmem>>, vector<16xf32>,
        %sub3A_254 = arith.subf %unpack3A_229, %unpack3A_235 : vector<16xf32>
        %sub3A_255 = arith.subf %unpack3A_241, %unpack3A_247 : vector<16xf32>
        %mul3A_256 = arith.mulf %sub3A_254, %sub3A_255 : vector<16xf32>
        %swap3A_257 = arith.index_cast %scan3A_156 : i32 to index
        %swap3A_258 = arith.constant 80 : index
        %swap3A_259 = tpu.vector_load %arg16[%swap3A_257, %swap3A_258] {strides = array<i32>} : memref<40x128xf32, #tpu.memory_space<vmem>>, vector<16xf32>,
        tpu.vector_store %arg16[%swap3A_257, %swap3A_258], %mul3A_256 {strides = array<i32>} : memref<40x128xf32, #tpu.memory_space<vmem>>, vector<16xf32>,
        %get3A_260 = arith.index_cast %scan3A_156 : i32 to index
        %get3A_261 = arith.constant 48 : index
        %get3A_262 = tpu.vector_load %arg13[%get3A_260, %get3A_261] {strides = array<i32>} : memref<40x128xf32, #tpu.memory_space<vmem>>, vector<16xf32>,
        %bitcast3A_263 = vector.bitcast %get3A_262 : vector<16xf32> to vector<32xbf16>
        %unpack3A_264 = tpu.unpack_subelements %bitcast3A_263, 0 {pack_format = #tpu.pack_format<interleaved>} : vector<32xbf16> -> vector<16xf32>
        %unpack3A_265 = tpu.unpack_subelements %bitcast3A_263, 1 {pack_format = #tpu.pack_format<interleaved>} : vector<32xbf16> -> vector<16xf32>
        %get3A_266 = arith.index_cast %scan3A_156 : i32 to index
        %get3A_267 = arith.constant 48 : index
        %get3A_268 = tpu.vector_load %arg14[%get3A_266, %get3A_267] {strides = array<i32>} : memref<40x128xf32, #tpu.memory_space<vmem>>, vector<16xf32>,
        %bitcast3A_269 = vector.bitcast %get3A_268 : vector<16xf32> to vector<32xbf16>
        %unpack3A_270 = tpu.unpack_subelements %bitcast3A_269, 0 {pack_format = #tpu.pack_format<interleaved>} : vector<32xbf16> -> vector<16xf32>
        %unpack3A_271 = tpu.unpack_subelements %bitcast3A_269, 1 {pack_format = #tpu.pack_format<interleaved>} : vector<32xbf16> -> vector<16xf32>
        %get3A_272 = arith.index_cast %scan3A_156 : i32 to index
        %get3A_273 = arith.constant 112 : index
        %get3A_274 = tpu.vector_load %arg13[%get3A_272, %get3A_273] {strides = array<i32>} : memref<40x128xf32, #tpu.memory_space<vmem>>, vector<16xf32>,
        %bitcast3A_275 = vector.bitcast %get3A_274 : vector<16xf32> to vector<32xbf16>
        %unpack3A_276 = tpu.unpack_subelements %bitcast3A_275, 0 {pack_format = #tpu.pack_format<interleaved>} : vector<32xbf16> -> vector<16xf32>
        %unpack3A_277 = tpu.unpack_subelements %bitcast3A_275, 1 {pack_format = #tpu.pack_format<interleaved>} : vector<32xbf16> -> vector<16xf32>
        %get3A_278 = arith.index_cast %scan3A_156 : i32 to index
        %get3A_279 = arith.constant 112 : index
        %get3A_280 = tpu.vector_load %arg14[%get3A_278, %get3A_279] {strides = array<i32>} : memref<40x128xf32, #tpu.memory_space<vmem>>, vector<16xf32>,
        %bitcast3A_281 = vector.bitcast %get3A_280 : vector<16xf32> to vector<32xbf16>
        %unpack3A_282 = tpu.unpack_subelements %bitcast3A_281, 0 {pack_format = #tpu.pack_format<interleaved>} : vector<32xbf16> -> vector<16xf32>
        %unpack3A_283 = tpu.unpack_subelements %bitcast3A_281, 1 {pack_format = #tpu.pack_format<interleaved>} : vector<32xbf16> -> vector<16xf32>
        %sub3A_284 = arith.subf %unpack3A_264, %unpack3A_270 : vector<16xf32>
        %sub3A_285 = arith.subf %unpack3A_276, %unpack3A_282 : vector<16xf32>
        %mul3A_286 = arith.mulf %sub3A_284, %sub3A_285 : vector<16xf32>
        %swap3A_287 = arith.index_cast %scan3A_156 : i32 to index
        %swap3A_288 = arith.constant 96 : index
        %swap3A_289 = tpu.vector_load %arg16[%swap3A_287, %swap3A_288] {strides = array<i32>} : memref<40x128xf32, #tpu.memory_space<vmem>>, vector<16xf32>,
        tpu.vector_store %arg16[%swap3A_287, %swap3A_288], %mul3A_286 {strides = array<i32>} : memref<40x128xf32, #tpu.memory_space<vmem>>, vector<16xf32>,
        %sub3A_290 = arith.subf %unpack3A_265, %unpack3A_271 : vector<16xf32>
        %sub3A_291 = arith.subf %unpack3A_277, %unpack3A_283 : vector<16xf32>
        %mul3A_292 = arith.mulf %sub3A_290, %sub3A_291 : vector<16xf32>
        %swap3A_293 = arith.index_cast %scan3A_156 : i32 to index
        %swap3A_294 = arith.constant 112 : index
        %swap3A_295 = tpu.vector_load %arg16[%swap3A_293, %swap3A_294] {strides = array<i32>} : memref<40x128xf32, #tpu.memory_space<vmem>>, vector<16xf32>,
        tpu.vector_store %arg16[%swap3A_293, %swap3A_294], %mul3A_292 {strides = array<i32>} : memref<40x128xf32, #tpu.memory_space<vmem>>, vector<16xf32>,
      }
      %scan3A_143 = arith.constant 40 : i32
      %mul3A_144 = arith.constant 2 : i32
      %mul3A_145 = arith.muli %mul3A_144, %scan3A_48 : i32
      %add3A_146 = arith.constant 1 : i32
      %add3A_147 = arith.addi %mul3A_145, %add3A_146 : i32
      %mul3A_148 = arith.constant 40 : i32
      %mul3A_149 = arith.muli %add3A_147, %mul3A_148 : i32
      %add3A_150 = arith.addi %multiple_of3A, %mul3A_149 : i32
      %multiple_of3A_151 = tpu.assume_multiple %add3A_150, 8 : i32
      %dma_start3A_152 = arith.constant 0 : i32
      %dma_start3A_153 = tpu.memref_slice %arg5[%multiple_of3A_151, %dma_start3A_152] : memref<320000x128xf32, #tpu.memory_space<hbm>> -> memref<40x128xf32, #tpu.memory_space<hbm>>
      %dma_start3A_154 = arith.constant 0 : i32
      %dma_start3A_155 = tpu.memref_slice %arg5[%multiple_of3A_151, %dma_start3A_154] : memref<320000x128xf32, #tpu.memory_space<hbm>> -> memref<40x128xf32, #tpu.memory_space<hbm>>
      tpu.enqueue_dma source(%arg16 : memref<40x128xf32, #tpu.memory_space<vmem>>) target(%dma_start3A_155 : memref<40x128xf32, #tpu.memory_space<hbm>>) target_semaphore(%arg22 : memref<!tpu.dma_semaphore, #tpu.memory_space<semaphore_mem>>)
    }
    %scan3A_35 = arith.constant 125 : i32
    %dma_wait3A_36 = arith.constant 0 : i32
    %dma_wait3A_37 = arith.constant 0 : i32
    %dma_wait3A_38 = tpu.memref_slice %arg5[%dma_wait3A_36, %dma_wait3A_37] : memref<320000x128xf32, #tpu.memory_space<hbm>> -> memref<40x128xf32, #tpu.memory_space<hbm>>
    %dma_wait3A_39 = arith.constant 0 : i32
    %dma_wait3A_40 = arith.constant 0 : i32
    %dma_wait3A_41 = tpu.memref_slice %arg5[%dma_wait3A_39, %dma_wait3A_40] : memref<320000x128xf32, #tpu.memory_space<hbm>> -> memref<40x128xf32, #tpu.memory_space<hbm>>
    tpu.wait_dma2 semaphore(%arg21 : memref<!tpu.dma_semaphore, #tpu.memory_space<semaphore_mem>>) src(%arg15 : memref<40x128xf32, #tpu.memory_space<vmem>>) dst(%dma_wait3A_41 : memref<40x128xf32, #tpu.memory_space<hbm>>)
    %dma_wait3A_42 = arith.constant 0 : i32
    %dma_wait3A_43 = arith.constant 0 : i32
    %dma_wait3A_44 = tpu.memref_slice %arg5[%dma_wait3A_42, %dma_wait3A_43] : memref<320000x128xf32, #tpu.memory_space<hbm>> -> memref<40x128xf32, #tpu.memory_space<hbm>>
    %dma_wait3A_45 = arith.constant 0 : i32
    %dma_wait3A_46 = arith.constant 0 : i32
    %dma_wait3A_47 = tpu.memref_slice %arg5[%dma_wait3A_45, %dma_wait3A_46] : memref<320000x128xf32, #tpu.memory_space<hbm>> -> memref<40x128xf32, #tpu.memory_space<hbm>>
    tpu.wait_dma2 semaphore(%arg22 : memref<!tpu.dma_semaphore, #tpu.memory_space<semaphore_mem>>) src(%arg16 : memref<40x128xf32, #tpu.memory_space<vmem>>) dst(%dma_wait3A_47 : memref<40x128xf32, #tpu.memory_space<hbm>>)
    return
  }
}

#map = affine_map<(d0, d1) -> (0, 0)>
#map1 = affine_map<(d0, d1) -> (0)>
module attributes {stable_mosaic.version = 14 : i64} {
  func.func @k5(%arg0: i32, %arg1: i32, %arg2: memref<10000x128xf32, #tpu.memory_space<hbm>>, %arg3: memref<320008xi32, #tpu.memory_space<hbm>>, %arg4: memref<320008xf32, #tpu.memory_space<hbm>>, %arg5: memref<327680xi32, #tpu.memory_space<hbm>>, %arg6: memref<5120x128xf32, #tpu.memory_space<hbm>>, %arg7: memref<10000x128xf32, #tpu.memory_space<vmem_shared>>, %arg8: memref<5120xi32, #tpu.memory_space<vmem>>, %arg9: memref<64xi32, #tpu.memory_space<vmem>>, %arg10: memref<64xi32, #tpu.memory_space<vmem>>, %arg11: memref<64x128xf32, #tpu.memory_space<vmem>>, %arg12: memref<64x128xf32, #tpu.memory_space<vmem>>, %arg13: memref<64xf32, #tpu.memory_space<vmem>>, %arg14: memref<64xf32, #tpu.memory_space<vmem>>, %arg15: memref<160x128xf32, #tpu.memory_space<vmem>>, %arg16: memref<!tpu.dma_semaphore, #tpu.memory_space<semaphore_mem>>, %arg17: memref<!tpu.dma_semaphore, #tpu.memory_space<semaphore_mem>>) attributes {dimension_semantics = [#tpu.dimension_semantics<core_parallel>, #tpu.dimension_semantics<subcore_parallel>], iteration_bounds = array<i64: 2, 16>, scalar_prefetch = 0 : i64, scratch_operands = 11 : i64, tpu.core_type = #tpu.core_type<sc_vector_subcore>, window_params = [{transform_indices = #map}, {transform_indices = #map1}, {transform_indices = #map1}, {transform_indices = #map1}, {transform_indices = #map}]} {
    %mul3A = arith.constant 2 : i32
    %mul3A_0 = arith.muli %arg1, %mul3A : i32
    %add3A = arith.addi %mul3A_0, %arg0 : i32
    %mul3A_1 = arith.constant 160 : i32
    %mul3A_2 = arith.muli %add3A, %mul3A_1 : i32
    %multiple_of3A = tpu.assume_multiple %mul3A_2, 8 : i32
    %eq3A = arith.constant 0 : i32
    %eq3A_3 = arith.cmpi eq, %arg1, %eq3A : i32
    %convert_element_type3A = arith.extui %eq3A_3 : i1 to i32
    %cond3A = arith.constant 0 : i32
    %cond3A_4 = arith.cmpi ne, %convert_element_type3A, %cond3A : i32
    scf.if %cond3A_4 {
      "tpu.region"() ({
        %run_scoped3A = tpu.sem_alloc : memref<!tpu.dma_semaphore, #tpu.memory_space<semaphore_mem>>
        tpu.enqueue_dma source(%arg2 : memref<10000x128xf32, #tpu.memory_space<hbm>>) target(%arg7 : memref<10000x128xf32, #tpu.memory_space<vmem_shared>>) target_semaphore(%run_scoped3A : memref<!tpu.dma_semaphore, #tpu.memory_space<semaphore_mem>>)
        tpu.wait_dma2 semaphore(%run_scoped3A : memref<!tpu.dma_semaphore, #tpu.memory_space<semaphore_mem>>) src(%arg2 : memref<10000x128xf32, #tpu.memory_space<hbm>>) dst(%arg7 : memref<10000x128xf32, #tpu.memory_space<vmem_shared>>)
        tpu.yield
      }) : () -> ()
    } else {
    }
    %barrier3A = arith.constant 0 : index
    tpu.barrier barrier_id(%barrier3A)
    %mul3A_5 = arith.constant 160 : i32
    %mul3A_6 = arith.muli %add3A, %mul3A_5 : i32
    %add3A_7 = arith.constant 0 : i32
    %add3A_8 = arith.addi %add3A_7, %mul3A_6 : i32
    %mul3A_9 = arith.constant 32 : i32
    %mul3A_10 = arith.muli %add3A_8, %mul3A_9 : i32
    "tpu.region"() ({
      %run_scoped3A = tpu.sem_alloc : memref<!tpu.dma_semaphore, #tpu.memory_space<semaphore_mem>>
      %dma_start3A_41 = tpu.memref_slice %arg5[%mul3A_10] : memref<327680xi32, #tpu.memory_space<hbm>> -> memref<5120xi32, #tpu.memory_space<hbm>>
      %dma_start3A_42 = tpu.memref_slice %arg5[%mul3A_10] : memref<327680xi32, #tpu.memory_space<hbm>> -> memref<5120xi32, #tpu.memory_space<hbm>>
      tpu.enqueue_dma source(%dma_start3A_42 : memref<5120xi32, #tpu.memory_space<hbm>>) target(%arg8 : memref<5120xi32, #tpu.memory_space<vmem>>) target_semaphore(%run_scoped3A : memref<!tpu.dma_semaphore, #tpu.memory_space<semaphore_mem>>)
      %dma_wait3A_43 = tpu.memref_slice %arg5[%mul3A_10] : memref<327680xi32, #tpu.memory_space<hbm>> -> memref<5120xi32, #tpu.memory_space<hbm>>
      %dma_wait3A_44 = tpu.memref_slice %arg5[%mul3A_10] : memref<327680xi32, #tpu.memory_space<hbm>> -> memref<5120xi32, #tpu.memory_space<hbm>>
      tpu.wait_dma2 semaphore(%run_scoped3A : memref<!tpu.dma_semaphore, #tpu.memory_space<semaphore_mem>>) src(%dma_wait3A_44 : memref<5120xi32, #tpu.memory_space<hbm>>) dst(%arg8 : memref<5120xi32, #tpu.memory_space<vmem>>)
      tpu.yield
    }) : () -> ()
    %multiple_of3A_11 = arith.constant 0 : i32
    %multiple_of3A_12 = tpu.assume_multiple %multiple_of3A_11, 8 : i32
    %dma_start3A = tpu.memref_slice %arg8[%multiple_of3A_12] : memref<5120xi32, #tpu.memory_space<vmem>> -> memref<64xi32, #tpu.memory_space<vmem>>
    %dma_start3A_13 = arith.constant 0 : i32
    %dma_start3A_14 = tpu.memref_slice %arg3[%dma_start3A_13] : memref<320008xi32, #tpu.memory_space<hbm>> -> memref<320008xi32, #tpu.memory_space<hbm>>
    tpu.enqueue_indirect_dma source(%dma_start3A_14 : memref<320008xi32, #tpu.memory_space<hbm>>) target(%arg9 : memref<64xi32, #tpu.memory_space<vmem>>) offsets(%dma_start3A : memref<64xi32, #tpu.memory_space<vmem>>) semaphore(%arg16 : memref<!tpu.dma_semaphore, #tpu.memory_space<semaphore_mem>>)
    %dma_start3A_15 = tpu.memref_slice %arg8[%multiple_of3A_12] : memref<5120xi32, #tpu.memory_space<vmem>> -> memref<64xi32, #tpu.memory_space<vmem>>
    %dma_start3A_16 = arith.constant 0 : i32
    %dma_start3A_17 = tpu.memref_slice %arg4[%dma_start3A_16] : memref<320008xf32, #tpu.memory_space<hbm>> -> memref<320008xf32, #tpu.memory_space<hbm>>
    tpu.enqueue_indirect_dma source(%dma_start3A_17 : memref<320008xf32, #tpu.memory_space<hbm>>) target(%arg13 : memref<64xf32, #tpu.memory_space<vmem>>) offsets(%dma_start3A_15 : memref<64xi32, #tpu.memory_space<vmem>>) semaphore(%arg16 : memref<!tpu.dma_semaphore, #tpu.memory_space<semaphore_mem>>)
    %dma_wait3A = arith.constant 0 : i32
    %dma_wait3A_18 = tpu.memref_slice %arg3[%dma_wait3A] : memref<320008xi32, #tpu.memory_space<hbm>> -> memref<64xi32, #tpu.memory_space<hbm>>
    %dma_wait3A_19 = arith.constant 0 : i32
    %dma_wait3A_20 = tpu.memref_slice %arg3[%dma_wait3A_19] : memref<320008xi32, #tpu.memory_space<hbm>> -> memref<64xi32, #tpu.memory_space<hbm>>
    tpu.wait_dma2 semaphore(%arg16 : memref<!tpu.dma_semaphore, #tpu.memory_space<semaphore_mem>>) src(%dma_wait3A_20 : memref<64xi32, #tpu.memory_space<hbm>>) dst(%arg9 : memref<64xi32, #tpu.memory_space<vmem>>)
    %dma_wait3A_21 = arith.constant 0 : i32
    %dma_wait3A_22 = tpu.memref_slice %arg4[%dma_wait3A_21] : memref<320008xf32, #tpu.memory_space<hbm>> -> memref<64xf32, #tpu.memory_space<hbm>>
    %dma_wait3A_23 = arith.constant 0 : i32
    %dma_wait3A_24 = tpu.memref_slice %arg4[%dma_wait3A_23] : memref<320008xf32, #tpu.memory_space<hbm>> -> memref<64xf32, #tpu.memory_space<hbm>>
    tpu.wait_dma2 semaphore(%arg16 : memref<!tpu.dma_semaphore, #tpu.memory_space<semaphore_mem>>) src(%dma_wait3A_24 : memref<64xf32, #tpu.memory_space<hbm>>) dst(%arg13 : memref<64xf32, #tpu.memory_space<vmem>>)
    %dma_start3A_25 = arith.constant 0 : i32
    %dma_start3A_26 = arith.constant 0 : i32
    %dma_start3A_27 = tpu.memref_slice %arg7[%dma_start3A_25, %dma_start3A_26] : memref<10000x128xf32, #tpu.memory_space<vmem_shared>> -> memref<10000x128xf32, #tpu.memory_space<vmem_shared>>
    tpu.enqueue_indirect_dma source(%dma_start3A_27 : memref<10000x128xf32, #tpu.memory_space<vmem_shared>>) target(%arg11 : memref<64x128xf32, #tpu.memory_space<vmem>>) offsets(%arg9 : memref<64xi32, #tpu.memory_space<vmem>>) semaphore(%arg16 : memref<!tpu.dma_semaphore, #tpu.memory_space<semaphore_mem>>)
    %multiple_of3A_28 = arith.constant 64 : i32
    %multiple_of3A_29 = tpu.assume_multiple %multiple_of3A_28, 8 : i32
    %dma_start3A_30 = tpu.memref_slice %arg8[%multiple_of3A_29] : memref<5120xi32, #tpu.memory_space<vmem>> -> memref<64xi32, #tpu.memory_space<vmem>>
    %dma_start3A_31 = arith.constant 0 : i32
    %dma_start3A_32 = tpu.memref_slice %arg3[%dma_start3A_31] : memref<320008xi32, #tpu.memory_space<hbm>> -> memref<320008xi32, #tpu.memory_space<hbm>>
    tpu.enqueue_indirect_dma source(%dma_start3A_32 : memref<320008xi32, #tpu.memory_space<hbm>>) target(%arg10 : memref<64xi32, #tpu.memory_space<vmem>>) offsets(%dma_start3A_30 : memref<64xi32, #tpu.memory_space<vmem>>) semaphore(%arg17 : memref<!tpu.dma_semaphore, #tpu.memory_space<semaphore_mem>>)
    %dma_start3A_33 = tpu.memref_slice %arg8[%multiple_of3A_29] : memref<5120xi32, #tpu.memory_space<vmem>> -> memref<64xi32, #tpu.memory_space<vmem>>
    %dma_start3A_34 = arith.constant 0 : i32
    %dma_start3A_35 = tpu.memref_slice %arg4[%dma_start3A_34] : memref<320008xf32, #tpu.memory_space<hbm>> -> memref<320008xf32, #tpu.memory_space<hbm>>
    tpu.enqueue_indirect_dma source(%dma_start3A_35 : memref<320008xf32, #tpu.memory_space<hbm>>) target(%arg14 : memref<64xf32, #tpu.memory_space<vmem>>) offsets(%dma_start3A_33 : memref<64xi32, #tpu.memory_space<vmem>>) semaphore(%arg17 : memref<!tpu.dma_semaphore, #tpu.memory_space<semaphore_mem>>)
    %scan3A = arith.constant 0 : i32
    %scan3A_36 = arith.constant 0 : i32
    %scan3A_37 = arith.constant 40 : i32
    %scan3A_38 = arith.addi %scan3A_36, %scan3A_37 : i32
    %scan3A_39 = arith.constant 1 : i32
    scf.for %scan3A_41 = %scan3A_36 to %scan3A_38 step %scan3A_39  : i32 {
      %dma_wait3A_42 = arith.constant 0 : i32
      %dma_wait3A_43 = tpu.memref_slice %arg3[%dma_wait3A_42] : memref<320008xi32, #tpu.memory_space<hbm>> -> memref<64xi32, #tpu.memory_space<hbm>>
      %dma_wait3A_44 = arith.constant 0 : i32
      %dma_wait3A_45 = tpu.memref_slice %arg3[%dma_wait3A_44] : memref<320008xi32, #tpu.memory_space<hbm>> -> memref<64xi32, #tpu.memory_space<hbm>>
      tpu.wait_dma2 semaphore(%arg17 : memref<!tpu.dma_semaphore, #tpu.memory_space<semaphore_mem>>) src(%dma_wait3A_45 : memref<64xi32, #tpu.memory_space<hbm>>) dst(%arg10 : memref<64xi32, #tpu.memory_space<vmem>>)
      %dma_wait3A_46 = arith.constant 0 : i32
      %dma_wait3A_47 = tpu.memref_slice %arg4[%dma_wait3A_46] : memref<320008xf32, #tpu.memory_space<hbm>> -> memref<64xf32, #tpu.memory_space<hbm>>
      %dma_wait3A_48 = arith.constant 0 : i32
      %dma_wait3A_49 = tpu.memref_slice %arg4[%dma_wait3A_48] : memref<320008xf32, #tpu.memory_space<hbm>> -> memref<64xf32, #tpu.memory_space<hbm>>
      tpu.wait_dma2 semaphore(%arg17 : memref<!tpu.dma_semaphore, #tpu.memory_space<semaphore_mem>>) src(%dma_wait3A_49 : memref<64xf32, #tpu.memory_space<hbm>>) dst(%arg14 : memref<64xf32, #tpu.memory_space<vmem>>)
      %dma_start3A_50 = arith.constant 0 : i32
      %dma_start3A_51 = arith.constant 0 : i32
      %dma_start3A_52 = tpu.memref_slice %arg7[%dma_start3A_50, %dma_start3A_51] : memref<10000x128xf32, #tpu.memory_space<vmem_shared>> -> memref<10000x128xf32, #tpu.memory_space<vmem_shared>>
      tpu.enqueue_indirect_dma source(%dma_start3A_52 : memref<10000x128xf32, #tpu.memory_space<vmem_shared>>) target(%arg12 : memref<64x128xf32, #tpu.memory_space<vmem>>) offsets(%arg10 : memref<64xi32, #tpu.memory_space<vmem>>) semaphore(%arg17 : memref<!tpu.dma_semaphore, #tpu.memory_space<semaphore_mem>>)
      %dma_wait3A_53 = arith.constant 0 : i32
      %dma_wait3A_54 = arith.constant 0 : i32
      %dma_wait3A_55 = tpu.memref_slice %arg7[%dma_wait3A_53, %dma_wait3A_54] : memref<10000x128xf32, #tpu.memory_space<vmem_shared>> -> memref<64x128xf32, #tpu.memory_space<vmem_shared>>
      %dma_wait3A_56 = arith.constant 0 : i32
      %dma_wait3A_57 = arith.constant 0 : i32
      %dma_wait3A_58 = tpu.memref_slice %arg7[%dma_wait3A_56, %dma_wait3A_57] : memref<10000x128xf32, #tpu.memory_space<vmem_shared>> -> memref<64x128xf32, #tpu.memory_space<vmem_shared>>
      tpu.wait_dma2 semaphore(%arg16 : memref<!tpu.dma_semaphore, #tpu.memory_space<semaphore_mem>>) src(%dma_wait3A_58 : memref<64x128xf32, #tpu.memory_space<vmem_shared>>) dst(%arg11 : memref<64x128xf32, #tpu.memory_space<vmem>>)
      %mul3A_59 = arith.constant 2 : i32
      %mul3A_60 = arith.muli %mul3A_59, %scan3A_41 : i32
      %mul3A_61 = arith.constant 2 : i32
      %mul3A_62 = arith.muli %mul3A_60, %mul3A_61 : i32
      %add3A_63 = arith.constant 0 : i32
      %add3A_64 = arith.addi %mul3A_62, %add3A_63 : i32
      %broadcast_in_dim3A = arith.constant 0 : i32
      %broadcast_in_dim3A_65 = vector.broadcast %broadcast_in_dim3A : i32 to vector<16xi32>
      %gather3A = tpu.vector_load_idx %arg13[%broadcast_in_dim3A_65] : memref<64xf32, #tpu.memory_space<vmem>>[vector<16xi32>], vector<16xf32>,
      %get3A = arith.constant 0 : i32
      %get3A_66 = arith.index_cast %get3A : i32 to index
      %get3A_67 = arith.constant 0 : index
      %get3A_68 = tpu.vector_load %arg11[%get3A_66, %get3A_67] {strides = array<i32>} : memref<64x128xf32, #tpu.memory_space<vmem>>, vector<16xf32>,
      %mul3A_69 = arith.mulf %get3A_68, %gather3A : vector<16xf32>
      %get3A_70 = arith.constant 0 : i32
      %get3A_71 = arith.index_cast %get3A_70 : i32 to index
      %get3A_72 = arith.constant 16 : index
      %get3A_73 = tpu.vector_load %arg11[%get3A_71, %get3A_72] {strides = array<i32>} : memref<64x128xf32, #tpu.memory_space<vmem>>, vector<16xf32>,
      %mul3A_74 = arith.mulf %get3A_73, %gather3A : vector<16xf32>
      %get3A_75 = arith.constant 0 : i32
      %get3A_76 = arith.index_cast %get3A_75 : i32 to index
      %get3A_77 = arith.constant 32 : index
      %get3A_78 = tpu.vector_load %arg11[%get3A_76, %get3A_77] {strides = array<i32>} : memref<64x128xf32, #tpu.memory_space<vmem>>, vector<16xf32>,
      %mul3A_79 = arith.mulf %get3A_78, %gather3A : vector<16xf32>
      %get3A_80 = arith.constant 0 : i32
      %get3A_81 = arith.index_cast %get3A_80 : i32 to index
      %get3A_82 = arith.constant 48 : index
      %get3A_83 = tpu.vector_load %arg11[%get3A_81, %get3A_82] {strides = array<i32>} : memref<64x128xf32, #tpu.memory_space<vmem>>, vector<16xf32>,
      %mul3A_84 = arith.mulf %get3A_83, %gather3A : vector<16xf32>
      %get3A_85 = arith.constant 0 : i32
      %get3A_86 = arith.index_cast %get3A_85 : i32 to index
      %get3A_87 = arith.constant 64 : index
      %get3A_88 = tpu.vector_load %arg11[%get3A_86, %get3A_87] {strides = array<i32>} : memref<64x128xf32, #tpu.memory_space<vmem>>, vector<16xf32>,
      %mul3A_89 = arith.mulf %get3A_88, %gather3A : vector<16xf32>
      %get3A_90 = arith.constant 0 : i32
      %get3A_91 = arith.index_cast %get3A_90 : i32 to index
      %get3A_92 = arith.constant 80 : index
      %get3A_93 = tpu.vector_load %arg11[%get3A_91, %get3A_92] {strides = array<i32>} : memref<64x128xf32, #tpu.memory_space<vmem>>, vector<16xf32>,
      %mul3A_94 = arith.mulf %get3A_93, %gather3A : vector<16xf32>
      %get3A_95 = arith.constant 0 : i32
      %get3A_96 = arith.index_cast %get3A_95 : i32 to index
      %get3A_97 = arith.constant 96 : index
      %get3A_98 = tpu.vector_load %arg11[%get3A_96, %get3A_97] {strides = array<i32>} : memref<64x128xf32, #tpu.memory_space<vmem>>, vector<16xf32>,
      %mul3A_99 = arith.mulf %get3A_98, %gather3A : vector<16xf32>
      %get3A_100 = arith.constant 0 : i32
      %get3A_101 = arith.index_cast %get3A_100 : i32 to index
      %get3A_102 = arith.constant 112 : index
      %get3A_103 = tpu.vector_load %arg11[%get3A_101, %get3A_102] {strides = array<i32>} : memref<64x128xf32, #tpu.memory_space<vmem>>, vector<16xf32>,
      %mul3A_104 = arith.mulf %get3A_103, %gather3A : vector<16xf32>
      %scan3A_105 = arith.constant 1 : i32
      %scan3A_106 = arith.constant 31 : i32
      %scan3A_107 = arith.addi %scan3A_105, %scan3A_106 : i32
      %scan3A_108 = arith.constant 1 : i32
      %scan3A_109:8 = scf.for %scan3A_401 = %scan3A_105 to %scan3A_107 step %scan3A_108 iter_args(%scan3A_402 = %mul3A_69, %scan3A_403 = %mul3A_74, %scan3A_404 = %mul3A_79, %scan3A_405 = %mul3A_84, %scan3A_406 = %mul3A_89, %scan3A_407 = %mul3A_94, %scan3A_408 = %mul3A_99, %scan3A_409 = %mul3A_104) -> (vector<16xf32>, vector<16xf32>, vector<16xf32>, vector<16xf32>, vector<16xf32>, vector<16xf32>, vector<16xf32>, vector<16xf32>)  : i32 {
        %add3A_410 = arith.constant 0 : i32
        %add3A_411 = arith.addi %add3A_410, %scan3A_401 : i32
        %broadcast_in_dim3A_412 = vector.broadcast %add3A_411 : i32 to vector<16xi32>
        %gather3A_413 = tpu.vector_load_idx %arg13[%broadcast_in_dim3A_412] : memref<64xf32, #tpu.memory_space<vmem>>[vector<16xi32>], vector<16xf32>,
        %add3A_414 = arith.constant 0 : i32
        %add3A_415 = arith.addi %add3A_414, %scan3A_401 : i32
        %get3A_416 = arith.index_cast %add3A_415 : i32 to index
        %get3A_417 = arith.constant 0 : index
        %get3A_418 = tpu.vector_load %arg11[%get3A_416, %get3A_417] {strides = array<i32>} : memref<64x128xf32, #tpu.memory_space<vmem>>, vector<16xf32>,
        %mul3A_419 = arith.mulf %get3A_418, %gather3A_413 : vector<16xf32>
        %add3A_420 = arith.addf %scan3A_402, %mul3A_419 : vector<16xf32>
        %add3A_421 = arith.constant 0 : i32
        %add3A_422 = arith.addi %add3A_421, %scan3A_401 : i32
        %get3A_423 = arith.index_cast %add3A_422 : i32 to index
        %get3A_424 = arith.constant 16 : index
        %get3A_425 = tpu.vector_load %arg11[%get3A_423, %get3A_424] {strides = array<i32>} : memref<64x128xf32, #tpu.memory_space<vmem>>, vector<16xf32>,
        %mul3A_426 = arith.mulf %get3A_425, %gather3A_413 : vector<16xf32>
        %add3A_427 = arith.addf %scan3A_403, %mul3A_426 : vector<16xf32>
        %add3A_428 = arith.constant 0 : i32
        %add3A_429 = arith.addi %add3A_428, %scan3A_401 : i32
        %get3A_430 = arith.index_cast %add3A_429 : i32 to index
        %get3A_431 = arith.constant 32 : index
        %get3A_432 = tpu.vector_load %arg11[%get3A_430, %get3A_431] {strides = array<i32>} : memref<64x128xf32, #tpu.memory_space<vmem>>, vector<16xf32>,
        %mul3A_433 = arith.mulf %get3A_432, %gather3A_413 : vector<16xf32>
        %add3A_434 = arith.addf %scan3A_404, %mul3A_433 : vector<16xf32>
        %add3A_435 = arith.constant 0 : i32
        %add3A_436 = arith.addi %add3A_435, %scan3A_401 : i32
        %get3A_437 = arith.index_cast %add3A_436 : i32 to index
        %get3A_438 = arith.constant 48 : index
        %get3A_439 = tpu.vector_load %arg11[%get3A_437, %get3A_438] {strides = array<i32>} : memref<64x128xf32, #tpu.memory_space<vmem>>, vector<16xf32>,
        %mul3A_440 = arith.mulf %get3A_439, %gather3A_413 : vector<16xf32>
        %add3A_441 = arith.addf %scan3A_405, %mul3A_440 : vector<16xf32>
        %add3A_442 = arith.constant 0 : i32
        %add3A_443 = arith.addi %add3A_442, %scan3A_401 : i32
        %get3A_444 = arith.index_cast %add3A_443 : i32 to index
        %get3A_445 = arith.constant 64 : index
        %get3A_446 = tpu.vector_load %arg11[%get3A_444, %get3A_445] {strides = array<i32>} : memref<64x128xf32, #tpu.memory_space<vmem>>, vector<16xf32>,
        %mul3A_447 = arith.mulf %get3A_446, %gather3A_413 : vector<16xf32>
        %add3A_448 = arith.addf %scan3A_406, %mul3A_447 : vector<16xf32>
        %add3A_449 = arith.constant 0 : i32
        %add3A_450 = arith.addi %add3A_449, %scan3A_401 : i32
        %get3A_451 = arith.index_cast %add3A_450 : i32 to index
        %get3A_452 = arith.constant 80 : index
        %get3A_453 = tpu.vector_load %arg11[%get3A_451, %get3A_452] {strides = array<i32>} : memref<64x128xf32, #tpu.memory_space<vmem>>, vector<16xf32>,
        %mul3A_454 = arith.mulf %get3A_453, %gather3A_413 : vector<16xf32>
        %add3A_455 = arith.addf %scan3A_407, %mul3A_454 : vector<16xf32>
        %add3A_456 = arith.constant 0 : i32
        %add3A_457 = arith.addi %add3A_456, %scan3A_401 : i32
        %get3A_458 = arith.index_cast %add3A_457 : i32 to index
        %get3A_459 = arith.constant 96 : index
        %get3A_460 = tpu.vector_load %arg11[%get3A_458, %get3A_459] {strides = array<i32>} : memref<64x128xf32, #tpu.memory_space<vmem>>, vector<16xf32>,
        %mul3A_461 = arith.mulf %get3A_460, %gather3A_413 : vector<16xf32>
        %add3A_462 = arith.addf %scan3A_408, %mul3A_461 : vector<16xf32>
        %add3A_463 = arith.constant 0 : i32
        %add3A_464 = arith.addi %add3A_463, %scan3A_401 : i32
        %get3A_465 = arith.index_cast %add3A_464 : i32 to index
        %get3A_466 = arith.constant 112 : index
        %get3A_467 = tpu.vector_load %arg11[%get3A_465, %get3A_466] {strides = array<i32>} : memref<64x128xf32, #tpu.memory_space<vmem>>, vector<16xf32>,
        %mul3A_468 = arith.mulf %get3A_467, %gather3A_413 : vector<16xf32>
        %add3A_469 = arith.addf %scan3A_409, %mul3A_468 : vector<16xf32>
        scf.yield %add3A_420, %add3A_427, %add3A_434, %add3A_441, %add3A_448, %add3A_455, %add3A_462, %add3A_469 : vector<16xf32>, vector<16xf32>, vector<16xf32>, vector<16xf32>, vector<16xf32>, vector<16xf32>, vector<16xf32>, vector<16xf32>
      }
      %scan3A_110 = arith.constant 31 : i32
      %swap3A = arith.index_cast %add3A_64 : i32 to index
      %swap3A_111 = arith.constant 0 : index
      %swap3A_112 = tpu.vector_load %arg15[%swap3A, %swap3A_111] {strides = array<i32>} : memref<160x128xf32, #tpu.memory_space<vmem>>, vector<16xf32>,
      tpu.vector_store %arg15[%swap3A, %swap3A_111], %scan3A_109#0 {strides = array<i32>} : memref<160x128xf32, #tpu.memory_space<vmem>>, vector<16xf32>,
      %swap3A_113 = arith.index_cast %add3A_64 : i32 to index
      %swap3A_114 = arith.constant 16 : index
      %swap3A_115 = tpu.vector_load %arg15[%swap3A_113, %swap3A_114] {strides = array<i32>} : memref<160x128xf32, #tpu.memory_space<vmem>>, vector<16xf32>,
      tpu.vector_store %arg15[%swap3A_113, %swap3A_114], %scan3A_109#1 {strides = array<i32>} : memref<160x128xf32, #tpu.memory_space<vmem>>, vector<16xf32>,
      %swap3A_116 = arith.index_cast %add3A_64 : i32 to index
      %swap3A_117 = arith.constant 32 : index
      %swap3A_118 = tpu.vector_load %arg15[%swap3A_116, %swap3A_117] {strides = array<i32>} : memref<160x128xf32, #tpu.memory_space<vmem>>, vector<16xf32>,
      tpu.vector_store %arg15[%swap3A_116, %swap3A_117], %scan3A_109#2 {strides = array<i32>} : memref<160x128xf32, #tpu.memory_space<vmem>>, vector<16xf32>,
      %swap3A_119 = arith.index_cast %add3A_64 : i32 to index
      %swap3A_120 = arith.constant 48 : index
      %swap3A_121 = tpu.vector_load %arg15[%swap3A_119, %swap3A_120] {strides = array<i32>} : memref<160x128xf32, #tpu.memory_space<vmem>>, vector<16xf32>,
      tpu.vector_store %arg15[%swap3A_119, %swap3A_120], %scan3A_109#3 {strides = array<i32>} : memref<160x128xf32, #tpu.memory_space<vmem>>, vector<16xf32>,
      %swap3A_122 = arith.index_cast %add3A_64 : i32 to index
      %swap3A_123 = arith.constant 64 : index
      %swap3A_124 = tpu.vector_load %arg15[%swap3A_122, %swap3A_123] {strides = array<i32>} : memref<160x128xf32, #tpu.memory_space<vmem>>, vector<16xf32>,
      tpu.vector_store %arg15[%swap3A_122, %swap3A_123], %scan3A_109#4 {strides = array<i32>} : memref<160x128xf32, #tpu.memory_space<vmem>>, vector<16xf32>,
      %swap3A_125 = arith.index_cast %add3A_64 : i32 to index
      %swap3A_126 = arith.constant 80 : index
      %swap3A_127 = tpu.vector_load %arg15[%swap3A_125, %swap3A_126] {strides = array<i32>} : memref<160x128xf32, #tpu.memory_space<vmem>>, vector<16xf32>,
      tpu.vector_store %arg15[%swap3A_125, %swap3A_126], %scan3A_109#5 {strides = array<i32>} : memref<160x128xf32, #tpu.memory_space<vmem>>, vector<16xf32>,
      %swap3A_128 = arith.index_cast %add3A_64 : i32 to index
      %swap3A_129 = arith.constant 96 : index
      %swap3A_130 = tpu.vector_load %arg15[%swap3A_128, %swap3A_129] {strides = array<i32>} : memref<160x128xf32, #tpu.memory_space<vmem>>, vector<16xf32>,
      tpu.vector_store %arg15[%swap3A_128, %swap3A_129], %scan3A_109#6 {strides = array<i32>} : memref<160x128xf32, #tpu.memory_space<vmem>>, vector<16xf32>,
      %swap3A_131 = arith.index_cast %add3A_64 : i32 to index
      %swap3A_132 = arith.constant 112 : index
      %swap3A_133 = tpu.vector_load %arg15[%swap3A_131, %swap3A_132] {strides = array<i32>} : memref<160x128xf32, #tpu.memory_space<vmem>>, vector<16xf32>,
      tpu.vector_store %arg15[%swap3A_131, %swap3A_132], %scan3A_109#7 {strides = array<i32>} : memref<160x128xf32, #tpu.memory_space<vmem>>, vector<16xf32>,
      %mul3A_134 = arith.constant 2 : i32
      %mul3A_135 = arith.muli %mul3A_60, %mul3A_134 : i32
      %add3A_136 = arith.constant 1 : i32
      %add3A_137 = arith.addi %mul3A_135, %add3A_136 : i32
      %broadcast_in_dim3A_138 = arith.constant 32 : i32
      %broadcast_in_dim3A_139 = vector.broadcast %broadcast_in_dim3A_138 : i32 to vector<16xi32>
      %gather3A_140 = tpu.vector_load_idx %arg13[%broadcast_in_dim3A_139] : memref<64xf32, #tpu.memory_space<vmem>>[vector<16xi32>], vector<16xf32>,
      %get3A_141 = arith.constant 32 : i32
      %get3A_142 = arith.index_cast %get3A_141 : i32 to index
      %get3A_143 = arith.constant 0 : index
      %get3A_144 = tpu.vector_load %arg11[%get3A_142, %get3A_143] {strides = array<i32>} : memref<64x128xf32, #tpu.memory_space<vmem>>, vector<16xf32>,
      %mul3A_145 = arith.mulf %get3A_144, %gather3A_140 : vector<16xf32>
      %get3A_146 = arith.constant 32 : i32
      %get3A_147 = arith.index_cast %get3A_146 : i32 to index
      %get3A_148 = arith.constant 16 : index
      %get3A_149 = tpu.vector_load %arg11[%get3A_147, %get3A_148] {strides = array<i32>} : memref<64x128xf32, #tpu.memory_space<vmem>>, vector<16xf32>,
      %mul3A_150 = arith.mulf %get3A_149, %gather3A_140 : vector<16xf32>
      %get3A_151 = arith.constant 32 : i32
      %get3A_152 = arith.index_cast %get3A_151 : i32 to index
      %get3A_153 = arith.constant 32 : index
      %get3A_154 = tpu.vector_load %arg11[%get3A_152, %get3A_153] {strides = array<i32>} : memref<64x128xf32, #tpu.memory_space<vmem>>, vector<16xf32>,
      %mul3A_155 = arith.mulf %get3A_154, %gather3A_140 : vector<16xf32>
      %get3A_156 = arith.constant 32 : i32
      %get3A_157 = arith.index_cast %get3A_156 : i32 to index
      %get3A_158 = arith.constant 48 : index
      %get3A_159 = tpu.vector_load %arg11[%get3A_157, %get3A_158] {strides = array<i32>} : memref<64x128xf32, #tpu.memory_space<vmem>>, vector<16xf32>,
      %mul3A_160 = arith.mulf %get3A_159, %gather3A_140 : vector<16xf32>
      %get3A_161 = arith.constant 32 : i32
      %get3A_162 = arith.index_cast %get3A_161 : i32 to index
      %get3A_163 = arith.constant 64 : index
      %get3A_164 = tpu.vector_load %arg11[%get3A_162, %get3A_163] {strides = array<i32>} : memref<64x128xf32, #tpu.memory_space<vmem>>, vector<16xf32>,
      %mul3A_165 = arith.mulf %get3A_164, %gather3A_140 : vector<16xf32>
      %get3A_166 = arith.constant 32 : i32
      %get3A_167 = arith.index_cast %get3A_166 : i32 to index
      %get3A_168 = arith.constant 80 : index
      %get3A_169 = tpu.vector_load %arg11[%get3A_167, %get3A_168] {strides = array<i32>} : memref<64x128xf32, #tpu.memory_space<vmem>>, vector<16xf32>,
      %mul3A_170 = arith.mulf %get3A_169, %gather3A_140 : vector<16xf32>
      %get3A_171 = arith.constant 32 : i32
      %get3A_172 = arith.index_cast %get3A_171 : i32 to index
      %get3A_173 = arith.constant 96 : index
      %get3A_174 = tpu.vector_load %arg11[%get3A_172, %get3A_173] {strides = array<i32>} : memref<64x128xf32, #tpu.memory_space<vmem>>, vector<16xf32>,
      %mul3A_175 = arith.mulf %get3A_174, %gather3A_140 : vector<16xf32>
      %get3A_176 = arith.constant 32 : i32
      %get3A_177 = arith.index_cast %get3A_176 : i32 to index
      %get3A_178 = arith.constant 112 : index
      %get3A_179 = tpu.vector_load %arg11[%get3A_177, %get3A_178] {strides = array<i32>} : memref<64x128xf32, #tpu.memory_space<vmem>>, vector<16xf32>,
      %mul3A_180 = arith.mulf %get3A_179, %gather3A_140 : vector<16xf32>
      %scan3A_181 = arith.constant 1 : i32
      %scan3A_182 = arith.constant 31 : i32
      %scan3A_183 = arith.addi %scan3A_181, %scan3A_182 : i32
      %scan3A_184 = arith.constant 1 : i32
      %scan3A_185:8 = scf.for %scan3A_401 = %scan3A_181 to %scan3A_183 step %scan3A_184 iter_args(%scan3A_402 = %mul3A_145, %scan3A_403 = %mul3A_150, %scan3A_404 = %mul3A_155, %scan3A_405 = %mul3A_160, %scan3A_406 = %mul3A_165, %scan3A_407 = %mul3A_170, %scan3A_408 = %mul3A_175, %scan3A_409 = %mul3A_180) -> (vector<16xf32>, vector<16xf32>, vector<16xf32>, vector<16xf32>, vector<16xf32>, vector<16xf32>, vector<16xf32>, vector<16xf32>)  : i32 {
        %add3A_410 = arith.constant 32 : i32
        %add3A_411 = arith.addi %add3A_410, %scan3A_401 : i32
        %broadcast_in_dim3A_412 = vector.broadcast %add3A_411 : i32 to vector<16xi32>
        %gather3A_413 = tpu.vector_load_idx %arg13[%broadcast_in_dim3A_412] : memref<64xf32, #tpu.memory_space<vmem>>[vector<16xi32>], vector<16xf32>,
        %add3A_414 = arith.constant 32 : i32
        %add3A_415 = arith.addi %add3A_414, %scan3A_401 : i32
        %get3A_416 = arith.index_cast %add3A_415 : i32 to index
        %get3A_417 = arith.constant 0 : index
        %get3A_418 = tpu.vector_load %arg11[%get3A_416, %get3A_417] {strides = array<i32>} : memref<64x128xf32, #tpu.memory_space<vmem>>, vector<16xf32>,
        %mul3A_419 = arith.mulf %get3A_418, %gather3A_413 : vector<16xf32>
        %add3A_420 = arith.addf %scan3A_402, %mul3A_419 : vector<16xf32>
        %add3A_421 = arith.constant 32 : i32
        %add3A_422 = arith.addi %add3A_421, %scan3A_401 : i32
        %get3A_423 = arith.index_cast %add3A_422 : i32 to index
        %get3A_424 = arith.constant 16 : index
        %get3A_425 = tpu.vector_load %arg11[%get3A_423, %get3A_424] {strides = array<i32>} : memref<64x128xf32, #tpu.memory_space<vmem>>, vector<16xf32>,
        %mul3A_426 = arith.mulf %get3A_425, %gather3A_413 : vector<16xf32>
        %add3A_427 = arith.addf %scan3A_403, %mul3A_426 : vector<16xf32>
        %add3A_428 = arith.constant 32 : i32
        %add3A_429 = arith.addi %add3A_428, %scan3A_401 : i32
        %get3A_430 = arith.index_cast %add3A_429 : i32 to index
        %get3A_431 = arith.constant 32 : index
        %get3A_432 = tpu.vector_load %arg11[%get3A_430, %get3A_431] {strides = array<i32>} : memref<64x128xf32, #tpu.memory_space<vmem>>, vector<16xf32>,
        %mul3A_433 = arith.mulf %get3A_432, %gather3A_413 : vector<16xf32>
        %add3A_434 = arith.addf %scan3A_404, %mul3A_433 : vector<16xf32>
        %add3A_435 = arith.constant 32 : i32
        %add3A_436 = arith.addi %add3A_435, %scan3A_401 : i32
        %get3A_437 = arith.index_cast %add3A_436 : i32 to index
        %get3A_438 = arith.constant 48 : index
        %get3A_439 = tpu.vector_load %arg11[%get3A_437, %get3A_438] {strides = array<i32>} : memref<64x128xf32, #tpu.memory_space<vmem>>, vector<16xf32>,
        %mul3A_440 = arith.mulf %get3A_439, %gather3A_413 : vector<16xf32>
        %add3A_441 = arith.addf %scan3A_405, %mul3A_440 : vector<16xf32>
        %add3A_442 = arith.constant 32 : i32
        %add3A_443 = arith.addi %add3A_442, %scan3A_401 : i32
        %get3A_444 = arith.index_cast %add3A_443 : i32 to index
        %get3A_445 = arith.constant 64 : index
        %get3A_446 = tpu.vector_load %arg11[%get3A_444, %get3A_445] {strides = array<i32>} : memref<64x128xf32, #tpu.memory_space<vmem>>, vector<16xf32>,
        %mul3A_447 = arith.mulf %get3A_446, %gather3A_413 : vector<16xf32>
        %add3A_448 = arith.addf %scan3A_406, %mul3A_447 : vector<16xf32>
        %add3A_449 = arith.constant 32 : i32
        %add3A_450 = arith.addi %add3A_449, %scan3A_401 : i32
        %get3A_451 = arith.index_cast %add3A_450 : i32 to index
        %get3A_452 = arith.constant 80 : index
        %get3A_453 = tpu.vector_load %arg11[%get3A_451, %get3A_452] {strides = array<i32>} : memref<64x128xf32, #tpu.memory_space<vmem>>, vector<16xf32>,
        %mul3A_454 = arith.mulf %get3A_453, %gather3A_413 : vector<16xf32>
        %add3A_455 = arith.addf %scan3A_407, %mul3A_454 : vector<16xf32>
        %add3A_456 = arith.constant 32 : i32
        %add3A_457 = arith.addi %add3A_456, %scan3A_401 : i32
        %get3A_458 = arith.index_cast %add3A_457 : i32 to index
        %get3A_459 = arith.constant 96 : index
        %get3A_460 = tpu.vector_load %arg11[%get3A_458, %get3A_459] {strides = array<i32>} : memref<64x128xf32, #tpu.memory_space<vmem>>, vector<16xf32>,
        %mul3A_461 = arith.mulf %get3A_460, %gather3A_413 : vector<16xf32>
        %add3A_462 = arith.addf %scan3A_408, %mul3A_461 : vector<16xf32>
        %add3A_463 = arith.constant 32 : i32
        %add3A_464 = arith.addi %add3A_463, %scan3A_401 : i32
        %get3A_465 = arith.index_cast %add3A_464 : i32 to index
        %get3A_466 = arith.constant 112 : index
        %get3A_467 = tpu.vector_load %arg11[%get3A_465, %get3A_466] {strides = array<i32>} : memref<64x128xf32, #tpu.memory_space<vmem>>, vector<16xf32>,
        %mul3A_468 = arith.mulf %get3A_467, %gather3A_413 : vector<16xf32>
        %add3A_469 = arith.addf %scan3A_409, %mul3A_468 : vector<16xf32>
        scf.yield %add3A_420, %add3A_427, %add3A_434, %add3A_441, %add3A_448, %add3A_455, %add3A_462, %add3A_469 : vector<16xf32>, vector<16xf32>, vector<16xf32>, vector<16xf32>, vector<16xf32>, vector<16xf32>, vector<16xf32>, vector<16xf32>
      }
      %scan3A_186 = arith.constant 31 : i32
      %swap3A_187 = arith.index_cast %add3A_137 : i32 to index
      %swap3A_188 = arith.constant 0 : index
      %swap3A_189 = tpu.vector_load %arg15[%swap3A_187, %swap3A_188] {strides = array<i32>} : memref<160x128xf32, #tpu.memory_space<vmem>>, vector<16xf32>,
      tpu.vector_store %arg15[%swap3A_187, %swap3A_188], %scan3A_185#0 {strides = array<i32>} : memref<160x128xf32, #tpu.memory_space<vmem>>, vector<16xf32>,
      %swap3A_190 = arith.index_cast %add3A_137 : i32 to index
      %swap3A_191 = arith.constant 16 : index
      %swap3A_192 = tpu.vector_load %arg15[%swap3A_190, %swap3A_191] {strides = array<i32>} : memref<160x128xf32, #tpu.memory_space<vmem>>, vector<16xf32>,
      tpu.vector_store %arg15[%swap3A_190, %swap3A_191], %scan3A_185#1 {strides = array<i32>} : memref<160x128xf32, #tpu.memory_space<vmem>>, vector<16xf32>,
      %swap3A_193 = arith.index_cast %add3A_137 : i32 to index
      %swap3A_194 = arith.constant 32 : index
      %swap3A_195 = tpu.vector_load %arg15[%swap3A_193, %swap3A_194] {strides = array<i32>} : memref<160x128xf32, #tpu.memory_space<vmem>>, vector<16xf32>,
      tpu.vector_store %arg15[%swap3A_193, %swap3A_194], %scan3A_185#2 {strides = array<i32>} : memref<160x128xf32, #tpu.memory_space<vmem>>, vector<16xf32>,
      %swap3A_196 = arith.index_cast %add3A_137 : i32 to index
      %swap3A_197 = arith.constant 48 : index
      %swap3A_198 = tpu.vector_load %arg15[%swap3A_196, %swap3A_197] {strides = array<i32>} : memref<160x128xf32, #tpu.memory_space<vmem>>, vector<16xf32>,
      tpu.vector_store %arg15[%swap3A_196, %swap3A_197], %scan3A_185#3 {strides = array<i32>} : memref<160x128xf32, #tpu.memory_space<vmem>>, vector<16xf32>,
      %swap3A_199 = arith.index_cast %add3A_137 : i32 to index
      %swap3A_200 = arith.constant 64 : index
      %swap3A_201 = tpu.vector_load %arg15[%swap3A_199, %swap3A_200] {strides = array<i32>} : memref<160x128xf32, #tpu.memory_space<vmem>>, vector<16xf32>,
      tpu.vector_store %arg15[%swap3A_199, %swap3A_200], %scan3A_185#4 {strides = array<i32>} : memref<160x128xf32, #tpu.memory_space<vmem>>, vector<16xf32>,
      %swap3A_202 = arith.index_cast %add3A_137 : i32 to index
      %swap3A_203 = arith.constant 80 : index
      %swap3A_204 = tpu.vector_load %arg15[%swap3A_202, %swap3A_203] {strides = array<i32>} : memref<160x128xf32, #tpu.memory_space<vmem>>, vector<16xf32>,
      tpu.vector_store %arg15[%swap3A_202, %swap3A_203], %scan3A_185#5 {strides = array<i32>} : memref<160x128xf32, #tpu.memory_space<vmem>>, vector<16xf32>,
      %swap3A_205 = arith.index_cast %add3A_137 : i32 to index
      %swap3A_206 = arith.constant 96 : index
      %swap3A_207 = tpu.vector_load %arg15[%swap3A_205, %swap3A_206] {strides = array<i32>} : memref<160x128xf32, #tpu.memory_space<vmem>>, vector<16xf32>,
      tpu.vector_store %arg15[%swap3A_205, %swap3A_206], %scan3A_185#6 {strides = array<i32>} : memref<160x128xf32, #tpu.memory_space<vmem>>, vector<16xf32>,
      %swap3A_208 = arith.index_cast %add3A_137 : i32 to index
      %swap3A_209 = arith.constant 112 : index
      %swap3A_210 = tpu.vector_load %arg15[%swap3A_208, %swap3A_209] {strides = array<i32>} : memref<160x128xf32, #tpu.memory_space<vmem>>, vector<16xf32>,
      tpu.vector_store %arg15[%swap3A_208, %swap3A_209], %scan3A_185#7 {strides = array<i32>} : memref<160x128xf32, #tpu.memory_space<vmem>>, vector<16xf32>,
      %mul3A_211 = arith.constant 2 : i32
      %mul3A_212 = arith.muli %mul3A_211, %scan3A_41 : i32
      %add3A_213 = arith.constant 2 : i32
      %add3A_214 = arith.addi %mul3A_212, %add3A_213 : i32
      %lt3A = arith.constant 80 : i32
      %lt3A_215 = arith.cmpi slt, %add3A_214, %lt3A : i32
      %convert_element_type3A_216 = arith.extui %lt3A_215 : i1 to i32
      %cond3A_217 = arith.constant 0 : i32
      %cond3A_218 = arith.cmpi ne, %convert_element_type3A_216, %cond3A_217 : i32
      scf.if %cond3A_218 {
        %mul3A_401 = arith.constant 2 : i32
        %mul3A_402 = arith.muli %mul3A_401, %scan3A_41 : i32
        %add3A_403 = arith.constant 2 : i32
        %add3A_404 = arith.addi %mul3A_402, %add3A_403 : i32
        %mul3A_405 = arith.constant 64 : i32
        %mul3A_406 = arith.muli %add3A_404, %mul3A_405 : i32
        %multiple_of3A_407 = tpu.assume_multiple %mul3A_406, 8 : i32
        %dma_start3A_408 = tpu.memref_slice %arg8[%multiple_of3A_407] : memref<5120xi32, #tpu.memory_space<vmem>> -> memref<64xi32, #tpu.memory_space<vmem>>
        %dma_start3A_409 = arith.constant 0 : i32
        %dma_start3A_410 = tpu.memref_slice %arg3[%dma_start3A_409] : memref<320008xi32, #tpu.memory_space<hbm>> -> memref<320008xi32, #tpu.memory_space<hbm>>
        tpu.enqueue_indirect_dma source(%dma_start3A_410 : memref<320008xi32, #tpu.memory_space<hbm>>) target(%arg9 : memref<64xi32, #tpu.memory_space<vmem>>) offsets(%dma_start3A_408 : memref<64xi32, #tpu.memory_space<vmem>>) semaphore(%arg16 : memref<!tpu.dma_semaphore, #tpu.memory_space<semaphore_mem>>)
        %dma_start3A_411 = tpu.memref_slice %arg8[%multiple_of3A_407] : memref<5120xi32, #tpu.memory_space<vmem>> -> memref<64xi32, #tpu.memory_space<vmem>>
        %dma_start3A_412 = arith.constant 0 : i32
        %dma_start3A_413 = tpu.memref_slice %arg4[%dma_start3A_412] : memref<320008xf32, #tpu.memory_space<hbm>> -> memref<320008xf32, #tpu.memory_space<hbm>>
        tpu.enqueue_indirect_dma source(%dma_start3A_413 : memref<320008xf32, #tpu.memory_space<hbm>>) target(%arg13 : memref<64xf32, #tpu.memory_space<vmem>>) offsets(%dma_start3A_411 : memref<64xi32, #tpu.memory_space<vmem>>) semaphore(%arg16 : memref<!tpu.dma_semaphore, #tpu.memory_space<semaphore_mem>>)
      } else {
      }
      %dma_wait3A_219 = arith.constant 0 : i32
      %dma_wait3A_220 = arith.constant 0 : i32
      %dma_wait3A_221 = tpu.memref_slice %arg7[%dma_wait3A_219, %dma_wait3A_220] : memref<10000x128xf32, #tpu.memory_space<vmem_shared>> -> memref<64x128xf32, #tpu.memory_space<vmem_shared>>
      %dma_wait3A_222 = arith.constant 0 : i32
      %dma_wait3A_223 = arith.constant 0 : i32
      %dma_wait3A_224 = tpu.memref_slice %arg7[%dma_wait3A_222, %dma_wait3A_223] : memref<10000x128xf32, #tpu.memory_space<vmem_shared>> -> memref<64x128xf32, #tpu.memory_space<vmem_shared>>
      tpu.wait_dma2 semaphore(%arg17 : memref<!tpu.dma_semaphore, #tpu.memory_space<semaphore_mem>>) src(%dma_wait3A_224 : memref<64x128xf32, #tpu.memory_space<vmem_shared>>) dst(%arg12 : memref<64x128xf32, #tpu.memory_space<vmem>>)
      %mul3A_225 = arith.constant 2 : i32
      %mul3A_226 = arith.muli %mul3A_225, %scan3A_41 : i32
      %add3A_227 = arith.constant 1 : i32
      %add3A_228 = arith.addi %mul3A_226, %add3A_227 : i32
      %mul3A_229 = arith.constant 2 : i32
      %mul3A_230 = arith.muli %add3A_228, %mul3A_229 : i32
      %add3A_231 = arith.constant 0 : i32
      %add3A_232 = arith.addi %mul3A_230, %add3A_231 : i32
      %broadcast_in_dim3A_233 = arith.constant 0 : i32
      %broadcast_in_dim3A_234 = vector.broadcast %broadcast_in_dim3A_233 : i32 to vector<16xi32>
      %gather3A_235 = tpu.vector_load_idx %arg14[%broadcast_in_dim3A_234] : memref<64xf32, #tpu.memory_space<vmem>>[vector<16xi32>], vector<16xf32>,
      %get3A_236 = arith.constant 0 : i32
      %get3A_237 = arith.index_cast %get3A_236 : i32 to index
      %get3A_238 = arith.constant 0 : index
      %get3A_239 = tpu.vector_load %arg12[%get3A_237, %get3A_238] {strides = array<i32>} : memref<64x128xf32, #tpu.memory_space<vmem>>, vector<16xf32>,
      %mul3A_240 = arith.mulf %get3A_239, %gather3A_235 : vector<16xf32>
      %get3A_241 = arith.constant 0 : i32
      %get3A_242 = arith.index_cast %get3A_241 : i32 to index
      %get3A_243 = arith.constant 16 : index
      %get3A_244 = tpu.vector_load %arg12[%get3A_242, %get3A_243] {strides = array<i32>} : memref<64x128xf32, #tpu.memory_space<vmem>>, vector<16xf32>,
      %mul3A_245 = arith.mulf %get3A_244, %gather3A_235 : vector<16xf32>
      %get3A_246 = arith.constant 0 : i32
      %get3A_247 = arith.index_cast %get3A_246 : i32 to index
      %get3A_248 = arith.constant 32 : index
      %get3A_249 = tpu.vector_load %arg12[%get3A_247, %get3A_248] {strides = array<i32>} : memref<64x128xf32, #tpu.memory_space<vmem>>, vector<16xf32>,
      %mul3A_250 = arith.mulf %get3A_249, %gather3A_235 : vector<16xf32>
      %get3A_251 = arith.constant 0 : i32
      %get3A_252 = arith.index_cast %get3A_251 : i32 to index
      %get3A_253 = arith.constant 48 : index
      %get3A_254 = tpu.vector_load %arg12[%get3A_252, %get3A_253] {strides = array<i32>} : memref<64x128xf32, #tpu.memory_space<vmem>>, vector<16xf32>,
      %mul3A_255 = arith.mulf %get3A_254, %gather3A_235 : vector<16xf32>
      %get3A_256 = arith.constant 0 : i32
      %get3A_257 = arith.index_cast %get3A_256 : i32 to index
      %get3A_258 = arith.constant 64 : index
      %get3A_259 = tpu.vector_load %arg12[%get3A_257, %get3A_258] {strides = array<i32>} : memref<64x128xf32, #tpu.memory_space<vmem>>, vector<16xf32>,
      %mul3A_260 = arith.mulf %get3A_259, %gather3A_235 : vector<16xf32>
      %get3A_261 = arith.constant 0 : i32
      %get3A_262 = arith.index_cast %get3A_261 : i32 to index
      %get3A_263 = arith.constant 80 : index
      %get3A_264 = tpu.vector_load %arg12[%get3A_262, %get3A_263] {strides = array<i32>} : memref<64x128xf32, #tpu.memory_space<vmem>>, vector<16xf32>,
      %mul3A_265 = arith.mulf %get3A_264, %gather3A_235 : vector<16xf32>
      %get3A_266 = arith.constant 0 : i32
      %get3A_267 = arith.index_cast %get3A_266 : i32 to index
      %get3A_268 = arith.constant 96 : index
      %get3A_269 = tpu.vector_load %arg12[%get3A_267, %get3A_268] {strides = array<i32>} : memref<64x128xf32, #tpu.memory_space<vmem>>, vector<16xf32>,
      %mul3A_270 = arith.mulf %get3A_269, %gather3A_235 : vector<16xf32>
      %get3A_271 = arith.constant 0 : i32
      %get3A_272 = arith.index_cast %get3A_271 : i32 to index
      %get3A_273 = arith.constant 112 : index
      %get3A_274 = tpu.vector_load %arg12[%get3A_272, %get3A_273] {strides = array<i32>} : memref<64x128xf32, #tpu.memory_space<vmem>>, vector<16xf32>,
      %mul3A_275 = arith.mulf %get3A_274, %gather3A_235 : vector<16xf32>
      %scan3A_276 = arith.constant 1 : i32
      %scan3A_277 = arith.constant 31 : i32
      %scan3A_278 = arith.addi %scan3A_276, %scan3A_277 : i32
      %scan3A_279 = arith.constant 1 : i32
      %scan3A_280:8 = scf.for %scan3A_401 = %scan3A_276 to %scan3A_278 step %scan3A_279 iter_args(%scan3A_402 = %mul3A_240, %scan3A_403 = %mul3A_245, %scan3A_404 = %mul3A_250, %scan3A_405 = %mul3A_255, %scan3A_406 = %mul3A_260, %scan3A_407 = %mul3A_265, %scan3A_408 = %mul3A_270, %scan3A_409 = %mul3A_275) -> (vector<16xf32>, vector<16xf32>, vector<16xf32>, vector<16xf32>, vector<16xf32>, vector<16xf32>, vector<16xf32>, vector<16xf32>)  : i32 {
        %add3A_410 = arith.constant 0 : i32
        %add3A_411 = arith.addi %add3A_410, %scan3A_401 : i32
        %broadcast_in_dim3A_412 = vector.broadcast %add3A_411 : i32 to vector<16xi32>
        %gather3A_413 = tpu.vector_load_idx %arg14[%broadcast_in_dim3A_412] : memref<64xf32, #tpu.memory_space<vmem>>[vector<16xi32>], vector<16xf32>,
        %add3A_414 = arith.constant 0 : i32
        %add3A_415 = arith.addi %add3A_414, %scan3A_401 : i32
        %get3A_416 = arith.index_cast %add3A_415 : i32 to index
        %get3A_417 = arith.constant 0 : index
        %get3A_418 = tpu.vector_load %arg12[%get3A_416, %get3A_417] {strides = array<i32>} : memref<64x128xf32, #tpu.memory_space<vmem>>, vector<16xf32>,
        %mul3A_419 = arith.mulf %get3A_418, %gather3A_413 : vector<16xf32>
        %add3A_420 = arith.addf %scan3A_402, %mul3A_419 : vector<16xf32>
        %add3A_421 = arith.constant 0 : i32
        %add3A_422 = arith.addi %add3A_421, %scan3A_401 : i32
        %get3A_423 = arith.index_cast %add3A_422 : i32 to index
        %get3A_424 = arith.constant 16 : index
        %get3A_425 = tpu.vector_load %arg12[%get3A_423, %get3A_424] {strides = array<i32>} : memref<64x128xf32, #tpu.memory_space<vmem>>, vector<16xf32>,
        %mul3A_426 = arith.mulf %get3A_425, %gather3A_413 : vector<16xf32>
        %add3A_427 = arith.addf %scan3A_403, %mul3A_426 : vector<16xf32>
        %add3A_428 = arith.constant 0 : i32
        %add3A_429 = arith.addi %add3A_428, %scan3A_401 : i32
        %get3A_430 = arith.index_cast %add3A_429 : i32 to index
        %get3A_431 = arith.constant 32 : index
        %get3A_432 = tpu.vector_load %arg12[%get3A_430, %get3A_431] {strides = array<i32>} : memref<64x128xf32, #tpu.memory_space<vmem>>, vector<16xf32>,
        %mul3A_433 = arith.mulf %get3A_432, %gather3A_413 : vector<16xf32>
        %add3A_434 = arith.addf %scan3A_404, %mul3A_433 : vector<16xf32>
        %add3A_435 = arith.constant 0 : i32
        %add3A_436 = arith.addi %add3A_435, %scan3A_401 : i32
        %get3A_437 = arith.index_cast %add3A_436 : i32 to index
        %get3A_438 = arith.constant 48 : index
        %get3A_439 = tpu.vector_load %arg12[%get3A_437, %get3A_438] {strides = array<i32>} : memref<64x128xf32, #tpu.memory_space<vmem>>, vector<16xf32>,
        %mul3A_440 = arith.mulf %get3A_439, %gather3A_413 : vector<16xf32>
        %add3A_441 = arith.addf %scan3A_405, %mul3A_440 : vector<16xf32>
        %add3A_442 = arith.constant 0 : i32
        %add3A_443 = arith.addi %add3A_442, %scan3A_401 : i32
        %get3A_444 = arith.index_cast %add3A_443 : i32 to index
        %get3A_445 = arith.constant 64 : index
        %get3A_446 = tpu.vector_load %arg12[%get3A_444, %get3A_445] {strides = array<i32>} : memref<64x128xf32, #tpu.memory_space<vmem>>, vector<16xf32>,
        %mul3A_447 = arith.mulf %get3A_446, %gather3A_413 : vector<16xf32>
        %add3A_448 = arith.addf %scan3A_406, %mul3A_447 : vector<16xf32>
        %add3A_449 = arith.constant 0 : i32
        %add3A_450 = arith.addi %add3A_449, %scan3A_401 : i32
        %get3A_451 = arith.index_cast %add3A_450 : i32 to index
        %get3A_452 = arith.constant 80 : index
        %get3A_453 = tpu.vector_load %arg12[%get3A_451, %get3A_452] {strides = array<i32>} : memref<64x128xf32, #tpu.memory_space<vmem>>, vector<16xf32>,
        %mul3A_454 = arith.mulf %get3A_453, %gather3A_413 : vector<16xf32>
        %add3A_455 = arith.addf %scan3A_407, %mul3A_454 : vector<16xf32>
        %add3A_456 = arith.constant 0 : i32
        %add3A_457 = arith.addi %add3A_456, %scan3A_401 : i32
        %get3A_458 = arith.index_cast %add3A_457 : i32 to index
        %get3A_459 = arith.constant 96 : index
        %get3A_460 = tpu.vector_load %arg12[%get3A_458, %get3A_459] {strides = array<i32>} : memref<64x128xf32, #tpu.memory_space<vmem>>, vector<16xf32>,
        %mul3A_461 = arith.mulf %get3A_460, %gather3A_413 : vector<16xf32>
        %add3A_462 = arith.addf %scan3A_408, %mul3A_461 : vector<16xf32>
        %add3A_463 = arith.constant 0 : i32
        %add3A_464 = arith.addi %add3A_463, %scan3A_401 : i32
        %get3A_465 = arith.index_cast %add3A_464 : i32 to index
        %get3A_466 = arith.constant 112 : index
        %get3A_467 = tpu.vector_load %arg12[%get3A_465, %get3A_466] {strides = array<i32>} : memref<64x128xf32, #tpu.memory_space<vmem>>, vector<16xf32>,
        %mul3A_468 = arith.mulf %get3A_467, %gather3A_413 : vector<16xf32>
        %add3A_469 = arith.addf %scan3A_409, %mul3A_468 : vector<16xf32>
        scf.yield %add3A_420, %add3A_427, %add3A_434, %add3A_441, %add3A_448, %add3A_455, %add3A_462, %add3A_469 : vector<16xf32>, vector<16xf32>, vector<16xf32>, vector<16xf32>, vector<16xf32>, vector<16xf32>, vector<16xf32>, vector<16xf32>
      }
      %scan3A_281 = arith.constant 31 : i32
      %swap3A_282 = arith.index_cast %add3A_232 : i32 to index
      %swap3A_283 = arith.constant 0 : index
      %swap3A_284 = tpu.vector_load %arg15[%swap3A_282, %swap3A_283] {strides = array<i32>} : memref<160x128xf32, #tpu.memory_space<vmem>>, vector<16xf32>,
      tpu.vector_store %arg15[%swap3A_282, %swap3A_283], %scan3A_280#0 {strides = array<i32>} : memref<160x128xf32, #tpu.memory_space<vmem>>, vector<16xf32>,
      %swap3A_285 = arith.index_cast %add3A_232 : i32 to index
      %swap3A_286 = arith.constant 16 : index
      %swap3A_287 = tpu.vector_load %arg15[%swap3A_285, %swap3A_286] {strides = array<i32>} : memref<160x128xf32, #tpu.memory_space<vmem>>, vector<16xf32>,
      tpu.vector_store %arg15[%swap3A_285, %swap3A_286], %scan3A_280#1 {strides = array<i32>} : memref<160x128xf32, #tpu.memory_space<vmem>>, vector<16xf32>,
      %swap3A_288 = arith.index_cast %add3A_232 : i32 to index
      %swap3A_289 = arith.constant 32 : index
      %swap3A_290 = tpu.vector_load %arg15[%swap3A_288, %swap3A_289] {strides = array<i32>} : memref<160x128xf32, #tpu.memory_space<vmem>>, vector<16xf32>,
      tpu.vector_store %arg15[%swap3A_288, %swap3A_289], %scan3A_280#2 {strides = array<i32>} : memref<160x128xf32, #tpu.memory_space<vmem>>, vector<16xf32>,
      %swap3A_291 = arith.index_cast %add3A_232 : i32 to index
      %swap3A_292 = arith.constant 48 : index
      %swap3A_293 = tpu.vector_load %arg15[%swap3A_291, %swap3A_292] {strides = array<i32>} : memref<160x128xf32, #tpu.memory_space<vmem>>, vector<16xf32>,
      tpu.vector_store %arg15[%swap3A_291, %swap3A_292], %scan3A_280#3 {strides = array<i32>} : memref<160x128xf32, #tpu.memory_space<vmem>>, vector<16xf32>,
      %swap3A_294 = arith.index_cast %add3A_232 : i32 to index
      %swap3A_295 = arith.constant 64 : index
      %swap3A_296 = tpu.vector_load %arg15[%swap3A_294, %swap3A_295] {strides = array<i32>} : memref<160x128xf32, #tpu.memory_space<vmem>>, vector<16xf32>,
      tpu.vector_store %arg15[%swap3A_294, %swap3A_295], %scan3A_280#4 {strides = array<i32>} : memref<160x128xf32, #tpu.memory_space<vmem>>, vector<16xf32>,
      %swap3A_297 = arith.index_cast %add3A_232 : i32 to index
      %swap3A_298 = arith.constant 80 : index
      %swap3A_299 = tpu.vector_load %arg15[%swap3A_297, %swap3A_298] {strides = array<i32>} : memref<160x128xf32, #tpu.memory_space<vmem>>, vector<16xf32>,
      tpu.vector_store %arg15[%swap3A_297, %swap3A_298], %scan3A_280#5 {strides = array<i32>} : memref<160x128xf32, #tpu.memory_space<vmem>>, vector<16xf32>,
      %swap3A_300 = arith.index_cast %add3A_232 : i32 to index
      %swap3A_301 = arith.constant 96 : index
      %swap3A_302 = tpu.vector_load %arg15[%swap3A_300, %swap3A_301] {strides = array<i32>} : memref<160x128xf32, #tpu.memory_space<vmem>>, vector<16xf32>,
      tpu.vector_store %arg15[%swap3A_300, %swap3A_301], %scan3A_280#6 {strides = array<i32>} : memref<160x128xf32, #tpu.memory_space<vmem>>, vector<16xf32>,
      %swap3A_303 = arith.index_cast %add3A_232 : i32 to index
      %swap3A_304 = arith.constant 112 : index
      %swap3A_305 = tpu.vector_load %arg15[%swap3A_303, %swap3A_304] {strides = array<i32>} : memref<160x128xf32, #tpu.memory_space<vmem>>, vector<16xf32>,
      tpu.vector_store %arg15[%swap3A_303, %swap3A_304], %scan3A_280#7 {strides = array<i32>} : memref<160x128xf32, #tpu.memory_space<vmem>>, vector<16xf32>,
      %mul3A_306 = arith.constant 2 : i32
      %mul3A_307 = arith.muli %add3A_228, %mul3A_306 : i32
      %add3A_308 = arith.constant 1 : i32
      %add3A_309 = arith.addi %mul3A_307, %add3A_308 : i32
      %broadcast_in_dim3A_310 = arith.constant 32 : i32
      %broadcast_in_dim3A_311 = vector.broadcast %broadcast_in_dim3A_310 : i32 to vector<16xi32>
      %gather3A_312 = tpu.vector_load_idx %arg14[%broadcast_in_dim3A_311] : memref<64xf32, #tpu.memory_space<vmem>>[vector<16xi32>], vector<16xf32>,
      %get3A_313 = arith.constant 32 : i32
      %get3A_314 = arith.index_cast %get3A_313 : i32 to index
      %get3A_315 = arith.constant 0 : index
      %get3A_316 = tpu.vector_load %arg12[%get3A_314, %get3A_315] {strides = array<i32>} : memref<64x128xf32, #tpu.memory_space<vmem>>, vector<16xf32>,
      %mul3A_317 = arith.mulf %get3A_316, %gather3A_312 : vector<16xf32>
      %get3A_318 = arith.constant 32 : i32
      %get3A_319 = arith.index_cast %get3A_318 : i32 to index
      %get3A_320 = arith.constant 16 : index
      %get3A_321 = tpu.vector_load %arg12[%get3A_319, %get3A_320] {strides = array<i32>} : memref<64x128xf32, #tpu.memory_space<vmem>>, vector<16xf32>,
      %mul3A_322 = arith.mulf %get3A_321, %gather3A_312 : vector<16xf32>
      %get3A_323 = arith.constant 32 : i32
      %get3A_324 = arith.index_cast %get3A_323 : i32 to index
      %get3A_325 = arith.constant 32 : index
      %get3A_326 = tpu.vector_load %arg12[%get3A_324, %get3A_325] {strides = array<i32>} : memref<64x128xf32, #tpu.memory_space<vmem>>, vector<16xf32>,
      %mul3A_327 = arith.mulf %get3A_326, %gather3A_312 : vector<16xf32>
      %get3A_328 = arith.constant 32 : i32
      %get3A_329 = arith.index_cast %get3A_328 : i32 to index
      %get3A_330 = arith.constant 48 : index
      %get3A_331 = tpu.vector_load %arg12[%get3A_329, %get3A_330] {strides = array<i32>} : memref<64x128xf32, #tpu.memory_space<vmem>>, vector<16xf32>,
      %mul3A_332 = arith.mulf %get3A_331, %gather3A_312 : vector<16xf32>
      %get3A_333 = arith.constant 32 : i32
      %get3A_334 = arith.index_cast %get3A_333 : i32 to index
      %get3A_335 = arith.constant 64 : index
      %get3A_336 = tpu.vector_load %arg12[%get3A_334, %get3A_335] {strides = array<i32>} : memref<64x128xf32, #tpu.memory_space<vmem>>, vector<16xf32>,
      %mul3A_337 = arith.mulf %get3A_336, %gather3A_312 : vector<16xf32>
      %get3A_338 = arith.constant 32 : i32
      %get3A_339 = arith.index_cast %get3A_338 : i32 to index
      %get3A_340 = arith.constant 80 : index
      %get3A_341 = tpu.vector_load %arg12[%get3A_339, %get3A_340] {strides = array<i32>} : memref<64x128xf32, #tpu.memory_space<vmem>>, vector<16xf32>,
      %mul3A_342 = arith.mulf %get3A_341, %gather3A_312 : vector<16xf32>
      %get3A_343 = arith.constant 32 : i32
      %get3A_344 = arith.index_cast %get3A_343 : i32 to index
      %get3A_345 = arith.constant 96 : index
      %get3A_346 = tpu.vector_load %arg12[%get3A_344, %get3A_345] {strides = array<i32>} : memref<64x128xf32, #tpu.memory_space<vmem>>, vector<16xf32>,
      %mul3A_347 = arith.mulf %get3A_346, %gather3A_312 : vector<16xf32>
      %get3A_348 = arith.constant 32 : i32
      %get3A_349 = arith.index_cast %get3A_348 : i32 to index
      %get3A_350 = arith.constant 112 : index
      %get3A_351 = tpu.vector_load %arg12[%get3A_349, %get3A_350] {strides = array<i32>} : memref<64x128xf32, #tpu.memory_space<vmem>>, vector<16xf32>,
      %mul3A_352 = arith.mulf %get3A_351, %gather3A_312 : vector<16xf32>
      %scan3A_353 = arith.constant 1 : i32
      %scan3A_354 = arith.constant 31 : i32
      %scan3A_355 = arith.addi %scan3A_353, %scan3A_354 : i32
      %scan3A_356 = arith.constant 1 : i32
      %scan3A_357:8 = scf.for %scan3A_401 = %scan3A_353 to %scan3A_355 step %scan3A_356 iter_args(%scan3A_402 = %mul3A_317, %scan3A_403 = %mul3A_322, %scan3A_404 = %mul3A_327, %scan3A_405 = %mul3A_332, %scan3A_406 = %mul3A_337, %scan3A_407 = %mul3A_342, %scan3A_408 = %mul3A_347, %scan3A_409 = %mul3A_352) -> (vector<16xf32>, vector<16xf32>, vector<16xf32>, vector<16xf32>, vector<16xf32>, vector<16xf32>, vector<16xf32>, vector<16xf32>)  : i32 {
        %add3A_410 = arith.constant 32 : i32
        %add3A_411 = arith.addi %add3A_410, %scan3A_401 : i32
        %broadcast_in_dim3A_412 = vector.broadcast %add3A_411 : i32 to vector<16xi32>
        %gather3A_413 = tpu.vector_load_idx %arg14[%broadcast_in_dim3A_412] : memref<64xf32, #tpu.memory_space<vmem>>[vector<16xi32>], vector<16xf32>,
        %add3A_414 = arith.constant 32 : i32
        %add3A_415 = arith.addi %add3A_414, %scan3A_401 : i32
        %get3A_416 = arith.index_cast %add3A_415 : i32 to index
        %get3A_417 = arith.constant 0 : index
        %get3A_418 = tpu.vector_load %arg12[%get3A_416, %get3A_417] {strides = array<i32>} : memref<64x128xf32, #tpu.memory_space<vmem>>, vector<16xf32>,
        %mul3A_419 = arith.mulf %get3A_418, %gather3A_413 : vector<16xf32>
        %add3A_420 = arith.addf %scan3A_402, %mul3A_419 : vector<16xf32>
        %add3A_421 = arith.constant 32 : i32
        %add3A_422 = arith.addi %add3A_421, %scan3A_401 : i32
        %get3A_423 = arith.index_cast %add3A_422 : i32 to index
        %get3A_424 = arith.constant 16 : index
        %get3A_425 = tpu.vector_load %arg12[%get3A_423, %get3A_424] {strides = array<i32>} : memref<64x128xf32, #tpu.memory_space<vmem>>, vector<16xf32>,
        %mul3A_426 = arith.mulf %get3A_425, %gather3A_413 : vector<16xf32>
        %add3A_427 = arith.addf %scan3A_403, %mul3A_426 : vector<16xf32>
        %add3A_428 = arith.constant 32 : i32
        %add3A_429 = arith.addi %add3A_428, %scan3A_401 : i32
        %get3A_430 = arith.index_cast %add3A_429 : i32 to index
        %get3A_431 = arith.constant 32 : index
        %get3A_432 = tpu.vector_load %arg12[%get3A_430, %get3A_431] {strides = array<i32>} : memref<64x128xf32, #tpu.memory_space<vmem>>, vector<16xf32>,
        %mul3A_433 = arith.mulf %get3A_432, %gather3A_413 : vector<16xf32>
        %add3A_434 = arith.addf %scan3A_404, %mul3A_433 : vector<16xf32>
        %add3A_435 = arith.constant 32 : i32
        %add3A_436 = arith.addi %add3A_435, %scan3A_401 : i32
        %get3A_437 = arith.index_cast %add3A_436 : i32 to index
        %get3A_438 = arith.constant 48 : index
        %get3A_439 = tpu.vector_load %arg12[%get3A_437, %get3A_438] {strides = array<i32>} : memref<64x128xf32, #tpu.memory_space<vmem>>, vector<16xf32>,
        %mul3A_440 = arith.mulf %get3A_439, %gather3A_413 : vector<16xf32>
        %add3A_441 = arith.addf %scan3A_405, %mul3A_440 : vector<16xf32>
        %add3A_442 = arith.constant 32 : i32
        %add3A_443 = arith.addi %add3A_442, %scan3A_401 : i32
        %get3A_444 = arith.index_cast %add3A_443 : i32 to index
        %get3A_445 = arith.constant 64 : index
        %get3A_446 = tpu.vector_load %arg12[%get3A_444, %get3A_445] {strides = array<i32>} : memref<64x128xf32, #tpu.memory_space<vmem>>, vector<16xf32>,
        %mul3A_447 = arith.mulf %get3A_446, %gather3A_413 : vector<16xf32>
        %add3A_448 = arith.addf %scan3A_406, %mul3A_447 : vector<16xf32>
        %add3A_449 = arith.constant 32 : i32
        %add3A_450 = arith.addi %add3A_449, %scan3A_401 : i32
        %get3A_451 = arith.index_cast %add3A_450 : i32 to index
        %get3A_452 = arith.constant 80 : index
        %get3A_453 = tpu.vector_load %arg12[%get3A_451, %get3A_452] {strides = array<i32>} : memref<64x128xf32, #tpu.memory_space<vmem>>, vector<16xf32>,
        %mul3A_454 = arith.mulf %get3A_453, %gather3A_413 : vector<16xf32>
        %add3A_455 = arith.addf %scan3A_407, %mul3A_454 : vector<16xf32>
        %add3A_456 = arith.constant 32 : i32
        %add3A_457 = arith.addi %add3A_456, %scan3A_401 : i32
        %get3A_458 = arith.index_cast %add3A_457 : i32 to index
        %get3A_459 = arith.constant 96 : index
        %get3A_460 = tpu.vector_load %arg12[%get3A_458, %get3A_459] {strides = array<i32>} : memref<64x128xf32, #tpu.memory_space<vmem>>, vector<16xf32>,
        %mul3A_461 = arith.mulf %get3A_460, %gather3A_413 : vector<16xf32>
        %add3A_462 = arith.addf %scan3A_408, %mul3A_461 : vector<16xf32>
        %add3A_463 = arith.constant 32 : i32
        %add3A_464 = arith.addi %add3A_463, %scan3A_401 : i32
        %get3A_465 = arith.index_cast %add3A_464 : i32 to index
        %get3A_466 = arith.constant 112 : index
        %get3A_467 = tpu.vector_load %arg12[%get3A_465, %get3A_466] {strides = array<i32>} : memref<64x128xf32, #tpu.memory_space<vmem>>, vector<16xf32>,
        %mul3A_468 = arith.mulf %get3A_467, %gather3A_413 : vector<16xf32>
        %add3A_469 = arith.addf %scan3A_409, %mul3A_468 : vector<16xf32>
        scf.yield %add3A_420, %add3A_427, %add3A_434, %add3A_441, %add3A_448, %add3A_455, %add3A_462, %add3A_469 : vector<16xf32>, vector<16xf32>, vector<16xf32>, vector<16xf32>, vector<16xf32>, vector<16xf32>, vector<16xf32>, vector<16xf32>
      }
      %scan3A_358 = arith.constant 31 : i32
      %swap3A_359 = arith.index_cast %add3A_309 : i32 to index
      %swap3A_360 = arith.constant 0 : index
      %swap3A_361 = tpu.vector_load %arg15[%swap3A_359, %swap3A_360] {strides = array<i32>} : memref<160x128xf32, #tpu.memory_space<vmem>>, vector<16xf32>,
      tpu.vector_store %arg15[%swap3A_359, %swap3A_360], %scan3A_357#0 {strides = array<i32>} : memref<160x128xf32, #tpu.memory_space<vmem>>, vector<16xf32>,
      %swap3A_362 = arith.index_cast %add3A_309 : i32 to index
      %swap3A_363 = arith.constant 16 : index
      %swap3A_364 = tpu.vector_load %arg15[%swap3A_362, %swap3A_363] {strides = array<i32>} : memref<160x128xf32, #tpu.memory_space<vmem>>, vector<16xf32>,
      tpu.vector_store %arg15[%swap3A_362, %swap3A_363], %scan3A_357#1 {strides = array<i32>} : memref<160x128xf32, #tpu.memory_space<vmem>>, vector<16xf32>,
      %swap3A_365 = arith.index_cast %add3A_309 : i32 to index
      %swap3A_366 = arith.constant 32 : index
      %swap3A_367 = tpu.vector_load %arg15[%swap3A_365, %swap3A_366] {strides = array<i32>} : memref<160x128xf32, #tpu.memory_space<vmem>>, vector<16xf32>,
      tpu.vector_store %arg15[%swap3A_365, %swap3A_366], %scan3A_357#2 {strides = array<i32>} : memref<160x128xf32, #tpu.memory_space<vmem>>, vector<16xf32>,
      %swap3A_368 = arith.index_cast %add3A_309 : i32 to index
      %swap3A_369 = arith.constant 48 : index
      %swap3A_370 = tpu.vector_load %arg15[%swap3A_368, %swap3A_369] {strides = array<i32>} : memref<160x128xf32, #tpu.memory_space<vmem>>, vector<16xf32>,
      tpu.vector_store %arg15[%swap3A_368, %swap3A_369], %scan3A_357#3 {strides = array<i32>} : memref<160x128xf32, #tpu.memory_space<vmem>>, vector<16xf32>,
      %swap3A_371 = arith.index_cast %add3A_309 : i32 to index
      %swap3A_372 = arith.constant 64 : index
      %swap3A_373 = tpu.vector_load %arg15[%swap3A_371, %swap3A_372] {strides = array<i32>} : memref<160x128xf32, #tpu.memory_space<vmem>>, vector<16xf32>,
      tpu.vector_store %arg15[%swap3A_371, %swap3A_372], %scan3A_357#4 {strides = array<i32>} : memref<160x128xf32, #tpu.memory_space<vmem>>, vector<16xf32>,
      %swap3A_374 = arith.index_cast %add3A_309 : i32 to index
      %swap3A_375 = arith.constant 80 : index
      %swap3A_376 = tpu.vector_load %arg15[%swap3A_374, %swap3A_375] {strides = array<i32>} : memref<160x128xf32, #tpu.memory_space<vmem>>, vector<16xf32>,
      tpu.vector_store %arg15[%swap3A_374, %swap3A_375], %scan3A_357#5 {strides = array<i32>} : memref<160x128xf32, #tpu.memory_space<vmem>>, vector<16xf32>,
      %swap3A_377 = arith.index_cast %add3A_309 : i32 to index
      %swap3A_378 = arith.constant 96 : index
      %swap3A_379 = tpu.vector_load %arg15[%swap3A_377, %swap3A_378] {strides = array<i32>} : memref<160x128xf32, #tpu.memory_space<vmem>>, vector<16xf32>,
      tpu.vector_store %arg15[%swap3A_377, %swap3A_378], %scan3A_357#6 {strides = array<i32>} : memref<160x128xf32, #tpu.memory_space<vmem>>, vector<16xf32>,
      %swap3A_380 = arith.index_cast %add3A_309 : i32 to index
      %swap3A_381 = arith.constant 112 : index
      %swap3A_382 = tpu.vector_load %arg15[%swap3A_380, %swap3A_381] {strides = array<i32>} : memref<160x128xf32, #tpu.memory_space<vmem>>, vector<16xf32>,
      tpu.vector_store %arg15[%swap3A_380, %swap3A_381], %scan3A_357#7 {strides = array<i32>} : memref<160x128xf32, #tpu.memory_space<vmem>>, vector<16xf32>,
      %mul3A_383 = arith.constant 2 : i32
      %mul3A_384 = arith.muli %mul3A_383, %scan3A_41 : i32
      %add3A_385 = arith.constant 2 : i32
      %add3A_386 = arith.addi %mul3A_384, %add3A_385 : i32
      %lt3A_387 = arith.constant 80 : i32
      %lt3A_388 = arith.cmpi slt, %add3A_386, %lt3A_387 : i32
      %convert_element_type3A_389 = arith.extui %lt3A_388 : i1 to i32
      %cond3A_390 = arith.constant 0 : i32
      %cond3A_391 = arith.cmpi ne, %convert_element_type3A_389, %cond3A_390 : i32
      scf.if %cond3A_391 {
        %dma_wait3A_401 = arith.constant 0 : i32
        %dma_wait3A_402 = tpu.memref_slice %arg3[%dma_wait3A_401] : memref<320008xi32, #tpu.memory_space<hbm>> -> memref<64xi32, #tpu.memory_space<hbm>>
        %dma_wait3A_403 = arith.constant 0 : i32
        %dma_wait3A_404 = tpu.memref_slice %arg3[%dma_wait3A_403] : memref<320008xi32, #tpu.memory_space<hbm>> -> memref<64xi32, #tpu.memory_space<hbm>>
        tpu.wait_dma2 semaphore(%arg16 : memref<!tpu.dma_semaphore, #tpu.memory_space<semaphore_mem>>) src(%dma_wait3A_404 : memref<64xi32, #tpu.memory_space<hbm>>) dst(%arg9 : memref<64xi32, #tpu.memory_space<vmem>>)
        %dma_wait3A_405 = arith.constant 0 : i32
        %dma_wait3A_406 = tpu.memref_slice %arg4[%dma_wait3A_405] : memref<320008xf32, #tpu.memory_space<hbm>> -> memref<64xf32, #tpu.memory_space<hbm>>
        %dma_wait3A_407 = arith.constant 0 : i32
        %dma_wait3A_408 = tpu.memref_slice %arg4[%dma_wait3A_407] : memref<320008xf32, #tpu.memory_space<hbm>> -> memref<64xf32, #tpu.memory_space<hbm>>
        tpu.wait_dma2 semaphore(%arg16 : memref<!tpu.dma_semaphore, #tpu.memory_space<semaphore_mem>>) src(%dma_wait3A_408 : memref<64xf32, #tpu.memory_space<hbm>>) dst(%arg13 : memref<64xf32, #tpu.memory_space<vmem>>)
        %dma_start3A_409 = arith.constant 0 : i32
        %dma_start3A_410 = arith.constant 0 : i32
        %dma_start3A_411 = tpu.memref_slice %arg7[%dma_start3A_409, %dma_start3A_410] : memref<10000x128xf32, #tpu.memory_space<vmem_shared>> -> memref<10000x128xf32, #tpu.memory_space<vmem_shared>>
        tpu.enqueue_indirect_dma source(%dma_start3A_411 : memref<10000x128xf32, #tpu.memory_space<vmem_shared>>) target(%arg11 : memref<64x128xf32, #tpu.memory_space<vmem>>) offsets(%arg9 : memref<64xi32, #tpu.memory_space<vmem>>) semaphore(%arg16 : memref<!tpu.dma_semaphore, #tpu.memory_space<semaphore_mem>>)
      } else {
      }
      %mul3A_392 = arith.constant 2 : i32
      %mul3A_393 = arith.muli %mul3A_392, %scan3A_41 : i32
      %add3A_394 = arith.constant 3 : i32
      %add3A_395 = arith.addi %mul3A_393, %add3A_394 : i32
      %lt3A_396 = arith.constant 80 : i32
      %lt3A_397 = arith.cmpi slt, %add3A_395, %lt3A_396 : i32
      %convert_element_type3A_398 = arith.extui %lt3A_397 : i1 to i32
      %cond3A_399 = arith.constant 0 : i32
      %cond3A_400 = arith.cmpi ne, %convert_element_type3A_398, %cond3A_399 : i32
      scf.if %cond3A_400 {
        %mul3A_401 = arith.constant 2 : i32
        %mul3A_402 = arith.muli %mul3A_401, %scan3A_41 : i32
        %add3A_403 = arith.constant 3 : i32
        %add3A_404 = arith.addi %mul3A_402, %add3A_403 : i32
        %mul3A_405 = arith.constant 64 : i32
        %mul3A_406 = arith.muli %add3A_404, %mul3A_405 : i32
        %multiple_of3A_407 = tpu.assume_multiple %mul3A_406, 8 : i32
        %dma_start3A_408 = tpu.memref_slice %arg8[%multiple_of3A_407] : memref<5120xi32, #tpu.memory_space<vmem>> -> memref<64xi32, #tpu.memory_space<vmem>>
        %dma_start3A_409 = arith.constant 0 : i32
        %dma_start3A_410 = tpu.memref_slice %arg3[%dma_start3A_409] : memref<320008xi32, #tpu.memory_space<hbm>> -> memref<320008xi32, #tpu.memory_space<hbm>>
        tpu.enqueue_indirect_dma source(%dma_start3A_410 : memref<320008xi32, #tpu.memory_space<hbm>>) target(%arg10 : memref<64xi32, #tpu.memory_space<vmem>>) offsets(%dma_start3A_408 : memref<64xi32, #tpu.memory_space<vmem>>) semaphore(%arg17 : memref<!tpu.dma_semaphore, #tpu.memory_space<semaphore_mem>>)
        %dma_start3A_411 = tpu.memref_slice %arg8[%multiple_of3A_407] : memref<5120xi32, #tpu.memory_space<vmem>> -> memref<64xi32, #tpu.memory_space<vmem>>
        %dma_start3A_412 = arith.constant 0 : i32
        %dma_start3A_413 = tpu.memref_slice %arg4[%dma_start3A_412] : memref<320008xf32, #tpu.memory_space<hbm>> -> memref<320008xf32, #tpu.memory_space<hbm>>
        tpu.enqueue_indirect_dma source(%dma_start3A_413 : memref<320008xf32, #tpu.memory_space<hbm>>) target(%arg14 : memref<64xf32, #tpu.memory_space<vmem>>) offsets(%dma_start3A_411 : memref<64xi32, #tpu.memory_space<vmem>>) semaphore(%arg17 : memref<!tpu.dma_semaphore, #tpu.memory_space<semaphore_mem>>)
      } else {
      }
    }
    %scan3A_40 = arith.constant 40 : i32
    "tpu.region"() ({
      %run_scoped3A = tpu.sem_alloc : memref<!tpu.dma_semaphore, #tpu.memory_space<semaphore_mem>>
      %dma_start3A_41 = arith.constant 0 : i32
      %dma_start3A_42 = tpu.memref_slice %arg6[%multiple_of3A, %dma_start3A_41] : memref<5120x128xf32, #tpu.memory_space<hbm>> -> memref<160x128xf32, #tpu.memory_space<hbm>>
      %dma_start3A_43 = arith.constant 0 : i32
      %dma_start3A_44 = tpu.memref_slice %arg6[%multiple_of3A, %dma_start3A_43] : memref<5120x128xf32, #tpu.memory_space<hbm>> -> memref<160x128xf32, #tpu.memory_space<hbm>>
      tpu.enqueue_dma source(%arg15 : memref<160x128xf32, #tpu.memory_space<vmem>>) target(%dma_start3A_44 : memref<160x128xf32, #tpu.memory_space<hbm>>) target_semaphore(%run_scoped3A : memref<!tpu.dma_semaphore, #tpu.memory_space<semaphore_mem>>)
      %dma_wait3A_45 = arith.constant 0 : i32
      %dma_wait3A_46 = tpu.memref_slice %arg6[%multiple_of3A, %dma_wait3A_45] : memref<5120x128xf32, #tpu.memory_space<hbm>> -> memref<160x128xf32, #tpu.memory_space<hbm>>
      %dma_wait3A_47 = arith.constant 0 : i32
      %dma_wait3A_48 = tpu.memref_slice %arg6[%multiple_of3A, %dma_wait3A_47] : memref<5120x128xf32, #tpu.memory_space<hbm>> -> memref<160x128xf32, #tpu.memory_space<hbm>>
      tpu.wait_dma2 semaphore(%run_scoped3A : memref<!tpu.dma_semaphore, #tpu.memory_space<semaphore_mem>>) src(%arg15 : memref<160x128xf32, #tpu.memory_space<vmem>>) dst(%dma_wait3A_48 : memref<160x128xf32, #tpu.memory_space<hbm>>)
      tpu.yield
    }) : () -> ()
    return
  }
}

module attributes {stable_mosaic.version = 14 : i64} {
  func.func @body(%arg0: i32, %arg1: memref<2560x128xf32, #tpu.memory_space<vmem>>, %arg2: memref<128x128xf32, #tpu.memory_space<vmem>>, %arg3: memref<1x128xf32, #tpu.memory_space<vmem>>, %arg4: memref<1x128xf32, #tpu.memory_space<vmem>>, %arg5: memref<1x1xf32, #tpu.memory_space<vmem>>, %arg6: memref<1x20x128xf32, #tpu.memory_space<vmem>>) attributes {dimension_semantics = [#tpu.dimension_semantics<arbitrary>], iteration_bounds = array<i64: 125>, scalar_prefetch = 0 : i64, scratch_operands = 0 : i64, tpu.core_type = #tpu.core_type<tc>, window_params = [{transform_indices = @transform_0, window_bounds = array<i64: 2560, 128>}, {pipeline_mode = #tpu.pipeline_mode<synchronous>, transform_indices = @transform_1, window_bounds = array<i64: 128, 128>}, {pipeline_mode = #tpu.pipeline_mode<synchronous>, transform_indices = @transform_2, window_bounds = array<i64: 1, 128>}, {pipeline_mode = #tpu.pipeline_mode<synchronous>, transform_indices = @transform_3, window_bounds = array<i64: 1, 128>}, {pipeline_mode = #tpu.pipeline_mode<synchronous>, transform_indices = @transform_4, window_bounds = array<i64: 1, 1>}, {transform_indices = @transform_5, window_bounds = array<i64: 1, 20, 128>}]} {
    %get3A = arith.constant 0 : index
    %get3A_0 = arith.constant 0 : index
    %get3A_1 = vector.load %arg1[%get3A, %get3A_0] : memref<2560x128xf32, #tpu.memory_space<vmem>>, vector<2560x128xf32>
    %convert_element_type3A = arith.truncf %get3A_1 : vector<2560x128xf32> to vector<2560x128xbf16>
    %get3A_2 = arith.constant 0 : index
    %get3A_3 = arith.constant 0 : index
    %get3A_4 = vector.load %arg2[%get3A_2, %get3A_3] : memref<128x128xf32, #tpu.memory_space<vmem>>, vector<128x128xf32>
    %convert_element_type3A_5 = arith.truncf %get3A_4 : vector<128x128xf32> to vector<128x128xbf16>
    %dot_general3A = arith.constant dense<0.000000e+00> : vector<2560x128xf32>
    %dot_general3A_6 = tpu.matmul %convert_element_type3A, %convert_element_type3A_5, %dot_general3A {dimension_numbers = #tpu.dot_dimension_numbers<[1], [0], [0], [1], [0, 0, 1, 1], [], []>, transpose_lhs_hint = false} : vector<2560x128xbf16>, vector<128x128xbf16>, vector<2560x128xf32> -> vector<2560x128xf32>
    %get3A_7 = arith.constant 0 : index
    %get3A_8 = arith.constant 0 : index
    %get3A_9 = vector.load %arg3[%get3A_7, %get3A_8] : memref<1x128xf32, #tpu.memory_space<vmem>>, vector<1x128xf32>
    %add3A = vector.broadcast %get3A_9 : vector<1x128xf32> to vector<2560x128xf32>
    %add3A_10 = arith.addf %dot_general3A_6, %add3A : vector<2560x128xf32>
    %max3A = arith.constant 0.000000e+00 : f32
    %max3A_11 = vector.broadcast %max3A : f32 to vector<2560x128xf32>
    %max3A_12 = arith.maximumf %add3A_10, %max3A_11 : vector<2560x128xf32>
    %get3A_13 = arith.constant 0 : index
    %get3A_14 = arith.constant 0 : index
    %get3A_15 = vector.load %arg4[%get3A_13, %get3A_14] : memref<1x128xf32, #tpu.memory_space<vmem>>, vector<1x128xf32>
    %mul3A = vector.broadcast %get3A_15 : vector<1x128xf32> to vector<2560x128xf32>
    %mul3A_16 = arith.mulf %max3A_12, %mul3A : vector<2560x128xf32>
    %reduce_sum3A = arith.constant dense<0.000000e+00> : vector<2560xf32>
    %reduce_sum3A_17 = vector.multi_reduction <add>, %mul3A_16, %reduce_sum3A [1] : vector<2560x128xf32> to vector<2560xf32>
    %get3A_18 = arith.constant 0 : index
    %get3A_19 = arith.constant 0 : index
    %get3A_20 = vector.load %arg5[%get3A_18, %get3A_19] : memref<1x1xf32, #tpu.memory_space<vmem>>, vector<1x1xf32>
    %get3A_21 = vector.extract %get3A_20[0, 0] : f32 from vector<1x1xf32>
    %add3A_22 = vector.broadcast %get3A_21 : f32 to vector<2560xf32>
    %add3A_23 = arith.addf %reduce_sum3A_17, %add3A_22 : vector<2560xf32>
    %reshape3A = vector.shape_cast %add3A_23 : vector<2560xf32> to vector<1x20x128xf32>
    %swap3A = arith.constant 0 : index
    %swap3A_24 = arith.constant 0 : index
    %swap3A_25 = arith.constant 0 : index
    %swap3A_26 = vector.load %arg6[%swap3A, %swap3A_24, %swap3A_25] : memref<1x20x128xf32, #tpu.memory_space<vmem>>, vector<1x20x128xf32>
    tpu.vector_store %arg6[%swap3A, %swap3A_24, %swap3A_25], %reshape3A {strides = array<i32>} : memref<1x20x128xf32, #tpu.memory_space<vmem>>, vector<1x20x128xf32>,
    return
  }
  func.func @transform_0(%arg0: i32) -> (i32, i32) {
    %c0_i32 = arith.constant 0 : i32
    %c0_i32_0 = arith.constant 0 : i32
    return %arg0, %c0_i32 : i32, i32
  }
  func.func @transform_1(%arg0: i32) -> (i32, i32) {
    %c0_i32 = arith.constant 0 : i32
    %c0_i32_0 = arith.constant 0 : i32
    %c0_i32_1 = arith.constant 0 : i32
    return %c0_i32, %c0_i32_0 : i32, i32
  }
  func.func @transform_2(%arg0: i32) -> (i32, i32) {
    %c0_i32 = arith.constant 0 : i32
    %c0_i32_0 = arith.constant 0 : i32
    %c0_i32_1 = arith.constant 0 : i32
    return %c0_i32, %c0_i32_0 : i32, i32
  }
  func.func @transform_3(%arg0: i32) -> (i32, i32) {
    %c0_i32 = arith.constant 0 : i32
    %c0_i32_0 = arith.constant 0 : i32
    %c0_i32_1 = arith.constant 0 : i32
    return %c0_i32, %c0_i32_0 : i32, i32
  }
  func.func @transform_4(%arg0: i32) -> (i32, i32) {
    %c0_i32 = arith.constant 0 : i32
    %c0_i32_0 = arith.constant 0 : i32
    %c0_i32_1 = arith.constant 0 : i32
    return %c0_i32, %c0_i32_0 : i32, i32
  }
  func.func @transform_5(%arg0: i32) -> (i32, i32, i32) {
    %c0_i32 = arith.constant 0 : i32
    %c0_i32_0 = arith.constant 0 : i32
    %c0_i32_1 = arith.constant 0 : i32
    return %arg0, %c0_i32, %c0_i32_0 : i32, i32, i32
  }
}

module attributes {stable_mosaic.version = 14 : i64} {
  func.func @body(%arg0: memref<2500x128xf32, #tpu.memory_space<vmem>>, %arg1: memref<2500x128xf32, #tpu.memory_space<vmem>>, %arg2: memref<1x1xf32, #tpu.memory_space<vmem>>) attributes {dimension_semantics = [], scalar_prefetch = 0 : i64, scratch_operands = 0 : i64, tpu.core_type = #tpu.core_type<tc>} {
    %get3A = arith.constant 0 : index
    %get3A_0 = arith.constant 0 : index
    %get3A_1 = vector.load %arg0[%get3A, %get3A_0] : memref<2500x128xf32, #tpu.memory_space<vmem>>, vector<2500x128xf32>
    %reduce_max3A = vector.shape_cast %get3A_1 : vector<2500x128xf32> to vector<1x2500x128xf32>
    %reduce_max3A_2 = arith.constant dense<0xFF800000> : vector<1xf32>
    %reduce_max3A_3 = vector.multi_reduction <maximumf>, %reduce_max3A, %reduce_max3A_2 [1, 2] : vector<1x2500x128xf32> to vector<1xf32>
    %reduce_max3A_4 = vector.shape_cast %reduce_max3A_3 : vector<1xf32> to vector<1x1x1xf32>
    %reduce_max3A_5 = vector.extract %reduce_max3A_4[0, 0, 0] : f32 from vector<1x1x1xf32>
    %sub3A = vector.broadcast %reduce_max3A_5 : f32 to vector<2500x128xf32>
    %sub3A_6 = arith.subf %get3A_1, %sub3A : vector<2500x128xf32>
    %exp3A = math.exp %sub3A_6 : vector<2500x128xf32>
    %swap3A = arith.constant 0 : index
    %swap3A_7 = arith.constant 0 : index
    %swap3A_8 = vector.load %arg1[%swap3A, %swap3A_7] : memref<2500x128xf32, #tpu.memory_space<vmem>>, vector<2500x128xf32>
    tpu.vector_store %arg1[%swap3A, %swap3A_7], %exp3A {strides = array<i32>} : memref<2500x128xf32, #tpu.memory_space<vmem>>, vector<2500x128xf32>,
    %reduce_sum3A = vector.shape_cast %exp3A : vector<2500x128xf32> to vector<1x2500x128xf32>
    %reduce_sum3A_9 = arith.constant dense<0.000000e+00> : vector<1xf32>
    %reduce_sum3A_10 = vector.multi_reduction <add>, %reduce_sum3A, %reduce_sum3A_9 [1, 2] : vector<1x2500x128xf32> to vector<1xf32>
    %reduce_sum3A_11 = vector.shape_cast %reduce_sum3A_10 : vector<1xf32> to vector<1x1x1xf32>
    %reduce_sum3A_12 = vector.extract %reduce_sum3A_11[0, 0, 0] : f32 from vector<1x1x1xf32>
    %div3A = arith.constant 1.000000e+00 : f32
    %div3A_13 = arith.divf %div3A, %reduce_sum3A_12 : f32
    %reshape3A = vector.broadcast %div3A_13 : f32 to vector<1x1xf32>
    %swap3A_14 = arith.constant 0 : index
    %swap3A_15 = arith.constant 0 : index
    %swap3A_16 = vector.load %arg2[%swap3A_14, %swap3A_15] : memref<1x1xf32, #tpu.memory_space<vmem>>, vector<1x1xf32>
    tpu.vector_store %arg2[%swap3A_14, %swap3A_15], %reshape3A {strides = array<i32>} : memref<1x1xf32, #tpu.memory_space<vmem>>, vector<1x1xf32>,
    return
  }
}

module attributes {stable_mosaic.version = 14 : i64} {
  func.func @body(%arg0: i32, %arg1: memref<400x128xf32, #tpu.memory_space<vmem>>, %arg2: memref<400x128xf32, #tpu.memory_space<vmem>>, %arg3: memref<128x128xf32, #tpu.memory_space<vmem>>, %arg4: memref<128x128xf32, #tpu.memory_space<vmem>>, %arg5: memref<128x128xf32, #tpu.memory_space<vmem>>, %arg6: memref<1x128xf32, #tpu.memory_space<vmem>>, %arg7: memref<128x128xf32, #tpu.memory_space<vmem>>, %arg8: memref<1x128xf32, #tpu.memory_space<vmem>>, %arg9: memref<1x1xf32, #tpu.memory_space<vmem>>, %arg10: memref<400x128xf32, #tpu.memory_space<vmem>>) attributes {dimension_semantics = [#tpu.dimension_semantics<arbitrary>], iteration_bounds = array<i64: 25>, scalar_prefetch = 0 : i64, scratch_operands = 0 : i64, tpu.core_type = #tpu.core_type<tc>, window_params = [{transform_indices = @transform_0, window_bounds = array<i64: 400, 128>}, {transform_indices = @transform_1, window_bounds = array<i64: 400, 128>}, {pipeline_mode = #tpu.pipeline_mode<synchronous>, transform_indices = @transform_2, window_bounds = array<i64: 128, 128>}, {pipeline_mode = #tpu.pipeline_mode<synchronous>, transform_indices = @transform_3, window_bounds = array<i64: 128, 128>}, {pipeline_mode = #tpu.pipeline_mode<synchronous>, transform_indices = @transform_4, window_bounds = array<i64: 128, 128>}, {pipeline_mode = #tpu.pipeline_mode<synchronous>, transform_indices = @transform_5, window_bounds = array<i64: 1, 128>}, {pipeline_mode = #tpu.pipeline_mode<synchronous>, transform_indices = @transform_6, window_bounds = array<i64: 128, 128>}, {pipeline_mode = #tpu.pipeline_mode<synchronous>, transform_indices = @transform_7, window_bounds = array<i64: 1, 128>}, {pipeline_mode = #tpu.pipeline_mode<synchronous>, transform_indices = @transform_8, window_bounds = array<i64: 1, 1>}, {transform_indices = @transform_9, window_bounds = array<i64: 400, 128>}]} {
    %get3A = arith.constant 0 : index
    %get3A_0 = arith.constant 0 : index
    %get3A_1 = vector.load %arg1[%get3A, %get3A_0] : memref<400x128xf32, #tpu.memory_space<vmem>>, vector<400x128xf32>
    %get3A_2 = arith.constant 0 : index
    %get3A_3 = arith.constant 0 : index
    %get3A_4 = vector.load %arg3[%get3A_2, %get3A_3] : memref<128x128xf32, #tpu.memory_space<vmem>>, vector<128x128xf32>
    %dot_general3A = arith.constant dense<0.000000e+00> : vector<400x128xf32>
    %dot_general3A_5 = tpu.matmul %get3A_1, %get3A_4, %dot_general3A {dimension_numbers = #tpu.dot_dimension_numbers<[1], [0], [0], [1], [0, 0, 1, 1], [], []>, transpose_lhs_hint = false} : vector<400x128xf32>, vector<128x128xf32>, vector<400x128xf32> -> vector<400x128xf32>
    %get3A_6 = arith.constant 0 : index
    %get3A_7 = arith.constant 0 : index
    %get3A_8 = vector.load %arg2[%get3A_6, %get3A_7] : memref<400x128xf32, #tpu.memory_space<vmem>>, vector<400x128xf32>
    %get3A_9 = arith.constant 0 : index
    %get3A_10 = arith.constant 0 : index
    %get3A_11 = vector.load %arg4[%get3A_9, %get3A_10] : memref<128x128xf32, #tpu.memory_space<vmem>>, vector<128x128xf32>
    %dot_general3A_12 = arith.constant dense<0.000000e+00> : vector<400x128xf32>
    %dot_general3A_13 = tpu.matmul %get3A_8, %get3A_11, %dot_general3A_12 {dimension_numbers = #tpu.dot_dimension_numbers<[1], [0], [0], [1], [0, 0, 1, 1], [], []>, transpose_lhs_hint = false} : vector<400x128xf32>, vector<128x128xf32>, vector<400x128xf32> -> vector<400x128xf32>
    %get3A_14 = arith.constant 0 : index
    %get3A_15 = arith.constant 0 : index
    %get3A_16 = vector.load %arg9[%get3A_14, %get3A_15] : memref<1x1xf32, #tpu.memory_space<vmem>>, vector<1x1xf32>
    %get3A_17 = vector.extract %get3A_16[0, 0] : f32 from vector<1x1xf32>
    %mul3A = vector.broadcast %get3A_17 : f32 to vector<400x128xf32>
    %mul3A_18 = arith.mulf %dot_general3A_13, %mul3A : vector<400x128xf32>
    %add3A = arith.addf %dot_general3A_5, %mul3A_18 : vector<400x128xf32>
    %get3A_19 = arith.constant 0 : index
    %get3A_20 = arith.constant 0 : index
    %get3A_21 = vector.load %arg5[%get3A_19, %get3A_20] : memref<128x128xf32, #tpu.memory_space<vmem>>, vector<128x128xf32>
    %dot_general3A_22 = arith.constant dense<0.000000e+00> : vector<400x128xf32>
    %dot_general3A_23 = tpu.matmul %add3A, %get3A_21, %dot_general3A_22 {dimension_numbers = #tpu.dot_dimension_numbers<[1], [0], [0], [1], [0, 0, 1, 1], [], []>, transpose_lhs_hint = false} : vector<400x128xf32>, vector<128x128xf32>, vector<400x128xf32> -> vector<400x128xf32>
    %get3A_24 = arith.constant 0 : index
    %get3A_25 = arith.constant 0 : index
    %get3A_26 = vector.load %arg6[%get3A_24, %get3A_25] : memref<1x128xf32, #tpu.memory_space<vmem>>, vector<1x128xf32>
    %add3A_27 = vector.broadcast %get3A_26 : vector<1x128xf32> to vector<400x128xf32>
    %add3A_28 = arith.addf %dot_general3A_23, %add3A_27 : vector<400x128xf32>
    %max3A = arith.constant 0.000000e+00 : f32
    %max3A_29 = vector.broadcast %max3A : f32 to vector<400x128xf32>
    %max3A_30 = arith.maximumf %add3A_28, %max3A_29 : vector<400x128xf32>
    %get3A_31 = arith.constant 0 : index
    %get3A_32 = arith.constant 0 : index
    %get3A_33 = vector.load %arg7[%get3A_31, %get3A_32] : memref<128x128xf32, #tpu.memory_space<vmem>>, vector<128x128xf32>
    %dot_general3A_34 = arith.constant dense<0.000000e+00> : vector<400x128xf32>
    %dot_general3A_35 = tpu.matmul %max3A_30, %get3A_33, %dot_general3A_34 {dimension_numbers = #tpu.dot_dimension_numbers<[1], [0], [0], [1], [0, 0, 1, 1], [], []>, transpose_lhs_hint = false} : vector<400x128xf32>, vector<128x128xf32>, vector<400x128xf32> -> vector<400x128xf32>
    %get3A_36 = arith.constant 0 : index
    %get3A_37 = arith.constant 0 : index
    %get3A_38 = vector.load %arg8[%get3A_36, %get3A_37] : memref<1x128xf32, #tpu.memory_space<vmem>>, vector<1x128xf32>
    %add3A_39 = vector.broadcast %get3A_38 : vector<1x128xf32> to vector<400x128xf32>
    %add3A_40 = arith.addf %dot_general3A_35, %add3A_39 : vector<400x128xf32>
    %swap3A = arith.constant 0 : index
    %swap3A_41 = arith.constant 0 : index
    %swap3A_42 = vector.load %arg10[%swap3A, %swap3A_41] : memref<400x128xf32, #tpu.memory_space<vmem>>, vector<400x128xf32>
    tpu.vector_store %arg10[%swap3A, %swap3A_41], %add3A_40 {strides = array<i32>} : memref<400x128xf32, #tpu.memory_space<vmem>>, vector<400x128xf32>,
    return
  }
  func.func @transform_0(%arg0: i32) -> (i32, i32) {
    %c0_i32 = arith.constant 0 : i32
    %c0_i32_0 = arith.constant 0 : i32
    return %arg0, %c0_i32 : i32, i32
  }
  func.func @transform_1(%arg0: i32) -> (i32, i32) {
    %c0_i32 = arith.constant 0 : i32
    %c0_i32_0 = arith.constant 0 : i32
    return %arg0, %c0_i32 : i32, i32
  }
  func.func @transform_2(%arg0: i32) -> (i32, i32) {
    %c0_i32 = arith.constant 0 : i32
    %c0_i32_0 = arith.constant 0 : i32
    %c0_i32_1 = arith.constant 0 : i32
    return %c0_i32, %c0_i32_0 : i32, i32
  }
  func.func @transform_3(%arg0: i32) -> (i32, i32) {
    %c0_i32 = arith.constant 0 : i32
    %c0_i32_0 = arith.constant 0 : i32
    %c0_i32_1 = arith.constant 0 : i32
    return %c0_i32, %c0_i32_0 : i32, i32
  }
  func.func @transform_4(%arg0: i32) -> (i32, i32) {
    %c0_i32 = arith.constant 0 : i32
    %c0_i32_0 = arith.constant 0 : i32
    %c0_i32_1 = arith.constant 0 : i32
    return %c0_i32, %c0_i32_0 : i32, i32
  }
  func.func @transform_5(%arg0: i32) -> (i32, i32) {
    %c0_i32 = arith.constant 0 : i32
    %c0_i32_0 = arith.constant 0 : i32
    %c0_i32_1 = arith.constant 0 : i32
    return %c0_i32, %c0_i32_0 : i32, i32
  }
  func.func @transform_6(%arg0: i32) -> (i32, i32) {
    %c0_i32 = arith.constant 0 : i32
    %c0_i32_0 = arith.constant 0 : i32
    %c0_i32_1 = arith.constant 0 : i32
    return %c0_i32, %c0_i32_0 : i32, i32
  }
  func.func @transform_7(%arg0: i32) -> (i32, i32) {
    %c0_i32 = arith.constant 0 : i32
    %c0_i32_0 = arith.constant 0 : i32
    %c0_i32_1 = arith.constant 0 : i32
    return %c0_i32, %c0_i32_0 : i32, i32
  }
  func.func @transform_8(%arg0: i32) -> (i32, i32) {
    %c0_i32 = arith.constant 0 : i32
    %c0_i32_0 = arith.constant 0 : i32
    %c0_i32_1 = arith.constant 0 : i32
    return %c0_i32, %c0_i32_0 : i32, i32
  }
  func.func @transform_9(%arg0: i32) -> (i32, i32) {
    %c0_i32 = arith.constant 0 : i32
    %c0_i32_0 = arith.constant 0 : i32
    return %arg0, %c0_i32 : i32, i32
  }
}

</mosaic_0001>

<sc_bundles>
// kernel: kernel.11.cloned.1.call-start
scs
__scs_entry_jumppad:
0x0: {  	(pc) =	sbr.rel $0x88, $3  }
0x1: {  	(tag) =	ssettag $0x0;
	lr =	simm.s32 $0x1  }
0x2: {  	[smem:$0x3F94] =	sst lr;
	_ =	strace $0xD0000000  }
0x3: {  	_ = 	snop  }
0x4: {  	_ = 	snop  }
0x5: {  	_ = 	snop  }
0x6: {  	_ = 	snop  }
0x7: {  	_ = 	snop  }
__scs_overlays_trampoline_lowered:
0x8: {  	[smem:$0x3FA3] =	sst s0  }
0x9: {  	[smem:$0x3FA4] =	sst s1  }
0xa: {  	[smem:$0x3FA5] =	sst s2  }
0xb: {  	[smem:$0x3FA6] =	sst s3  }
0xc: {  	[smem:$0x3FA7] =	sst s4  }
0xd: {  	[smem:$0x3FA8] =	sst s5  }
0xe: {  	[smem:$0x3FA9] =	sst s6  }
0xf: {  	[smem:$0x3FAA] =	sst s7  }
0x10: {  	[smem:$0x3FAB] =	sst s8  }
0x11: {  	[smem:$0x3FAC] =	sst s9;
	s0 =	simm.s32 @!p0 $0x0  }
0x12: {  	s1 =	sld [smem:$0x3F92];
	s0 =	simm.s32 @p0 $0x1  }
0x13: {  	[smem:$0x3FAD] =	sst s0;
	s0 =	simm.s32 @!p1 $0x0  }
0x14: {  	s2 =	sld [smem:$0x3F91];
	s0 =	simm.s32 @p1 $0x1  }
0x15: {  	[smem:$0x3FAE] =	sst s0;
	s0 =	simm.s32 @!p2 $0x0  }
0x16: {  	s3 =	sld [smem:$0x3FDB];
	s0 =	simm.s32 @p2 $0x1  }
0x17: {  	s4 =	simm.s32 $0x1BF5;
	[smem:$0x3FB0] =	sst s0  }
0x18: {  	s0 =	sld [smem:$0x3F93];
	_ =	swait.ge [sflag:s4], $0x0  }
0x19: {  	s7 =	sld [smem:$0x3F94]  }
0x1a: {  	s8 =	sadd.s32 $0xFFFFE003, lr  }
0x1b: {  	s9 =	sadd.s32 $0xFFFFFEF7, lr;
	s5 =	simm.s32 $0xFFFFFFFF;
	p2 =	slt.u32 s8, $0xFFFFF086  }
0x1c: {  	p1 =	slt.u32 s9, $0xF7A;
	s5 =	simm.s32 @!p2 $0x0  }
0x1d: {  	s5 =	simm.s32 @p1 $0x1;
	p0 =	seq.s32 s7, s2  }
0x1e: {  	s7 =	smul.u32 @!p0 $0xF7A, s2;
	p2 =	seq.s32 @!p0 s5, $0x0  }
0x1f: {  	s9 =	smul.u32 $0xF7A, s1;
	s8 =	simm.s32 @!p0 $0x1BF5;
	p2 =	por !p2, p0  }
0x20: {  	[sflag:s8] =	ssyncset.s32 @!p0 $0xFFFFF086;
	s6 =	sadd.s32 @!p0 s3, s7;
	s7 =	simm.s32 @!p0 $0x108  }
0x21: {  	s3 =	sadd.s32 s3, s9;
	s6 =	sadd.s32 @!p0 $0x88, s6;
	s7 =	simm.s32 @p2 $0x1082  }
0x22: {  	[simem:s7], [sflag:s8] =	dma.local @!p0 [hbm:s6], $0xF7A  }
0x23: {  	s9 =	sor.u32 $0xD0000000, s2;
	s6 =	simm.s32 $0x108;
	_ =	swait.ge @!p0 [sflag:s8], $0x0  }
0x24: {  	s3 =	sadd.s32 $0x88, s3;
	s6 =	simm.s32 @!p1 $0x1082;
	[sflag:s4] =	ssyncset.s32 $0xFFFFF086  }
0x25: {  	[simem:s6], [sflag:s4] =	dma.local [hbm:s3], $0xF7A  }
0x26: {  	[smem:$0x3F94] =	sst s1;
	(tag) =	ssettag s2;
	_ =	strace s9  }
0x27: {  	s1 =	sld [smem:$0x3FA4]  }
0x28: {  	s2 =	sld [smem:$0x3FA5]  }
0x29: {  	s4 =	sld [smem:$0x3FA7]  }
0x2a: {  	p0 =	seq.s32 s5, $0x0;
	s5 =	sld [smem:$0x3FA8]  }
0x2b: {  	s6 =	sld [smem:$0x3FA9]  }
0x2c: {  	s7 =	sld [smem:$0x3FAA]  }
0x2d: {  	s3 =	simm.s32 $0x108;
	s8 =	sld [smem:$0x3FAB]  }
0x2e: {  	s3 =	simm.s32 @!p0 $0x1082;
	s9 =	sld [smem:$0x3FAC]  }
0x2f: {  	lr =	sadd.s32 s0, s3;
	s0 =	sld [smem:$0x3FA3]  }
0x30: {  	s3 =	sld [smem:$0x3FA6]  }
0x31: {  	[smem:$0x3FAF] =	sst s10  }
0x32: {  	s10 =	sld [smem:$0x3FAD];
	_ =	sdelay $0x3  }
0x33: {  	p0 =	seq.s32 s10, $0x1;
	s10 =	sld [smem:$0x3FAF];
	_ =	sdelay $0x3  }
0x34: {  	[smem:$0x3FAF] =	sst s10  }
0x35: {  	s10 =	sld [smem:$0x3FAE];
	_ =	sdelay $0x3  }
0x36: {  	p1 =	seq.s32 s10, $0x1;
	s10 =	sld [smem:$0x3FAF];
	_ =	sdelay $0x3  }
0x37: {  	[smem:$0x3FAF] =	sst s10  }
0x38: {  	s10 =	sld [smem:$0x3FB0]  }
0x39: {  	_ = 	snop;
	(pc) =	sbr.ind lr, $3  }
0x3a: {  	_ = 	snop  }
0x3b: {  	_ = 	snop  }
0x3c: {  	p2 =	seq.s32 s10, $0x1;
	s10 =	sld [smem:$0x3FAF]  }
0x3d: {  	_ =	shalt  }
0x3e: {  	_ =	shalt  }
0x3f: {  	_ =	shalt  }
0x40: {  	_ =	shalt  }
0x41: {  	_ =	shalt  }
0x42: {  	_ =	shalt  }
0x43: {  	_ =	shalt  }
0x44: {  	_ =	shalt  }
0x45: {  	_ =	shalt  }
0x46: {  	_ =	shalt  }
0x47: {  	_ =	shalt  }
0x48: {  	_ =	shalt  }
0x49: {  	_ =	shalt  }
0x4a: {  	_ =	shalt  }
0x4b: {  	_ =	shalt  }
0x4c: {  	_ =	shalt  }
0x4d: {  	_ =	shalt  }
0x4e: {  	_ =	shalt  }
0x4f: {  	_ =	shalt  }
0x50: {  	_ =	shalt  }
0x51: {  	_ =	shalt  }
0x52: {  	_ =	shalt  }
0x53: {  	_ =	shalt  }
0x54: {  	_ =	shalt  }
0x55: {  	_ =	shalt  }
0x56: {  	_ =	shalt  }
0x57: {  	_ =	shalt  }
0x58: {  	_ =	shalt  }
0x59: {  	_ =	shalt  }
0x5a: {  	_ =	shalt  }
0x5b: {  	_ =	shalt  }
0x5c: {  	_ =	shalt  }
0x5d: {  	_ =	shalt  }
0x5e: {  	_ =	shalt  }
0x5f: {  	_ =	shalt  }
0x60: {  	_ =	shalt  }
0x61: {  	_ =	shalt  }
0x62: {  	_ =	shalt  }
0x63: {  	_ =	shalt  }
0x64: {  	_ =	shalt  }
0x65: {  	_ =	shalt  }
0x66: {  	_ =	shalt  }
0x67: {  	_ =	shalt  }
0x68: {  	_ =	shalt  }
0x69: {  	_ =	shalt  }
0x6a: {  	_ =	shalt  }
0x6b: {  	_ =	shalt  }
0x6c: {  	_ =	shalt  }
0x6d: {  	_ =	shalt  }
0x6e: {  	_ =	shalt  }
0x6f: {  	_ =	shalt  }
0x70: {  	_ =	shalt  }
0x71: {  	_ =	shalt  }
0x72: {  	_ =	shalt  }
0x73: {  	_ =	shalt  }
0x74: {  	_ =	shalt  }
0x75: {  	_ =	shalt  }
0x76: {  	_ =	shalt  }
0x77: {  	_ =	shalt  }
0x78: {  	_ =	shalt  }
0x79: {  	_ =	shalt  }
0x7a: {  	_ =	shalt  }
0x7b: {  	_ =	shalt  }
0x7c: {  	_ =	shalt  }
0x7d: {  	_ =	shalt  }
0x7e: {  	_ =	shalt  }
0x7f: {  	_ =	shalt  }
0x80: {  	_ =	shalt  }
0x81: {  	_ =	shalt  }
0x82: {  	_ =	shalt  }
0x83: {  	_ =	shalt  }
0x84: {  	_ =	shalt  }
0x85: {  	_ =	shalt  }
0x86: {  	_ =	shalt  }
0x87: {  	_ =	shalt  }
.Lfunc_end0:
.L_simem_size_0:
called_computation.1_lowered:
.L_overlay_start_0:
0x88: {  	s2 =	sld [smem:$0x3FD9]  }
0x89: {  	s3 =	sld [smem:$0x3FFE];
	_ =	sdelay $0x1  }
0x8a: {  	s1 =	srdreg.scid  }
0x8b: {  	s0 =	sand.u32 $0x1, s1  }
0x8c: {  	s17 =	sshll.u32 s0, $0xA;
	s2 =	sadd.s32 s3, s2  }
0x8d: {  	s2 =	sadd.s32 s2, s17  }
0x8e: {  	[smem:$0x3FBB] =	sst s2  }
0x8f: {  	_ = 	snop  }
0x90: {  	s2 =	sld [smem:$0x3FC6];
	(tm) =	ssettm $0x1  }
0x91: {  	s18 =	sld [smem:$0x3FFB];
	_ =	sdelay $0x3  }
0x92: {  	_ =	strace s18  }
0x93: {  	s3 =	sld [smem:$0x3FFC];
	_ =	sdelay $0x3  }
0x94: {  	_ =	strace s3  }
0x95: {  	s3 =	sld [smem:$0x3FFD];
	_ =	sdelay $0x3  }
0x96: {  	_ =	strace s3  }
0x97: {  	_ =	strace $0x8FFFFFFF  }
0x98: {  	s19 =	sld [smem:$0x3FDB];
	_ =	sdelay $0x1  }
0x99: {  	s4 =	simm.s32 $_scs_section_size  }
0x9a: {  	s5 =	simm.s32 $_size__tile_overlayer_lowered;
	s6 =	simm.s32 $_tile_overlayer_lowered  }
0x9b: {  	s22 =	simm.s32 $0x1BFF;
	s21 =	sshll.u32 s6, $0x1;
	s3 =	sadd.s32 s4, s19  }
0x9c: {  	s7 =	simm.s32 $0x0;
	s20 =	sshll.u32 s5, $0x1;
	s5 =	sadd.s32 s21, s3  }
0x9d: {  	[timem:s7], [sflag:s22] =	dma.local [hbm:s5], s20  }
0x9e: {  	_ =	swait.ge [sflag:s22], s20  }
0x9f: {  	s4 =	ssub.s32 $0x0, s20;
	[sflag:s22] =	ssyncset.done $0x0  }
0xa0: {  	[sflag:s22] =	ssyncadd.s32 s4;
	_ =	sdelay $0x1  }
0xa1: {  	s23 =	simm.s32 $0x1B8B  }
0xa2: {  	_ =	swait.ge [sflag:s23], $0x1  }
0xa3: {  	[sflag:s23] =	ssyncset.done $0x0  }
0xa4: {  	s25 =	simm.s32 $0x1B8E;
	s24 =	sld [smem:$0x3FFE];
	[sflag:s23] =	ssyncadd.s32 $0xFFFFFFFF  }
0xa5: {  	s26 =	simm.s32 $execute0_lowered;
	[smem:$0x3FD2] =	sst s25  }
0xa6: {  	s5 =	sshll.u32 s26, $0x1;
	_ =	strace $0x80000049;
	[dreg:$0x1] =	wrdreg $0xFFFFFFFF  }
0xa7: {  	s28 =	simm.s32 $_size_execute0_lowered;
	s3 =	sadd.s32 s3, s5;
	[dreg:$0x0] =	wrdreg $0x0  }
0xa8: {  	s5 =	sshll.u32 s28, $0x1;
	[dreg:$0x2] =	wrdreg s3  }
0xa9: {  	[dreg:$0x3] =	wrdreg s5  }
0xaa: {  	[dreg:$0x4] =	wrdreg $0xC0  }
0xab: {  	_ =	task [dreg:s7], $0x5FFFF  }
0xac: {  	[dreg:$0x1] =	wrdreg $0xFFFFFFFF  }
0xad: {  	[dreg:$0x0] =	wrdreg $0x60  }
0xae: {  	[dreg:$0x2] =	wrdreg s2  }
0xaf: {  	[dreg:$0x3] =	wrdreg s24  }
0xb0: {  	[dreg:$0x4] =	wrdreg $0x0  }
0xb1: {  	[dreg:$0x5] =	wrdreg $0x9  }
0xb2: {  	_ =	task.clear_ibuf [dreg:s7], $0x6FFFF;
	_ =	strace $0x90000049  }
0xb3: {  	s29 =	simm.s32 $0x9;
	_ =	strace $0x8000004B  }
0xb4: {  	_ =	swait.ge [sflag:s29], $0x1  }
0xb5: {  	[sflag:s29] =	ssyncadd.s32 $0xFFFFFFFF  }
0xb6: {  	_ =	strace $0x9000004B  }
0xb7: {  	_ =	sfence  }
0xb8: {  	s30 =	sld [smem:$0x0];
	_ =	sdelay $0x2  }
0xb9: {  	s31 =	sshll.u32 s1, $0xD;
	s1 =	sshrl.u32 s1, $0x2  }
0xba: {  	s3 =	sand.u32 $0x4000, s31;
	s1 =	sadd.s32 s1, s30  }
0xbb: {  	s0 =	sor.u32 s3, s0;
	s1 =	sshll.u32 s1, $0x11  }
0xbc: {  	s0 =	sor.u32 s1, s0  }
0xbd: {  	s0 =	sadd.s32 $0x8F2B, s0  }
0xbe: {  	[sflag:s0] =	ssyncadd.remote.s32 $0x1  }
0xbf: {  	_ =	sfence.sel $0xFFFF  }
0xc0: {  	[dreg:$0x0] =	wrdreg $0xFFFFFFFF;
	(pc) =	sbr.abs _section_cstart, $3  }
0xc1: {  	[dreg:$0x1] =	wrdreg $0xFFFFFFFF  }
0xc2: {  	_ =	task.clear_ibuf [dreg:s7], $0x2FFFF;
	_ =	strace $0x9FFFFFFF  }
0xc3: {  	(tm) =	ssettm $0x7FFFFFFF  }
tec
execute0_lowered:
.L_overlay_start_1:
0x0: {  	(tag) =	ssettag $0x1  }
0x1: {  	s1 =	rddreg [dreg:$0x0]  }
0x2: {  	s6 =	rddreg [dreg:$0x1]  }
0x3: {  	s2 =	rddreg [dreg:$0x2]  }
0x4: {  	s0 =	rddreg [dreg:$0x3];
	s4 =	srdreg.scid  }
0x5: {  	s9 =	stileid.u32;
	s3 =	simm.s32 $0x0;
	s12 =	simm.s32 $0x40  }
0x6: {  	s13 =	simm.s32 $0x14C80;
	s14 =	simm.s32 $0x18D80;
	s15 =	simm.s32 $0x1  }
0x7: {  	s16 =	simm.s32 $0x14D80;
	s17 =	simm.s32 $0x138C0;
	s18 =	simm.s32 $0x14D00  }
0x8: {  	s19 =	simm.s32 $0x18E00;
	s20 =	simm.s32 $0x2;
	s21 =	simm.s32 $0x16D80  }
0x9: {  	s22 =	simm.s32 $0x18E80;
	s5 =	sand.u32 $0x1, s4;
	s31 =	sshll.u32 s9, $0x1  }
0xa: {  	s23 =	simm.s32 $0x0;
	[smem:$0x7FF] =	sst s3;
	s7 =	sor.u32 s5, s31  }
0xb: {  	s4 =	sadd.s32 $0x4F8200, s6;
	p0 =	sne.s32 s9, $0x0;
	s8 =	smul.u32 $0x280, s7  }
.Ltmp0:
0xc: {  	_ =	strace $0x8000004A;
	s10 =	ssub.s32 $0x2, s5;
	(pc) =	sbr.rel .LBB2_1-.Ltmp0, $4  }
0xd: {  	s5 =	sadd.s32 $0x2600, s6;
	s7 =	smul.u32 $0xA00, s7;
	s11 =	sshrl.u32 s10, $0x1  }
0xe: {  	s9 =	sshrl.u32 @!p0 s2, $0x3;
	s10 =	ssub.s32 s10, s11;
	s8 =	sadd.s32 s8, s6  }
0xf: {  	s11 =	simm.s32 $0x3;
	s7 =	sadd.s32 s7, s6;
	s6 =	sadd.s32 $0x502000, s8  }
0x10: {  	v0 =	vimm.s32 $0x20;
	s7 =	sadd.s32 $0xC400, s7;
	s8 =	smax.u32 s10, $0x1;
	s10 =	simm.s32 $0x13880  }
.LBB2_12:
0x11: {  	s23 =	sadd.s32 $0x1, s23  }
0x12: {  	p1 =	sne.s32 s23, s8  }
.Ltmp1:
0x13: {  	_ = 	snop;
	(pc) =	sbr.rel @!p1 .LBB2_13-.Ltmp1, $4  }
0x14: {  	[hbm4b:s7+s3] =	stream.linear.scatter [tilespmem:s22], [sflag:$0x3], $0x5000, $0x38;
	[tilespmem:$0x1DE80] =	vst v63  }
0x15: {  	_ =	swait.ge [sflag:s11], $0x5000  }
0x16: {  	[sflag:s11] =	ssyncset.done $0x0  }
0x17: {  	[sflag:s11] =	ssyncadd.s32 $0xFFFFB000  }
.LBB2_1:
0x18: {  	s24 =	simm.s32 @!p0 $0x1C03  }
0x19: {  	[spmem:s9], [sflag:s24] =	dma.local @!p0 [hbm:s1], $0x27100  }
0x1a: {  	s24 =	simm.s32 @!p0 $0x3  }
0x1b: {  	_ =	swait.ge @!p0 [sflag:s24], $0x27100  }
0x1c: {  	[sflag:s24] =	ssyncset.done @!p0 $0x0  }
0x1d: {  	[sflag:s24] =	ssyncadd.s32 @!p0 $0xFFFD8F00  }
0x1e: {  	[bflag:$0x0] =	sbarrier.arrive $0xFFFF  }
0x1f: {  	[tilespmem:s10], [sflag:$0x3] =	stream.linear.gather [hbm4b:s6+s3], $0x1400, $0x38;
	[tilespmem:$0x1DE80] =	vst v63  }
0x20: {  	_ =	swait.ge [sflag:s11], $0x1400  }
0x21: {  	[sflag:s11] =	ssyncset.done $0x0  }
0x22: {  	[sflag:s11] =	ssyncadd.s32 $0xFFFFEC00  }
0x23: {  	[tilespmem:s13], [sflag:$0x1] =	stream.indirect.gather [hbm4b:s4+s12], $0x1, s10, s12, $0xb8;
	[tilespmem:$0x1DE80] =	vst v63  }
0x24: {  	_ = 	snop  }
0x25: {  	[tilespmem:s14], [sflag:$0x1] =	stream.indirect.gather [hbm4b:s5+s12], $0x1, s10, s12, $0xb8;
	[tilespmem:$0x1DE80] =	vst v63  }
0x26: {  	_ =	swait.ge [sflag:s15], $0x40  }
0x27: {  	[sflag:s15] =	ssyncset.done $0x0  }
0x28: {  	[sflag:s15] =	ssyncadd.s32 $0xFFFFFFC0  }
0x29: {  	_ =	swait.ge [sflag:s15], $0x40  }
0x2a: {  	[sflag:s15] =	ssyncset.done $0x0  }
0x2b: {  	[sflag:s15] =	ssyncadd.s32 $0xFFFFFFC0  }
0x2c: {  	[tilespmem:s16], [sflag:$0x1] =	stream.indirect.gather [spmem:s2], $0x80, s13, s12, $0xb8;
	[tilespmem:$0x1DE80] =	vst v63  }
0x2d: {  	_ = 	snop  }
0x2e: {  	[tilespmem:s18], [sflag:$0x2] =	stream.indirect.gather [hbm4b:s4+s12], $0x1, s17, s12, $0xb8;
	[tilespmem:$0x1DE80] =	vst v63  }
0x2f: {  	s24 =	simm.s32 $0x0  }
0x30: {  	[tilespmem:s19], [sflag:$0x2] =	stream.indirect.gather [hbm4b:s5+s12], $0x1, s17, s12, $0xb8;
	[tilespmem:$0x1DE80] =	vst v63  }
.LBB2_2:
0x31: {  	_ =	swait.ge [sflag:s20], $0x40  }
0x32: {  	[sflag:s20] =	ssyncset.done $0x0  }
0x33: {  	[sflag:s20] =	ssyncadd.s32 $0xFFFFFFC0  }
0x34: {  	_ =	swait.ge [sflag:s20], $0x40  }
0x35: {  	[sflag:s20] =	ssyncset.done $0x0  }
0x36: {  	s25 =	simm.s32 $0x1;
	[sflag:s20] =	ssyncadd.s32 $0xFFFFFFC0  }
0x37: {  	[tilespmem:s21], [sflag:$0x2] =	stream.indirect.gather [spmem:s2], $0x80, s18, s12, $0xb8;
	[tilespmem:$0x1DE80] =	vst v63  }
0x38: {  	_ =	swait.ge [sflag:s25], $0x2000  }
0x39: {  	[sflag:s25] =	ssyncset.done $0x0  }
0x3a: {  	[sflag:s25] =	ssyncadd.s32 $0xFFFFE000  }
0x3b: {  	v1 =	vld.msk [tilespmem:s14+$0x0], $0xffff  }
0x3c: {  	v2 =	vld [tilespmem:$0x14D80]  }
0x3d: {  	v3 =	vld [tilespmem:$0x14D90]  }
0x3e: {  	v4 =	vld [tilespmem:$0x14DA0]  }
0x3f: {  	v6 =	vmov s25;
	v5 =	vld [tilespmem:$0x14DB0]  }
0x40: {  	v7 =	vld [tilespmem:$0x14DC0]  }
0x41: {  	v8 =	vld [tilespmem:$0x14DD0]  }
0x42: {  	v9 =	vld [tilespmem:$0x14DE0]  }
0x43: {  	v10 =	vld [tilespmem:$0x14DF0]  }
0x44: {  	s30 =	simm.s32 $0x14E70;
	v16 =	vld.idx.msk [tilespmem:v6+s14+$0x0], $0xffff  }
0x45: {  	v6 =	vld [tilespmem:s30+$0x0]  }
0x46: {  	v11 =	vld [tilespmem:s30+$0xFFFFFF90]  }
0x47: {  	v12 =	vld [tilespmem:s30+$0xFFFFFFA0]  }
0x48: {  	s26 =	simm.s32 $0x2;
	v14 =	vld [tilespmem:s30+$0xFFFFFFB0];
	v13 =	vmul.f32 v2, v1  }
0x49: {  	v18 =	vld [tilespmem:s30+$0xFFFFFFC0];
	v2 =	vmov s26;
	v15 =	vmul.f32 v3, v1;
	v17 =	vmul.f32 v4, v1  }
0x4a: {  	v21 =	vld [tilespmem:s30+$0xFFFFFFD0];
	v19 =	vmul.f32 v5, v1;
	v20 =	vmul.f32 v7, v1  }
0x4b: {  	v22 =	vld [tilespmem:s30+$0xFFFFFFE0];
	v4 =	vmul.f32 v8, v1;
	v3 =	vmul.f32 v9, v1  }
0x4c: {  	s25 =	simm.s32 $0x14EF0;
	v23 =	vld [tilespmem:s30+$0xFFFFFFF0];
	v1 =	vmul.f32 v10, v1;
	v5 =	vmul.f32 v6, v16  }
0x4d: {  	v6 =	vmul.f32 v11, v16;
	v8 =	vmul.f32 v12, v16;
	v9 =	vld [tilespmem:s25+$0x0]  }
0x4e: {  	v10 =	vmul.f32 v14, v16;
	v14 =	vmul.f32 v18, v16;
	v1 =	vadd.f32 v5, v1;
	v2 =	vld.idx.msk [tilespmem:v2+s14+$0x0], $0xffff  }
0x4f: {  	v11 =	vld [tilespmem:s25+$0xFFFFFF90];
	v18 =	vmul.f32 v21, v16;
	v7 =	vadd.f32 v6, v13;
	v5 =	vadd.f32 v8, v15  }
0x50: {  	s31 =	simm.s32 $0x3;
	v12 =	vld [tilespmem:s25+$0xFFFFFFA0];
	v8 =	vadd.f32 v10, v17;
	v6 =	vadd.f32 v14, v19;
	v15 =	vmul.f32 v22, v16  }
0x51: {  	s26 =	simm.s32 $0x4;
	v14 =	vmov s31;
	v13 =	vld [tilespmem:s25+$0xFFFFFFB0];
	v10 =	vadd.f32 v18, v20;
	v16 =	vmul.f32 v23, v16  }
.LBB2_3:
0x52: {  	p1 =	sne.s32 s26, $0x1F;
	v17 =	vld [tilespmem:s25+$0xFFFFFFC0];
	v4 =	vadd.f32 v15, v4  }
0x53: {  	v15 =	vld [tilespmem:s25+$0xFFFFFFD0];
	v9 =	vmul.f32 v9, v2;
	v3 =	vadd.f32 v16, v3;
	v16 =	vmov v2  }
0x54: {  	v11 =	vmul.f32 v11, v16;
	v18 =	vld [tilespmem:s25+$0xFFFFFFE0]  }
0x55: {  	v12 =	vmul.f32 v12, v16;
	v19 =	vld [tilespmem:s25+$0xFFFFFFF0];
	v1 =	vadd.f32 v9, v1  }
.Ltmp2:
0x56: {  	s25 =	sadd.s32 $0x80, s25;
	v2 =	vld.idx.msk [tilespmem:v14+s14+$0x0], $0xffff;
	v7 =	vadd.f32 v11, v7;
	v13 =	vmul.f32 v13, v16;
	(pc) =	sbr.rel @p1 .LBB2_3-.Ltmp2, $4  }
0x57: {  	v9 =	vld [tilespmem:s25+$0x0];
	v5 =	vadd.f32 v12, v5;
	v14 =	vmul.f32 v17, v16  }
0x58: {  	v11 =	vld [tilespmem:s25+$0xFFFFFF90];
	v8 =	vadd.f32 v13, v8;
	v17 =	vmul.f32 v15, v16  }
0x59: {  	v12 =	vld [tilespmem:s25+$0xFFFFFFA0];
	v6 =	vadd.f32 v14, v6;
	v15 =	vmul.f32 v18, v16  }
0x5a: {  	v14 =	vmov s26;
	s26 =	sadd.s32 $0x1, s26;
	v13 =	vld [tilespmem:s25+$0xFFFFFFB0];
	v10 =	vadd.f32 v17, v10;
	v16 =	vmul.f32 v19, v16  }
0x5b: {  	_ = 	snop  }
0x5c: {  	v17 =	vld [tilespmem:s25+$0xFFFFFFC0]  }
0x5d: {  	v18 =	vld [tilespmem:s25+$0xFFFFFFD0]  }
0x5e: {  	v19 =	vld [tilespmem:s25+$0xFFFFFFE0]  }
0x5f: {  	v14 =	vld.idx.msk [tilespmem:v14+s14+$0x0], $0xffff;
	s30 =	sadd.s32 $0x80, s25  }
0x60: {  	v21 =	vld [tilespmem:s30+$0xFFFFFF90]  }
0x61: {  	v4 =	vadd.f32 v15, v4;
	v15 =	vld [tilespmem:s30+$0xFFFFFFB0]  }
0x62: {  	v22 =	vld [tilespmem:s30+$0xFFFFFFA0];
	v11 =	vmul.f32 v11, v2  }
0x63: {  	v3 =	vadd.f32 v16, v3;
	v16 =	vld [tilespmem:s30+$0xFFFFFFC0];
	v12 =	vmul.f32 v12, v2  }
0x64: {  	v20 =	vld [tilespmem:s25+$0xFFFFFFF0];
	v13 =	vmul.f32 v13, v2;
	v7 =	vadd.f32 v11, v7  }
0x65: {  	v11 =	vmul.f32 v17, v2;
	v17 =	vmul.f32 v18, v2;
	v18 =	vld [tilespmem:s30+$0xFFFFFFD0];
	v5 =	vadd.f32 v12, v5  }
0x66: {  	v8 =	vadd.f32 v13, v8;
	v12 =	vmul.f32 v21, v14;
	v13 =	vld [tilespmem:s30+$0xFFFFFFE0];
	v15 =	vmul.f32 v15, v14  }
0x67: {  	v6 =	vadd.f32 v11, v6;
	v10 =	vadd.f32 v17, v10;
	v11 =	vmul.f32 v22, v14;
	v17 =	vld [tilespmem:s30+$0xFFFFFFF0]  }
0x68: {  	v9 =	vmul.f32 v9, v2;
	v16 =	vmul.f32 v16, v14;
	v7 =	vadd.f32 v12, v7;
	v12 =	vld [tilespmem:s30+$0x0]  }
0x69: {  	s25 =	sshll.u32 s24, $0x9;
	v8 =	vadd.f32 v15, v8;
	v5 =	vadd.f32 v11, v5;
	v11 =	vmul.f32 v19, v2  }
0x6a: {  	v2 =	vmul.f32 v20, v2;
	v15 =	vmul.f32 v18, v14;
	[tilespmem:s25+$0x18E80] =	vst v7  }
0x6b: {  	v6 =	vadd.f32 v16, v6;
	[tilespmem:s25+$0x18EA0] =	vst v8;
	v4 =	vadd.f32 v11, v4;
	v7 =	vmul.f32 v13, v14  }
0x6c: {  	[tilespmem:s25+$0x18E90] =	vst v5;
	v2 =	vadd.f32 v2, v3;
	v3 =	vadd.f32 v15, v10;
	v5 =	vmul.f32 v17, v14  }
0x6d: {  	v1 =	vadd.f32 v9, v1;
	[tilespmem:s25+$0x18EB0] =	vst v6;
	v8 =	vmul.f32 v12, v14;
	v4 =	vadd.f32 v7, v4  }
0x6e: {  	v2 =	vadd.f32 v5, v2;
	[tilespmem:s25+$0x18EC0] =	vst v3  }
0x6f: {  	v1 =	vadd.f32 v8, v1;
	[tilespmem:s25+$0x18ED0] =	vst v4  }
0x70: {  	[tilespmem:s25+$0x18EE0] =	vst v2  }
0x71: {  	[tilespmem:s25+$0x18EF0] =	vst v1  }
0x72: {  	v1 =	vld.idx.msk [tilespmem:v0+s14+$0x0], $0xffff  }
0x73: {  	v2 =	vld [tilespmem:$0x15D80]  }
0x74: {  	v3 =	vld [tilespmem:$0x15D90]  }
0x75: {  	s26 =	simm.s32 $0x21;
	v4 =	vld [tilespmem:$0x15DA0]  }
0x76: {  	v6 =	vmov s26;
	v5 =	vld [tilespmem:$0x15DB0]  }
0x77: {  	v7 =	vld [tilespmem:$0x15DC0]  }
0x78: {  	v8 =	vld [tilespmem:$0x15DD0]  }
0x79: {  	v9 =	vld [tilespmem:$0x15DE0]  }
0x7a: {  	v10 =	vld [tilespmem:$0x15DF0]  }
0x7b: {  	s31 =	simm.s32 $0x15E70;
	v16 =	vld.idx.msk [tilespmem:v6+s14+$0x0], $0xffff  }
0x7c: {  	v6 =	vld [tilespmem:s31+$0x0]  }
0x7d: {  	v11 =	vld [tilespmem:s31+$0xFFFFFF90]  }
0x7e: {  	v12 =	vld [tilespmem:s31+$0xFFFFFFA0]  }
0x7f: {  	s28 =	simm.s32 $0x22;
	v14 =	vld [tilespmem:s31+$0xFFFFFFB0];
	v13 =	vmul.f32 v2, v1  }
0x80: {  	v18 =	vld [tilespmem:s31+$0xFFFFFFC0];
	v2 =	vmov s28;
	v15 =	vmul.f32 v3, v1;
	v17 =	vmul.f32 v4, v1  }
0x81: {  	v62 =	vld [tilespmem:s31+$0xFFFFFFD0];
	v19 =	vmul.f32 v5, v1;
	v61 =	vmul.f32 v7, v1  }
0x82: {  	v63 =	vld [tilespmem:s31+$0xFFFFFFE0];
	v4 =	vmul.f32 v8, v1;
	v3 =	vmul.f32 v9, v1  }
0x83: {  	s26 =	simm.s32 $0x15EF0;
	v23 =	vld [tilespmem:s31+$0xFFFFFFF0];
	v1 =	vmul.f32 v10, v1;
	v5 =	vmul.f32 v6, v16  }
0x84: {  	v6 =	vmul.f32 v11, v16;
	v8 =	vmul.f32 v12, v16;
	v9 =	vld [tilespmem:s26+$0x0]  }
0x85: {  	v10 =	vmul.f32 v14, v16;
	v14 =	vmul.f32 v18, v16;
	v1 =	vadd.f32 v5, v1;
	v2 =	vld.idx.msk [tilespmem:v2+s14+$0x0], $0xffff  }
0x86: {  	v11 =	vld [tilespmem:s26+$0xFFFFFF90];
	v18 =	vmul.f32 v62, v16;
	v7 =	vadd.f32 v6, v13;
	v5 =	vadd.f32 v8, v15  }
0x87: {  	s28 =	simm.s32 $0x23;
	v12 =	vld [tilespmem:s26+$0xFFFFFFA0];
	v8 =	vadd.f32 v10, v17;
	v6 =	vadd.f32 v14, v19;
	v15 =	vmul.f32 v63, v16  }
0x88: {  	v14 =	vmov s28;
	s28 =	simm.s32 $0x24;
	v13 =	vld [tilespmem:s26+$0xFFFFFFB0];
	v10 =	vadd.f32 v18, v61;
	v16 =	vmul.f32 v23, v16  }
.LBB2_5:
0x89: {  	p1 =	sne.s32 s28, $0x3F;
	v17 =	vld [tilespmem:s26+$0xFFFFFFC0];
	v4 =	vadd.f32 v15, v4  }
0x8a: {  	v15 =	vld [tilespmem:s26+$0xFFFFFFD0];
	v9 =	vmul.f32 v9, v2;
	v3 =	vadd.f32 v16, v3;
	v16 =	vmov v2  }
0x8b: {  	v11 =	vmul.f32 v11, v16;
	v18 =	vld [tilespmem:s26+$0xFFFFFFE0]  }
0x8c: {  	v12 =	vmul.f32 v12, v16;
	v19 =	vld [tilespmem:s26+$0xFFFFFFF0];
	v1 =	vadd.f32 v9, v1  }
.Ltmp3:
0x8d: {  	s26 =	sadd.s32 $0x80, s26;
	v2 =	vld.idx.msk [tilespmem:v14+s14+$0x0], $0xffff;
	v7 =	vadd.f32 v11, v7;
	v13 =	vmul.f32 v13, v16;
	(pc) =	sbr.rel @p1 .LBB2_5-.Ltmp3, $4  }
0x8e: {  	v9 =	vld [tilespmem:s26+$0x0];
	v5 =	vadd.f32 v12, v5;
	v14 =	vmul.f32 v17, v16  }
0x8f: {  	v11 =	vld [tilespmem:s26+$0xFFFFFF90];
	v8 =	vadd.f32 v13, v8;
	v17 =	vmul.f32 v15, v16  }
0x90: {  	v12 =	vld [tilespmem:s26+$0xFFFFFFA0];
	v6 =	vadd.f32 v14, v6;
	v15 =	vmul.f32 v18, v16  }
0x91: {  	v14 =	vmov s28;
	s28 =	sadd.s32 $0x1, s28;
	v13 =	vld [tilespmem:s26+$0xFFFFFFB0];
	v10 =	vadd.f32 v17, v10;
	v16 =	vmul.f32 v19, v16  }
0x92: {  	_ = 	snop  }
0x93: {  	v17 =	vld [tilespmem:s26+$0xFFFFFFC0]  }
0x94: {  	v18 =	vld [tilespmem:s26+$0xFFFFFFD0]  }
0x95: {  	v19 =	vld [tilespmem:s26+$0xFFFFFFE0]  }
0x96: {  	v14 =	vld.idx.msk [tilespmem:v14+s14+$0x0], $0xffff;
	s29 =	sadd.s32 $0x80, s26  }
0x97: {  	v21 =	vld [tilespmem:s29+$0xFFFFFF90]  }
0x98: {  	v4 =	vadd.f32 v15, v4;
	v15 =	vld [tilespmem:s29+$0xFFFFFFB0]  }
0x99: {  	v22 =	vld [tilespmem:s29+$0xFFFFFFA0];
	v11 =	vmul.f32 v11, v2  }
0x9a: {  	v3 =	vadd.f32 v16, v3;
	v16 =	vld [tilespmem:s29+$0xFFFFFFC0];
	v12 =	vmul.f32 v12, v2  }
0x9b: {  	v20 =	vld [tilespmem:s26+$0xFFFFFFF0];
	v13 =	vmul.f32 v13, v2;
	v7 =	vadd.f32 v11, v7  }
0x9c: {  	v11 =	vmul.f32 v17, v2;
	v17 =	vmul.f32 v18, v2;
	v18 =	vld [tilespmem:s29+$0xFFFFFFD0];
	v5 =	vadd.f32 v12, v5  }
0x9d: {  	v8 =	vadd.f32 v13, v8;
	v12 =	vmul.f32 v21, v14;
	v13 =	vld [tilespmem:s29+$0xFFFFFFE0];
	v15 =	vmul.f32 v15, v14  }
0x9e: {  	v6 =	vadd.f32 v11, v6;
	v10 =	vadd.f32 v17, v10;
	v11 =	vmul.f32 v22, v14;
	v17 =	vld [tilespmem:s29+$0xFFFFFFF0]  }
0x9f: {  	v9 =	vmul.f32 v9, v2;
	v16 =	vmul.f32 v16, v14;
	v7 =	vadd.f32 v12, v7;
	v12 =	vld [tilespmem:s29+$0x0]  }
0xa0: {  	v8 =	vadd.f32 v15, v8;
	v5 =	vadd.f32 v11, v5;
	v11 =	vmul.f32 v19, v2  }
0xa1: {  	v2 =	vmul.f32 v20, v2;
	v15 =	vmul.f32 v18, v14;
	[tilespmem:s25+$0x18F00] =	vst v7  }
0xa2: {  	v6 =	vadd.f32 v16, v6;
	[tilespmem:s25+$0x18F20] =	vst v8;
	v4 =	vadd.f32 v11, v4;
	v7 =	vmul.f32 v13, v14  }
0xa3: {  	[tilespmem:s25+$0x18F10] =	vst v5;
	v2 =	vadd.f32 v2, v3;
	v3 =	vadd.f32 v15, v10;
	v5 =	vmul.f32 v17, v14  }
0xa4: {  	v1 =	vadd.f32 v9, v1;
	[tilespmem:s25+$0x18F30] =	vst v6;
	v8 =	vmul.f32 v12, v14;
	v4 =	vadd.f32 v7, v4  }
0xa5: {  	v2 =	vadd.f32 v5, v2;
	[tilespmem:s25+$0x18F40] =	vst v3  }
0xa6: {  	p1 =	seq.s32 s24, $0x27;
	v1 =	vadd.f32 v8, v1;
	[tilespmem:s25+$0x18F50] =	vst v4  }
0xa7: {  	s26 =	sshrl.u32 @!p1 s25, $0x2;
	[tilespmem:s25+$0x18F60] =	vst v2  }
0xa8: {  	s28 =	simm.s32 @!p1 $0x40;
	s26 =	sadd.s32 @!p1 $0x13900, s26;
	s29 =	simm.s32 @!p1 $0x14C80;
	[tilespmem:s25+$0x18F70] =	vst v1  }
0xa9: {  	[tilespmem:s29], [sflag:$0x1] =	stream.indirect.gather @!p1 [hbm4b:s4+s28], $0x1, s26, s28, $0xb8;
	[tilespmem:$0x1DE80] =	vst v63  }
0xaa: {  	s29 =	simm.s32 @!p1 $0x18D80  }
0xab: {  	[tilespmem:s29], [sflag:$0x1] =	stream.indirect.gather @!p1 [hbm4b:s5+s28], $0x1, s26, s28, $0xb8;
	[tilespmem:$0x1DE80] =	vst v63  }
0xac: {  	_ =	swait.ge [sflag:s20], $0x2000  }
0xad: {  	[sflag:s20] =	ssyncset.done $0x0  }
0xae: {  	[sflag:s20] =	ssyncadd.s32 $0xFFFFE000  }
0xaf: {  	v1 =	vld.msk [tilespmem:s19+$0x0], $0xffff  }
0xb0: {  	v2 =	vld [tilespmem:$0x16D80]  }
0xb1: {  	v3 =	vld [tilespmem:$0x16D90]  }
0xb2: {  	s30 =	simm.s32 $0x1;
	v4 =	vld [tilespmem:$0x16DA0]  }
0xb3: {  	v6 =	vmov s30;
	v5 =	vld [tilespmem:$0x16DB0]  }
0xb4: {  	v7 =	vld [tilespmem:$0x16DC0]  }
0xb5: {  	v8 =	vld [tilespmem:$0x16DD0]  }
0xb6: {  	v9 =	vld [tilespmem:$0x16DE0]  }
0xb7: {  	v10 =	vld [tilespmem:$0x16DF0]  }
0xb8: {  	s31 =	simm.s32 $0x16E70;
	v16 =	vld.idx.msk [tilespmem:v6+s19+$0x0], $0xffff  }
0xb9: {  	v6 =	vld [tilespmem:s31+$0x0]  }
0xba: {  	v11 =	vld [tilespmem:s31+$0xFFFFFF90]  }
0xbb: {  	v12 =	vld [tilespmem:s31+$0xFFFFFFA0]  }
0xbc: {  	s28 =	simm.s32 $0x2;
	v14 =	vld [tilespmem:s31+$0xFFFFFFB0];
	v13 =	vmul.f32 v2, v1  }
0xbd: {  	v18 =	vld [tilespmem:s31+$0xFFFFFFC0];
	v2 =	vmov s28;
	v15 =	vmul.f32 v3, v1;
	v17 =	vmul.f32 v4, v1  }
0xbe: {  	v62 =	vld [tilespmem:s31+$0xFFFFFFD0];
	v19 =	vmul.f32 v5, v1;
	v61 =	vmul.f32 v7, v1  }
0xbf: {  	v63 =	vld [tilespmem:s31+$0xFFFFFFE0];
	v4 =	vmul.f32 v8, v1;
	v3 =	vmul.f32 v9, v1  }
0xc0: {  	s26 =	simm.s32 $0x16EF0;
	v23 =	vld [tilespmem:s31+$0xFFFFFFF0];
	v1 =	vmul.f32 v10, v1;
	v5 =	vmul.f32 v6, v16  }
0xc1: {  	v6 =	vmul.f32 v11, v16;
	v8 =	vmul.f32 v12, v16;
	v9 =	vld [tilespmem:s26+$0x0]  }
0xc2: {  	v10 =	vmul.f32 v14, v16;
	v14 =	vmul.f32 v18, v16;
	v1 =	vadd.f32 v5, v1;
	v2 =	vld.idx.msk [tilespmem:v2+s19+$0x0], $0xffff  }
0xc3: {  	v11 =	vld [tilespmem:s26+$0xFFFFFF90];
	v18 =	vmul.f32 v62, v16;
	v7 =	vadd.f32 v6, v13;
	v5 =	vadd.f32 v8, v15  }
0xc4: {  	s28 =	simm.s32 $0x3;
	v12 =	vld [tilespmem:s26+$0xFFFFFFA0];
	v8 =	vadd.f32 v10, v17;
	v6 =	vadd.f32 v14, v19;
	v15 =	vmul.f32 v63, v16  }
0xc5: {  	v14 =	vmov s28;
	s28 =	simm.s32 $0x4;
	v13 =	vld [tilespmem:s26+$0xFFFFFFB0];
	v10 =	vadd.f32 v18, v61;
	v16 =	vmul.f32 v23, v16  }
.LBB2_7:
0xc6: {  	p2 =	sne.s32 s28, $0x1F;
	v17 =	vld [tilespmem:s26+$0xFFFFFFC0];
	v4 =	vadd.f32 v15, v4  }
0xc7: {  	v15 =	vld [tilespmem:s26+$0xFFFFFFD0];
	v9 =	vmul.f32 v9, v2;
	v3 =	vadd.f32 v16, v3;
	v16 =	vmov v2  }
0xc8: {  	v11 =	vmul.f32 v11, v16;
	v18 =	vld [tilespmem:s26+$0xFFFFFFE0]  }
0xc9: {  	v12 =	vmul.f32 v12, v16;
	v19 =	vld [tilespmem:s26+$0xFFFFFFF0];
	v1 =	vadd.f32 v9, v1  }
.Ltmp4:
0xca: {  	s26 =	sadd.s32 $0x80, s26;
	v2 =	vld.idx.msk [tilespmem:v14+s19+$0x0], $0xffff;
	v7 =	vadd.f32 v11, v7;
	v13 =	vmul.f32 v13, v16;
	(pc) =	sbr.rel @p2 .LBB2_7-.Ltmp4, $4  }
0xcb: {  	v9 =	vld [tilespmem:s26+$0x0];
	v5 =	vadd.f32 v12, v5;
	v14 =	vmul.f32 v17, v16  }
0xcc: {  	v11 =	vld [tilespmem:s26+$0xFFFFFF90];
	v8 =	vadd.f32 v13, v8;
	v17 =	vmul.f32 v15, v16  }
0xcd: {  	v12 =	vld [tilespmem:s26+$0xFFFFFFA0];
	v6 =	vadd.f32 v14, v6;
	v15 =	vmul.f32 v18, v16  }
0xce: {  	v14 =	vmov s28;
	s28 =	sadd.s32 $0x1, s28;
	v13 =	vld [tilespmem:s26+$0xFFFFFFB0];
	v10 =	vadd.f32 v17, v10;
	v16 =	vmul.f32 v19, v16  }
0xcf: {  	_ = 	snop  }
0xd0: {  	v17 =	vld [tilespmem:s26+$0xFFFFFFC0]  }
0xd1: {  	v18 =	vld [tilespmem:s26+$0xFFFFFFD0]  }
0xd2: {  	v19 =	vld [tilespmem:s26+$0xFFFFFFE0]  }
0xd3: {  	v14 =	vld.idx.msk [tilespmem:v14+s19+$0x0], $0xffff;
	s29 =	sadd.s32 $0x80, s26  }
0xd4: {  	v21 =	vld [tilespmem:s29+$0xFFFFFF90]  }
0xd5: {  	v4 =	vadd.f32 v15, v4;
	v15 =	vld [tilespmem:s29+$0xFFFFFFB0]  }
0xd6: {  	v22 =	vld [tilespmem:s29+$0xFFFFFFA0];
	v11 =	vmul.f32 v11, v2  }
0xd7: {  	v3 =	vadd.f32 v16, v3;
	v16 =	vld [tilespmem:s29+$0xFFFFFFC0];
	v12 =	vmul.f32 v12, v2  }
0xd8: {  	v20 =	vld [tilespmem:s26+$0xFFFFFFF0];
	v13 =	vmul.f32 v13, v2;
	v7 =	vadd.f32 v11, v7  }
0xd9: {  	v11 =	vmul.f32 v17, v2;
	v17 =	vmul.f32 v18, v2;
	v18 =	vld [tilespmem:s29+$0xFFFFFFD0];
	v5 =	vadd.f32 v12, v5  }
0xda: {  	v8 =	vadd.f32 v13, v8;
	v12 =	vmul.f32 v21, v14;
	v13 =	vld [tilespmem:s29+$0xFFFFFFE0];
	v15 =	vmul.f32 v15, v14  }
0xdb: {  	v6 =	vadd.f32 v11, v6;
	v10 =	vadd.f32 v17, v10;
	v11 =	vmul.f32 v22, v14;
	v17 =	vld [tilespmem:s29+$0xFFFFFFF0]  }
0xdc: {  	v9 =	vmul.f32 v9, v2;
	v16 =	vmul.f32 v16, v14;
	v7 =	vadd.f32 v12, v7;
	v12 =	vld [tilespmem:s29+$0x0]  }
0xdd: {  	v8 =	vadd.f32 v15, v8;
	v5 =	vadd.f32 v11, v5;
	v11 =	vmul.f32 v19, v2  }
0xde: {  	v2 =	vmul.f32 v20, v2;
	v15 =	vmul.f32 v18, v14;
	[tilespmem:s25+$0x18F80] =	vst v7  }
0xdf: {  	v6 =	vadd.f32 v16, v6;
	[tilespmem:s25+$0x18FA0] =	vst v8;
	v4 =	vadd.f32 v11, v4;
	v7 =	vmul.f32 v13, v14  }
0xe0: {  	[tilespmem:s25+$0x18F90] =	vst v5;
	v2 =	vadd.f32 v2, v3;
	v3 =	vadd.f32 v15, v10;
	v5 =	vmul.f32 v17, v14  }
0xe1: {  	v1 =	vadd.f32 v9, v1;
	[tilespmem:s25+$0x18FB0] =	vst v6;
	v8 =	vmul.f32 v12, v14;
	v4 =	vadd.f32 v7, v4  }
0xe2: {  	v2 =	vadd.f32 v5, v2;
	[tilespmem:s25+$0x18FC0] =	vst v3  }
0xe3: {  	v1 =	vadd.f32 v8, v1;
	[tilespmem:s25+$0x18FD0] =	vst v4  }
0xe4: {  	[tilespmem:s25+$0x18FE0] =	vst v2  }
0xe5: {  	[tilespmem:s25+$0x18FF0] =	vst v1  }
0xe6: {  	v1 =	vld.idx.msk [tilespmem:v0+s19+$0x0], $0xffff  }
0xe7: {  	v2 =	vld [tilespmem:$0x17D80]  }
0xe8: {  	v3 =	vld [tilespmem:$0x17D90]  }
0xe9: {  	s30 =	simm.s32 $0x21;
	v4 =	vld [tilespmem:$0x17DA0]  }
0xea: {  	v6 =	vmov s30;
	v5 =	vld [tilespmem:$0x17DB0]  }
0xeb: {  	v7 =	vld [tilespmem:$0x17DC0]  }
0xec: {  	v8 =	vld [tilespmem:$0x17DD0]  }
0xed: {  	v9 =	vld [tilespmem:$0x17DE0]  }
0xee: {  	v10 =	vld [tilespmem:$0x17DF0]  }
0xef: {  	s31 =	simm.s32 $0x17E70;
	v16 =	vld.idx.msk [tilespmem:v6+s19+$0x0], $0xffff  }
0xf0: {  	v6 =	vld [tilespmem:s31+$0x0]  }
0xf1: {  	v11 =	vld [tilespmem:s31+$0xFFFFFF90]  }
0xf2: {  	v12 =	vld [tilespmem:s31+$0xFFFFFFA0]  }
0xf3: {  	s28 =	simm.s32 $0x22;
	v14 =	vld [tilespmem:s31+$0xFFFFFFB0];
	v13 =	vmul.f32 v2, v1  }
0xf4: {  	v18 =	vld [tilespmem:s31+$0xFFFFFFC0];
	v2 =	vmov s28;
	v15 =	vmul.f32 v3, v1;
	v17 =	vmul.f32 v4, v1  }
0xf5: {  	v62 =	vld [tilespmem:s31+$0xFFFFFFD0];
	v19 =	vmul.f32 v5, v1;
	v61 =	vmul.f32 v7, v1  }
0xf6: {  	v63 =	vld [tilespmem:s31+$0xFFFFFFE0];
	v4 =	vmul.f32 v8, v1;
	v3 =	vmul.f32 v9, v1  }
0xf7: {  	s26 =	simm.s32 $0x17EF0;
	v23 =	vld [tilespmem:s31+$0xFFFFFFF0];
	v1 =	vmul.f32 v10, v1;
	v5 =	vmul.f32 v6, v16  }
0xf8: {  	v6 =	vmul.f32 v11, v16;
	v8 =	vmul.f32 v12, v16;
	v9 =	vld [tilespmem:s26+$0x0]  }
0xf9: {  	v10 =	vmul.f32 v14, v16;
	v14 =	vmul.f32 v18, v16;
	v1 =	vadd.f32 v5, v1;
	v2 =	vld.idx.msk [tilespmem:v2+s19+$0x0], $0xffff  }
0xfa: {  	v11 =	vld [tilespmem:s26+$0xFFFFFF90];
	v18 =	vmul.f32 v62, v16;
	v7 =	vadd.f32 v6, v13;
	v5 =	vadd.f32 v8, v15  }
0xfb: {  	s28 =	simm.s32 $0x23;
	v12 =	vld [tilespmem:s26+$0xFFFFFFA0];
	v8 =	vadd.f32 v10, v17;
	v6 =	vadd.f32 v14, v19;
	v15 =	vmul.f32 v63, v16  }
0xfc: {  	v14 =	vmov s28;
	s28 =	simm.s32 $0x24;
	v13 =	vld [tilespmem:s26+$0xFFFFFFB0];
	v10 =	vadd.f32 v18, v61;
	v16 =	vmul.f32 v23, v16  }
.LBB2_9:
0xfd: {  	p2 =	sne.s32 s28, $0x3F;
	v17 =	vld [tilespmem:s26+$0xFFFFFFC0];
	v4 =	vadd.f32 v15, v4  }
0xfe: {  	v15 =	vld [tilespmem:s26+$0xFFFFFFD0];
	v9 =	vmul.f32 v9, v2;
	v3 =	vadd.f32 v16, v3;
	v16 =	vmov v2  }
0xff: {  	v11 =	vmul.f32 v11, v16;
	v18 =	vld [tilespmem:s26+$0xFFFFFFE0]  }
0x100: {  	v12 =	vmul.f32 v12, v16;
	v19 =	vld [tilespmem:s26+$0xFFFFFFF0];
	v1 =	vadd.f32 v9, v1  }
.Ltmp5:
0x101: {  	s26 =	sadd.s32 $0x80, s26;
	v2 =	vld.idx.msk [tilespmem:v14+s19+$0x0], $0xffff;
	v7 =	vadd.f32 v11, v7;
	v13 =	vmul.f32 v13, v16;
	(pc) =	sbr.rel @p2 .LBB2_9-.Ltmp5, $4  }
0x102: {  	v9 =	vld [tilespmem:s26+$0x0];
	v5 =	vadd.f32 v12, v5;
	v14 =	vmul.f32 v17, v16  }
0x103: {  	v11 =	vld [tilespmem:s26+$0xFFFFFF90];
	v8 =	vadd.f32 v13, v8;
	v17 =	vmul.f32 v15, v16  }
0x104: {  	v12 =	vld [tilespmem:s26+$0xFFFFFFA0];
	v6 =	vadd.f32 v14, v6;
	v15 =	vmul.f32 v18, v16  }
0x105: {  	v14 =	vmov s28;
	s28 =	sadd.s32 $0x1, s28;
	v13 =	vld [tilespmem:s26+$0xFFFFFFB0];
	v10 =	vadd.f32 v17, v10;
	v16 =	vmul.f32 v19, v16  }
0x106: {  	v17 =	vld [tilespmem:s26+$0xFFFFFFC0]  }
0x107: {  	v18 =	vld [tilespmem:s26+$0xFFFFFFD0]  }
0x108: {  	v19 =	vld [tilespmem:s26+$0xFFFFFFE0]  }
0x109: {  	v20 =	vld [tilespmem:s26+$0xFFFFFFF0]  }
0x10a: {  	v14 =	vld.idx.msk [tilespmem:v14+s19+$0x0], $0xffff;
	s31 =	sadd.s32 $0x80, s26  }
0x10b: {  	v21 =	vld [tilespmem:s31+$0xFFFFFF90]  }
0x10c: {  	v22 =	vld [tilespmem:s31+$0xFFFFFFA0]  }
0x10d: {  	v4 =	vadd.f32 v15, v4;
	v49 =	vld [tilespmem:s31+$0xFFFFFFB0];
	v9 =	vmul.f32 v9, v2  }
0x10e: {  	v3 =	vadd.f32 v16, v3;
	v58 =	vld [tilespmem:s31+$0x0];
	v11 =	vmul.f32 v11, v2;
	v12 =	vmul.f32 v12, v2  }
0x10f: {  	v50 =	vld [tilespmem:s31+$0xFFFFFFC0];
	v1 =	vadd.f32 v9, v1;
	v13 =	vmul.f32 v13, v2;
	v51 =	vmul.f32 v17, v2  }
0x110: {  	v53 =	vld [tilespmem:s31+$0xFFFFFFD0];
	v7 =	vadd.f32 v11, v7;
	v52 =	vmul.f32 v18, v2;
	v54 =	vmul.f32 v21, v14  }
0x111: {  	v55 =	vld [tilespmem:s31+$0xFFFFFFE0];
	v5 =	vadd.f32 v12, v5;
	v59 =	vmul.f32 v19, v2;
	v56 =	vmul.f32 v22, v14  }
0x112: {  	v57 =	vld [tilespmem:s31+$0xFFFFFFF0];
	v8 =	vadd.f32 v13, v8;
	v15 =	vmul.f32 v49, v14;
	v7 =	vadd.f32 v54, v7  }
0x113: {  	v2 =	vmul.f32 v20, v2;
	v63 =	vmul.f32 v58, v14;
	v5 =	vadd.f32 v56, v5  }
0x114: {  	v16 =	vmul.f32 v50, v14;
	v6 =	vadd.f32 v51, v6;
	v8 =	vadd.f32 v15, v8;
	[tilespmem:s25+$0x19000] =	vst v7  }
0x115: {  	v60 =	vmul.f32 v53, v14;
	v10 =	vadd.f32 v52, v10;
	v1 =	vadd.f32 v63, v1;
	[tilespmem:s25+$0x19010] =	vst v5  }
0x116: {  	v61 =	vmul.f32 v55, v14;
	v4 =	vadd.f32 v59, v4;
	v6 =	vadd.f32 v16, v6;
	[tilespmem:s25+$0x19020] =	vst v8  }
.Ltmp6:
0x117: {  	v62 =	vmul.f32 v57, v14;
	v2 =	vadd.f32 v2, v3;
	v3 =	vadd.f32 v60, v10;
	[tilespmem:s25+$0x19070] =	vst v1;
	(pc) =	sbr.rel @p1 .LBB2_12-.Ltmp6, $4  }
0x118: {  	v4 =	vadd.f32 v61, v4;
	[tilespmem:s25+$0x19030] =	vst v6  }
0x119: {  	v2 =	vadd.f32 v62, v2;
	[tilespmem:s25+$0x19040] =	vst v3  }
0x11a: {  	[tilespmem:s25+$0x19050] =	vst v4  }
0x11b: {  	[tilespmem:s25+$0x19060] =	vst v2  }
0x11c: {  	_ =	swait.ge [sflag:s15], $0x40  }
0x11d: {  	[sflag:s15] =	ssyncset.done $0x0  }
0x11e: {  	[sflag:s15] =	ssyncadd.s32 $0xFFFFFFC0  }
0x11f: {  	_ =	swait.ge [sflag:s15], $0x40  }
0x120: {  	[sflag:s15] =	ssyncset.done $0x0  }
0x121: {  	[sflag:s15] =	ssyncadd.s32 $0xFFFFFFC0  }
0x122: {  	[tilespmem:s16], [sflag:$0x1] =	stream.indirect.gather [spmem:s2], $0x80, s13, s12, $0xb8;
	[tilespmem:$0x1DE80] =	vst v63  }
.Ltmp7:
0x123: {  	s25 =	sshrl.u32 s25, $0x2;
	(pc) =	sbr.rel .LBB2_2-.Ltmp7, $4  }
0x124: {  	s25 =	sadd.s32 $0x13940, s25  }
0x125: {  	[tilespmem:s18], [sflag:$0x2] =	stream.indirect.gather [hbm4b:s4+s12], $0x1, s25, s12, $0xb8;
	[tilespmem:$0x1DE80] =	vst v63  }
0x126: {  	s24 =	sadd.s32 $0x1, s24  }
0x127: {  	[tilespmem:s19], [sflag:$0x2] =	stream.indirect.gather [hbm4b:s5+s12], $0x1, s25, s12, $0xb8;
	[tilespmem:$0x1DE80] =	vst v63  }
.LBB2_13:
0x128: {  	_ =	sfence.sel $0x180000  }
0x129: {  	[bflag:$0x0] =	sbarrier.arrive $0xFFFF  }
0x12a: {  	_ =	strace $0x9000004A  }
0x12b: {  	s0 =	sadd.s32 @!p0 $0x100000, s0;
	[bflag:$0x2] =	sbarrier.arrive $0xFFFF  }
0x12c: {  	[sflag:s0] =	ssyncadd.tile.s32 @!p0 $0x1;
	_ =	shalt  }
.Lfunc_end2:
_tile_overlayer_lowered:
.L_overlay_start_2:
0x12d: {  	(tag) =	ssettag $0x2  }
0x12e: {  	s0 =	rddreg [dreg:$0x0];
	s2 =	stileid.u32  }
0x12f: {  	s1 =	rddreg [dreg:$0x1];
	p0 =	sne.s32 s2, $0x0  }
0x130: {  	s3 =	rddreg [dreg:$0x2];
	[bflag:$0x3] =	sbarrier.arrive $0xFFFF;
	s2 =	simm.s32 @!p0 $0x1C03  }
0x131: {  	[timem:s3], [sflag:s2] =	dma.local @!p0 [hbm:s0], s1  }
0x132: {  	s0 =	simm.s32 @!p0 $0x3  }
0x133: {  	_ =	swait.ge @!p0 [sflag:s0], s1  }
0x134: {  	s1 =	ssub.s32 @!p0 $0x0, s1;
	[sflag:s0] =	ssyncset.done @!p0 $0x0  }
0x135: {  	[sflag:s0] =	ssyncadd.s32 @!p0 s1  }
0x136: {  	[bflag:$0x3] =	sbarrier.arrive $0xFFFF  }
0x137: {  	_ =	shalt  }

// kernel: kernel.14.cloned.1.call-start
scs
__scs_entry_jumppad:
0x0: {  	(pc) =	sbr.rel $0x88, $3  }
0x1: {  	(tag) =	ssettag $0x0;
	lr =	simm.s32 $0x1  }
0x2: {  	[smem:$0x3F94] =	sst lr;
	_ =	strace $0xD0000000  }
0x3: {  	_ = 	snop  }
0x4: {  	_ = 	snop  }
0x5: {  	_ = 	snop  }
0x6: {  	_ = 	snop  }
0x7: {  	_ = 	snop  }
__scs_overlays_trampoline_lowered:
0x8: {  	[smem:$0x3FA3] =	sst s0  }
0x9: {  	[smem:$0x3FA4] =	sst s1  }
0xa: {  	[smem:$0x3FA5] =	sst s2  }
0xb: {  	[smem:$0x3FA6] =	sst s3  }
0xc: {  	[smem:$0x3FA7] =	sst s4  }
0xd: {  	[smem:$0x3FA8] =	sst s5  }
0xe: {  	[smem:$0x3FA9] =	sst s6  }
0xf: {  	[smem:$0x3FAA] =	sst s7  }
0x10: {  	[smem:$0x3FAB] =	sst s8  }
0x11: {  	[smem:$0x3FAC] =	sst s9;
	s0 =	simm.s32 @!p0 $0x0  }
0x12: {  	s1 =	sld [smem:$0x3F92];
	s0 =	simm.s32 @p0 $0x1  }
0x13: {  	[smem:$0x3FAD] =	sst s0;
	s0 =	simm.s32 @!p1 $0x0  }
0x14: {  	s2 =	sld [smem:$0x3F91];
	s0 =	simm.s32 @p1 $0x1  }
0x15: {  	[smem:$0x3FAE] =	sst s0;
	s0 =	simm.s32 @!p2 $0x0  }
0x16: {  	s3 =	sld [smem:$0x3FDB];
	s0 =	simm.s32 @p2 $0x1  }
0x17: {  	s4 =	simm.s32 $0x1BF5;
	[smem:$0x3FB0] =	sst s0  }
0x18: {  	s0 =	sld [smem:$0x3F93];
	_ =	swait.ge [sflag:s4], $0x0  }
0x19: {  	s7 =	sld [smem:$0x3F94]  }
0x1a: {  	s8 =	sadd.s32 $0xFFFFE003, lr  }
0x1b: {  	s9 =	sadd.s32 $0xFFFFFEF7, lr;
	s5 =	simm.s32 $0xFFFFFFFF;
	p2 =	slt.u32 s8, $0xFFFFF086  }
0x1c: {  	p1 =	slt.u32 s9, $0xF7A;
	s5 =	simm.s32 @!p2 $0x0  }
0x1d: {  	s5 =	simm.s32 @p1 $0x1;
	p0 =	seq.s32 s7, s2  }
0x1e: {  	s7 =	smul.u32 @!p0 $0xF7A, s2;
	p2 =	seq.s32 @!p0 s5, $0x0  }
0x1f: {  	s9 =	smul.u32 $0xF7A, s1;
	s8 =	simm.s32 @!p0 $0x1BF5;
	p2 =	por !p2, p0  }
0x20: {  	[sflag:s8] =	ssyncset.s32 @!p0 $0xFFFFF086;
	s6 =	sadd.s32 @!p0 s3, s7;
	s7 =	simm.s32 @!p0 $0x108  }
0x21: {  	s3 =	sadd.s32 s3, s9;
	s6 =	sadd.s32 @!p0 $0x88, s6;
	s7 =	simm.s32 @p2 $0x1082  }
0x22: {  	[simem:s7], [sflag:s8] =	dma.local @!p0 [hbm:s6], $0xF7A  }
0x23: {  	s9 =	sor.u32 $0xD0000000, s2;
	s6 =	simm.s32 $0x108;
	_ =	swait.ge @!p0 [sflag:s8], $0x0  }
0x24: {  	s3 =	sadd.s32 $0x88, s3;
	s6 =	simm.s32 @!p1 $0x1082;
	[sflag:s4] =	ssyncset.s32 $0xFFFFF086  }
0x25: {  	[simem:s6], [sflag:s4] =	dma.local [hbm:s3], $0xF7A  }
0x26: {  	[smem:$0x3F94] =	sst s1;
	(tag) =	ssettag s2;
	_ =	strace s9  }
0x27: {  	s1 =	sld [smem:$0x3FA4]  }
0x28: {  	s2 =	sld [smem:$0x3FA5]  }
0x29: {  	s4 =	sld [smem:$0x3FA7]  }
0x2a: {  	p0 =	seq.s32 s5, $0x0;
	s5 =	sld [smem:$0x3FA8]  }
0x2b: {  	s6 =	sld [smem:$0x3FA9]  }
0x2c: {  	s7 =	sld [smem:$0x3FAA]  }
0x2d: {  	s3 =	simm.s32 $0x108;
	s8 =	sld [smem:$0x3FAB]  }
0x2e: {  	s3 =	simm.s32 @!p0 $0x1082;
	s9 =	sld [smem:$0x3FAC]  }
0x2f: {  	lr =	sadd.s32 s0, s3;
	s0 =	sld [smem:$0x3FA3]  }
0x30: {  	s3 =	sld [smem:$0x3FA6]  }
0x31: {  	[smem:$0x3FAF] =	sst s10  }
0x32: {  	s10 =	sld [smem:$0x3FAD];
	_ =	sdelay $0x3  }
0x33: {  	p0 =	seq.s32 s10, $0x1;
	s10 =	sld [smem:$0x3FAF];
	_ =	sdelay $0x3  }
0x34: {  	[smem:$0x3FAF] =	sst s10  }
0x35: {  	s10 =	sld [smem:$0x3FAE];
	_ =	sdelay $0x3  }
0x36: {  	p1 =	seq.s32 s10, $0x1;
	s10 =	sld [smem:$0x3FAF];
	_ =	sdelay $0x3  }
0x37: {  	[smem:$0x3FAF] =	sst s10  }
0x38: {  	s10 =	sld [smem:$0x3FB0]  }
0x39: {  	_ = 	snop;
	(pc) =	sbr.ind lr, $3  }
0x3a: {  	_ = 	snop  }
0x3b: {  	_ = 	snop  }
0x3c: {  	p2 =	seq.s32 s10, $0x1;
	s10 =	sld [smem:$0x3FAF]  }
0x3d: {  	_ =	shalt  }
0x3e: {  	_ =	shalt  }
0x3f: {  	_ =	shalt  }
0x40: {  	_ =	shalt  }
0x41: {  	_ =	shalt  }
0x42: {  	_ =	shalt  }
0x43: {  	_ =	shalt  }
0x44: {  	_ =	shalt  }
0x45: {  	_ =	shalt  }
0x46: {  	_ =	shalt  }
0x47: {  	_ =	shalt  }
0x48: {  	_ =	shalt  }
0x49: {  	_ =	shalt  }
0x4a: {  	_ =	shalt  }
0x4b: {  	_ =	shalt  }
0x4c: {  	_ =	shalt  }
0x4d: {  	_ =	shalt  }
0x4e: {  	_ =	shalt  }
0x4f: {  	_ =	shalt  }
0x50: {  	_ =	shalt  }
0x51: {  	_ =	shalt  }
0x52: {  	_ =	shalt  }
0x53: {  	_ =	shalt  }
0x54: {  	_ =	shalt  }
0x55: {  	_ =	shalt  }
0x56: {  	_ =	shalt  }
0x57: {  	_ =	shalt  }
0x58: {  	_ =	shalt  }
0x59: {  	_ =	shalt  }
0x5a: {  	_ =	shalt  }
0x5b: {  	_ =	shalt  }
0x5c: {  	_ =	shalt  }
0x5d: {  	_ =	shalt  }
0x5e: {  	_ =	shalt  }
0x5f: {  	_ =	shalt  }
0x60: {  	_ =	shalt  }
0x61: {  	_ =	shalt  }
0x62: {  	_ =	shalt  }
0x63: {  	_ =	shalt  }
0x64: {  	_ =	shalt  }
0x65: {  	_ =	shalt  }
0x66: {  	_ =	shalt  }
0x67: {  	_ =	shalt  }
0x68: {  	_ =	shalt  }
0x69: {  	_ =	shalt  }
0x6a: {  	_ =	shalt  }
0x6b: {  	_ =	shalt  }
0x6c: {  	_ =	shalt  }
0x6d: {  	_ =	shalt  }
0x6e: {  	_ =	shalt  }
0x6f: {  	_ =	shalt  }
0x70: {  	_ =	shalt  }
0x71: {  	_ =	shalt  }
0x72: {  	_ =	shalt  }
0x73: {  	_ =	shalt  }
0x74: {  	_ =	shalt  }
0x75: {  	_ =	shalt  }
0x76: {  	_ =	shalt  }
0x77: {  	_ =	shalt  }
0x78: {  	_ =	shalt  }
0x79: {  	_ =	shalt  }
0x7a: {  	_ =	shalt  }
0x7b: {  	_ =	shalt  }
0x7c: {  	_ =	shalt  }
0x7d: {  	_ =	shalt  }
0x7e: {  	_ =	shalt  }
0x7f: {  	_ =	shalt  }
0x80: {  	_ =	shalt  }
0x81: {  	_ =	shalt  }
0x82: {  	_ =	shalt  }
0x83: {  	_ =	shalt  }
0x84: {  	_ =	shalt  }
0x85: {  	_ =	shalt  }
0x86: {  	_ =	shalt  }
0x87: {  	_ =	shalt  }
.Lfunc_end0:
.L_simem_size_0:
called_computation.2_lowered:
.L_overlay_start_0:
0x88: {  	s2 =	sld [smem:$0x3FD9]  }
0x89: {  	s3 =	sld [smem:$0x3FFE];
	_ =	sdelay $0x1  }
0x8a: {  	s1 =	srdreg.scid  }
0x8b: {  	s0 =	sand.u32 $0x1, s1  }
0x8c: {  	s17 =	sshll.u32 s0, $0xA;
	s2 =	sadd.s32 s3, s2  }
0x8d: {  	s2 =	sadd.s32 s2, s17  }
0x8e: {  	[smem:$0x3FBB] =	sst s2  }
0x8f: {  	_ = 	snop  }
0x90: {  	s4 =	sld [smem:$0x3FC6]  }
0x91: {  	s18 =	sld [smem:$0x3FD0];
	(tm) =	ssettm $0x1  }
0x92: {  	s19 =	sld [smem:$0x3FFB];
	_ =	sdelay $0x3  }
0x93: {  	_ =	strace s19  }
0x94: {  	s2 =	sld [smem:$0x3FFC];
	_ =	sdelay $0x3  }
0x95: {  	_ =	strace s2  }
0x96: {  	s2 =	sld [smem:$0x3FFD];
	_ =	sdelay $0x3  }
0x97: {  	_ =	strace s2  }
0x98: {  	_ =	strace $0x8FFFFFFF  }
0x99: {  	s20 =	sld [smem:$0x3FDB];
	_ =	sdelay $0x1  }
0x9a: {  	s5 =	simm.s32 $_scs_section_size  }
0x9b: {  	s6 =	simm.s32 $_size__tile_overlayer_lowered;
	s7 =	simm.s32 $_tile_overlayer_lowered  }
0x9c: {  	s8 =	simm.s32 $0x1BFF;
	s21 =	sshll.u32 s7, $0x1;
	s5 =	sadd.s32 s5, s20  }
0x9d: {  	s22 =	simm.s32 $0x0;
	s6 =	sshll.u32 s6, $0x1;
	s7 =	sadd.s32 s21, s5  }
0x9e: {  	[timem:s22], [sflag:s8] =	dma.local [hbm:s7], s6  }
0x9f: {  	_ =	swait.ge [sflag:s8], s6  }
0xa0: {  	s6 =	ssub.s32 $0x0, s6;
	[sflag:s8] =	ssyncset.done $0x0  }
0xa1: {  	[sflag:s8] =	ssyncadd.s32 s6;
	_ =	sdelay $0x1  }
0xa2: {  	s23 =	simm.s32 $0x1B8B  }
0xa3: {  	_ =	swait.ge [sflag:s23], $0x1  }
0xa4: {  	[sflag:s23] =	ssyncset.done $0x0  }
0xa5: {  	[sflag:s23] =	ssyncadd.s32 $0xFFFFFFFF  }
0xa6: {  	s6 =	sld [smem:$0x0]  }
0xa7: {  	s7 =	sand.u32 $0xFFFFFFFE, s1  }
0xa8: {  	p0 =	sne.s32 s1, s7  }
0xa9: {  	s7 =	sshll.u32 @p0 s7, $0xE  }
0xaa: {  	s7 =	sadd.s32 @p0 $0x11B8D, s7;
	s8 =	sshll.u32 @p0 s6, $0x11  }
0xab: {  	s7 =	sor.u32 @p0 s8, s7  }
0xac: {  	[sflag:s7] =	ssyncadd.remote.s32 @p0 $0x1;
	_ =	sdelay $0x1  }
0xad: {  	s7 =	simm.s32 @p0 $0x1B8D  }
0xae: {  	_ =	swait.eq @p0 [sflag:s7], $0x1  }
0xaf: {  	[sflag:s7] =	ssyncadd.s32 @p0 $0xFFFFFFFF  }
0xb0: {  	s8 =	sshll.u32 @!p0 s1, $0xE  }
0xb1: {  	s8 =	sor.u32 @!p0 $0x4000, s8;
	s7 =	simm.s32 @!p0 $0x1B8D  }
0xb2: {  	s6 =	sshll.u32 @!p0 s6, $0x11;
	s8 =	sadd.s32 @!p0 $0x11B8D, s8;
	_ =	swait.eq @!p0 [sflag:s7], $0x1  }
0xb3: {  	s6 =	sor.u32 @!p0 s6, s8;
	[sflag:s7] =	ssyncadd.s32 @!p0 $0xFFFFFFFF  }
0xb4: {  	s25 =	simm.s32 $0x1B8E;
	s24 =	sld [smem:$0x3FFE];
	[sflag:s6] =	ssyncadd.remote.s32 @!p0 $0x1  }
0xb5: {  	s26 =	simm.s32 $execute0_lowered;
	[smem:$0x3FD2] =	sst s25  }
0xb6: {  	s7 =	sshll.u32 s26, $0x1;
	_ =	strace $0x8000004C;
	[dreg:$0x1] =	wrdreg $0xFFFFFFFF  }
0xb7: {  	s28 =	simm.s32 $_size_execute0_lowered;
	s5 =	sadd.s32 s5, s7;
	[dreg:$0x0] =	wrdreg $0x0  }
0xb8: {  	s7 =	sshll.u32 s28, $0x1;
	[dreg:$0x2] =	wrdreg s5  }
0xb9: {  	[dreg:$0x3] =	wrdreg s7  }
0xba: {  	[dreg:$0x4] =	wrdreg $0xC0  }
0xbb: {  	_ =	task [dreg:s22], $0x5FFFF  }
0xbc: {  	[dreg:$0x1] =	wrdreg $0xFFFFFFFF  }
0xbd: {  	[dreg:$0x0] =	wrdreg $0x60  }
0xbe: {  	[dreg:$0x2] =	wrdreg s4  }
0xbf: {  	[dreg:$0x3] =	wrdreg s24  }
0xc0: {  	[dreg:$0x4] =	wrdreg s18  }
0xc1: {  	[dreg:$0x5] =	wrdreg $0x0  }
0xc2: {  	[dreg:$0x6] =	wrdreg $0xA  }
0xc3: {  	_ =	task.clear_ibuf [dreg:s22], $0x7FFFF;
	_ =	strace $0x9000004C  }
0xc4: {  	s29 =	simm.s32 $0xA;
	_ =	strace $0x8000004E  }
0xc5: {  	_ =	swait.ge [sflag:s29], $0x1  }
0xc6: {  	[sflag:s29] =	ssyncadd.s32 $0xFFFFFFFF  }
0xc7: {  	_ =	strace $0x9000004E  }
0xc8: {  	_ =	sfence  }
0xc9: {  	s30 =	sld [smem:$0x0];
	_ =	sdelay $0x2  }
0xca: {  	s31 =	sshll.u32 s1, $0xD;
	s1 =	sshrl.u32 s1, $0x2  }
0xcb: {  	s4 =	sand.u32 $0x4000, s31;
	s1 =	sadd.s32 s1, s30  }
0xcc: {  	s0 =	sor.u32 s4, s0;
	s1 =	sshll.u32 s1, $0x11  }
0xcd: {  	s0 =	sor.u32 s1, s0  }
0xce: {  	s0 =	sadd.s32 $0x8F2B, s0  }
0xcf: {  	[sflag:s0] =	ssyncadd.remote.s32 $0x1  }
0xd0: {  	_ =	sfence.sel $0xFFFF  }
0xd1: {  	[dreg:$0x0] =	wrdreg $0xFFFFFFFF;
	(pc) =	sbr.abs _section_cstart, $3  }
0xd2: {  	[dreg:$0x1] =	wrdreg $0xFFFFFFFF  }
0xd3: {  	_ =	task.clear_ibuf [dreg:s22], $0x2FFFF;
	_ =	strace $0x9FFFFFFF  }
0xd4: {  	(tm) =	ssettm $0x7FFFFFFF  }
0xd5: {  	_ =	shalt  }
tec
execute0_lowered:
.L_overlay_start_1:
0x0: {  	(tag) =	ssettag $0x1  }
0x1: {  	s0 =	rddreg [dreg:$0x0]  }
0x2: {  	s5 =	rddreg [dreg:$0x1]  }
0x3: {  	s7 =	rddreg [dreg:$0x2];
	s1 =	srdreg.scid  }
0x4: {  	s9 =	stileid.u32;
	s2 =	rddreg [dreg:$0x3]  }
0x5: {  	s3 =	simm.s32 $0x0;
	s12 =	simm.s32 $0x40;
	s13 =	simm.s32 $0x14C80  }
0x6: {  	s14 =	simm.s32 $0x18D80;
	s15 =	simm.s32 $0x1;
	s16 =	simm.s32 $0x14D80  }
0x7: {  	s17 =	simm.s32 $0x138C0;
	s18 =	simm.s32 $0x14D00;
	s19 =	simm.s32 $0x18E00  }
0x8: {  	s20 =	simm.s32 $0x2;
	s6 =	sand.u32 $0x1, s1;
	s4 =	sshll.u32 s9, $0x1  }
0x9: {  	s21 =	simm.s32 $0x16D80;
	s22 =	simm.s32 $0x18E80;
	s8 =	sor.u32 s6, s4  }
0xa: {  	s23 =	simm.s32 $0x0;
	s1 =	rddreg [dreg:$0x4];
	s10 =	smul.u32 $0x1400, s8  }
0xb: {  	[smem:$0x7FF] =	sst s3;
	p0 =	sne.s32 s9, $0x0;
	s8 =	smul.u32 $0xA00, s8  }
.Ltmp0:
0xc: {  	_ =	strace $0x8000004D;
	s6 =	ssub.s32 $0x2, s6;
	(pc) =	sbr.rel .LBB2_1-.Ltmp0, $4  }
0xd: {  	s4 =	sadd.s32 $0x4F8200, s5;
	s9 =	sshrl.u32 @!p0 s2, $0x3;
	s11 =	sshrl.u32 s6, $0x1  }
0xe: {  	s11 =	ssub.s32 s6, s11;
	s10 =	sshrl.u32 s10, $0x3;
	s7 =	sadd.s32 s7, s8  }
0xf: {  	s8 =	smax.u32 s11, $0x1;
	s11 =	simm.s32 $0x3;
	s10 =	sadd.s32 s5, s10  }
0x10: {  	v0 =	vimm.s32 $0x20;
	s5 =	sadd.s32 $0x2600, s5;
	s6 =	sadd.s32 $0x507000, s10;
	s10 =	simm.s32 $0x13880  }
.LBB2_12:
0x11: {  	s23 =	sadd.s32 $0x1, s23  }
0x12: {  	p1 =	sne.s32 s23, s8  }
.Ltmp1:
0x13: {  	_ = 	snop;
	(pc) =	sbr.rel @!p1 .LBB2_13-.Ltmp1, $4  }
0x14: {  	[hbm4b:s7+s3] =	stream.linear.scatter [tilespmem:s22], [sflag:$0x3], $0x5000, $0x38;
	[tilespmem:$0x1DE80] =	vst v63  }
0x15: {  	_ =	swait.ge [sflag:s11], $0x5000  }
0x16: {  	[sflag:s11] =	ssyncset.done $0x0  }
0x17: {  	[sflag:s11] =	ssyncadd.s32 $0xFFFFB000  }
.LBB2_1:
0x18: {  	s24 =	simm.s32 @!p0 $0x1C03  }
0x19: {  	[spmem:s9], [sflag:s24] =	dma.local @!p0 [hbm:s0], $0x27100  }
0x1a: {  	s24 =	simm.s32 @!p0 $0x3  }
0x1b: {  	_ =	swait.ge @!p0 [sflag:s24], $0x27100  }
0x1c: {  	[sflag:s24] =	ssyncset.done @!p0 $0x0  }
0x1d: {  	[sflag:s24] =	ssyncadd.s32 @!p0 $0xFFFD8F00  }
0x1e: {  	[bflag:$0x0] =	sbarrier.arrive $0xFFFF  }
0x1f: {  	[tilespmem:s10], [sflag:$0x3] =	stream.linear.gather [hbm4b:s6+s3], $0x1400, $0x38;
	[tilespmem:$0x1DE80] =	vst v63  }
0x20: {  	_ =	swait.ge [sflag:s11], $0x1400  }
0x21: {  	[sflag:s11] =	ssyncset.done $0x0  }
0x22: {  	[sflag:s11] =	ssyncadd.s32 $0xFFFFEC00  }
0x23: {  	[tilespmem:s13], [sflag:$0x1] =	stream.indirect.gather [hbm4b:s4+s12], $0x1, s10, s12, $0xb8;
	[tilespmem:$0x1DE80] =	vst v63  }
0x24: {  	_ = 	snop  }
0x25: {  	[tilespmem:s14], [sflag:$0x1] =	stream.indirect.gather [hbm4b:s5+s12], $0x1, s10, s12, $0xb8;
	[tilespmem:$0x1DE80] =	vst v63  }
0x26: {  	_ =	swait.ge [sflag:s15], $0x40  }
0x27: {  	[sflag:s15] =	ssyncset.done $0x0  }
0x28: {  	[sflag:s15] =	ssyncadd.s32 $0xFFFFFFC0  }
0x29: {  	_ =	swait.ge [sflag:s15], $0x40  }
0x2a: {  	[sflag:s15] =	ssyncset.done $0x0  }
0x2b: {  	[sflag:s15] =	ssyncadd.s32 $0xFFFFFFC0  }
0x2c: {  	[tilespmem:s16], [sflag:$0x1] =	stream.indirect.gather [spmem:s2], $0x80, s13, s12, $0xb8;
	[tilespmem:$0x1DE80] =	vst v63  }
0x2d: {  	_ = 	snop  }
0x2e: {  	[tilespmem:s18], [sflag:$0x2] =	stream.indirect.gather [hbm4b:s4+s12], $0x1, s17, s12, $0xb8;
	[tilespmem:$0x1DE80] =	vst v63  }
0x2f: {  	s24 =	simm.s32 $0x0  }
0x30: {  	[tilespmem:s19], [sflag:$0x2] =	stream.indirect.gather [hbm4b:s5+s12], $0x1, s17, s12, $0xb8;
	[tilespmem:$0x1DE80] =	vst v63  }
.LBB2_2:
0x31: {  	_ =	swait.ge [sflag:s20], $0x40  }
0x32: {  	[sflag:s20] =	ssyncset.done $0x0  }
0x33: {  	[sflag:s20] =	ssyncadd.s32 $0xFFFFFFC0  }
0x34: {  	_ =	swait.ge [sflag:s20], $0x40  }
0x35: {  	[sflag:s20] =	ssyncset.done $0x0  }
0x36: {  	s25 =	simm.s32 $0x1;
	[sflag:s20] =	ssyncadd.s32 $0xFFFFFFC0  }
0x37: {  	[tilespmem:s21], [sflag:$0x2] =	stream.indirect.gather [spmem:s2], $0x80, s18, s12, $0xb8;
	[tilespmem:$0x1DE80] =	vst v63  }
0x38: {  	_ =	swait.ge [sflag:s25], $0x2000  }
0x39: {  	[sflag:s25] =	ssyncset.done $0x0  }
0x3a: {  	[sflag:s25] =	ssyncadd.s32 $0xFFFFE000  }
0x3b: {  	v1 =	vld.msk [tilespmem:s14+$0x0], $0xffff  }
0x3c: {  	v2 =	vld [tilespmem:$0x14D80]  }
0x3d: {  	v3 =	vld [tilespmem:$0x14D90]  }
0x3e: {  	v4 =	vld [tilespmem:$0x14DA0]  }
0x3f: {  	v6 =	vmov s25;
	v5 =	vld [tilespmem:$0x14DB0]  }
0x40: {  	v7 =	vld [tilespmem:$0x14DC0]  }
0x41: {  	v8 =	vld [tilespmem:$0x14DD0]  }
0x42: {  	v9 =	vld [tilespmem:$0x14DE0]  }
0x43: {  	v10 =	vld [tilespmem:$0x14DF0]  }
0x44: {  	s30 =	simm.s32 $0x14E70;
	v16 =	vld.idx.msk [tilespmem:v6+s14+$0x0], $0xffff  }
0x45: {  	v6 =	vld [tilespmem:s30+$0x0]  }
0x46: {  	v11 =	vld [tilespmem:s30+$0xFFFFFF90]  }
0x47: {  	v12 =	vld [tilespmem:s30+$0xFFFFFFA0]  }
0x48: {  	s26 =	simm.s32 $0x2;
	v14 =	vld [tilespmem:s30+$0xFFFFFFB0];
	v13 =	vmul.f32 v2, v1  }
0x49: {  	v18 =	vld [tilespmem:s30+$0xFFFFFFC0];
	v2 =	vmov s26;
	v15 =	vmul.f32 v3, v1;
	v17 =	vmul.f32 v4, v1  }
0x4a: {  	v21 =	vld [tilespmem:s30+$0xFFFFFFD0];
	v19 =	vmul.f32 v5, v1;
	v20 =	vmul.f32 v7, v1  }
0x4b: {  	v22 =	vld [tilespmem:s30+$0xFFFFFFE0];
	v4 =	vmul.f32 v8, v1;
	v3 =	vmul.f32 v9, v1  }
0x4c: {  	s25 =	simm.s32 $0x14EF0;
	v23 =	vld [tilespmem:s30+$0xFFFFFFF0];
	v1 =	vmul.f32 v10, v1;
	v5 =	vmul.f32 v6, v16  }
0x4d: {  	v6 =	vmul.f32 v11, v16;
	v8 =	vmul.f32 v12, v16;
	v9 =	vld [tilespmem:s25+$0x0]  }
0x4e: {  	v10 =	vmul.f32 v14, v16;
	v14 =	vmul.f32 v18, v16;
	v1 =	vadd.f32 v5, v1;
	v2 =	vld.idx.msk [tilespmem:v2+s14+$0x0], $0xffff  }
0x4f: {  	v11 =	vld [tilespmem:s25+$0xFFFFFF90];
	v18 =	vmul.f32 v21, v16;
	v7 =	vadd.f32 v6, v13;
	v5 =	vadd.f32 v8, v15  }
0x50: {  	s31 =	simm.s32 $0x3;
	v12 =	vld [tilespmem:s25+$0xFFFFFFA0];
	v8 =	vadd.f32 v10, v17;
	v6 =	vadd.f32 v14, v19;
	v15 =	vmul.f32 v22, v16  }
0x51: {  	s26 =	simm.s32 $0x4;
	v14 =	vmov s31;
	v13 =	vld [tilespmem:s25+$0xFFFFFFB0];
	v10 =	vadd.f32 v18, v20;
	v16 =	vmul.f32 v23, v16  }
.LBB2_3:
0x52: {  	p1 =	sne.s32 s26, $0x1F;
	v17 =	vld [tilespmem:s25+$0xFFFFFFC0];
	v4 =	vadd.f32 v15, v4  }
0x53: {  	v15 =	vld [tilespmem:s25+$0xFFFFFFD0];
	v9 =	vmul.f32 v9, v2;
	v3 =	vadd.f32 v16, v3;
	v16 =	vmov v2  }
0x54: {  	v11 =	vmul.f32 v11, v16;
	v18 =	vld [tilespmem:s25+$0xFFFFFFE0]  }
0x55: {  	v12 =	vmul.f32 v12, v16;
	v19 =	vld [tilespmem:s25+$0xFFFFFFF0];
	v1 =	vadd.f32 v9, v1  }
.Ltmp2:
0x56: {  	s25 =	sadd.s32 $0x80, s25;
	v2 =	vld.idx.msk [tilespmem:v14+s14+$0x0], $0xffff;
	v7 =	vadd.f32 v11, v7;
	v13 =	vmul.f32 v13, v16;
	(pc) =	sbr.rel @p1 .LBB2_3-.Ltmp2, $4  }
0x57: {  	v9 =	vld [tilespmem:s25+$0x0];
	v5 =	vadd.f32 v12, v5;
	v14 =	vmul.f32 v17, v16  }
0x58: {  	v11 =	vld [tilespmem:s25+$0xFFFFFF90];
	v8 =	vadd.f32 v13, v8;
	v17 =	vmul.f32 v15, v16  }
0x59: {  	v12 =	vld [tilespmem:s25+$0xFFFFFFA0];
	v6 =	vadd.f32 v14, v6;
	v15 =	vmul.f32 v18, v16  }
0x5a: {  	v14 =	vmov s26;
	s26 =	sadd.s32 $0x1, s26;
	v13 =	vld [tilespmem:s25+$0xFFFFFFB0];
	v10 =	vadd.f32 v17, v10;
	v16 =	vmul.f32 v19, v16  }
0x5b: {  	_ = 	snop  }
0x5c: {  	v17 =	vld [tilespmem:s25+$0xFFFFFFC0]  }
0x5d: {  	v18 =	vld [tilespmem:s25+$0xFFFFFFD0]  }
0x5e: {  	v19 =	vld [tilespmem:s25+$0xFFFFFFE0]  }
0x5f: {  	v14 =	vld.idx.msk [tilespmem:v14+s14+$0x0], $0xffff;
	s30 =	sadd.s32 $0x80, s25  }
0x60: {  	v21 =	vld [tilespmem:s30+$0xFFFFFF90]  }
0x61: {  	v4 =	vadd.f32 v15, v4;
	v15 =	vld [tilespmem:s30+$0xFFFFFFB0]  }
0x62: {  	v22 =	vld [tilespmem:s30+$0xFFFFFFA0];
	v11 =	vmul.f32 v11, v2  }
0x63: {  	v3 =	vadd.f32 v16, v3;
	v16 =	vld [tilespmem:s30+$0xFFFFFFC0];
	v12 =	vmul.f32 v12, v2  }
0x64: {  	v20 =	vld [tilespmem:s25+$0xFFFFFFF0];
	v13 =	vmul.f32 v13, v2;
	v7 =	vadd.f32 v11, v7  }
0x65: {  	v11 =	vmul.f32 v17, v2;
	v17 =	vmul.f32 v18, v2;
	v18 =	vld [tilespmem:s30+$0xFFFFFFD0];
	v5 =	vadd.f32 v12, v5  }
0x66: {  	v8 =	vadd.f32 v13, v8;
	v12 =	vmul.f32 v21, v14;
	v13 =	vld [tilespmem:s30+$0xFFFFFFE0];
	v15 =	vmul.f32 v15, v14  }
0x67: {  	v6 =	vadd.f32 v11, v6;
	v10 =	vadd.f32 v17, v10;
	v11 =	vmul.f32 v22, v14;
	v17 =	vld [tilespmem:s30+$0xFFFFFFF0]  }
0x68: {  	v9 =	vmul.f32 v9, v2;
	v16 =	vmul.f32 v16, v14;
	v7 =	vadd.f32 v12, v7;
	v12 =	vld [tilespmem:s30+$0x0]  }
0x69: {  	s25 =	sshll.u32 s24, $0x9;
	v8 =	vadd.f32 v15, v8;
	v5 =	vadd.f32 v11, v5;
	v11 =	vmul.f32 v19, v2  }
0x6a: {  	v2 =	vmul.f32 v20, v2;
	v15 =	vmul.f32 v18, v14;
	[tilespmem:s25+$0x18E80] =	vst v7  }
0x6b: {  	v6 =	vadd.f32 v16, v6;
	[tilespmem:s25+$0x18EA0] =	vst v8;
	v4 =	vadd.f32 v11, v4;
	v7 =	vmul.f32 v13, v14  }
0x6c: {  	[tilespmem:s25+$0x18E90] =	vst v5;
	v2 =	vadd.f32 v2, v3;
	v3 =	vadd.f32 v15, v10;
	v5 =	vmul.f32 v17, v14  }
0x6d: {  	v1 =	vadd.f32 v9, v1;
	[tilespmem:s25+$0x18EB0] =	vst v6;
	v8 =	vmul.f32 v12, v14;
	v4 =	vadd.f32 v7, v4  }
0x6e: {  	v2 =	vadd.f32 v5, v2;
	[tilespmem:s25+$0x18EC0] =	vst v3  }
0x6f: {  	v1 =	vadd.f32 v8, v1;
	[tilespmem:s25+$0x18ED0] =	vst v4  }
0x70: {  	[tilespmem:s25+$0x18EE0] =	vst v2  }
0x71: {  	[tilespmem:s25+$0x18EF0] =	vst v1  }
0x72: {  	v1 =	vld.idx.msk [tilespmem:v0+s14+$0x0], $0xffff  }
0x73: {  	v2 =	vld [tilespmem:$0x15D80]  }
0x74: {  	v3 =	vld [tilespmem:$0x15D90]  }
0x75: {  	s26 =	simm.s32 $0x21;
	v4 =	vld [tilespmem:$0x15DA0]  }
0x76: {  	v6 =	vmov s26;
	v5 =	vld [tilespmem:$0x15DB0]  }
0x77: {  	v7 =	vld [tilespmem:$0x15DC0]  }
0x78: {  	v8 =	vld [tilespmem:$0x15DD0]  }
0x79: {  	v9 =	vld [tilespmem:$0x15DE0]  }
0x7a: {  	v10 =	vld [tilespmem:$0x15DF0]  }
0x7b: {  	s31 =	simm.s32 $0x15E70;
	v16 =	vld.idx.msk [tilespmem:v6+s14+$0x0], $0xffff  }
0x7c: {  	v6 =	vld [tilespmem:s31+$0x0]  }
0x7d: {  	v11 =	vld [tilespmem:s31+$0xFFFFFF90]  }
0x7e: {  	v12 =	vld [tilespmem:s31+$0xFFFFFFA0]  }
0x7f: {  	s28 =	simm.s32 $0x22;
	v14 =	vld [tilespmem:s31+$0xFFFFFFB0];
	v13 =	vmul.f32 v2, v1  }
0x80: {  	v18 =	vld [tilespmem:s31+$0xFFFFFFC0];
	v2 =	vmov s28;
	v15 =	vmul.f32 v3, v1;
	v17 =	vmul.f32 v4, v1  }
0x81: {  	v62 =	vld [tilespmem:s31+$0xFFFFFFD0];
	v19 =	vmul.f32 v5, v1;
	v61 =	vmul.f32 v7, v1  }
0x82: {  	v63 =	vld [tilespmem:s31+$0xFFFFFFE0];
	v4 =	vmul.f32 v8, v1;
	v3 =	vmul.f32 v9, v1  }
0x83: {  	s26 =	simm.s32 $0x15EF0;
	v23 =	vld [tilespmem:s31+$0xFFFFFFF0];
	v1 =	vmul.f32 v10, v1;
	v5 =	vmul.f32 v6, v16  }
0x84: {  	v6 =	vmul.f32 v11, v16;
	v8 =	vmul.f32 v12, v16;
	v9 =	vld [tilespmem:s26+$0x0]  }
0x85: {  	v10 =	vmul.f32 v14, v16;
	v14 =	vmul.f32 v18, v16;
	v1 =	vadd.f32 v5, v1;
	v2 =	vld.idx.msk [tilespmem:v2+s14+$0x0], $0xffff  }
0x86: {  	v11 =	vld [tilespmem:s26+$0xFFFFFF90];
	v18 =	vmul.f32 v62, v16;
	v7 =	vadd.f32 v6, v13;
	v5 =	vadd.f32 v8, v15  }
0x87: {  	s28 =	simm.s32 $0x23;
	v12 =	vld [tilespmem:s26+$0xFFFFFFA0];
	v8 =	vadd.f32 v10, v17;
	v6 =	vadd.f32 v14, v19;
	v15 =	vmul.f32 v63, v16  }
0x88: {  	v14 =	vmov s28;
	s28 =	simm.s32 $0x24;
	v13 =	vld [tilespmem:s26+$0xFFFFFFB0];
	v10 =	vadd.f32 v18, v61;
	v16 =	vmul.f32 v23, v16  }
.LBB2_5:
0x89: {  	p1 =	sne.s32 s28, $0x3F;
	v17 =	vld [tilespmem:s26+$0xFFFFFFC0];
	v4 =	vadd.f32 v15, v4  }
0x8a: {  	v15 =	vld [tilespmem:s26+$0xFFFFFFD0];
	v9 =	vmul.f32 v9, v2;
	v3 =	vadd.f32 v16, v3;
	v16 =	vmov v2  }
0x8b: {  	v11 =	vmul.f32 v11, v16;
	v18 =	vld [tilespmem:s26+$0xFFFFFFE0]  }
0x8c: {  	v12 =	vmul.f32 v12, v16;
	v19 =	vld [tilespmem:s26+$0xFFFFFFF0];
	v1 =	vadd.f32 v9, v1  }
.Ltmp3:
0x8d: {  	s26 =	sadd.s32 $0x80, s26;
	v2 =	vld.idx.msk [tilespmem:v14+s14+$0x0], $0xffff;
	v7 =	vadd.f32 v11, v7;
	v13 =	vmul.f32 v13, v16;
	(pc) =	sbr.rel @p1 .LBB2_5-.Ltmp3, $4  }
0x8e: {  	v9 =	vld [tilespmem:s26+$0x0];
	v5 =	vadd.f32 v12, v5;
	v14 =	vmul.f32 v17, v16  }
0x8f: {  	v11 =	vld [tilespmem:s26+$0xFFFFFF90];
	v8 =	vadd.f32 v13, v8;
	v17 =	vmul.f32 v15, v16  }
0x90: {  	v12 =	vld [tilespmem:s26+$0xFFFFFFA0];
	v6 =	vadd.f32 v14, v6;
	v15 =	vmul.f32 v18, v16  }
0x91: {  	v14 =	vmov s28;
	s28 =	sadd.s32 $0x1, s28;
	v13 =	vld [tilespmem:s26+$0xFFFFFFB0];
	v10 =	vadd.f32 v17, v10;
	v16 =	vmul.f32 v19, v16  }
0x92: {  	_ = 	snop  }
0x93: {  	v17 =	vld [tilespmem:s26+$0xFFFFFFC0]  }
0x94: {  	v18 =	vld [tilespmem:s26+$0xFFFFFFD0]  }
0x95: {  	v19 =	vld [tilespmem:s26+$0xFFFFFFE0]  }
0x96: {  	v14 =	vld.idx.msk [tilespmem:v14+s14+$0x0], $0xffff;
	s29 =	sadd.s32 $0x80, s26  }
0x97: {  	v21 =	vld [tilespmem:s29+$0xFFFFFF90]  }
0x98: {  	v4 =	vadd.f32 v15, v4;
	v15 =	vld [tilespmem:s29+$0xFFFFFFB0]  }
0x99: {  	v22 =	vld [tilespmem:s29+$0xFFFFFFA0];
	v11 =	vmul.f32 v11, v2  }
0x9a: {  	v3 =	vadd.f32 v16, v3;
	v16 =	vld [tilespmem:s29+$0xFFFFFFC0];
	v12 =	vmul.f32 v12, v2  }
0x9b: {  	v20 =	vld [tilespmem:s26+$0xFFFFFFF0];
	v13 =	vmul.f32 v13, v2;
	v7 =	vadd.f32 v11, v7  }
0x9c: {  	v11 =	vmul.f32 v17, v2;
	v17 =	vmul.f32 v18, v2;
	v18 =	vld [tilespmem:s29+$0xFFFFFFD0];
	v5 =	vadd.f32 v12, v5  }
0x9d: {  	v8 =	vadd.f32 v13, v8;
	v12 =	vmul.f32 v21, v14;
	v13 =	vld [tilespmem:s29+$0xFFFFFFE0];
	v15 =	vmul.f32 v15, v14  }
0x9e: {  	v6 =	vadd.f32 v11, v6;
	v10 =	vadd.f32 v17, v10;
	v11 =	vmul.f32 v22, v14;
	v17 =	vld [tilespmem:s29+$0xFFFFFFF0]  }
0x9f: {  	v9 =	vmul.f32 v9, v2;
	v16 =	vmul.f32 v16, v14;
	v7 =	vadd.f32 v12, v7;
	v12 =	vld [tilespmem:s29+$0x0]  }
0xa0: {  	v8 =	vadd.f32 v15, v8;
	v5 =	vadd.f32 v11, v5;
	v11 =	vmul.f32 v19, v2  }
0xa1: {  	v2 =	vmul.f32 v20, v2;
	v15 =	vmul.f32 v18, v14;
	[tilespmem:s25+$0x18F00] =	vst v7  }
0xa2: {  	v6 =	vadd.f32 v16, v6;
	[tilespmem:s25+$0x18F20] =	vst v8;
	v4 =	vadd.f32 v11, v4;
	v7 =	vmul.f32 v13, v14  }
0xa3: {  	[tilespmem:s25+$0x18F10] =	vst v5;
	v2 =	vadd.f32 v2, v3;
	v3 =	vadd.f32 v15, v10;
	v5 =	vmul.f32 v17, v14  }
0xa4: {  	v1 =	vadd.f32 v9, v1;
	[tilespmem:s25+$0x18F30] =	vst v6;
	v8 =	vmul.f32 v12, v14;
	v4 =	vadd.f32 v7, v4  }
0xa5: {  	v2 =	vadd.f32 v5, v2;
	[tilespmem:s25+$0x18F40] =	vst v3  }
0xa6: {  	p1 =	seq.s32 s24, $0x27;
	v1 =	vadd.f32 v8, v1;
	[tilespmem:s25+$0x18F50] =	vst v4  }
0xa7: {  	s26 =	sshrl.u32 @!p1 s25, $0x2;
	[tilespmem:s25+$0x18F60] =	vst v2  }
0xa8: {  	s28 =	simm.s32 @!p1 $0x40;
	s26 =	sadd.s32 @!p1 $0x13900, s26;
	s29 =	simm.s32 @!p1 $0x14C80;
	[tilespmem:s25+$0x18F70] =	vst v1  }
0xa9: {  	[tilespmem:s29], [sflag:$0x1] =	stream.indirect.gather @!p1 [hbm4b:s4+s28], $0x1, s26, s28, $0xb8;
	[tilespmem:$0x1DE80] =	vst v63  }
0xaa: {  	s29 =	simm.s32 @!p1 $0x18D80  }
0xab: {  	[tilespmem:s29], [sflag:$0x1] =	stream.indirect.gather @!p1 [hbm4b:s5+s28], $0x1, s26, s28, $0xb8;
	[tilespmem:$0x1DE80] =	vst v63  }
0xac: {  	_ =	swait.ge [sflag:s20], $0x2000  }
0xad: {  	[sflag:s20] =	ssyncset.done $0x0  }
0xae: {  	[sflag:s20] =	ssyncadd.s32 $0xFFFFE000  }
0xaf: {  	v1 =	vld.msk [tilespmem:s19+$0x0], $0xffff  }
0xb0: {  	v2 =	vld [tilespmem:$0x16D80]  }
0xb1: {  	v3 =	vld [tilespmem:$0x16D90]  }
0xb2: {  	s30 =	simm.s32 $0x1;
	v4 =	vld [tilespmem:$0x16DA0]  }
0xb3: {  	v6 =	vmov s30;
	v5 =	vld [tilespmem:$0x16DB0]  }
0xb4: {  	v7 =	vld [tilespmem:$0x16DC0]  }
0xb5: {  	v8 =	vld [tilespmem:$0x16DD0]  }
0xb6: {  	v9 =	vld [tilespmem:$0x16DE0]  }
0xb7: {  	v10 =	vld [tilespmem:$0x16DF0]  }
0xb8: {  	s31 =	simm.s32 $0x16E70;
	v16 =	vld.idx.msk [tilespmem:v6+s19+$0x0], $0xffff  }
0xb9: {  	v6 =	vld [tilespmem:s31+$0x0]  }
0xba: {  	v11 =	vld [tilespmem:s31+$0xFFFFFF90]  }
0xbb: {  	v12 =	vld [tilespmem:s31+$0xFFFFFFA0]  }
0xbc: {  	s28 =	simm.s32 $0x2;
	v14 =	vld [tilespmem:s31+$0xFFFFFFB0];
	v13 =	vmul.f32 v2, v1  }
0xbd: {  	v18 =	vld [tilespmem:s31+$0xFFFFFFC0];
	v2 =	vmov s28;
	v15 =	vmul.f32 v3, v1;
	v17 =	vmul.f32 v4, v1  }
0xbe: {  	v62 =	vld [tilespmem:s31+$0xFFFFFFD0];
	v19 =	vmul.f32 v5, v1;
	v61 =	vmul.f32 v7, v1  }
0xbf: {  	v63 =	vld [tilespmem:s31+$0xFFFFFFE0];
	v4 =	vmul.f32 v8, v1;
	v3 =	vmul.f32 v9, v1  }
0xc0: {  	s26 =	simm.s32 $0x16EF0;
	v23 =	vld [tilespmem:s31+$0xFFFFFFF0];
	v1 =	vmul.f32 v10, v1;
	v5 =	vmul.f32 v6, v16  }
0xc1: {  	v6 =	vmul.f32 v11, v16;
	v8 =	vmul.f32 v12, v16;
	v9 =	vld [tilespmem:s26+$0x0]  }
0xc2: {  	v10 =	vmul.f32 v14, v16;
	v14 =	vmul.f32 v18, v16;
	v1 =	vadd.f32 v5, v1;
	v2 =	vld.idx.msk [tilespmem:v2+s19+$0x0], $0xffff  }
0xc3: {  	v11 =	vld [tilespmem:s26+$0xFFFFFF90];
	v18 =	vmul.f32 v62, v16;
	v7 =	vadd.f32 v6, v13;
	v5 =	vadd.f32 v8, v15  }
0xc4: {  	s28 =	simm.s32 $0x3;
	v12 =	vld [tilespmem:s26+$0xFFFFFFA0];
	v8 =	vadd.f32 v10, v17;
	v6 =	vadd.f32 v14, v19;
	v15 =	vmul.f32 v63, v16  }
0xc5: {  	v14 =	vmov s28;
	s28 =	simm.s32 $0x4;
	v13 =	vld [tilespmem:s26+$0xFFFFFFB0];
	v10 =	vadd.f32 v18, v61;
	v16 =	vmul.f32 v23, v16  }
.LBB2_7:
0xc6: {  	p2 =	sne.s32 s28, $0x1F;
	v17 =	vld [tilespmem:s26+$0xFFFFFFC0];
	v4 =	vadd.f32 v15, v4  }
0xc7: {  	v15 =	vld [tilespmem:s26+$0xFFFFFFD0];
	v9 =	vmul.f32 v9, v2;
	v3 =	vadd.f32 v16, v3;
	v16 =	vmov v2  }
0xc8: {  	v11 =	vmul.f32 v11, v16;
	v18 =	vld [tilespmem:s26+$0xFFFFFFE0]  }
0xc9: {  	v12 =	vmul.f32 v12, v16;
	v19 =	vld [tilespmem:s26+$0xFFFFFFF0];
	v1 =	vadd.f32 v9, v1  }
.Ltmp4:
0xca: {  	s26 =	sadd.s32 $0x80, s26;
	v2 =	vld.idx.msk [tilespmem:v14+s19+$0x0], $0xffff;
	v7 =	vadd.f32 v11, v7;
	v13 =	vmul.f32 v13, v16;
	(pc) =	sbr.rel @p2 .LBB2_7-.Ltmp4, $4  }
0xcb: {  	v9 =	vld [tilespmem:s26+$0x0];
	v5 =	vadd.f32 v12, v5;
	v14 =	vmul.f32 v17, v16  }
0xcc: {  	v11 =	vld [tilespmem:s26+$0xFFFFFF90];
	v8 =	vadd.f32 v13, v8;
	v17 =	vmul.f32 v15, v16  }
0xcd: {  	v12 =	vld [tilespmem:s26+$0xFFFFFFA0];
	v6 =	vadd.f32 v14, v6;
	v15 =	vmul.f32 v18, v16  }
0xce: {  	v14 =	vmov s28;
	s28 =	sadd.s32 $0x1, s28;
	v13 =	vld [tilespmem:s26+$0xFFFFFFB0];
	v10 =	vadd.f32 v17, v10;
	v16 =	vmul.f32 v19, v16  }
0xcf: {  	_ = 	snop  }
0xd0: {  	v17 =	vld [tilespmem:s26+$0xFFFFFFC0]  }
0xd1: {  	v18 =	vld [tilespmem:s26+$0xFFFFFFD0]  }
0xd2: {  	v19 =	vld [tilespmem:s26+$0xFFFFFFE0]  }
0xd3: {  	v14 =	vld.idx.msk [tilespmem:v14+s19+$0x0], $0xffff;
	s29 =	sadd.s32 $0x80, s26  }
0xd4: {  	v21 =	vld [tilespmem:s29+$0xFFFFFF90]  }
0xd5: {  	v4 =	vadd.f32 v15, v4;
	v15 =	vld [tilespmem:s29+$0xFFFFFFB0]  }
0xd6: {  	v22 =	vld [tilespmem:s29+$0xFFFFFFA0];
	v11 =	vmul.f32 v11, v2  }
0xd7: {  	v3 =	vadd.f32 v16, v3;
	v16 =	vld [tilespmem:s29+$0xFFFFFFC0];
	v12 =	vmul.f32 v12, v2  }
0xd8: {  	v20 =	vld [tilespmem:s26+$0xFFFFFFF0];
	v13 =	vmul.f32 v13, v2;
	v7 =	vadd.f32 v11, v7  }
0xd9: {  	v11 =	vmul.f32 v17, v2;
	v17 =	vmul.f32 v18, v2;
	v18 =	vld [tilespmem:s29+$0xFFFFFFD0];
	v5 =	vadd.f32 v12, v5  }
0xda: {  	v8 =	vadd.f32 v13, v8;
	v12 =	vmul.f32 v21, v14;
	v13 =	vld [tilespmem:s29+$0xFFFFFFE0];
	v15 =	vmul.f32 v15, v14  }
0xdb: {  	v6 =	vadd.f32 v11, v6;
	v10 =	vadd.f32 v17, v10;
	v11 =	vmul.f32 v22, v14;
	v17 =	vld [tilespmem:s29+$0xFFFFFFF0]  }
0xdc: {  	v9 =	vmul.f32 v9, v2;
	v16 =	vmul.f32 v16, v14;
	v7 =	vadd.f32 v12, v7;
	v12 =	vld [tilespmem:s29+$0x0]  }
0xdd: {  	v8 =	vadd.f32 v15, v8;
	v5 =	vadd.f32 v11, v5;
	v11 =	vmul.f32 v19, v2  }
0xde: {  	v2 =	vmul.f32 v20, v2;
	v15 =	vmul.f32 v18, v14;
	[tilespmem:s25+$0x18F80] =	vst v7  }
0xdf: {  	v6 =	vadd.f32 v16, v6;
	[tilespmem:s25+$0x18FA0] =	vst v8;
	v4 =	vadd.f32 v11, v4;
	v7 =	vmul.f32 v13, v14  }
0xe0: {  	[tilespmem:s25+$0x18F90] =	vst v5;
	v2 =	vadd.f32 v2, v3;
	v3 =	vadd.f32 v15, v10;
	v5 =	vmul.f32 v17, v14  }
0xe1: {  	v1 =	vadd.f32 v9, v1;
	[tilespmem:s25+$0x18FB0] =	vst v6;
	v8 =	vmul.f32 v12, v14;
	v4 =	vadd.f32 v7, v4  }
0xe2: {  	v2 =	vadd.f32 v5, v2;
	[tilespmem:s25+$0x18FC0] =	vst v3  }
0xe3: {  	v1 =	vadd.f32 v8, v1;
	[tilespmem:s25+$0x18FD0] =	vst v4  }
0xe4: {  	[tilespmem:s25+$0x18FE0] =	vst v2  }
0xe5: {  	[tilespmem:s25+$0x18FF0] =	vst v1  }
0xe6: {  	v1 =	vld.idx.msk [tilespmem:v0+s19+$0x0], $0xffff  }
0xe7: {  	v2 =	vld [tilespmem:$0x17D80]  }
0xe8: {  	v3 =	vld [tilespmem:$0x17D90]  }
0xe9: {  	s30 =	simm.s32 $0x21;
	v4 =	vld [tilespmem:$0x17DA0]  }
0xea: {  	v6 =	vmov s30;
	v5 =	vld [tilespmem:$0x17DB0]  }
0xeb: {  	v7 =	vld [tilespmem:$0x17DC0]  }
0xec: {  	v8 =	vld [tilespmem:$0x17DD0]  }
0xed: {  	v9 =	vld [tilespmem:$0x17DE0]  }
0xee: {  	v10 =	vld [tilespmem:$0x17DF0]  }
0xef: {  	s31 =	simm.s32 $0x17E70;
	v16 =	vld.idx.msk [tilespmem:v6+s19+$0x0], $0xffff  }
0xf0: {  	v6 =	vld [tilespmem:s31+$0x0]  }
0xf1: {  	v11 =	vld [tilespmem:s31+$0xFFFFFF90]  }
0xf2: {  	v12 =	vld [tilespmem:s31+$0xFFFFFFA0]  }
0xf3: {  	s28 =	simm.s32 $0x22;
	v14 =	vld [tilespmem:s31+$0xFFFFFFB0];
	v13 =	vmul.f32 v2, v1  }
0xf4: {  	v18 =	vld [tilespmem:s31+$0xFFFFFFC0];
	v2 =	vmov s28;
	v15 =	vmul.f32 v3, v1;
	v17 =	vmul.f32 v4, v1  }
0xf5: {  	v62 =	vld [tilespmem:s31+$0xFFFFFFD0];
	v19 =	vmul.f32 v5, v1;
	v61 =	vmul.f32 v7, v1  }
0xf6: {  	v63 =	vld [tilespmem:s31+$0xFFFFFFE0];
	v4 =	vmul.f32 v8, v1;
	v3 =	vmul.f32 v9, v1  }
0xf7: {  	s26 =	simm.s32 $0x17EF0;
	v23 =	vld [tilespmem:s31+$0xFFFFFFF0];
	v1 =	vmul.f32 v10, v1;
	v5 =	vmul.f32 v6, v16  }
0xf8: {  	v6 =	vmul.f32 v11, v16;
	v8 =	vmul.f32 v12, v16;
	v9 =	vld [tilespmem:s26+$0x0]  }
0xf9: {  	v10 =	vmul.f32 v14, v16;
	v14 =	vmul.f32 v18, v16;
	v1 =	vadd.f32 v5, v1;
	v2 =	vld.idx.msk [tilespmem:v2+s19+$0x0], $0xffff  }
0xfa: {  	v11 =	vld [tilespmem:s26+$0xFFFFFF90];
	v18 =	vmul.f32 v62, v16;
	v7 =	vadd.f32 v6, v13;
	v5 =	vadd.f32 v8, v15  }
0xfb: {  	s28 =	simm.s32 $0x23;
	v12 =	vld [tilespmem:s26+$0xFFFFFFA0];
	v8 =	vadd.f32 v10, v17;
	v6 =	vadd.f32 v14, v19;
	v15 =	vmul.f32 v63, v16  }
0xfc: {  	v14 =	vmov s28;
	s28 =	simm.s32 $0x24;
	v13 =	vld [tilespmem:s26+$0xFFFFFFB0];
	v10 =	vadd.f32 v18, v61;
	v16 =	vmul.f32 v23, v16  }
.LBB2_9:
0xfd: {  	p2 =	sne.s32 s28, $0x3F;
	v17 =	vld [tilespmem:s26+$0xFFFFFFC0];
	v4 =	vadd.f32 v15, v4  }
0xfe: {  	v15 =	vld [tilespmem:s26+$0xFFFFFFD0];
	v9 =	vmul.f32 v9, v2;
	v3 =	vadd.f32 v16, v3;
	v16 =	vmov v2  }
0xff: {  	v11 =	vmul.f32 v11, v16;
	v18 =	vld [tilespmem:s26+$0xFFFFFFE0]  }
0x100: {  	v12 =	vmul.f32 v12, v16;
	v19 =	vld [tilespmem:s26+$0xFFFFFFF0];
	v1 =	vadd.f32 v9, v1  }
.Ltmp5:
0x101: {  	s26 =	sadd.s32 $0x80, s26;
	v2 =	vld.idx.msk [tilespmem:v14+s19+$0x0], $0xffff;
	v7 =	vadd.f32 v11, v7;
	v13 =	vmul.f32 v13, v16;
	(pc) =	sbr.rel @p2 .LBB2_9-.Ltmp5, $4  }
0x102: {  	v9 =	vld [tilespmem:s26+$0x0];
	v5 =	vadd.f32 v12, v5;
	v14 =	vmul.f32 v17, v16  }
0x103: {  	v11 =	vld [tilespmem:s26+$0xFFFFFF90];
	v8 =	vadd.f32 v13, v8;
	v17 =	vmul.f32 v15, v16  }
0x104: {  	v12 =	vld [tilespmem:s26+$0xFFFFFFA0];
	v6 =	vadd.f32 v14, v6;
	v15 =	vmul.f32 v18, v16  }
0x105: {  	v14 =	vmov s28;
	s28 =	sadd.s32 $0x1, s28;
	v13 =	vld [tilespmem:s26+$0xFFFFFFB0];
	v10 =	vadd.f32 v17, v10;
	v16 =	vmul.f32 v19, v16  }
0x106: {  	v17 =	vld [tilespmem:s26+$0xFFFFFFC0]  }
0x107: {  	v18 =	vld [tilespmem:s26+$0xFFFFFFD0]  }
0x108: {  	v19 =	vld [tilespmem:s26+$0xFFFFFFE0]  }
0x109: {  	v20 =	vld [tilespmem:s26+$0xFFFFFFF0]  }
0x10a: {  	v14 =	vld.idx.msk [tilespmem:v14+s19+$0x0], $0xffff;
	s31 =	sadd.s32 $0x80, s26  }
0x10b: {  	v21 =	vld [tilespmem:s31+$0xFFFFFF90]  }
0x10c: {  	v22 =	vld [tilespmem:s31+$0xFFFFFFA0]  }
0x10d: {  	v4 =	vadd.f32 v15, v4;
	v49 =	vld [tilespmem:s31+$0xFFFFFFB0];
	v9 =	vmul.f32 v9, v2  }
0x10e: {  	v3 =	vadd.f32 v16, v3;
	v58 =	vld [tilespmem:s31+$0x0];
	v11 =	vmul.f32 v11, v2;
	v12 =	vmul.f32 v12, v2  }
0x10f: {  	v50 =	vld [tilespmem:s31+$0xFFFFFFC0];
	v1 =	vadd.f32 v9, v1;
	v13 =	vmul.f32 v13, v2;
	v51 =	vmul.f32 v17, v2  }
0x110: {  	v53 =	vld [tilespmem:s31+$0xFFFFFFD0];
	v7 =	vadd.f32 v11, v7;
	v52 =	vmul.f32 v18, v2;
	v54 =	vmul.f32 v21, v14  }
0x111: {  	v55 =	vld [tilespmem:s31+$0xFFFFFFE0];
	v5 =	vadd.f32 v12, v5;
	v59 =	vmul.f32 v19, v2;
	v56 =	vmul.f32 v22, v14  }
0x112: {  	v57 =	vld [tilespmem:s31+$0xFFFFFFF0];
	v8 =	vadd.f32 v13, v8;
	v15 =	vmul.f32 v49, v14;
	v7 =	vadd.f32 v54, v7  }
0x113: {  	v2 =	vmul.f32 v20, v2;
	v63 =	vmul.f32 v58, v14;
	v5 =	vadd.f32 v56, v5  }
0x114: {  	v16 =	vmul.f32 v50, v14;
	v6 =	vadd.f32 v51, v6;
	v8 =	vadd.f32 v15, v8;
	[tilespmem:s25+$0x19000] =	vst v7  }
0x115: {  	v60 =	vmul.f32 v53, v14;
	v10 =	vadd.f32 v52, v10;
	v1 =	vadd.f32 v63, v1;
	[tilespmem:s25+$0x19010] =	vst v5  }
0x116: {  	v61 =	vmul.f32 v55, v14;
	v4 =	vadd.f32 v59, v4;
	v6 =	vadd.f32 v16, v6;
	[tilespmem:s25+$0x19020] =	vst v8  }
.Ltmp6:
0x117: {  	v62 =	vmul.f32 v57, v14;
	v2 =	vadd.f32 v2, v3;
	v3 =	vadd.f32 v60, v10;
	[tilespmem:s25+$0x19070] =	vst v1;
	(pc) =	sbr.rel @p1 .LBB2_12-.Ltmp6, $4  }
0x118: {  	v4 =	vadd.f32 v61, v4;
	[tilespmem:s25+$0x19030] =	vst v6  }
0x119: {  	v2 =	vadd.f32 v62, v2;
	[tilespmem:s25+$0x19040] =	vst v3  }
0x11a: {  	[tilespmem:s25+$0x19050] =	vst v4  }
0x11b: {  	[tilespmem:s25+$0x19060] =	vst v2  }
0x11c: {  	_ =	swait.ge [sflag:s15], $0x40  }
0x11d: {  	[sflag:s15] =	ssyncset.done $0x0  }
0x11e: {  	[sflag:s15] =	ssyncadd.s32 $0xFFFFFFC0  }
0x11f: {  	_ =	swait.ge [sflag:s15], $0x40  }
0x120: {  	[sflag:s15] =	ssyncset.done $0x0  }
0x121: {  	[sflag:s15] =	ssyncadd.s32 $0xFFFFFFC0  }
0x122: {  	[tilespmem:s16], [sflag:$0x1] =	stream.indirect.gather [spmem:s2], $0x80, s13, s12, $0xb8;
	[tilespmem:$0x1DE80] =	vst v63  }
.Ltmp7:
0x123: {  	s25 =	sshrl.u32 s25, $0x2;
	(pc) =	sbr.rel .LBB2_2-.Ltmp7, $4  }
0x124: {  	s25 =	sadd.s32 $0x13940, s25  }
0x125: {  	[tilespmem:s18], [sflag:$0x2] =	stream.indirect.gather [hbm4b:s4+s12], $0x1, s25, s12, $0xb8;
	[tilespmem:$0x1DE80] =	vst v63  }
0x126: {  	s24 =	sadd.s32 $0x1, s24  }
0x127: {  	[tilespmem:s19], [sflag:$0x2] =	stream.indirect.gather [hbm4b:s5+s12], $0x1, s25, s12, $0xb8;
	[tilespmem:$0x1DE80] =	vst v63  }
.LBB2_13:
0x128: {  	_ =	sfence.sel $0x180000  }
0x129: {  	[bflag:$0x0] =	sbarrier.arrive $0xFFFF  }
0x12a: {  	_ =	strace $0x9000004D  }
0x12b: {  	s0 =	sadd.s32 @!p0 $0x100000, s1;
	[bflag:$0x2] =	sbarrier.arrive $0xFFFF  }
0x12c: {  	[sflag:s0] =	ssyncadd.tile.s32 @!p0 $0x1;
	_ =	shalt  }
.Lfunc_end2:
_tile_overlayer_lowered:
.L_overlay_start_2:
0x12d: {  	(tag) =	ssettag $0x2  }
0x12e: {  	s0 =	rddreg [dreg:$0x0];
	s2 =	stileid.u32  }
0x12f: {  	s1 =	rddreg [dreg:$0x1];
	p0 =	sne.s32 s2, $0x0  }
0x130: {  	s3 =	rddreg [dreg:$0x2];
	[bflag:$0x3] =	sbarrier.arrive $0xFFFF;
	s2 =	simm.s32 @!p0 $0x1C03  }
0x131: {  	[timem:s3], [sflag:s2] =	dma.local @!p0 [hbm:s0], s1  }
0x132: {  	s0 =	simm.s32 @!p0 $0x3  }
0x133: {  	_ =	swait.ge @!p0 [sflag:s0], s1  }
0x134: {  	s1 =	ssub.s32 @!p0 $0x0, s1;
	[sflag:s0] =	ssyncset.done @!p0 $0x0  }
0x135: {  	[sflag:s0] =	ssyncadd.s32 @!p0 s1  }
0x136: {  	[bflag:$0x3] =	sbarrier.arrive $0xFFFF  }
0x137: {  	_ =	shalt  }

// kernel: kernel.8.cloned.1.call-start
scs
__scs_entry_jumppad:
0x0: {  	(pc) =	sbr.rel $0x88, $3  }
0x1: {  	(tag) =	ssettag $0x0;
	lr =	simm.s32 $0x1  }
0x2: {  	[smem:$0x3F94] =	sst lr;
	_ =	strace $0xD0000000  }
0x3: {  	_ = 	snop  }
0x4: {  	_ = 	snop  }
0x5: {  	_ = 	snop  }
0x6: {  	_ = 	snop  }
0x7: {  	_ = 	snop  }
__scs_overlays_trampoline_lowered:
0x8: {  	[smem:$0x3FA3] =	sst s0  }
0x9: {  	[smem:$0x3FA4] =	sst s1  }
0xa: {  	[smem:$0x3FA5] =	sst s2  }
0xb: {  	[smem:$0x3FA6] =	sst s3  }
0xc: {  	[smem:$0x3FA7] =	sst s4  }
0xd: {  	[smem:$0x3FA8] =	sst s5  }
0xe: {  	[smem:$0x3FA9] =	sst s6  }
0xf: {  	[smem:$0x3FAA] =	sst s7  }
0x10: {  	[smem:$0x3FAB] =	sst s8  }
0x11: {  	[smem:$0x3FAC] =	sst s9;
	s0 =	simm.s32 @!p0 $0x0  }
0x12: {  	s1 =	sld [smem:$0x3F92];
	s0 =	simm.s32 @p0 $0x1  }
0x13: {  	[smem:$0x3FAD] =	sst s0;
	s0 =	simm.s32 @!p1 $0x0  }
0x14: {  	s2 =	sld [smem:$0x3F91];
	s0 =	simm.s32 @p1 $0x1  }
0x15: {  	[smem:$0x3FAE] =	sst s0;
	s0 =	simm.s32 @!p2 $0x0  }
0x16: {  	s3 =	sld [smem:$0x3FDB];
	s0 =	simm.s32 @p2 $0x1  }
0x17: {  	s4 =	simm.s32 $0x1BF5;
	[smem:$0x3FB0] =	sst s0  }
0x18: {  	s0 =	sld [smem:$0x3F93];
	_ =	swait.ge [sflag:s4], $0x0  }
0x19: {  	s7 =	sld [smem:$0x3F94]  }
0x1a: {  	s8 =	sadd.s32 $0xFFFFE003, lr  }
0x1b: {  	s9 =	sadd.s32 $0xFFFFFEF7, lr;
	s5 =	simm.s32 $0xFFFFFFFF;
	p2 =	slt.u32 s8, $0xFFFFF086  }
0x1c: {  	p1 =	slt.u32 s9, $0xF7A;
	s5 =	simm.s32 @!p2 $0x0  }
0x1d: {  	s5 =	simm.s32 @p1 $0x1;
	p0 =	seq.s32 s7, s2  }
0x1e: {  	s7 =	smul.u32 @!p0 $0xF7A, s2;
	p2 =	seq.s32 @!p0 s5, $0x0  }
0x1f: {  	s9 =	smul.u32 $0xF7A, s1;
	s8 =	simm.s32 @!p0 $0x1BF5;
	p2 =	por !p2, p0  }
0x20: {  	[sflag:s8] =	ssyncset.s32 @!p0 $0xFFFFF086;
	s6 =	sadd.s32 @!p0 s3, s7;
	s7 =	simm.s32 @!p0 $0x108  }
0x21: {  	s3 =	sadd.s32 s3, s9;
	s6 =	sadd.s32 @!p0 $0x88, s6;
	s7 =	simm.s32 @p2 $0x1082  }
0x22: {  	[simem:s7], [sflag:s8] =	dma.local @!p0 [hbm:s6], $0xF7A  }
0x23: {  	s9 =	sor.u32 $0xD0000000, s2;
	s6 =	simm.s32 $0x108;
	_ =	swait.ge @!p0 [sflag:s8], $0x0  }
0x24: {  	s3 =	sadd.s32 $0x88, s3;
	s6 =	simm.s32 @!p1 $0x1082;
	[sflag:s4] =	ssyncset.s32 $0xFFFFF086  }
0x25: {  	[simem:s6], [sflag:s4] =	dma.local [hbm:s3], $0xF7A  }
0x26: {  	[smem:$0x3F94] =	sst s1;
	(tag) =	ssettag s2;
	_ =	strace s9  }
0x27: {  	s1 =	sld [smem:$0x3FA4]  }
0x28: {  	s2 =	sld [smem:$0x3FA5]  }
0x29: {  	s4 =	sld [smem:$0x3FA7]  }
0x2a: {  	p0 =	seq.s32 s5, $0x0;
	s5 =	sld [smem:$0x3FA8]  }
0x2b: {  	s6 =	sld [smem:$0x3FA9]  }
0x2c: {  	s7 =	sld [smem:$0x3FAA]  }
0x2d: {  	s3 =	simm.s32 $0x108;
	s8 =	sld [smem:$0x3FAB]  }
0x2e: {  	s3 =	simm.s32 @!p0 $0x1082;
	s9 =	sld [smem:$0x3FAC]  }
0x2f: {  	lr =	sadd.s32 s0, s3;
	s0 =	sld [smem:$0x3FA3]  }
0x30: {  	s3 =	sld [smem:$0x3FA6]  }
0x31: {  	[smem:$0x3FAF] =	sst s10  }
0x32: {  	s10 =	sld [smem:$0x3FAD];
	_ =	sdelay $0x3  }
0x33: {  	p0 =	seq.s32 s10, $0x1;
	s10 =	sld [smem:$0x3FAF];
	_ =	sdelay $0x3  }
0x34: {  	[smem:$0x3FAF] =	sst s10  }
0x35: {  	s10 =	sld [smem:$0x3FAE];
	_ =	sdelay $0x3  }
0x36: {  	p1 =	seq.s32 s10, $0x1;
	s10 =	sld [smem:$0x3FAF];
	_ =	sdelay $0x3  }
0x37: {  	[smem:$0x3FAF] =	sst s10  }
0x38: {  	s10 =	sld [smem:$0x3FB0]  }
0x39: {  	_ = 	snop;
	(pc) =	sbr.ind lr, $3  }
0x3a: {  	_ = 	snop  }
0x3b: {  	_ = 	snop  }
0x3c: {  	p2 =	seq.s32 s10, $0x1;
	s10 =	sld [smem:$0x3FAF]  }
0x3d: {  	_ =	shalt  }
0x3e: {  	_ =	shalt  }
0x3f: {  	_ =	shalt  }
0x40: {  	_ =	shalt  }
0x41: {  	_ =	shalt  }
0x42: {  	_ =	shalt  }
0x43: {  	_ =	shalt  }
0x44: {  	_ =	shalt  }
0x45: {  	_ =	shalt  }
0x46: {  	_ =	shalt  }
0x47: {  	_ =	shalt  }
0x48: {  	_ =	shalt  }
0x49: {  	_ =	shalt  }
0x4a: {  	_ =	shalt  }
0x4b: {  	_ =	shalt  }
0x4c: {  	_ =	shalt  }
0x4d: {  	_ =	shalt  }
0x4e: {  	_ =	shalt  }
0x4f: {  	_ =	shalt  }
0x50: {  	_ =	shalt  }
0x51: {  	_ =	shalt  }
0x52: {  	_ =	shalt  }
0x53: {  	_ =	shalt  }
0x54: {  	_ =	shalt  }
0x55: {  	_ =	shalt  }
0x56: {  	_ =	shalt  }
0x57: {  	_ =	shalt  }
0x58: {  	_ =	shalt  }
0x59: {  	_ =	shalt  }
0x5a: {  	_ =	shalt  }
0x5b: {  	_ =	shalt  }
0x5c: {  	_ =	shalt  }
0x5d: {  	_ =	shalt  }
0x5e: {  	_ =	shalt  }
0x5f: {  	_ =	shalt  }
0x60: {  	_ =	shalt  }
0x61: {  	_ =	shalt  }
0x62: {  	_ =	shalt  }
0x63: {  	_ =	shalt  }
0x64: {  	_ =	shalt  }
0x65: {  	_ =	shalt  }
0x66: {  	_ =	shalt  }
0x67: {  	_ =	shalt  }
0x68: {  	_ =	shalt  }
0x69: {  	_ =	shalt  }
0x6a: {  	_ =	shalt  }
0x6b: {  	_ =	shalt  }
0x6c: {  	_ =	shalt  }
0x6d: {  	_ =	shalt  }
0x6e: {  	_ =	shalt  }
0x6f: {  	_ =	shalt  }
0x70: {  	_ =	shalt  }
0x71: {  	_ =	shalt  }
0x72: {  	_ =	shalt  }
0x73: {  	_ =	shalt  }
0x74: {  	_ =	shalt  }
0x75: {  	_ =	shalt  }
0x76: {  	_ =	shalt  }
0x77: {  	_ =	shalt  }
0x78: {  	_ =	shalt  }
0x79: {  	_ =	shalt  }
0x7a: {  	_ =	shalt  }
0x7b: {  	_ =	shalt  }
0x7c: {  	_ =	shalt  }
0x7d: {  	_ =	shalt  }
0x7e: {  	_ =	shalt  }
0x7f: {  	_ =	shalt  }
0x80: {  	_ =	shalt  }
0x81: {  	_ =	shalt  }
0x82: {  	_ =	shalt  }
0x83: {  	_ =	shalt  }
0x84: {  	_ =	shalt  }
0x85: {  	_ =	shalt  }
0x86: {  	_ =	shalt  }
0x87: {  	_ =	shalt  }
.Lfunc_end0:
.L_simem_size_0:
called_computation_lowered:
.L_overlay_start_0:
0x88: {  	s2 =	sld [smem:$0x3FD9]  }
0x89: {  	s3 =	sld [smem:$0x3FFE];
	_ =	sdelay $0x1  }
0x8a: {  	s1 =	srdreg.scid  }
0x8b: {  	s0 =	sand.u32 $0x1, s1  }
0x8c: {  	s17 =	sshll.u32 s0, $0xA;
	s2 =	sadd.s32 s3, s2  }
0x8d: {  	s2 =	sadd.s32 s2, s17  }
0x8e: {  	[smem:$0x3FBB] =	sst s2  }
0x8f: {  	_ = 	snop  }
0x90: {  	s2 =	sld [smem:$0x3FD0];
	(tm) =	ssettm $0x1  }
0x91: {  	s18 =	sld [smem:$0x3FFB];
	_ =	sdelay $0x3  }
0x92: {  	_ =	strace s18  }
0x93: {  	s3 =	sld [smem:$0x3FFC];
	_ =	sdelay $0x3  }
0x94: {  	_ =	strace s3  }
0x95: {  	s3 =	sld [smem:$0x3FFD];
	_ =	sdelay $0x3  }
0x96: {  	_ =	strace s3  }
0x97: {  	_ =	strace $0x8FFFFFFF  }
0x98: {  	s19 =	sld [smem:$0x3FDB];
	_ =	sdelay $0x1  }
0x99: {  	s4 =	simm.s32 $_scs_section_size  }
0x9a: {  	s5 =	simm.s32 $_size__tile_overlayer_lowered;
	s6 =	simm.s32 $_tile_overlayer_lowered  }
0x9b: {  	s22 =	simm.s32 $0x1BFF;
	s21 =	sshll.u32 s6, $0x1;
	s3 =	sadd.s32 s4, s19  }
0x9c: {  	s7 =	simm.s32 $0x0;
	s20 =	sshll.u32 s5, $0x1;
	s5 =	sadd.s32 s21, s3  }
0x9d: {  	[timem:s7], [sflag:s22] =	dma.local [hbm:s5], s20  }
0x9e: {  	_ =	swait.ge [sflag:s22], s20  }
0x9f: {  	s4 =	ssub.s32 $0x0, s20;
	[sflag:s22] =	ssyncset.done $0x0  }
0xa0: {  	[sflag:s22] =	ssyncadd.s32 s4;
	_ =	sdelay $0x1  }
0xa1: {  	s23 =	simm.s32 $0x1B8B  }
0xa2: {  	_ =	swait.ge [sflag:s23], $0x1  }
0xa3: {  	[sflag:s23] =	ssyncset.done $0x0  }
0xa4: {  	s25 =	simm.s32 $0x1B8E;
	s24 =	sld [smem:$0x3FFE];
	[sflag:s23] =	ssyncadd.s32 $0xFFFFFFFF  }
0xa5: {  	s26 =	simm.s32 $execute0_lowered;
	[smem:$0x3FD2] =	sst s25  }
0xa6: {  	s5 =	sshll.u32 s26, $0x1;
	_ =	strace $0x80000046;
	[dreg:$0x1] =	wrdreg $0xFFFFFFFF  }
0xa7: {  	s28 =	simm.s32 $_size_execute0_lowered;
	s3 =	sadd.s32 s3, s5;
	[dreg:$0x0] =	wrdreg $0x0  }
0xa8: {  	s5 =	sshll.u32 s28, $0x1;
	[dreg:$0x2] =	wrdreg s3  }
0xa9: {  	[dreg:$0x3] =	wrdreg s5  }
0xaa: {  	[dreg:$0x4] =	wrdreg $0xC0  }
0xab: {  	_ =	task [dreg:s7], $0x5FFFF  }
0xac: {  	[dreg:$0x1] =	wrdreg $0xFFFFFFFF  }
0xad: {  	[dreg:$0x0] =	wrdreg $0x60  }
0xae: {  	[dreg:$0x2] =	wrdreg s2  }
0xaf: {  	[dreg:$0x3] =	wrdreg s24  }
0xb0: {  	[dreg:$0x4] =	wrdreg $0x0  }
0xb1: {  	[dreg:$0x5] =	wrdreg $0x9  }
0xb2: {  	_ =	task.clear_ibuf [dreg:s7], $0x6FFFF;
	_ =	strace $0x90000046  }
0xb3: {  	s29 =	simm.s32 $0x9;
	_ =	strace $0x80000048  }
0xb4: {  	_ =	swait.ge [sflag:s29], $0x1  }
0xb5: {  	[sflag:s29] =	ssyncadd.s32 $0xFFFFFFFF  }
0xb6: {  	_ =	strace $0x90000048  }
0xb7: {  	_ =	sfence  }
0xb8: {  	s30 =	sld [smem:$0x0];
	_ =	sdelay $0x2  }
0xb9: {  	s31 =	sshll.u32 s1, $0xD;
	s1 =	sshrl.u32 s1, $0x2  }
0xba: {  	s3 =	sand.u32 $0x4000, s31;
	s1 =	sadd.s32 s1, s30  }
0xbb: {  	s0 =	sor.u32 s3, s0;
	s1 =	sshll.u32 s1, $0x11  }
0xbc: {  	s0 =	sor.u32 s1, s0  }
0xbd: {  	s0 =	sadd.s32 $0x8F2B, s0  }
0xbe: {  	[sflag:s0] =	ssyncadd.remote.s32 $0x1  }
0xbf: {  	_ =	sfence.sel $0xFFFF  }
0xc0: {  	[dreg:$0x0] =	wrdreg $0xFFFFFFFF;
	(pc) =	sbr.abs _section_cstart, $3  }
0xc1: {  	[dreg:$0x1] =	wrdreg $0xFFFFFFFF  }
0xc2: {  	_ =	task.clear_ibuf [dreg:s7], $0x2FFFF;
	_ =	strace $0x9FFFFFFF  }
0xc3: {  	(tm) =	ssettm $0x7FFFFFFF  }
tec
execute0_lowered:
.L_overlay_start_1:
0x0: {  	(tag) =	ssettag $0x1  }
0x1: {  	s0 =	rddreg [dreg:$0x1]  }
0x2: {  	s2 =	rddreg [dreg:$0x2]  }
0x3: {  	s1 =	srdreg.scid;
	s9 =	stileid.u32;
	s3 =	simm.s32 $0x0  }
0x4: {  	s19 =	simm.s32 $0x1;
	s20 =	simm.s32 $0x28;
	s28 =	simm.s32 $0x16280  }
0x5: {  	s29 =	simm.s32 $0x17680;
	s30 =	simm.s32 $0x18A80;
	s31 =	simm.s32 $0x4  }
0x6: {  	s21 =	simm.s32 $0x6;
	s22 =	simm.s32 $0x0;
	s1 =	sand.u32 $0x1, s1  }
0x7: {  	s4 =	sshll.u32 s9, $0x1;
	[smem:$0x7FF] =	sst s3;
	s5 =	sadd.s32 $0xC200, s0  }
0x8: {  	s6 =	sadd.s32 $0x2400, s0;
	s7 =	sadd.s32 $0x16000, s0;
	s4 =	sor.u32 s1, s4  }
0x9: {  	p0 =	sne.s32 s9, $0x0;
	s1 =	ssub.s32 $0x2, s1;
	s4 =	smul.u32 $0x2710, s4  }
0xa: {  	_ =	strace $0x80000047;
	s16 =	sshrl.u32 @!p0 s2, $0x3;
	s23 =	sshrl.u32 s1, $0x1  }
0xb: {  	s0 =	ssub.s32 s1, s23;
	s23 =	simm.s32 $0x13980;
	s8 =	sadd.s32 $0x28, s4  }
0xc: {  	s24 =	sshrl.u32 s4, $0x3;
	s13 =	sadd.s32 $0x50, s4;
	s14 =	sadd.s32 $0x78, s4  }
0xd: {  	s15 =	smax.u32 s0, $0x1;
	s0 =	simm.s32 $0x19E80;
	s11 =	sadd.s32 s5, s24  }
0xe: {  	s10 =	sshrl.u32 s8, $0x3;
	s1 =	sadd.s32 s6, s24;
	[dreg:$0x4] =	wrdreg s11  }
0xf: {  	s24 =	simm.s32 $0x13A00;
	[dreg:$0x5] =	wrdreg s1;
	s25 =	sadd.s32 s5, s10  }
0x10: {  	s26 =	sadd.s32 s6, s10;
	s1 =	simm.s32 $0x5;
	[dreg:$0x6] =	wrdreg s25  }
0x11: {  	[dreg:$0x7] =	wrdreg s26;
	s25 =	simm.s32 $0x2;
	s26 =	simm.s32 $0x3  }
.LBB2_1:
0x12: {  	s9 =	simm.s32 @!p0 $0x1C07;
	s10 =	rddreg [dreg:$0x0]  }
0x13: {  	[spmem:s16], [sflag:s9] =	dma.local @!p0 [hbm:s10], $0x27100  }
0x14: {  	s9 =	simm.s32 @!p0 $0x7  }
0x15: {  	_ =	swait.ge @!p0 [sflag:s9], $0x27100  }
0x16: {  	[sflag:s9] =	ssyncset.done @!p0 $0x0  }
0x17: {  	[sflag:s9] =	ssyncadd.s32 @!p0 $0xFFFD8F00  }
0x18: {  	[bflag:$0x0] =	sbarrier.arrive $0xFFFF  }
0x19: {  	s12 =	simm.s32 $0x13880;
	s11 =	rddreg [dreg:$0x4]  }
0x1a: {  	[tilespmem:s12], [sflag:$0x1] =	stream.linear.gather [hbm4b:s11+s3], $0x28, $0x38;
	[tilespmem:$0x1B280] =	vst v63  }
0x1b: {  	s17 =	rddreg [dreg:$0x5];
	s11 =	simm.s32 $0x13900  }
0x1c: {  	[tilespmem:s11], [sflag:$0x1] =	stream.linear.gather [hbm4b:s17+s3], $0x28, $0x38;
	[tilespmem:$0x1B280] =	vst v63  }
0x1d: {  	_ =	swait.ge [sflag:s19], $0x28  }
0x1e: {  	[sflag:s19] =	ssyncset.done $0x0  }
0x1f: {  	[sflag:s19] =	ssyncadd.s32 $0xFFFFFFD8  }
0x20: {  	_ =	swait.ge [sflag:s19], $0x28  }
0x21: {  	[sflag:s19] =	ssyncset.done $0x0  }
0x22: {  	s18 =	simm.s32 $0x13A80;
	[sflag:s19] =	ssyncadd.s32 $0xFFFFFFD8  }
0x23: {  	[tilespmem:s18], [sflag:$0x3] =	stream.indirect.gather [spmem:s2], $0x80, s12, s20, $0xb8;
	[tilespmem:$0x1B280] =	vst v63  }
0x24: {  	s12 =	simm.s32 $0x14E80  }
0x25: {  	[tilespmem:s12], [sflag:$0x3] =	stream.indirect.gather [spmem:s2], $0x80, s11, s20, $0xb8;
	[tilespmem:$0x1B280] =	vst v63  }
0x26: {  	s17 =	rddreg [dreg:$0x6]  }
0x27: {  	[tilespmem:s23], [sflag:$0x2] =	stream.linear.gather [hbm4b:s17+s3], $0x28, $0x38;
	[tilespmem:$0x1B280] =	vst v63  }
0x28: {  	s18 =	rddreg [dreg:$0x7];
	s17 =	simm.s32 $0x0  }
0x29: {  	[tilespmem:s24], [sflag:$0x2] =	stream.linear.gather [hbm4b:s18+s3], $0x28, $0x38;
	[tilespmem:$0x1B280] =	vst v63  }
.LBB2_2:
0x2a: {  	_ =	swait.ge [sflag:s25], $0x28  }
0x2b: {  	[sflag:s25] =	ssyncset.done $0x0  }
0x2c: {  	[sflag:s25] =	ssyncadd.s32 $0xFFFFFFD8  }
0x2d: {  	_ =	swait.ge [sflag:s25], $0x28  }
0x2e: {  	[sflag:s25] =	ssyncset.done $0x0  }
0x2f: {  	[sflag:s25] =	ssyncadd.s32 $0xFFFFFFD8  }
0x30: {  	_ =	swait.ge [sflag:s26], $0x1400  }
0x31: {  	[sflag:s26] =	ssyncset.done $0x0  }
0x32: {  	[sflag:s26] =	ssyncadd.s32 $0xFFFFEC00  }
0x33: {  	_ =	swait.ge [sflag:s26], $0x1400  }
0x34: {  	p1 =	seq.s32 s17, $0x7C;
	[sflag:s26] =	ssyncset.done $0x0  }
0x35: {  	s9 =	smul.u32 @!p1 $0x50, s17;
	p2 =	seq.s32 @!p1 s17, $0x0;
	[sflag:s26] =	ssyncadd.s32 $0xFFFFEC00  }
0x36: {  	[tilespmem:s28], [sflag:$0x4] =	stream.indirect.gather [spmem:s2], $0x80, s23, s20, $0xb8;
	[tilespmem:$0x1B280] =	vst v63  }
0x37: {  	p2 =	por p1, !p2;
	s9 =	sadd.s32 @!p1 s9, s13  }
0x38: {  	[tilespmem:s29], [sflag:$0x4] =	stream.indirect.gather [spmem:s2], $0x80, s24, s20, $0xb8;
	[tilespmem:$0x1B280] =	vst v63  }
.Ltmp0:
0x39: {  	s9 =	sshrl.u32 @!p1 s9, $0x3;
	(pc) =	sbr.rel @!p2 .LBB2_3-.Ltmp0, $4  }
0x3a: {  	s11 =	simm.s32 @!p1 $0x0;
	s18 =	simm.s32 @!p1 $0x13880;
	s10 =	sadd.s32 @!p1 s5, s9  }
0x3b: {  	[tilespmem:s18], [sflag:$0x1] =	stream.linear.gather @!p1 [hbm4b:s10+s11], $0x28, $0x38;
	[tilespmem:$0x1B280] =	vst v63  }
0x3c: {  	s9 =	sadd.s32 @!p1 s6, s9;
	s10 =	simm.s32 @!p1 $0x13900  }
0x3d: {  	[tilespmem:s10], [sflag:$0x1] =	stream.linear.gather @!p1 [hbm4b:s9+s11], $0x28, $0x38;
	[tilespmem:$0x1B280] =	vst v63  }
.Ltmp1:
0x3e: {  	(pc) =	sbr.rel .LBB2_5-.Ltmp1, $4  }
0x3f: {  	_ = 	snop  }
0x40: {  	_ =	swait.ge [sflag:s1], $0x1400  }
0x41: {  	[sflag:s1] =	ssyncset.done $0x0  }
0x42: {  	p2 =	por $0x0, $0x0;
	[sflag:s1] =	ssyncadd.s32 $0xFFFFEC00  }
.LBB2_3:
0x43: {  	p2 =	por @!p1 $0x1, $0x1  }
.LBB2_5:
0x44: {  	s18 =	simm.s32 $0x0  }
0x45: {  	v0 =	vld [tilespmem:s18+$0x13AB0]  }
0x46: {  	v2 =	vld [tilespmem:s18+$0x14EB0]  }
0x47: {  	v3 =	vld [tilespmem:s18+$0x13AF0]  }
0x48: {  	v4 =	vld [tilespmem:s18+$0x14EF0]  }
0x49: {  	v5 =	vld [tilespmem:s18+$0x13A80]  }
0x4a: {  	v7 =	vld [tilespmem:s18+$0x13AC0]  }
0x4b: {  	v10 =	vld [tilespmem:s18+$0x14EC0]  }
0x4c: {  	v6 =	vld [tilespmem:s18+$0x14E80]  }
0x4d: {  	v12 =	vld [tilespmem:s18+$0x14E90];
	v8 =	vunpack.i.l.bf16.f32 v0;
	v9 =	vunpack.i.l.bf16.f32 v2  }
0x4e: {  	v14 =	vld [tilespmem:s18+$0x14ED0];
	v11 =	vunpack.i.u.bf16.f32 v0;
	v1 =	vunpack.i.l.bf16.f32 v3;
	v2 =	vunpack.i.u.bf16.f32 v2  }
0x4f: {  	v23 =	vld [tilespmem:s18+$0x14EE0];
	v3 =	vunpack.i.u.bf16.f32 v3;
	v13 =	vunpack.i.u.bf16.f32 v5;
	v5 =	vunpack.i.l.bf16.f32 v5  }
0x50: {  	v21 =	vld [tilespmem:s18+$0x13AE0];
	v15 =	vunpack.i.u.bf16.f32 v7;
	v7 =	vunpack.i.l.bf16.f32 v7;
	v17 =	vunpack.i.u.bf16.f32 v10  }
0x51: {  	v10 =	vunpack.i.l.bf16.f32 v10;
	v0 =	vsub.f32 v8, v9;
	v8 =	vld [tilespmem:s18+$0x13A90];
	v9 =	vunpack.i.u.bf16.f32 v4  }
0x52: {  	v20 =	vunpack.i.u.bf16.f32 v12;
	v2 =	vsub.f32 v11, v2;
	v3 =	vsub.f32 v3, v9;
	v9 =	vld [tilespmem:s18+$0x13AD0]  }
0x53: {  	v11 =	vunpack.i.u.bf16.f32 v6;
	v6 =	vunpack.i.l.bf16.f32 v6;
	v19 =	vsub.f32 v7, v10  }
0x54: {  	v16 =	vld [tilespmem:s18+$0x13AA0];
	v63 =	vunpack.i.l.bf16.f32 v23;
	v18 =	vsub.f32 v5, v6;
	v6 =	vsub.f32 v13, v11  }
0x55: {  	v11 =	vunpack.i.l.bf16.f32 v14;
	v13 =	vunpack.i.u.bf16.f32 v21;
	v3 =	vmul.f32 v3, v2  }
0x56: {  	v2 =	vunpack.i.l.bf16.f32 v4;
	v4 =	vld [tilespmem:s18+$0x14EA0];
	v18 =	vmul.f32 v19, v18;
	v5 =	vunpack.i.u.bf16.f32 v8  }
0x57: {  	v8 =	vunpack.i.l.bf16.f32 v8;
	[tilespmem:s18+$0x18AF0] =	vst v3;
	v3 =	vunpack.i.l.bf16.f32 v12;
	v22 =	vunpack.i.u.bf16.f32 v9  }
0x58: {  	v10 =	vunpack.i.l.bf16.f32 v9;
	v9 =	vsub.f32 v15, v17;
	v15 =	vunpack.i.u.bf16.f32 v14  }
0x59: {  	s9 =	simm.s32 $0x80;
	v7 =	vsub.f32 v8, v3;
	v8 =	vunpack.i.u.bf16.f32 v16;
	v17 =	vunpack.i.l.bf16.f32 v16  }
0x5a: {  	v3 =	vld [tilespmem:s9+$0x13AB0];
	v12 =	vsub.f32 v5, v20;
	v20 =	vunpack.i.l.bf16.f32 v21;
	v10 =	vsub.f32 v10, v11  }
0x5b: {  	v14 =	vsub.f32 v22, v15;
	v11 =	vunpack.i.u.bf16.f32 v4;
	v24 =	vunpack.i.l.bf16.f32 v4;
	v4 =	vld [tilespmem:s9+$0x14EB0]  }
0x5c: {  	s10 =	simm.s32 $0x400;
	v16 =	vunpack.i.u.bf16.f32 v23;
	v5 =	vld [tilespmem:s9+$0x13AF0];
	v15 =	vsub.f32 v17, v24;
	v17 =	vsub.f32 v20, v63  }
.LBB2_6:
0x5d: {  	p3 =	sne.s32 s10, $0x4E00;
	v19 =	vld [tilespmem:s9+$0x14EF0];
	v6 =	vmul.f32 v9, v6;
	v8 =	vsub.f32 v8, v11;
	v9 =	vsub.f32 v13, v16  }
0x5e: {  	v7 =	vmul.f32 v10, v7;
	v10 =	vmul.f32 v14, v12;
	v1 =	vsub.f32 v1, v2;
	v11 =	vld [tilespmem:s9+$0x13A80];
	[tilespmem:s18+$0x18A80] =	vst v18  }
0x5f: {  	v2 =	vld [tilespmem:s9+$0x14E80];
	v12 =	vunpack.i.l.bf16.f32 v3;
	[tilespmem:s18+$0x18A90] =	vst v6;
	v6 =	vmul.f32 v17, v15;
	v8 =	vmul.f32 v9, v8  }
0x60: {  	v9 =	vld [tilespmem:s9+$0x13AC0];
	v13 =	vunpack.i.l.bf16.f32 v4;
	[tilespmem:s18+$0x18AA0] =	vst v7;
	v7 =	vmul.f32 v1, v0  }
0x61: {  	v3 =	vunpack.i.u.bf16.f32 v3;
	v14 =	vld [tilespmem:s9+$0x14EC0];
	v1 =	vunpack.i.l.bf16.f32 v5;
	v0 =	vsub.f32 v12, v13;
	[tilespmem:s18+$0x18AB0] =	vst v10  }
0x62: {  	v4 =	vunpack.i.u.bf16.f32 v4;
	v5 =	vunpack.i.u.bf16.f32 v5;
	v10 =	vld [tilespmem:s9+$0x13A90];
	v12 =	vunpack.i.u.bf16.f32 v19;
	[tilespmem:s18+$0x18AC0] =	vst v6  }
0x63: {  	v3 =	vsub.f32 v3, v4;
	v6 =	vunpack.i.u.bf16.f32 v11;
	v13 =	vld [tilespmem:s9+$0x14E90];
	v4 =	vsub.f32 v5, v12;
	[tilespmem:s18+$0x18AD0] =	vst v8  }
0x64: {  	v5 =	vunpack.i.l.bf16.f32 v11;
	v8 =	vunpack.i.u.bf16.f32 v2;
	v11 =	vunpack.i.l.bf16.f32 v2;
	v12 =	vld [tilespmem:s9+$0x13AD0];
	[tilespmem:s18+$0x18AE0] =	vst v7;
	s18 =	smov.u32 s9  }
0x65: {  	v7 =	vunpack.i.u.bf16.f32 v9;
	v9 =	vunpack.i.l.bf16.f32 v9;
	v15 =	vld [tilespmem:s18+$0x14ED0];
	v3 =	vmul.f32 v4, v3  }
0x66: {  	v2 =	vunpack.i.l.bf16.f32 v19;
	v4 =	vunpack.i.u.bf16.f32 v14;
	v14 =	vunpack.i.l.bf16.f32 v14;
	v16 =	vld [tilespmem:s18+$0x13AA0]  }
0x67: {  	v17 =	vsub.f32 v5, v11;
	v5 =	vunpack.i.u.bf16.f32 v10;
	v10 =	vunpack.i.l.bf16.f32 v10;
	v18 =	vld [tilespmem:s18+$0x14EA0];
	[tilespmem:s18+$0x18AF0] =	vst v3  }
0x68: {  	v19 =	vsub.f32 v9, v14;
	v14 =	vunpack.i.u.bf16.f32 v13;
	v3 =	vunpack.i.l.bf16.f32 v13;
	v20 =	vld [tilespmem:s18+$0x13AE0]  }
0x69: {  	v6 =	vsub.f32 v6, v8;
	v21 =	vunpack.i.u.bf16.f32 v12;
	v11 =	vunpack.i.l.bf16.f32 v12;
	v22 =	vld [tilespmem:s18+$0x14EE0]  }
0x6a: {  	v9 =	vsub.f32 v7, v4;
	v23 =	vunpack.i.u.bf16.f32 v15;
	v4 =	vunpack.i.l.bf16.f32 v15  }
.Ltmp2:
0x6b: {  	v7 =	vsub.f32 v10, v3;
	v8 =	vunpack.i.u.bf16.f32 v16;
	v15 =	vunpack.i.l.bf16.f32 v16;
	(pc) =	sbr.rel @p3 .LBB2_6-.Ltmp2, $4  }
0x6c: {  	s9 =	sshra.s32 s10, $0x2;
	v10 =	vsub.f32 v11, v4;
	v11 =	vunpack.i.u.bf16.f32 v18;
	v24 =	vunpack.i.l.bf16.f32 v18  }
0x6d: {  	v12 =	vsub.f32 v5, v14;
	v3 =	vld [tilespmem:s9+$0x13AB0];
	v13 =	vunpack.i.u.bf16.f32 v20;
	v20 =	vunpack.i.l.bf16.f32 v20  }
0x6e: {  	v14 =	vsub.f32 v21, v23;
	v4 =	vld [tilespmem:s9+$0x14EB0];
	v16 =	vunpack.i.u.bf16.f32 v22;
	v21 =	vunpack.i.l.bf16.f32 v22  }
0x6f: {  	s10 =	sadd.s32 $0x200, s10;
	v18 =	vmul.f32 v19, v17;
	v15 =	vsub.f32 v15, v24;
	v5 =	vld [tilespmem:s9+$0x13AF0];
	v17 =	vsub.f32 v20, v21  }
0x70: {  	v19 =	vld [tilespmem:s9+$0x14EF0];
	v6 =	vmul.f32 v9, v6  }
0x71: {  	v20 =	vld [tilespmem:s9+$0x13A80];
	v7 =	vmul.f32 v10, v7;
	v8 =	vsub.f32 v8, v11;
	v11 =	vsub.f32 v13, v16;
	[tilespmem:s18+$0x18A80] =	vst v18  }
0x72: {  	v10 =	vmul.f32 v14, v12;
	v1 =	vsub.f32 v1, v2;
	v9 =	vld [tilespmem:s9+$0x14E80];
	[tilespmem:s18+$0x18A90] =	vst v6  }
0x73: {  	v12 =	vmul.f32 v17, v15;
	v2 =	vmul.f32 v11, v8;
	v8 =	vunpack.i.l.bf16.f32 v3;
	v6 =	vld [tilespmem:s9+$0x13AC0];
	[tilespmem:s18+$0x18AA0] =	vst v7  }
0x74: {  	v0 =	vmul.f32 v1, v0;
	v1 =	vunpack.i.u.bf16.f32 v3;
	v7 =	vld [tilespmem:s9+$0x14EC0];
	[tilespmem:s18+$0x18AB0] =	vst v10;
	v3 =	vunpack.i.u.bf16.f32 v5  }
0x75: {  	v5 =	vunpack.i.l.bf16.f32 v5;
	v10 =	vld [tilespmem:s9+$0x13A90];
	[tilespmem:s18+$0x18AC0] =	vst v12;
	v12 =	vunpack.i.l.bf16.f32 v4;
	v18 =	vunpack.i.l.bf16.f32 v19  }
0x76: {  	v11 =	vld [tilespmem:s9+$0x14E90];
	[tilespmem:s18+$0x18AD0] =	vst v2;
	v2 =	vunpack.i.u.bf16.f32 v4;
	v4 =	vunpack.i.u.bf16.f32 v19;
	v5 =	vsub.f32 v5, v18  }
0x77: {  	v13 =	vld [tilespmem:s9+$0x13AD0];
	v1 =	vsub.f32 v1, v2;
	v2 =	vsub.f32 v3, v4;
	[tilespmem:s18+$0x18AE0] =	vst v0;
	v0 =	vunpack.i.u.bf16.f32 v20  }
0x78: {  	v3 =	vunpack.i.l.bf16.f32 v20;
	v4 =	vunpack.i.u.bf16.f32 v9;
	v9 =	vunpack.i.l.bf16.f32 v9  }
0x79: {  	v14 =	vld [tilespmem:s9+$0x14ED0];
	v15 =	vunpack.i.u.bf16.f32 v6;
	v6 =	vunpack.i.l.bf16.f32 v6;
	v3 =	vsub.f32 v3, v9  }
0x7a: {  	v19 =	vld [tilespmem:s9+$0x14EE0];
	v1 =	vmul.f32 v2, v1;
	v16 =	vunpack.i.u.bf16.f32 v7;
	v7 =	vunpack.i.l.bf16.f32 v7  }
0x7b: {  	v0 =	vsub.f32 v0, v4;
	v2 =	vld [tilespmem:s9+$0x13AA0];
	v9 =	vunpack.i.u.bf16.f32 v10;
	v6 =	vsub.f32 v6, v7  }
0x7c: {  	v17 =	vld [tilespmem:s9+$0x14EA0];
	v15 =	vsub.f32 v15, v16;
	[tilespmem:s9+$0x18AF0] =	vst v1;
	v1 =	vunpack.i.l.bf16.f32 v10;
	v7 =	vunpack.i.u.bf16.f32 v11  }
0x7d: {  	v11 =	vunpack.i.l.bf16.f32 v11;
	v4 =	vunpack.i.u.bf16.f32 v13;
	v13 =	vunpack.i.l.bf16.f32 v13  }
0x7e: {  	v10 =	vld [tilespmem:s9+$0x13AE0];
	v1 =	vsub.f32 v1, v11;
	v7 =	vsub.f32 v9, v7;
	v3 =	vmul.f32 v6, v3  }
0x7f: {  	v0 =	vmul.f32 v15, v0;
	v16 =	vunpack.i.u.bf16.f32 v14;
	v14 =	vunpack.i.l.bf16.f32 v14  }
0x80: {  	v6 =	vunpack.i.u.bf16.f32 v19;
	v11 =	vunpack.i.u.bf16.f32 v2;
	v2 =	vunpack.i.l.bf16.f32 v2  }
0x81: {  	v13 =	vsub.f32 v13, v14;
	v14 =	vunpack.i.u.bf16.f32 v17;
	v17 =	vunpack.i.l.bf16.f32 v17  }
0x82: {  	v4 =	vsub.f32 v4, v16;
	v16 =	vunpack.i.l.bf16.f32 v19;
	[tilespmem:s9+$0x18A90] =	vst v0;
	v0 =	vsub.f32 v8, v12  }
0x83: {  	v9 =	vunpack.i.u.bf16.f32 v10;
	v10 =	vunpack.i.l.bf16.f32 v10;
	v1 =	vmul.f32 v13, v1  }
0x84: {  	[tilespmem:s9+$0x18A80] =	vst v3;
	v2 =	vsub.f32 v2, v17;
	v4 =	vmul.f32 v4, v7;
	v10 =	vsub.f32 v10, v16  }
0x85: {  	s18 =	smul.u32 $0x50, s17;
	v3 =	vsub.f32 v11, v14;
	v0 =	vmul.f32 v5, v0;
	v6 =	vsub.f32 v9, v6;
	[tilespmem:s9+$0x18AA0] =	vst v1  }
0x86: {  	[tilespmem:s9+$0x18AB0] =	vst v4;
	v2 =	vmul.f32 v10, v2  }
0x87: {  	s10 =	sadd.s32 s4, s18;
	[tilespmem:s9+$0x18AE0] =	vst v0;
	v1 =	vmul.f32 v6, v3  }
0x88: {  	s10 =	sshll.u32 s10, $0x4;
	[tilespmem:s9+$0x18AC0] =	vst v2  }
0x89: {  	s12 =	sadd.s32 s7, s10;
	[tilespmem:s9+$0x18AD0] =	vst v1  }
0x8a: {  	[hbm4b:s12+s3] =	stream.linear.scatter [tilespmem:s30], [sflag:$0x5], $0x1400, $0x38;
	[tilespmem:$0x1B280] =	vst v63  }
0x8b: {  	_ =	swait.ge [sflag:s31], $0x1400  }
0x8c: {  	[sflag:s31] =	ssyncset.done $0x0  }
0x8d: {  	[sflag:s31] =	ssyncadd.s32 $0xFFFFEC00  }
0x8e: {  	_ =	swait.ge [sflag:s31], $0x1400  }
0x8f: {  	[sflag:s31] =	ssyncset.done $0x0  }
0x90: {  	s9 =	simm.s32 @!p1 $0x1;
	[sflag:s31] =	ssyncadd.s32 $0xFFFFEC00  }
0x91: {  	_ =	swait.ge @!p1 [sflag:s9], $0x28  }
0x92: {  	[sflag:s9] =	ssyncset.done @!p1 $0x0  }
0x93: {  	[sflag:s9] =	ssyncadd.s32 @!p1 $0xFFFFFFD8  }
0x94: {  	_ =	swait.ge @!p1 [sflag:s9], $0x28  }
0x95: {  	s11 =	simm.s32 @!p1 $0x13A80;
	[sflag:s9] =	ssyncset.done @!p1 $0x0  }
0x96: {  	s10 =	simm.s32 @!p1 $0x13880;
	[sflag:s9] =	ssyncadd.s32 @!p1 $0xFFFFFFD8;
	s9 =	simm.s32 @!p1 $0x28  }
0x97: {  	[tilespmem:s11], [sflag:$0x3] =	stream.indirect.gather @!p1 [spmem:s2], $0x80, s10, s9, $0xb8;
	[tilespmem:$0x1B280] =	vst v63  }
0x98: {  	s10 =	simm.s32 @!p1 $0x13900;
	s11 =	simm.s32 @!p1 $0x14E80  }
0x99: {  	[tilespmem:s11], [sflag:$0x3] =	stream.indirect.gather @!p1 [spmem:s2], $0x80, s10, s9, $0xb8;
	[tilespmem:$0x1B280] =	vst v63  }
0x9a: {  	s9 =	sadd.s32 @!p1 s18, s14  }
0x9b: {  	s9 =	sshrl.u32 @!p1 s9, $0x3  }
0x9c: {  	s12 =	simm.s32 @!p1 $0x13980;
	s11 =	simm.s32 @!p1 $0x0;
	s10 =	sadd.s32 @!p1 s5, s9  }
0x9d: {  	[tilespmem:s12], [sflag:$0x2] =	stream.linear.gather @!p1 [hbm4b:s10+s11], $0x28, $0x38;
	[tilespmem:$0x1B280] =	vst v63  }
0x9e: {  	s9 =	sadd.s32 @!p1 s6, s9;
	s10 =	simm.s32 @!p1 $0x13A00  }
0x9f: {  	[tilespmem:s10], [sflag:$0x2] =	stream.linear.gather @!p1 [hbm4b:s9+s11], $0x28, $0x38;
	[tilespmem:$0x1B280] =	vst v63  }
0xa0: {  	s9 =	simm.s32 @!p2 $0x6  }
0xa1: {  	_ =	swait.ge @!p2 [sflag:s9], $0x1400  }
0xa2: {  	[sflag:s9] =	ssyncset.done @!p2 $0x0  }
0xa3: {  	[sflag:s9] =	ssyncadd.s32 @!p2 $0xFFFFEC00;
	s9 =	simm.s32 $0x0  }
0xa4: {  	v0 =	vld [tilespmem:s9+$0x162B0]  }
0xa5: {  	v2 =	vld [tilespmem:s9+$0x176B0]  }
0xa6: {  	v3 =	vld [tilespmem:s9+$0x162F0]  }
0xa7: {  	v4 =	vld [tilespmem:s9+$0x176F0]  }
0xa8: {  	v5 =	vld [tilespmem:s9+$0x16280]  }
0xa9: {  	v7 =	vld [tilespmem:s9+$0x162C0]  }
0xaa: {  	v10 =	vld [tilespmem:s9+$0x176C0]  }
0xab: {  	v6 =	vld [tilespmem:s9+$0x17680]  }
0xac: {  	v12 =	vld [tilespmem:s9+$0x17690];
	v8 =	vunpack.i.l.bf16.f32 v0;
	v9 =	vunpack.i.l.bf16.f32 v2  }
0xad: {  	v14 =	vld [tilespmem:s9+$0x176D0];
	v11 =	vunpack.i.u.bf16.f32 v0;
	v1 =	vunpack.i.l.bf16.f32 v3;
	v2 =	vunpack.i.u.bf16.f32 v2  }
0xae: {  	v23 =	vld [tilespmem:s9+$0x176E0];
	v3 =	vunpack.i.u.bf16.f32 v3;
	v13 =	vunpack.i.u.bf16.f32 v5;
	v5 =	vunpack.i.l.bf16.f32 v5  }
0xaf: {  	v21 =	vld [tilespmem:s9+$0x162E0];
	v15 =	vunpack.i.u.bf16.f32 v7;
	v7 =	vunpack.i.l.bf16.f32 v7;
	v17 =	vunpack.i.u.bf16.f32 v10  }
0xb0: {  	v10 =	vunpack.i.l.bf16.f32 v10;
	v0 =	vsub.f32 v8, v9;
	v8 =	vld [tilespmem:s9+$0x16290];
	v9 =	vunpack.i.u.bf16.f32 v4  }
0xb1: {  	v20 =	vunpack.i.u.bf16.f32 v12;
	v2 =	vsub.f32 v11, v2;
	v3 =	vsub.f32 v3, v9;
	v9 =	vld [tilespmem:s9+$0x162D0]  }
0xb2: {  	v11 =	vunpack.i.u.bf16.f32 v6;
	v6 =	vunpack.i.l.bf16.f32 v6;
	v19 =	vsub.f32 v7, v10  }
0xb3: {  	v16 =	vld [tilespmem:s9+$0x162A0];
	v63 =	vunpack.i.l.bf16.f32 v23;
	v18 =	vsub.f32 v5, v6;
	v6 =	vsub.f32 v13, v11  }
0xb4: {  	v11 =	vunpack.i.l.bf16.f32 v14;
	v13 =	vunpack.i.u.bf16.f32 v21;
	v3 =	vmul.f32 v3, v2  }
0xb5: {  	v2 =	vunpack.i.l.bf16.f32 v4;
	v4 =	vld [tilespmem:s9+$0x176A0];
	v18 =	vmul.f32 v19, v18;
	v5 =	vunpack.i.u.bf16.f32 v8  }
0xb6: {  	v8 =	vunpack.i.l.bf16.f32 v8;
	[tilespmem:s9+$0x19EF0] =	vst v3;
	v3 =	vunpack.i.l.bf16.f32 v12;
	v22 =	vunpack.i.u.bf16.f32 v9  }
0xb7: {  	v10 =	vunpack.i.l.bf16.f32 v9;
	v9 =	vsub.f32 v15, v17;
	v15 =	vunpack.i.u.bf16.f32 v14  }
0xb8: {  	s10 =	simm.s32 $0x80;
	v7 =	vsub.f32 v8, v3;
	v8 =	vunpack.i.u.bf16.f32 v16;
	v17 =	vunpack.i.l.bf16.f32 v16  }
0xb9: {  	v3 =	vld [tilespmem:s10+$0x162B0];
	v12 =	vsub.f32 v5, v20;
	v20 =	vunpack.i.l.bf16.f32 v21;
	v10 =	vsub.f32 v10, v11  }
0xba: {  	v14 =	vsub.f32 v22, v15;
	v11 =	vunpack.i.u.bf16.f32 v4;
	v24 =	vunpack.i.l.bf16.f32 v4;
	v4 =	vld [tilespmem:s10+$0x176B0]  }
0xbb: {  	s11 =	simm.s32 $0x400;
	v16 =	vunpack.i.u.bf16.f32 v23;
	v5 =	vld [tilespmem:s10+$0x162F0];
	v15 =	vsub.f32 v17, v24;
	v17 =	vsub.f32 v20, v63  }
.LBB2_8:
0xbc: {  	p1 =	sne.s32 s11, $0x4E00;
	v19 =	vld [tilespmem:s10+$0x176F0];
	v6 =	vmul.f32 v9, v6;
	v8 =	vsub.f32 v8, v11;
	v9 =	vsub.f32 v13, v16  }
0xbd: {  	v7 =	vmul.f32 v10, v7;
	v10 =	vmul.f32 v14, v12;
	v1 =	vsub.f32 v1, v2;
	v11 =	vld [tilespmem:s10+$0x16280];
	[tilespmem:s9+$0x19E80] =	vst v18  }
0xbe: {  	v2 =	vld [tilespmem:s10+$0x17680];
	v12 =	vunpack.i.l.bf16.f32 v3;
	[tilespmem:s9+$0x19E90] =	vst v6;
	v6 =	vmul.f32 v17, v15;
	v8 =	vmul.f32 v9, v8  }
0xbf: {  	v9 =	vld [tilespmem:s10+$0x162C0];
	v13 =	vunpack.i.l.bf16.f32 v4;
	[tilespmem:s9+$0x19EA0] =	vst v7;
	v7 =	vmul.f32 v1, v0  }
0xc0: {  	v3 =	vunpack.i.u.bf16.f32 v3;
	v14 =	vld [tilespmem:s10+$0x176C0];
	v1 =	vunpack.i.l.bf16.f32 v5;
	v0 =	vsub.f32 v12, v13;
	[tilespmem:s9+$0x19EB0] =	vst v10  }
0xc1: {  	v4 =	vunpack.i.u.bf16.f32 v4;
	v5 =	vunpack.i.u.bf16.f32 v5;
	v10 =	vld [tilespmem:s10+$0x16290];
	v12 =	vunpack.i.u.bf16.f32 v19;
	[tilespmem:s9+$0x19EC0] =	vst v6  }
0xc2: {  	v3 =	vsub.f32 v3, v4;
	v6 =	vunpack.i.u.bf16.f32 v11;
	v13 =	vld [tilespmem:s10+$0x17690];
	v4 =	vsub.f32 v5, v12;
	[tilespmem:s9+$0x19ED0] =	vst v8  }
0xc3: {  	v5 =	vunpack.i.l.bf16.f32 v11;
	v8 =	vunpack.i.u.bf16.f32 v2;
	v11 =	vunpack.i.l.bf16.f32 v2;
	v12 =	vld [tilespmem:s10+$0x162D0];
	[tilespmem:s9+$0x19EE0] =	vst v7;
	s9 =	smov.u32 s10  }
0xc4: {  	v7 =	vunpack.i.u.bf16.f32 v9;
	v9 =	vunpack.i.l.bf16.f32 v9;
	v15 =	vld [tilespmem:s9+$0x176D0];
	v3 =	vmul.f32 v4, v3  }
0xc5: {  	v2 =	vunpack.i.l.bf16.f32 v19;
	v4 =	vunpack.i.u.bf16.f32 v14;
	v14 =	vunpack.i.l.bf16.f32 v14;
	v16 =	vld [tilespmem:s9+$0x162A0]  }
0xc6: {  	v17 =	vsub.f32 v5, v11;
	v5 =	vunpack.i.u.bf16.f32 v10;
	v10 =	vunpack.i.l.bf16.f32 v10;
	v18 =	vld [tilespmem:s9+$0x176A0];
	[tilespmem:s9+$0x19EF0] =	vst v3  }
0xc7: {  	v19 =	vsub.f32 v9, v14;
	v14 =	vunpack.i.u.bf16.f32 v13;
	v3 =	vunpack.i.l.bf16.f32 v13;
	v20 =	vld [tilespmem:s9+$0x162E0]  }
0xc8: {  	v6 =	vsub.f32 v6, v8;
	v21 =	vunpack.i.u.bf16.f32 v12;
	v11 =	vunpack.i.l.bf16.f32 v12;
	v22 =	vld [tilespmem:s9+$0x176E0]  }
0xc9: {  	v9 =	vsub.f32 v7, v4;
	v23 =	vunpack.i.u.bf16.f32 v15;
	v4 =	vunpack.i.l.bf16.f32 v15  }
.Ltmp3:
0xca: {  	v7 =	vsub.f32 v10, v3;
	v8 =	vunpack.i.u.bf16.f32 v16;
	v15 =	vunpack.i.l.bf16.f32 v16;
	(pc) =	sbr.rel @p1 .LBB2_8-.Ltmp3, $4  }
0xcb: {  	s10 =	sshra.s32 s11, $0x2;
	v10 =	vsub.f32 v11, v4;
	v11 =	vunpack.i.u.bf16.f32 v18;
	v24 =	vunpack.i.l.bf16.f32 v18  }
0xcc: {  	v12 =	vsub.f32 v5, v14;
	v3 =	vld [tilespmem:s10+$0x162B0];
	v13 =	vunpack.i.u.bf16.f32 v20;
	v20 =	vunpack.i.l.bf16.f32 v20  }
0xcd: {  	v14 =	vsub.f32 v21, v23;
	v4 =	vld [tilespmem:s10+$0x176B0];
	v16 =	vunpack.i.u.bf16.f32 v22;
	v21 =	vunpack.i.l.bf16.f32 v22  }
0xce: {  	s11 =	sadd.s32 $0x200, s11;
	v18 =	vmul.f32 v19, v17;
	v15 =	vsub.f32 v15, v24;
	v5 =	vld [tilespmem:s10+$0x162F0];
	v17 =	vsub.f32 v20, v21  }
0xcf: {  	v19 =	vld [tilespmem:s10+$0x176F0];
	v6 =	vmul.f32 v9, v6;
	v8 =	vsub.f32 v8, v11;
	v27 =	vsub.f32 v13, v16  }
0xd0: {  	v20 =	vld [tilespmem:s10+$0x16280];
	v7 =	vmul.f32 v10, v7;
	v26 =	vmul.f32 v14, v12;
	v1 =	vsub.f32 v1, v2;
	[tilespmem:s9+$0x19E80] =	vst v18  }
0xd1: {  	v28 =	vmul.f32 v17, v15;
	v25 =	vld [tilespmem:s10+$0x17680];
	[tilespmem:s9+$0x19E90] =	vst v6;
	v29 =	vmul.f32 v27, v8;
	v30 =	vunpack.i.l.bf16.f32 v3  }
0xd2: {  	v0 =	vmul.f32 v1, v0;
	v33 =	vunpack.i.u.bf16.f32 v3;
	v6 =	vld [tilespmem:s10+$0x162C0];
	[tilespmem:s9+$0x19EA0] =	vst v7;
	v32 =	vunpack.i.l.bf16.f32 v4  }
0xd3: {  	v34 =	vunpack.i.u.bf16.f32 v4;
	v7 =	vld [tilespmem:s10+$0x176C0];
	[tilespmem:s9+$0x19EB0] =	vst v26;
	v35 =	vunpack.i.u.bf16.f32 v5;
	v38 =	vunpack.i.l.bf16.f32 v5  }
0xd4: {  	v1 =	vsub.f32 v33, v34;
	v62 =	vsub.f32 v30, v32;
	v10 =	vld [tilespmem:s10+$0x16290];
	[tilespmem:s9+$0x19EC0] =	vst v28;
	v36 =	vunpack.i.u.bf16.f32 v19  }
0xd5: {  	v40 =	vunpack.i.u.bf16.f32 v20;
	v48 =	vunpack.i.l.bf16.f32 v19;
	v31 =	vld [tilespmem:s10+$0x17690];
	[tilespmem:s9+$0x19ED0] =	vst v29;
	v39 =	vsub.f32 v35, v36  }
0xd6: {  	v41 =	vunpack.i.l.bf16.f32 v20;
	v5 =	vsub.f32 v38, v48;
	v37 =	vld [tilespmem:s10+$0x162D0];
	[tilespmem:s9+$0x19EE0] =	vst v0;
	v42 =	vunpack.i.u.bf16.f32 v25  }
0xd7: {  	v9 =	vunpack.i.l.bf16.f32 v25;
	v43 =	vld [tilespmem:s10+$0x176D0];
	v44 =	vunpack.i.u.bf16.f32 v6;
	v1 =	vmul.f32 v39, v1  }
0xd8: {  	v45 =	vld [tilespmem:s10+$0x162A0];
	v6 =	vunpack.i.l.bf16.f32 v6;
	v3 =	vsub.f32 v41, v9;
	v0 =	vsub.f32 v40, v42  }
0xd9: {  	v47 =	vld [tilespmem:s10+$0x176A0];
	v46 =	vunpack.i.u.bf16.f32 v7;
	v7 =	vunpack.i.l.bf16.f32 v7;
	v49 =	vunpack.i.u.bf16.f32 v10  }
0xda: {  	v52 =	vld [tilespmem:s10+$0x162E0];
	v50 =	vunpack.i.l.bf16.f32 v10;
	v6 =	vsub.f32 v6, v7;
	v15 =	vsub.f32 v44, v46  }
0xdb: {  	v54 =	vld [tilespmem:s10+$0x176E0];
	v51 =	vunpack.i.u.bf16.f32 v31;
	v11 =	vunpack.i.l.bf16.f32 v31;
	v53 =	vunpack.i.u.bf16.f32 v37  }
0xdc: {  	[tilespmem:s10+$0x19EF0] =	vst v1;
	v13 =	vunpack.i.l.bf16.f32 v37;
	v1 =	vsub.f32 v50, v11;
	v7 =	vsub.f32 v49, v51  }
0xdd: {  	v3 =	vmul.f32 v6, v3;
	v0 =	vmul.f32 v15, v0;
	v55 =	vunpack.i.u.bf16.f32 v43  }
0xde: {  	v14 =	vunpack.i.l.bf16.f32 v43;
	v56 =	vunpack.i.u.bf16.f32 v45;
	v2 =	vunpack.i.l.bf16.f32 v45  }
0xdf: {  	v57 =	vunpack.i.u.bf16.f32 v47;
	v17 =	vunpack.i.l.bf16.f32 v47;
	v58 =	vunpack.i.u.bf16.f32 v52  }
0xe0: {  	v10 =	vunpack.i.l.bf16.f32 v52;
	v59 =	vunpack.i.u.bf16.f32 v54;
	v13 =	vsub.f32 v13, v14  }
0xe1: {  	v60 =	vunpack.i.l.bf16.f32 v54;
	v4 =	vsub.f32 v53, v55;
	[tilespmem:s10+$0x19E90] =	vst v0;
	v0 =	vmul.f32 v5, v62  }
0xe2: {  	s17 =	sadd.s32 $0x1, s17;
	v2 =	vsub.f32 v2, v17;
	v10 =	vsub.f32 v10, v60;
	[tilespmem:s10+$0x19E80] =	vst v3;
	v1 =	vmul.f32 v13, v1  }
0xe3: {  	p1 =	sne.s32 s17, $0x7D;
	v61 =	vsub.f32 v56, v57;
	v6 =	vsub.f32 v58, v59;
	v4 =	vmul.f32 v4, v7;
	[tilespmem:s10+$0x19EE0] =	vst v0  }
.Ltmp4:
0xe4: {  	v2 =	vmul.f32 v10, v2;
	[tilespmem:s10+$0x19EA0] =	vst v1;
	(pc) =	sbr.rel @p1 .LBB2_2-.Ltmp4, $4  }
0xe5: {  	s18 =	sadd.s32 s18, s8;
	v63 =	vmul.f32 v6, v61;
	[tilespmem:s10+$0x19EB0] =	vst v4  }
0xe6: {  	s9 =	sshll.u32 s18, $0x4;
	[tilespmem:s10+$0x19EC0] =	vst v2  }
0xe7: {  	s9 =	sadd.s32 s7, s9;
	[tilespmem:s10+$0x19ED0] =	vst v63  }
0xe8: {  	[hbm4b:s9+s3] =	stream.linear.scatter [tilespmem:s0], [sflag:$0x6], $0x1400, $0x38;
	[tilespmem:$0x1B280] =	vst v63  }
0xe9: {  	s22 =	sadd.s32 $0x1, s22  }
0xea: {  	_ =	swait.ge [sflag:s1], $0x1400;
	p1 =	sne.s32 s22, s15  }
.Ltmp5:
0xeb: {  	[sflag:s1] =	ssyncset.done $0x0;
	(pc) =	sbr.rel @p1 .LBB2_1-.Ltmp5, $4  }
0xec: {  	[sflag:s1] =	ssyncadd.s32 $0xFFFFEC00  }
0xed: {  	_ =	swait.ge [sflag:s21], $0x1400  }
0xee: {  	[sflag:s21] =	ssyncset.done $0x0  }
0xef: {  	[sflag:s21] =	ssyncadd.s32 $0xFFFFEC00  }
0xf0: {  	_ =	sfence.sel $0x180000  }
0xf1: {  	[bflag:$0x0] =	sbarrier.arrive $0xFFFF  }
0xf2: {  	_ =	strace $0x90000047  }
0xf3: {  	[bflag:$0x2] =	sbarrier.arrive $0xFFFF  }
0xf4: {  	s0 =	rddreg [dreg:$0x3]  }
0xf5: {  	s0 =	sadd.s32 @!p0 $0x100000, s0  }
0xf6: {  	[sflag:s0] =	ssyncadd.tile.s32 @!p0 $0x1;
	_ =	shalt  }
.Lfunc_end2:
_tile_overlayer_lowered:
.L_overlay_start_2:
0xf7: {  	(tag) =	ssettag $0x2  }
0xf8: {  	s0 =	rddreg [dreg:$0x0];
	s2 =	stileid.u32  }
0xf9: {  	s1 =	rddreg [dreg:$0x1];
	p0 =	sne.s32 s2, $0x0  }
0xfa: {  	s3 =	rddreg [dreg:$0x2];
	[bflag:$0x3] =	sbarrier.arrive $0xFFFF;
	s2 =	simm.s32 @!p0 $0x1C07  }
0xfb: {  	[timem:s3], [sflag:s2] =	dma.local @!p0 [hbm:s0], s1  }
0xfc: {  	s0 =	simm.s32 @!p0 $0x7  }
0xfd: {  	_ =	swait.ge @!p0 [sflag:s0], s1  }
0xfe: {  	s1 =	ssub.s32 @!p0 $0x0, s1;
	[sflag:s0] =	ssyncset.done @!p0 $0x0  }
0xff: {  	[sflag:s0] =	ssyncadd.s32 @!p0 s1  }
0x100: {  	[bflag:$0x3] =	sbarrier.arrive $0xFFFF  }
0x101: {  	_ =	shalt  }

</sc_bundles>
